<compile_context>
chip_gen: v7x
topology: tpu7x:2x2x1
jax: 0.10.2.dev20260603
libtpu: 0.0.44.dev20260713+nightly
codegen_flags: <defaults>
</compile_context>

<pallas_src>
import functools

import jax
import jax.numpy as jnp
import numpy as np
from jax import lax
from jax.experimental import pallas as pl
from jax.experimental.pallas import tpu as pltpu
from jax.experimental.pallas import tpu_sc as plsc

N = 10000
NP = 10240
E = 320000
CHUNK = 128
NC, NS = 2, 16
NW = NC * NS
E_PAD = 327680
CPT = E_PAD // (NW * CHUNK)
RPT = NP // NS
DEG_W = 8


def _sc_mesh():
    return plsc.VectorSubcoreMesh(
        core_axis_name="c", subcore_axis_name="s", num_cores=NC, num_subcores=NS
    )


GRP = 16
NG = CPT // GRP


def _make_sc_deg():
    NRB = 4

    @functools.partial(
        pl.kernel,
        out_type=jax.ShapeDtypeStruct((NC, NP, DEG_W), jnp.float32),
        mesh=_sc_mesh(),
        compiler_params=pltpu.CompilerParams(use_tc_tiling_on_sc=False),
        scratch_types=[
            pltpu.VMEM((GRP, CHUNK), jnp.int32),
            pltpu.VMEM((NRB, CHUNK, DEG_W), jnp.float32),
            pltpu.VMEM_SHARED((NP, DEG_W), jnp.float32),
            pltpu.SemaphoreType.DMA,
        ],
    )
    def deg_kernel(ones_hbm, edges_hbm, zeros_hbm, out_hbm, dst_v, ones_v, acc, ssem):
        c = lax.axis_index("c")
        s = lax.axis_index("s")
        w = c * NS + s
        acc_base = pl.multiple_of(s * RPT, CHUNK)
        pltpu.sync_copy(zeros_hbm, acc.at[pl.ds(acc_base, RPT)])
        plsc.subcore_barrier()

        def group(g, _):
            row0 = pl.multiple_of(w * CPT + g * GRP, GRP)
            pltpu.sync_copy(edges_hbm.at[1, pl.ds(row0, GRP), :], dst_v)
            pltpu.sync_copy(ones_hbm, ones_v)
            sca = {}
            for j in range(GRP):
                sca[j] = pltpu.async_copy(
                    ones_v.at[j % NRB], acc.at[dst_v.at[j]], ssem, add=True
                )
            for j in range(GRP):
                sca[j].wait()
            return 0

        lax.fori_loop(0, NG, group, 0)
        plsc.subcore_barrier()
        pltpu.sync_copy(acc.at[pl.ds(acc_base, RPT)], out_hbm.at[c, pl.ds(acc_base, RPT)])

    return deg_kernel


def _make_sc_agg(D):

    NRB = 2 if D == 128 else 4

    @functools.partial(
        pl.kernel,
        out_type=jax.ShapeDtypeStruct((NC, NP, D), jnp.float32),
        mesh=_sc_mesh(),
        compiler_params=pltpu.CompilerParams(use_tc_tiling_on_sc=False),
        scratch_types=[
            pltpu.VMEM((GRP, CHUNK), jnp.int32),
            pltpu.VMEM((GRP, CHUNK), jnp.int32),
            pltpu.VMEM((NRB, CHUNK, D), jnp.float32),
            pltpu.VMEM_SHARED((NP, D), jnp.float32),
            pltpu.SemaphoreType.DMA,
            pltpu.SemaphoreType.DMA,
        ],
    )
    def agg_kernel(h_hbm, edges_hbm, zeros_hbm, out_hbm, src_v, dst_v, rows_v, acc, gsem, ssem):
        c = lax.axis_index("c")
        s = lax.axis_index("s")
        w = c * NS + s
        acc_base = pl.multiple_of(s * RPT, CHUNK)
        pltpu.sync_copy(zeros_hbm, acc.at[pl.ds(acc_base, RPT)])
        plsc.subcore_barrier()

        def group(g, _):
            row0 = pl.multiple_of(w * CPT + g * GRP, GRP)
            pltpu.sync_copy(edges_hbm.at[0, pl.ds(row0, GRP), :], src_v)
            pltpu.sync_copy(edges_hbm.at[1, pl.ds(row0, GRP), :], dst_v)
            gat = {}
            sca = {}
            for j in range(NRB - 1):
                gat[j] = pltpu.async_copy(
                    h_hbm.at[src_v.at[j]], rows_v.at[j % NRB], gsem
                )
            for j in range(GRP):
                if j - 1 >= 0:
                    sca[j - 1].wait()
                jn = j + NRB - 1
                if jn < GRP:
                    gat[jn] = pltpu.async_copy(
                        h_hbm.at[src_v.at[jn]], rows_v.at[jn % NRB], gsem
                    )
                gat[j].wait()
                sca[j] = pltpu.async_copy(
                    rows_v.at[j % NRB], acc.at[dst_v.at[j]], ssem, add=True
                )
            sca[GRP - 1].wait()
            return 0

        lax.fori_loop(0, NG, group, 0)
        plsc.subcore_barrier()
        pltpu.sync_copy(acc.at[pl.ds(acc_base, RPT)], out_hbm.at[c, pl.ds(acc_base, RPT)])

    return agg_kernel


_ROWS_BLK = 2048
_GRID = NP // _ROWS_BLK


def _tc_matmul1(x, W1):
    def body(x_ref, w_ref, o_ref):
        o_ref[...] = jnp.dot(
            x_ref[...], w_ref[...], preferred_element_type=jnp.float32
        )

    return pl.pallas_call(
        body,
        grid=(10,),
        in_specs=[
            pl.BlockSpec((1000, 128), lambda i: (i, 0)),
            pl.BlockSpec((128, 128), lambda i: (0, 0)),
        ],
        out_specs=pl.BlockSpec((1000, 128), lambda i: (i, 0)),
        out_shape=jax.ShapeDtypeStruct((N, 128), jnp.float32),
    )(x, W1)


def _tc_scale1(u, dis):
    def body(u_ref, d_ref, o_ref):
        o_ref[...] = u_ref[...] * d_ref[...]

    return pl.pallas_call(
        body,
        grid=(_GRID,),
        in_specs=[
            pl.BlockSpec((_ROWS_BLK, 128), lambda i: (i, 0)),
            pl.BlockSpec((_ROWS_BLK, 1), lambda i: (i, 0)),
        ],
        out_specs=pl.BlockSpec((_ROWS_BLK, 128), lambda i: (i, 0)),
        out_shape=jax.ShapeDtypeStruct((N, 128), jnp.float32),
    )(u, dis)


def _tc_pass_b(s1, h1p, dis, W2, b1):
    def body(s_ref, h_ref, d_ref, w_ref, b_ref, o_ref):
        dd = d_ref[...]
        z = (s_ref[0] + s_ref[1] + h_ref[...]) * dd + b_ref[...]
        z = jnp.maximum(z, 0.0)
        o_ref[...] = (
            jnp.dot(z, w_ref[...], preferred_element_type=jnp.float32) * dd
        )

    return pl.pallas_call(
        body,
        grid=(_GRID,),
        in_specs=[
            pl.BlockSpec((NC, _ROWS_BLK, 128), lambda i: (0, i, 0)),
            pl.BlockSpec((_ROWS_BLK, 128), lambda i: (i, 0)),
            pl.BlockSpec((_ROWS_BLK, 1), lambda i: (i, 0)),
            pl.BlockSpec((128, 64), lambda i: (0, 0)),
            pl.BlockSpec((1, 128), lambda i: (0, 0)),
        ],
        out_specs=pl.BlockSpec((_ROWS_BLK, 64), lambda i: (i, 0)),
        out_shape=jax.ShapeDtypeStruct((N, 64), jnp.float32),
    )(s1, h1p, dis, W2, b1)


def _tc_pass_c(s2, h2p, dis, b2):
    def body(s_ref, h_ref, d_ref, b_ref, o_ref):
        o_ref[...] = (s_ref[0] + s_ref[1] + h_ref[...]) * d_ref[...] + b_ref[...]

    return pl.pallas_call(
        body,
        grid=(_GRID,),
        in_specs=[
            pl.BlockSpec((NC, _ROWS_BLK, 64), lambda i: (0, i, 0)),
            pl.BlockSpec((_ROWS_BLK, 64), lambda i: (i, 0)),
            pl.BlockSpec((_ROWS_BLK, 1), lambda i: (i, 0)),
            pl.BlockSpec((1, 64), lambda i: (0, 0)),
        ],
        out_specs=pl.BlockSpec((_ROWS_BLK, 64), lambda i: (i, 0)),
        out_shape=jax.ShapeDtypeStruct((N, 64), jnp.float32),
    )(s2, h2p, dis, b2)


_PAD_E = E_PAD - E
_PAD3 = np.stack([
    (np.arange(_PAD_E) % N).astype(np.int32).reshape(_PAD_E // CHUNK, CHUNK),
    (N + np.arange(_PAD_E) % (NP - N)).astype(np.int32).reshape(_PAD_E // CHUNK, CHUNK),
])
_ONES4 = np.ones((4, CHUNK, DEG_W), np.float32)
_Z16 = np.zeros((RPT, DEG_W), np.float32)
_Z128 = np.zeros((RPT, 128), np.float32)
_Z64 = np.zeros((RPT, 64), np.float32)


def kernel(x, edge_index, cache_name, W1, b1, W2, b2):
    del cache_name
    e = edge_index.astype(jnp.int32)
    edges = jnp.concatenate(
        [e.reshape(2, E // CHUNK, CHUNK), jnp.asarray(_PAD3)], axis=1
    )

    ones4 = jnp.asarray(_ONES4)
    z16 = jnp.asarray(_Z16)
    z128 = jnp.asarray(_Z128)
    z64 = jnp.asarray(_Z64)

    degparts = _make_sc_deg()(ones4, edges, z16)
    dis = lax.rsqrt(degparts[0, :, 0] + degparts[1, :, 0] + 1.0)[:, None]
    u1 = _tc_matmul1(x, W1)
    h1p = _tc_scale1(u1, dis)
    s1 = _make_sc_agg(128)(h1p, edges, z128)
    h2p = _tc_pass_b(s1, h1p, dis, W2, b1.reshape(1, 128))
    s2 = _make_sc_agg(64)(h2p, edges, z64)
    return _tc_pass_c(s2, h2p, dis, b2.reshape(1, 64))

# --- scband reference (transcript-rebuilt; emitter-appended) ---
"""Pipeline reference for scband-gnn-40492951666689 (READ-ONLY COPY).

The authoritative reference and input builder live on the scoring server;
editing this copy changes nothing except your own understanding.
"""

import jax, jax.numpy as jnp
import numpy as np

N_NODES = 10000
N_EDGES = 320000
D_IN = 128
D_HID = 128
D_OUT = 64


def setup_inputs(seed: int = 0) -> dict:
    key = jax.random.key(seed)
    k1, k2, k3, k4, k5, k6 = jax.random.split(key, 6)
    x = jax.random.normal(k1, (N_NODES, D_IN), dtype=jnp.float32)
    edge_index = jax.random.randint(k2, (2, N_EDGES), 0, N_NODES, dtype=jnp.int64)
    # learned parameters for the two CachedGCNConv layers
    W1 = jax.random.normal(k3, (D_IN, D_HID), dtype=jnp.float32) * (1.0 / np.sqrt(D_IN))
    b1 = jnp.zeros((D_HID,), dtype=jnp.float32)
    W2 = jax.random.normal(k4, (D_HID, D_OUT), dtype=jnp.float32) * (1.0 / np.sqrt(D_HID))
    b2 = jnp.zeros((D_OUT,), dtype=jnp.float32)
    return {"x": x, "edge_index": edge_index, "cache_name": 0, "W1": W1, "b1": b1, "W2": W2, "b2": b2}


def _gcn_layer(x, edge_index, W, b):
    # GCN conv: D^{-1/2} (A + I) D^{-1/2} (x W) + b
    N = x.shape[0]
    loop = jnp.arange(N, dtype=edge_index.dtype)
    src = jnp.concatenate([edge_index[0], loop])
    dst = jnp.concatenate([edge_index[1], loop])
    h = x @ W
    deg = jnp.zeros((N,), dtype=h.dtype).at[dst].add(1.0)
    deg_inv_sqrt = jnp.where(deg > 0, deg ** -0.5, 0.0)
    norm = deg_inv_sqrt[src] * deg_inv_sqrt[dst]
    msg = h[src] * norm[:, None]
    out = jnp.zeros_like(h).at[dst].add(msg)
    return out + b


def reference(x, edge_index, cache_name, W1, b1, W2, b2):
    # layer 1 + ReLU (dropout is identity in eval mode)
    h = _gcn_layer(x, edge_index, W1, b1)
    h = jax.nn.relu(h)
    # layer 2 (no activation after last layer)
    out = _gcn_layer(h, edge_index, W2, b2)
    return out

if __name__ == "__main__":
    import jax
    _d = setup_inputs()
    print(jax.jit(kernel)(*tuple(_d.values())))

</pallas_src>

<mosaic_0001>
#map = affine_map<(d0, d1) -> (0, 0)>
#map1 = affine_map<(d0, d1) -> (0, 0, 0)>
module attributes {stable_mosaic.version = 14 : i64} {
  func.func @agg_kernel(%arg0: i32, %arg1: i32, %arg2: memref<10000x64xf32, #tpu.memory_space<hbm>>, %arg3: memref<2x2560x128xi32, #tpu.memory_space<hbm>>, %arg4: memref<640x64xf32, #tpu.memory_space<hbm>>, %arg5: memref<2x10240x64xf32, #tpu.memory_space<hbm>>, %arg6: memref<16x128xi32, #tpu.memory_space<vmem>>, %arg7: memref<16x128xi32, #tpu.memory_space<vmem>>, %arg8: memref<4x128x64xf32, #tpu.memory_space<vmem>>, %arg9: memref<10240x64xf32, #tpu.memory_space<vmem_shared>>, %arg10: memref<!tpu.dma_semaphore, #tpu.memory_space<semaphore_mem>>, %arg11: memref<!tpu.dma_semaphore, #tpu.memory_space<semaphore_mem>>) attributes {dimension_semantics = [#tpu.dimension_semantics<core_parallel>, #tpu.dimension_semantics<subcore_parallel>], iteration_bounds = array<i64: 2, 16>, scalar_prefetch = 0 : i64, scratch_operands = 6 : i64, tpu.core_type = #tpu.core_type<sc_vector_subcore>, window_params = [{transform_indices = #map}, {transform_indices = #map1}, {transform_indices = #map}, {transform_indices = #map1}]} {
    %mul3A = arith.constant 16 : i32
    %mul3A_0 = arith.muli %arg0, %mul3A : i32
    %add3A = arith.addi %mul3A_0, %arg1 : i32
    %mul3A_1 = arith.constant 640 : i32
    %mul3A_2 = arith.muli %arg1, %mul3A_1 : i32
    %multiple_of3A = tpu.assume_multiple %mul3A_2, 128 : i32
    "tpu.region"() ({
      %run_scoped3A = tpu.sem_alloc : memref<!tpu.dma_semaphore, #tpu.memory_space<semaphore_mem>>
      %dma_start3A = arith.constant 0 : i32
      %dma_start3A_10 = tpu.memref_slice %arg9[%multiple_of3A, %dma_start3A] : memref<10240x64xf32, #tpu.memory_space<vmem_shared>> -> memref<640x64xf32, #tpu.memory_space<vmem_shared>>
      tpu.enqueue_dma source(%arg4 : memref<640x64xf32, #tpu.memory_space<hbm>>) target(%dma_start3A_10 : memref<640x64xf32, #tpu.memory_space<vmem_shared>>) target_semaphore(%run_scoped3A : memref<!tpu.dma_semaphore, #tpu.memory_space<semaphore_mem>>)
      %dma_wait3A = arith.constant 0 : i32
      %dma_wait3A_11 = tpu.memref_slice %arg9[%multiple_of3A, %dma_wait3A] : memref<10240x64xf32, #tpu.memory_space<vmem_shared>> -> memref<640x64xf32, #tpu.memory_space<vmem_shared>>
      tpu.wait_dma2 semaphore(%run_scoped3A : memref<!tpu.dma_semaphore, #tpu.memory_space<semaphore_mem>>) src(%arg4 : memref<640x64xf32, #tpu.memory_space<hbm>>) dst(%dma_wait3A_11 : memref<640x64xf32, #tpu.memory_space<vmem_shared>>)
      tpu.yield
    }) : () -> ()
    %barrier3A = arith.constant 0 : index
    tpu.barrier barrier_id(%barrier3A)
    %scan3A = arith.constant 0 : i32
    %scan3A_3 = arith.constant 0 : i32
    %scan3A_4 = arith.constant 5 : i32
    %scan3A_5 = arith.addi %scan3A_3, %scan3A_4 : i32
    %scan3A_6 = arith.constant 1 : i32
    %scan3A_7 = scf.for %scan3A_10 = %scan3A_3 to %scan3A_5 step %scan3A_6 iter_args(%scan3A_11 = %scan3A) -> (i32)  : i32 {
      %mul3A_12 = arith.constant 80 : i32
      %mul3A_13 = arith.muli %add3A, %mul3A_12 : i32
      %mul3A_14 = arith.constant 16 : i32
      %mul3A_15 = arith.muli %scan3A_10, %mul3A_14 : i32
      %add3A_16 = arith.addi %mul3A_13, %mul3A_15 : i32
      %multiple_of3A_17 = tpu.assume_multiple %add3A_16, 16 : i32
      %run_scoped3A = arith.constant 0 : i32
      "tpu.region"() ({
        %run_scoped3A_786 = tpu.sem_alloc : memref<!tpu.dma_semaphore, #tpu.memory_space<semaphore_mem>>
        %dma_start3A_787 = arith.constant 0 : i32
        %dma_start3A_788 = tpu.memref_slice %arg3[%run_scoped3A, %multiple_of3A_17, %dma_start3A_787] : memref<2x2560x128xi32, #tpu.memory_space<hbm>> -> memref<1x16x128xi32, #tpu.memory_space<hbm>>
        %dma_start3A_789 = tpu.memref_squeeze %dma_start3A_788 : memref<1x16x128xi32, #tpu.memory_space<hbm>> -> memref<16x128xi32, #tpu.memory_space<hbm>>
        %dma_start3A_790 = arith.constant 0 : i32
        %dma_start3A_791 = tpu.memref_slice %arg3[%run_scoped3A, %multiple_of3A_17, %dma_start3A_790] : memref<2x2560x128xi32, #tpu.memory_space<hbm>> -> memref<1x16x128xi32, #tpu.memory_space<hbm>>
        %dma_start3A_792 = tpu.memref_squeeze %dma_start3A_791 : memref<1x16x128xi32, #tpu.memory_space<hbm>> -> memref<16x128xi32, #tpu.memory_space<hbm>>
        tpu.enqueue_dma source(%dma_start3A_792 : memref<16x128xi32, #tpu.memory_space<hbm>>) target(%arg6 : memref<16x128xi32, #tpu.memory_space<vmem>>) target_semaphore(%run_scoped3A_786 : memref<!tpu.dma_semaphore, #tpu.memory_space<semaphore_mem>>)
        %dma_wait3A_793 = arith.constant 0 : i32
        %dma_wait3A_794 = tpu.memref_slice %arg3[%run_scoped3A, %multiple_of3A_17, %dma_wait3A_793] : memref<2x2560x128xi32, #tpu.memory_space<hbm>> -> memref<1x16x128xi32, #tpu.memory_space<hbm>>
        %dma_wait3A_795 = tpu.memref_squeeze %dma_wait3A_794 : memref<1x16x128xi32, #tpu.memory_space<hbm>> -> memref<16x128xi32, #tpu.memory_space<hbm>>
        %dma_wait3A_796 = arith.constant 0 : i32
        %dma_wait3A_797 = tpu.memref_slice %arg3[%run_scoped3A, %multiple_of3A_17, %dma_wait3A_796] : memref<2x2560x128xi32, #tpu.memory_space<hbm>> -> memref<1x16x128xi32, #tpu.memory_space<hbm>>
        %dma_wait3A_798 = tpu.memref_squeeze %dma_wait3A_797 : memref<1x16x128xi32, #tpu.memory_space<hbm>> -> memref<16x128xi32, #tpu.memory_space<hbm>>
        tpu.wait_dma2 semaphore(%run_scoped3A_786 : memref<!tpu.dma_semaphore, #tpu.memory_space<semaphore_mem>>) src(%dma_wait3A_798 : memref<16x128xi32, #tpu.memory_space<hbm>>) dst(%arg6 : memref<16x128xi32, #tpu.memory_space<vmem>>)
        tpu.yield
      }) : () -> ()
      %run_scoped3A_18 = arith.constant 1 : i32
      "tpu.region"() ({
        %run_scoped3A_786 = tpu.sem_alloc : memref<!tpu.dma_semaphore, #tpu.memory_space<semaphore_mem>>
        %dma_start3A_787 = arith.constant 0 : i32
        %dma_start3A_788 = tpu.memref_slice %arg3[%run_scoped3A_18, %multiple_of3A_17, %dma_start3A_787] : memref<2x2560x128xi32, #tpu.memory_space<hbm>> -> memref<1x16x128xi32, #tpu.memory_space<hbm>>
        %dma_start3A_789 = tpu.memref_squeeze %dma_start3A_788 : memref<1x16x128xi32, #tpu.memory_space<hbm>> -> memref<16x128xi32, #tpu.memory_space<hbm>>
        %dma_start3A_790 = arith.constant 0 : i32
        %dma_start3A_791 = tpu.memref_slice %arg3[%run_scoped3A_18, %multiple_of3A_17, %dma_start3A_790] : memref<2x2560x128xi32, #tpu.memory_space<hbm>> -> memref<1x16x128xi32, #tpu.memory_space<hbm>>
        %dma_start3A_792 = tpu.memref_squeeze %dma_start3A_791 : memref<1x16x128xi32, #tpu.memory_space<hbm>> -> memref<16x128xi32, #tpu.memory_space<hbm>>
        tpu.enqueue_dma source(%dma_start3A_792 : memref<16x128xi32, #tpu.memory_space<hbm>>) target(%arg7 : memref<16x128xi32, #tpu.memory_space<vmem>>) target_semaphore(%run_scoped3A_786 : memref<!tpu.dma_semaphore, #tpu.memory_space<semaphore_mem>>)
        %dma_wait3A_793 = arith.constant 0 : i32
        %dma_wait3A_794 = tpu.memref_slice %arg3[%run_scoped3A_18, %multiple_of3A_17, %dma_wait3A_793] : memref<2x2560x128xi32, #tpu.memory_space<hbm>> -> memref<1x16x128xi32, #tpu.memory_space<hbm>>
        %dma_wait3A_795 = tpu.memref_squeeze %dma_wait3A_794 : memref<1x16x128xi32, #tpu.memory_space<hbm>> -> memref<16x128xi32, #tpu.memory_space<hbm>>
        %dma_wait3A_796 = arith.constant 0 : i32
        %dma_wait3A_797 = tpu.memref_slice %arg3[%run_scoped3A_18, %multiple_of3A_17, %dma_wait3A_796] : memref<2x2560x128xi32, #tpu.memory_space<hbm>> -> memref<1x16x128xi32, #tpu.memory_space<hbm>>
        %dma_wait3A_798 = tpu.memref_squeeze %dma_wait3A_797 : memref<1x16x128xi32, #tpu.memory_space<hbm>> -> memref<16x128xi32, #tpu.memory_space<hbm>>
        tpu.wait_dma2 semaphore(%run_scoped3A_786 : memref<!tpu.dma_semaphore, #tpu.memory_space<semaphore_mem>>) src(%dma_wait3A_798 : memref<16x128xi32, #tpu.memory_space<hbm>>) dst(%arg7 : memref<16x128xi32, #tpu.memory_space<vmem>>)
        tpu.yield
      }) : () -> ()
      %dma_start3A = arith.constant 0 : i32
      %dma_start3A_19 = arith.constant 0 : i32
      %dma_start3A_20 = arith.constant 0 : i32
      %dma_start3A_21 = arith.constant 0 : i32
      %dma_start3A_22 = tpu.memref_slice %arg8[%dma_start3A_19, %dma_start3A_20, %dma_start3A_21] : memref<4x128x64xf32, #tpu.memory_space<vmem>> -> memref<1x128x64xf32, #tpu.memory_space<vmem>>
      %dma_start3A_23 = tpu.memref_squeeze %dma_start3A_22 : memref<1x128x64xf32, #tpu.memory_space<vmem>> -> memref<128x64xf32, #tpu.memory_space<vmem>>
      %dma_start3A_24 = arith.constant 0 : i32
      %dma_start3A_25 = tpu.memref_slice %arg6[%dma_start3A, %dma_start3A_24] : memref<16x128xi32, #tpu.memory_space<vmem>> -> memref<1x128xi32, #tpu.memory_space<vmem>>
      %dma_start3A_26 = tpu.memref_squeeze %dma_start3A_25 : memref<1x128xi32, #tpu.memory_space<vmem>> -> memref<128xi32, #tpu.memory_space<vmem>>
      %dma_start3A_27 = arith.constant 0 : i32
      %dma_start3A_28 = arith.constant 0 : i32
      %dma_start3A_29 = tpu.memref_slice %arg2[%dma_start3A_27, %dma_start3A_28] : memref<10000x64xf32, #tpu.memory_space<hbm>> -> memref<10000x64xf32, #tpu.memory_space<hbm>>
      tpu.enqueue_indirect_dma source(%dma_start3A_29 : memref<10000x64xf32, #tpu.memory_space<hbm>>) target(%dma_start3A_23 : memref<128x64xf32, #tpu.memory_space<vmem>>) offsets(%dma_start3A_26 : memref<128xi32, #tpu.memory_space<vmem>>) semaphore(%arg10 : memref<!tpu.dma_semaphore, #tpu.memory_space<semaphore_mem>>)
      %dma_start3A_30 = arith.constant 1 : i32
      %dma_start3A_31 = arith.constant 1 : i32
      %dma_start3A_32 = arith.constant 0 : i32
      %dma_start3A_33 = arith.constant 0 : i32
      %dma_start3A_34 = tpu.memref_slice %arg8[%dma_start3A_31, %dma_start3A_32, %dma_start3A_33] : memref<4x128x64xf32, #tpu.memory_space<vmem>> -> memref<1x128x64xf32, #tpu.memory_space<vmem>>
      %dma_start3A_35 = tpu.memref_squeeze %dma_start3A_34 : memref<1x128x64xf32, #tpu.memory_space<vmem>> -> memref<128x64xf32, #tpu.memory_space<vmem>>
      %dma_start3A_36 = arith.constant 0 : i32
      %dma_start3A_37 = tpu.memref_slice %arg6[%dma_start3A_30, %dma_start3A_36] : memref<16x128xi32, #tpu.memory_space<vmem>> -> memref<1x128xi32, #tpu.memory_space<vmem>>
      %dma_start3A_38 = tpu.memref_squeeze %dma_start3A_37 : memref<1x128xi32, #tpu.memory_space<vmem>> -> memref<128xi32, #tpu.memory_space<vmem>>
      %dma_start3A_39 = arith.constant 0 : i32
      %dma_start3A_40 = arith.constant 0 : i32
      %dma_start3A_41 = tpu.memref_slice %arg2[%dma_start3A_39, %dma_start3A_40] : memref<10000x64xf32, #tpu.memory_space<hbm>> -> memref<10000x64xf32, #tpu.memory_space<hbm>>
      tpu.enqueue_indirect_dma source(%dma_start3A_41 : memref<10000x64xf32, #tpu.memory_space<hbm>>) target(%dma_start3A_35 : memref<128x64xf32, #tpu.memory_space<vmem>>) offsets(%dma_start3A_38 : memref<128xi32, #tpu.memory_space<vmem>>) semaphore(%arg10 : memref<!tpu.dma_semaphore, #tpu.memory_space<semaphore_mem>>)
      %dma_start3A_42 = arith.constant 2 : i32
      %dma_start3A_43 = arith.constant 2 : i32
      %dma_start3A_44 = arith.constant 0 : i32
      %dma_start3A_45 = arith.constant 0 : i32
      %dma_start3A_46 = tpu.memref_slice %arg8[%dma_start3A_43, %dma_start3A_44, %dma_start3A_45] : memref<4x128x64xf32, #tpu.memory_space<vmem>> -> memref<1x128x64xf32, #tpu.memory_space<vmem>>
      %dma_start3A_47 = tpu.memref_squeeze %dma_start3A_46 : memref<1x128x64xf32, #tpu.memory_space<vmem>> -> memref<128x64xf32, #tpu.memory_space<vmem>>
      %dma_start3A_48 = arith.constant 0 : i32
      %dma_start3A_49 = tpu.memref_slice %arg6[%dma_start3A_42, %dma_start3A_48] : memref<16x128xi32, #tpu.memory_space<vmem>> -> memref<1x128xi32, #tpu.memory_space<vmem>>
      %dma_start3A_50 = tpu.memref_squeeze %dma_start3A_49 : memref<1x128xi32, #tpu.memory_space<vmem>> -> memref<128xi32, #tpu.memory_space<vmem>>
      %dma_start3A_51 = arith.constant 0 : i32
      %dma_start3A_52 = arith.constant 0 : i32
      %dma_start3A_53 = tpu.memref_slice %arg2[%dma_start3A_51, %dma_start3A_52] : memref<10000x64xf32, #tpu.memory_space<hbm>> -> memref<10000x64xf32, #tpu.memory_space<hbm>>
      tpu.enqueue_indirect_dma source(%dma_start3A_53 : memref<10000x64xf32, #tpu.memory_space<hbm>>) target(%dma_start3A_47 : memref<128x64xf32, #tpu.memory_space<vmem>>) offsets(%dma_start3A_50 : memref<128xi32, #tpu.memory_space<vmem>>) semaphore(%arg10 : memref<!tpu.dma_semaphore, #tpu.memory_space<semaphore_mem>>)
      %dma_start3A_54 = arith.constant 3 : i32
      %dma_start3A_55 = arith.constant 3 : i32
      %dma_start3A_56 = arith.constant 0 : i32
      %dma_start3A_57 = arith.constant 0 : i32
      %dma_start3A_58 = tpu.memref_slice %arg8[%dma_start3A_55, %dma_start3A_56, %dma_start3A_57] : memref<4x128x64xf32, #tpu.memory_space<vmem>> -> memref<1x128x64xf32, #tpu.memory_space<vmem>>
      %dma_start3A_59 = tpu.memref_squeeze %dma_start3A_58 : memref<1x128x64xf32, #tpu.memory_space<vmem>> -> memref<128x64xf32, #tpu.memory_space<vmem>>
      %dma_start3A_60 = arith.constant 0 : i32
      %dma_start3A_61 = tpu.memref_slice %arg6[%dma_start3A_54, %dma_start3A_60] : memref<16x128xi32, #tpu.memory_space<vmem>> -> memref<1x128xi32, #tpu.memory_space<vmem>>
      %dma_start3A_62 = tpu.memref_squeeze %dma_start3A_61 : memref<1x128xi32, #tpu.memory_space<vmem>> -> memref<128xi32, #tpu.memory_space<vmem>>
      %dma_start3A_63 = arith.constant 0 : i32
      %dma_start3A_64 = arith.constant 0 : i32
      %dma_start3A_65 = tpu.memref_slice %arg2[%dma_start3A_63, %dma_start3A_64] : memref<10000x64xf32, #tpu.memory_space<hbm>> -> memref<10000x64xf32, #tpu.memory_space<hbm>>
      tpu.enqueue_indirect_dma source(%dma_start3A_65 : memref<10000x64xf32, #tpu.memory_space<hbm>>) target(%dma_start3A_59 : memref<128x64xf32, #tpu.memory_space<vmem>>) offsets(%dma_start3A_62 : memref<128xi32, #tpu.memory_space<vmem>>) semaphore(%arg10 : memref<!tpu.dma_semaphore, #tpu.memory_space<semaphore_mem>>)
      %dma_wait3A = arith.constant 0 : i32
      %dma_wait3A_66 = arith.constant 0 : i32
      %dma_wait3A_67 = arith.constant 0 : i32
      %dma_wait3A_68 = arith.constant 0 : i32
      %dma_wait3A_69 = tpu.memref_slice %arg8[%dma_wait3A_66, %dma_wait3A_67, %dma_wait3A_68] : memref<4x128x64xf32, #tpu.memory_space<vmem>> -> memref<1x128x64xf32, #tpu.memory_space<vmem>>
      %dma_wait3A_70 = tpu.memref_squeeze %dma_wait3A_69 : memref<1x128x64xf32, #tpu.memory_space<vmem>> -> memref<128x64xf32, #tpu.memory_space<vmem>>
      %dma_wait3A_71 = arith.constant 0 : i32
      %dma_wait3A_72 = tpu.memref_slice %arg6[%dma_wait3A, %dma_wait3A_71] : memref<16x128xi32, #tpu.memory_space<vmem>> -> memref<1x128xi32, #tpu.memory_space<vmem>>
      %dma_wait3A_73 = tpu.memref_squeeze %dma_wait3A_72 : memref<1x128xi32, #tpu.memory_space<vmem>> -> memref<128xi32, #tpu.memory_space<vmem>>
      %dma_wait3A_74 = arith.constant 0 : i32
      %dma_wait3A_75 = arith.constant 0 : i32
      %dma_wait3A_76 = tpu.memref_slice %arg2[%dma_wait3A_74, %dma_wait3A_75] : memref<10000x64xf32, #tpu.memory_space<hbm>> -> memref<10000x64xf32, #tpu.memory_space<hbm>>
      tpu.wait_indirect_dma semaphore(%arg10 : memref<!tpu.dma_semaphore, #tpu.memory_space<semaphore_mem>>) src(%dma_wait3A_76 : memref<10000x64xf32, #tpu.memory_space<hbm>>) dst(%dma_wait3A_70 : memref<128x64xf32, #tpu.memory_space<vmem>>)
      %dma_start3A_77 = arith.constant 0 : i32
      %dma_start3A_78 = arith.constant 0 : i32
      %dma_start3A_79 = arith.constant 0 : i32
      %dma_start3A_80 = arith.constant 0 : i32
      %dma_start3A_81 = tpu.memref_slice %arg8[%dma_start3A_77, %dma_start3A_79, %dma_start3A_80] : memref<4x128x64xf32, #tpu.memory_space<vmem>> -> memref<1x128x64xf32, #tpu.memory_space<vmem>>
      %dma_start3A_82 = tpu.memref_squeeze %dma_start3A_81 : memref<1x128x64xf32, #tpu.memory_space<vmem>> -> memref<128x64xf32, #tpu.memory_space<vmem>>
      %dma_start3A_83 = arith.constant 0 : i32
      %dma_start3A_84 = tpu.memref_slice %arg7[%dma_start3A_78, %dma_start3A_83] : memref<16x128xi32, #tpu.memory_space<vmem>> -> memref<1x128xi32, #tpu.memory_space<vmem>>
      %dma_start3A_85 = tpu.memref_squeeze %dma_start3A_84 : memref<1x128xi32, #tpu.memory_space<vmem>> -> memref<128xi32, #tpu.memory_space<vmem>>
      %dma_start3A_86 = arith.constant 0 : i32
      %dma_start3A_87 = arith.constant 0 : i32
      %dma_start3A_88 = tpu.memref_slice %arg9[%dma_start3A_86, %dma_start3A_87] : memref<10240x64xf32, #tpu.memory_space<vmem_shared>> -> memref<10240x64xf32, #tpu.memory_space<vmem_shared>>
      tpu.enqueue_indirect_dma source(%dma_start3A_82 : memref<128x64xf32, #tpu.memory_space<vmem>>) target(%dma_start3A_88 : memref<10240x64xf32, #tpu.memory_space<vmem_shared>>) offsets(%dma_start3A_85 : memref<128xi32, #tpu.memory_space<vmem>>) semaphore(%arg11 : memref<!tpu.dma_semaphore, #tpu.memory_space<semaphore_mem>>) {add = true}
      %dma_wait3A_89 = arith.constant 0 : i32
      %dma_wait3A_90 = arith.constant 0 : i32
      %dma_wait3A_91 = arith.constant 0 : i32
      %dma_wait3A_92 = arith.constant 0 : i32
      %dma_wait3A_93 = tpu.memref_slice %arg8[%dma_wait3A_89, %dma_wait3A_91, %dma_wait3A_92] : memref<4x128x64xf32, #tpu.memory_space<vmem>> -> memref<1x128x64xf32, #tpu.memory_space<vmem>>
      %dma_wait3A_94 = tpu.memref_squeeze %dma_wait3A_93 : memref<1x128x64xf32, #tpu.memory_space<vmem>> -> memref<128x64xf32, #tpu.memory_space<vmem>>
      %dma_wait3A_95 = arith.constant 0 : i32
      %dma_wait3A_96 = tpu.memref_slice %arg7[%dma_wait3A_90, %dma_wait3A_95] : memref<16x128xi32, #tpu.memory_space<vmem>> -> memref<1x128xi32, #tpu.memory_space<vmem>>
      %dma_wait3A_97 = tpu.memref_squeeze %dma_wait3A_96 : memref<1x128xi32, #tpu.memory_space<vmem>> -> memref<128xi32, #tpu.memory_space<vmem>>
      %dma_wait3A_98 = arith.constant 0 : i32
      %dma_wait3A_99 = arith.constant 0 : i32
      %dma_wait3A_100 = tpu.memref_slice %arg9[%dma_wait3A_98, %dma_wait3A_99] : memref<10240x64xf32, #tpu.memory_space<vmem_shared>> -> memref<10240x64xf32, #tpu.memory_space<vmem_shared>>
      tpu.wait_indirect_dma semaphore(%arg11 : memref<!tpu.dma_semaphore, #tpu.memory_space<semaphore_mem>>) src(%dma_wait3A_94 : memref<128x64xf32, #tpu.memory_space<vmem>>) dst(%dma_wait3A_100 : memref<10240x64xf32, #tpu.memory_space<vmem_shared>>)
      %dma_start3A_101 = arith.constant 4 : i32
      %dma_start3A_102 = arith.constant 0 : i32
      %dma_start3A_103 = arith.constant 0 : i32
      %dma_start3A_104 = arith.constant 0 : i32
      %dma_start3A_105 = tpu.memref_slice %arg8[%dma_start3A_102, %dma_start3A_103, %dma_start3A_104] : memref<4x128x64xf32, #tpu.memory_space<vmem>> -> memref<1x128x64xf32, #tpu.memory_space<vmem>>
      %dma_start3A_106 = tpu.memref_squeeze %dma_start3A_105 : memref<1x128x64xf32, #tpu.memory_space<vmem>> -> memref<128x64xf32, #tpu.memory_space<vmem>>
      %dma_start3A_107 = arith.constant 0 : i32
      %dma_start3A_108 = tpu.memref_slice %arg6[%dma_start3A_101, %dma_start3A_107] : memref<16x128xi32, #tpu.memory_space<vmem>> -> memref<1x128xi32, #tpu.memory_space<vmem>>
      %dma_start3A_109 = tpu.memref_squeeze %dma_start3A_108 : memref<1x128xi32, #tpu.memory_space<vmem>> -> memref<128xi32, #tpu.memory_space<vmem>>
      %dma_start3A_110 = arith.constant 0 : i32
      %dma_start3A_111 = arith.constant 0 : i32
      %dma_start3A_112 = tpu.memref_slice %arg2[%dma_start3A_110, %dma_start3A_111] : memref<10000x64xf32, #tpu.memory_space<hbm>> -> memref<10000x64xf32, #tpu.memory_space<hbm>>
      tpu.enqueue_indirect_dma source(%dma_start3A_112 : memref<10000x64xf32, #tpu.memory_space<hbm>>) target(%dma_start3A_106 : memref<128x64xf32, #tpu.memory_space<vmem>>) offsets(%dma_start3A_109 : memref<128xi32, #tpu.memory_space<vmem>>) semaphore(%arg10 : memref<!tpu.dma_semaphore, #tpu.memory_space<semaphore_mem>>)
      %dma_wait3A_113 = arith.constant 1 : i32
      %dma_wait3A_114 = arith.constant 1 : i32
      %dma_wait3A_115 = arith.constant 0 : i32
      %dma_wait3A_116 = arith.constant 0 : i32
      %dma_wait3A_117 = tpu.memref_slice %arg8[%dma_wait3A_114, %dma_wait3A_115, %dma_wait3A_116] : memref<4x128x64xf32, #tpu.memory_space<vmem>> -> memref<1x128x64xf32, #tpu.memory_space<vmem>>
      %dma_wait3A_118 = tpu.memref_squeeze %dma_wait3A_117 : memref<1x128x64xf32, #tpu.memory_space<vmem>> -> memref<128x64xf32, #tpu.memory_space<vmem>>
      %dma_wait3A_119 = arith.constant 0 : i32
      %dma_wait3A_120 = tpu.memref_slice %arg6[%dma_wait3A_113, %dma_wait3A_119] : memref<16x128xi32, #tpu.memory_space<vmem>> -> memref<1x128xi32, #tpu.memory_space<vmem>>
      %dma_wait3A_121 = tpu.memref_squeeze %dma_wait3A_120 : memref<1x128xi32, #tpu.memory_space<vmem>> -> memref<128xi32, #tpu.memory_space<vmem>>
      %dma_wait3A_122 = arith.constant 0 : i32
      %dma_wait3A_123 = arith.constant 0 : i32
      %dma_wait3A_124 = tpu.memref_slice %arg2[%dma_wait3A_122, %dma_wait3A_123] : memref<10000x64xf32, #tpu.memory_space<hbm>> -> memref<10000x64xf32, #tpu.memory_space<hbm>>
      tpu.wait_indirect_dma semaphore(%arg10 : memref<!tpu.dma_semaphore, #tpu.memory_space<semaphore_mem>>) src(%dma_wait3A_124 : memref<10000x64xf32, #tpu.memory_space<hbm>>) dst(%dma_wait3A_118 : memref<128x64xf32, #tpu.memory_space<vmem>>)
      %dma_start3A_125 = arith.constant 1 : i32
      %dma_start3A_126 = arith.constant 1 : i32
      %dma_start3A_127 = arith.constant 0 : i32
      %dma_start3A_128 = arith.constant 0 : i32
      %dma_start3A_129 = tpu.memref_slice %arg8[%dma_start3A_125, %dma_start3A_127, %dma_start3A_128] : memref<4x128x64xf32, #tpu.memory_space<vmem>> -> memref<1x128x64xf32, #tpu.memory_space<vmem>>
      %dma_start3A_130 = tpu.memref_squeeze %dma_start3A_129 : memref<1x128x64xf32, #tpu.memory_space<vmem>> -> memref<128x64xf32, #tpu.memory_space<vmem>>
      %dma_start3A_131 = arith.constant 0 : i32
      %dma_start3A_132 = tpu.memref_slice %arg7[%dma_start3A_126, %dma_start3A_131] : memref<16x128xi32, #tpu.memory_space<vmem>> -> memref<1x128xi32, #tpu.memory_space<vmem>>
      %dma_start3A_133 = tpu.memref_squeeze %dma_start3A_132 : memref<1x128xi32, #tpu.memory_space<vmem>> -> memref<128xi32, #tpu.memory_space<vmem>>
      %dma_start3A_134 = arith.constant 0 : i32
      %dma_start3A_135 = arith.constant 0 : i32
      %dma_start3A_136 = tpu.memref_slice %arg9[%dma_start3A_134, %dma_start3A_135] : memref<10240x64xf32, #tpu.memory_space<vmem_shared>> -> memref<10240x64xf32, #tpu.memory_space<vmem_shared>>
      tpu.enqueue_indirect_dma source(%dma_start3A_130 : memref<128x64xf32, #tpu.memory_space<vmem>>) target(%dma_start3A_136 : memref<10240x64xf32, #tpu.memory_space<vmem_shared>>) offsets(%dma_start3A_133 : memref<128xi32, #tpu.memory_space<vmem>>) semaphore(%arg11 : memref<!tpu.dma_semaphore, #tpu.memory_space<semaphore_mem>>) {add = true}
      %dma_wait3A_137 = arith.constant 1 : i32
      %dma_wait3A_138 = arith.constant 1 : i32
      %dma_wait3A_139 = arith.constant 0 : i32
      %dma_wait3A_140 = arith.constant 0 : i32
      %dma_wait3A_141 = tpu.memref_slice %arg8[%dma_wait3A_137, %dma_wait3A_139, %dma_wait3A_140] : memref<4x128x64xf32, #tpu.memory_space<vmem>> -> memref<1x128x64xf32, #tpu.memory_space<vmem>>
      %dma_wait3A_142 = tpu.memref_squeeze %dma_wait3A_141 : memref<1x128x64xf32, #tpu.memory_space<vmem>> -> memref<128x64xf32, #tpu.memory_space<vmem>>
      %dma_wait3A_143 = arith.constant 0 : i32
      %dma_wait3A_144 = tpu.memref_slice %arg7[%dma_wait3A_138, %dma_wait3A_143] : memref<16x128xi32, #tpu.memory_space<vmem>> -> memref<1x128xi32, #tpu.memory_space<vmem>>
      %dma_wait3A_145 = tpu.memref_squeeze %dma_wait3A_144 : memref<1x128xi32, #tpu.memory_space<vmem>> -> memref<128xi32, #tpu.memory_space<vmem>>
      %dma_wait3A_146 = arith.constant 0 : i32
      %dma_wait3A_147 = arith.constant 0 : i32
      %dma_wait3A_148 = tpu.memref_slice %arg9[%dma_wait3A_146, %dma_wait3A_147] : memref<10240x64xf32, #tpu.memory_space<vmem_shared>> -> memref<10240x64xf32, #tpu.memory_space<vmem_shared>>
      tpu.wait_indirect_dma semaphore(%arg11 : memref<!tpu.dma_semaphore, #tpu.memory_space<semaphore_mem>>) src(%dma_wait3A_142 : memref<128x64xf32, #tpu.memory_space<vmem>>) dst(%dma_wait3A_148 : memref<10240x64xf32, #tpu.memory_space<vmem_shared>>)
      %dma_start3A_149 = arith.constant 5 : i32
      %dma_start3A_150 = arith.constant 1 : i32
      %dma_start3A_151 = arith.constant 0 : i32
      %dma_start3A_152 = arith.constant 0 : i32
      %dma_start3A_153 = tpu.memref_slice %arg8[%dma_start3A_150, %dma_start3A_151, %dma_start3A_152] : memref<4x128x64xf32, #tpu.memory_space<vmem>> -> memref<1x128x64xf32, #tpu.memory_space<vmem>>
      %dma_start3A_154 = tpu.memref_squeeze %dma_start3A_153 : memref<1x128x64xf32, #tpu.memory_space<vmem>> -> memref<128x64xf32, #tpu.memory_space<vmem>>
      %dma_start3A_155 = arith.constant 0 : i32
      %dma_start3A_156 = tpu.memref_slice %arg6[%dma_start3A_149, %dma_start3A_155] : memref<16x128xi32, #tpu.memory_space<vmem>> -> memref<1x128xi32, #tpu.memory_space<vmem>>
      %dma_start3A_157 = tpu.memref_squeeze %dma_start3A_156 : memref<1x128xi32, #tpu.memory_space<vmem>> -> memref<128xi32, #tpu.memory_space<vmem>>
      %dma_start3A_158 = arith.constant 0 : i32
      %dma_start3A_159 = arith.constant 0 : i32
      %dma_start3A_160 = tpu.memref_slice %arg2[%dma_start3A_158, %dma_start3A_159] : memref<10000x64xf32, #tpu.memory_space<hbm>> -> memref<10000x64xf32, #tpu.memory_space<hbm>>
      tpu.enqueue_indirect_dma source(%dma_start3A_160 : memref<10000x64xf32, #tpu.memory_space<hbm>>) target(%dma_start3A_154 : memref<128x64xf32, #tpu.memory_space<vmem>>) offsets(%dma_start3A_157 : memref<128xi32, #tpu.memory_space<vmem>>) semaphore(%arg10 : memref<!tpu.dma_semaphore, #tpu.memory_space<semaphore_mem>>)
      %dma_wait3A_161 = arith.constant 2 : i32
      %dma_wait3A_162 = arith.constant 2 : i32
      %dma_wait3A_163 = arith.constant 0 : i32
      %dma_wait3A_164 = arith.constant 0 : i32
      %dma_wait3A_165 = tpu.memref_slice %arg8[%dma_wait3A_162, %dma_wait3A_163, %dma_wait3A_164] : memref<4x128x64xf32, #tpu.memory_space<vmem>> -> memref<1x128x64xf32, #tpu.memory_space<vmem>>
      %dma_wait3A_166 = tpu.memref_squeeze %dma_wait3A_165 : memref<1x128x64xf32, #tpu.memory_space<vmem>> -> memref<128x64xf32, #tpu.memory_space<vmem>>
      %dma_wait3A_167 = arith.constant 0 : i32
      %dma_wait3A_168 = tpu.memref_slice %arg6[%dma_wait3A_161, %dma_wait3A_167] : memref<16x128xi32, #tpu.memory_space<vmem>> -> memref<1x128xi32, #tpu.memory_space<vmem>>
      %dma_wait3A_169 = tpu.memref_squeeze %dma_wait3A_168 : memref<1x128xi32, #tpu.memory_space<vmem>> -> memref<128xi32, #tpu.memory_space<vmem>>
      %dma_wait3A_170 = arith.constant 0 : i32
      %dma_wait3A_171 = arith.constant 0 : i32
      %dma_wait3A_172 = tpu.memref_slice %arg2[%dma_wait3A_170, %dma_wait3A_171] : memref<10000x64xf32, #tpu.memory_space<hbm>> -> memref<10000x64xf32, #tpu.memory_space<hbm>>
      tpu.wait_indirect_dma semaphore(%arg10 : memref<!tpu.dma_semaphore, #tpu.memory_space<semaphore_mem>>) src(%dma_wait3A_172 : memref<10000x64xf32, #tpu.memory_space<hbm>>) dst(%dma_wait3A_166 : memref<128x64xf32, #tpu.memory_space<vmem>>)
      %dma_start3A_173 = arith.constant 2 : i32
      %dma_start3A_174 = arith.constant 2 : i32
      %dma_start3A_175 = arith.constant 0 : i32
      %dma_start3A_176 = arith.constant 0 : i32
      %dma_start3A_177 = tpu.memref_slice %arg8[%dma_start3A_173, %dma_start3A_175, %dma_start3A_176] : memref<4x128x64xf32, #tpu.memory_space<vmem>> -> memref<1x128x64xf32, #tpu.memory_space<vmem>>
      %dma_start3A_178 = tpu.memref_squeeze %dma_start3A_177 : memref<1x128x64xf32, #tpu.memory_space<vmem>> -> memref<128x64xf32, #tpu.memory_space<vmem>>
      %dma_start3A_179 = arith.constant 0 : i32
      %dma_start3A_180 = tpu.memref_slice %arg7[%dma_start3A_174, %dma_start3A_179] : memref<16x128xi32, #tpu.memory_space<vmem>> -> memref<1x128xi32, #tpu.memory_space<vmem>>
      %dma_start3A_181 = tpu.memref_squeeze %dma_start3A_180 : memref<1x128xi32, #tpu.memory_space<vmem>> -> memref<128xi32, #tpu.memory_space<vmem>>
      %dma_start3A_182 = arith.constant 0 : i32
      %dma_start3A_183 = arith.constant 0 : i32
      %dma_start3A_184 = tpu.memref_slice %arg9[%dma_start3A_182, %dma_start3A_183] : memref<10240x64xf32, #tpu.memory_space<vmem_shared>> -> memref<10240x64xf32, #tpu.memory_space<vmem_shared>>
      tpu.enqueue_indirect_dma source(%dma_start3A_178 : memref<128x64xf32, #tpu.memory_space<vmem>>) target(%dma_start3A_184 : memref<10240x64xf32, #tpu.memory_space<vmem_shared>>) offsets(%dma_start3A_181 : memref<128xi32, #tpu.memory_space<vmem>>) semaphore(%arg11 : memref<!tpu.dma_semaphore, #tpu.memory_space<semaphore_mem>>) {add = true}
      %dma_wait3A_185 = arith.constant 2 : i32
      %dma_wait3A_186 = arith.constant 2 : i32
      %dma_wait3A_187 = arith.constant 0 : i32
      %dma_wait3A_188 = arith.constant 0 : i32
      %dma_wait3A_189 = tpu.memref_slice %arg8[%dma_wait3A_185, %dma_wait3A_187, %dma_wait3A_188] : memref<4x128x64xf32, #tpu.memory_space<vmem>> -> memref<1x128x64xf32, #tpu.memory_space<vmem>>
      %dma_wait3A_190 = tpu.memref_squeeze %dma_wait3A_189 : memref<1x128x64xf32, #tpu.memory_space<vmem>> -> memref<128x64xf32, #tpu.memory_space<vmem>>
      %dma_wait3A_191 = arith.constant 0 : i32
      %dma_wait3A_192 = tpu.memref_slice %arg7[%dma_wait3A_186, %dma_wait3A_191] : memref<16x128xi32, #tpu.memory_space<vmem>> -> memref<1x128xi32, #tpu.memory_space<vmem>>
      %dma_wait3A_193 = tpu.memref_squeeze %dma_wait3A_192 : memref<1x128xi32, #tpu.memory_space<vmem>> -> memref<128xi32, #tpu.memory_space<vmem>>
      %dma_wait3A_194 = arith.constant 0 : i32
      %dma_wait3A_195 = arith.constant 0 : i32
      %dma_wait3A_196 = tpu.memref_slice %arg9[%dma_wait3A_194, %dma_wait3A_195] : memref<10240x64xf32, #tpu.memory_space<vmem_shared>> -> memref<10240x64xf32, #tpu.memory_space<vmem_shared>>
      tpu.wait_indirect_dma semaphore(%arg11 : memref<!tpu.dma_semaphore, #tpu.memory_space<semaphore_mem>>) src(%dma_wait3A_190 : memref<128x64xf32, #tpu.memory_space<vmem>>) dst(%dma_wait3A_196 : memref<10240x64xf32, #tpu.memory_space<vmem_shared>>)
      %dma_start3A_197 = arith.constant 6 : i32
      %dma_start3A_198 = arith.constant 2 : i32
      %dma_start3A_199 = arith.constant 0 : i32
      %dma_start3A_200 = arith.constant 0 : i32
      %dma_start3A_201 = tpu.memref_slice %arg8[%dma_start3A_198, %dma_start3A_199, %dma_start3A_200] : memref<4x128x64xf32, #tpu.memory_space<vmem>> -> memref<1x128x64xf32, #tpu.memory_space<vmem>>
      %dma_start3A_202 = tpu.memref_squeeze %dma_start3A_201 : memref<1x128x64xf32, #tpu.memory_space<vmem>> -> memref<128x64xf32, #tpu.memory_space<vmem>>
      %dma_start3A_203 = arith.constant 0 : i32
      %dma_start3A_204 = tpu.memref_slice %arg6[%dma_start3A_197, %dma_start3A_203] : memref<16x128xi32, #tpu.memory_space<vmem>> -> memref<1x128xi32, #tpu.memory_space<vmem>>
      %dma_start3A_205 = tpu.memref_squeeze %dma_start3A_204 : memref<1x128xi32, #tpu.memory_space<vmem>> -> memref<128xi32, #tpu.memory_space<vmem>>
      %dma_start3A_206 = arith.constant 0 : i32
      %dma_start3A_207 = arith.constant 0 : i32
      %dma_start3A_208 = tpu.memref_slice %arg2[%dma_start3A_206, %dma_start3A_207] : memref<10000x64xf32, #tpu.memory_space<hbm>> -> memref<10000x64xf32, #tpu.memory_space<hbm>>
      tpu.enqueue_indirect_dma source(%dma_start3A_208 : memref<10000x64xf32, #tpu.memory_space<hbm>>) target(%dma_start3A_202 : memref<128x64xf32, #tpu.memory_space<vmem>>) offsets(%dma_start3A_205 : memref<128xi32, #tpu.memory_space<vmem>>) semaphore(%arg10 : memref<!tpu.dma_semaphore, #tpu.memory_space<semaphore_mem>>)
      %dma_wait3A_209 = arith.constant 3 : i32
      %dma_wait3A_210 = arith.constant 3 : i32
      %dma_wait3A_211 = arith.constant 0 : i32
      %dma_wait3A_212 = arith.constant 0 : i32
      %dma_wait3A_213 = tpu.memref_slice %arg8[%dma_wait3A_210, %dma_wait3A_211, %dma_wait3A_212] : memref<4x128x64xf32, #tpu.memory_space<vmem>> -> memref<1x128x64xf32, #tpu.memory_space<vmem>>
      %dma_wait3A_214 = tpu.memref_squeeze %dma_wait3A_213 : memref<1x128x64xf32, #tpu.memory_space<vmem>> -> memref<128x64xf32, #tpu.memory_space<vmem>>
      %dma_wait3A_215 = arith.constant 0 : i32
      %dma_wait3A_216 = tpu.memref_slice %arg6[%dma_wait3A_209, %dma_wait3A_215] : memref<16x128xi32, #tpu.memory_space<vmem>> -> memref<1x128xi32, #tpu.memory_space<vmem>>
      %dma_wait3A_217 = tpu.memref_squeeze %dma_wait3A_216 : memref<1x128xi32, #tpu.memory_space<vmem>> -> memref<128xi32, #tpu.memory_space<vmem>>
      %dma_wait3A_218 = arith.constant 0 : i32
      %dma_wait3A_219 = arith.constant 0 : i32
      %dma_wait3A_220 = tpu.memref_slice %arg2[%dma_wait3A_218, %dma_wait3A_219] : memref<10000x64xf32, #tpu.memory_space<hbm>> -> memref<10000x64xf32, #tpu.memory_space<hbm>>
      tpu.wait_indirect_dma semaphore(%arg10 : memref<!tpu.dma_semaphore, #tpu.memory_space<semaphore_mem>>) src(%dma_wait3A_220 : memref<10000x64xf32, #tpu.memory_space<hbm>>) dst(%dma_wait3A_214 : memref<128x64xf32, #tpu.memory_space<vmem>>)
      %dma_start3A_221 = arith.constant 3 : i32
      %dma_start3A_222 = arith.constant 3 : i32
      %dma_start3A_223 = arith.constant 0 : i32
      %dma_start3A_224 = arith.constant 0 : i32
      %dma_start3A_225 = tpu.memref_slice %arg8[%dma_start3A_221, %dma_start3A_223, %dma_start3A_224] : memref<4x128x64xf32, #tpu.memory_space<vmem>> -> memref<1x128x64xf32, #tpu.memory_space<vmem>>
      %dma_start3A_226 = tpu.memref_squeeze %dma_start3A_225 : memref<1x128x64xf32, #tpu.memory_space<vmem>> -> memref<128x64xf32, #tpu.memory_space<vmem>>
      %dma_start3A_227 = arith.constant 0 : i32
      %dma_start3A_228 = tpu.memref_slice %arg7[%dma_start3A_222, %dma_start3A_227] : memref<16x128xi32, #tpu.memory_space<vmem>> -> memref<1x128xi32, #tpu.memory_space<vmem>>
      %dma_start3A_229 = tpu.memref_squeeze %dma_start3A_228 : memref<1x128xi32, #tpu.memory_space<vmem>> -> memref<128xi32, #tpu.memory_space<vmem>>
      %dma_start3A_230 = arith.constant 0 : i32
      %dma_start3A_231 = arith.constant 0 : i32
      %dma_start3A_232 = tpu.memref_slice %arg9[%dma_start3A_230, %dma_start3A_231] : memref<10240x64xf32, #tpu.memory_space<vmem_shared>> -> memref<10240x64xf32, #tpu.memory_space<vmem_shared>>
      tpu.enqueue_indirect_dma source(%dma_start3A_226 : memref<128x64xf32, #tpu.memory_space<vmem>>) target(%dma_start3A_232 : memref<10240x64xf32, #tpu.memory_space<vmem_shared>>) offsets(%dma_start3A_229 : memref<128xi32, #tpu.memory_space<vmem>>) semaphore(%arg11 : memref<!tpu.dma_semaphore, #tpu.memory_space<semaphore_mem>>) {add = true}
      %dma_wait3A_233 = arith.constant 3 : i32
      %dma_wait3A_234 = arith.constant 3 : i32
      %dma_wait3A_235 = arith.constant 0 : i32
      %dma_wait3A_236 = arith.constant 0 : i32
      %dma_wait3A_237 = tpu.memref_slice %arg8[%dma_wait3A_233, %dma_wait3A_235, %dma_wait3A_236] : memref<4x128x64xf32, #tpu.memory_space<vmem>> -> memref<1x128x64xf32, #tpu.memory_space<vmem>>
      %dma_wait3A_238 = tpu.memref_squeeze %dma_wait3A_237 : memref<1x128x64xf32, #tpu.memory_space<vmem>> -> memref<128x64xf32, #tpu.memory_space<vmem>>
      %dma_wait3A_239 = arith.constant 0 : i32
      %dma_wait3A_240 = tpu.memref_slice %arg7[%dma_wait3A_234, %dma_wait3A_239] : memref<16x128xi32, #tpu.memory_space<vmem>> -> memref<1x128xi32, #tpu.memory_space<vmem>>
      %dma_wait3A_241 = tpu.memref_squeeze %dma_wait3A_240 : memref<1x128xi32, #tpu.memory_space<vmem>> -> memref<128xi32, #tpu.memory_space<vmem>>
      %dma_wait3A_242 = arith.constant 0 : i32
      %dma_wait3A_243 = arith.constant 0 : i32
      %dma_wait3A_244 = tpu.memref_slice %arg9[%dma_wait3A_242, %dma_wait3A_243] : memref<10240x64xf32, #tpu.memory_space<vmem_shared>> -> memref<10240x64xf32, #tpu.memory_space<vmem_shared>>
      tpu.wait_indirect_dma semaphore(%arg11 : memref<!tpu.dma_semaphore, #tpu.memory_space<semaphore_mem>>) src(%dma_wait3A_238 : memref<128x64xf32, #tpu.memory_space<vmem>>) dst(%dma_wait3A_244 : memref<10240x64xf32, #tpu.memory_space<vmem_shared>>)
      %dma_start3A_245 = arith.constant 7 : i32
      %dma_start3A_246 = arith.constant 3 : i32
      %dma_start3A_247 = arith.constant 0 : i32
      %dma_start3A_248 = arith.constant 0 : i32
      %dma_start3A_249 = tpu.memref_slice %arg8[%dma_start3A_246, %dma_start3A_247, %dma_start3A_248] : memref<4x128x64xf32, #tpu.memory_space<vmem>> -> memref<1x128x64xf32, #tpu.memory_space<vmem>>
      %dma_start3A_250 = tpu.memref_squeeze %dma_start3A_249 : memref<1x128x64xf32, #tpu.memory_space<vmem>> -> memref<128x64xf32, #tpu.memory_space<vmem>>
      %dma_start3A_251 = arith.constant 0 : i32
      %dma_start3A_252 = tpu.memref_slice %arg6[%dma_start3A_245, %dma_start3A_251] : memref<16x128xi32, #tpu.memory_space<vmem>> -> memref<1x128xi32, #tpu.memory_space<vmem>>
      %dma_start3A_253 = tpu.memref_squeeze %dma_start3A_252 : memref<1x128xi32, #tpu.memory_space<vmem>> -> memref<128xi32, #tpu.memory_space<vmem>>
      %dma_start3A_254 = arith.constant 0 : i32
      %dma_start3A_255 = arith.constant 0 : i32
      %dma_start3A_256 = tpu.memref_slice %arg2[%dma_start3A_254, %dma_start3A_255] : memref<10000x64xf32, #tpu.memory_space<hbm>> -> memref<10000x64xf32, #tpu.memory_space<hbm>>
      tpu.enqueue_indirect_dma source(%dma_start3A_256 : memref<10000x64xf32, #tpu.memory_space<hbm>>) target(%dma_start3A_250 : memref<128x64xf32, #tpu.memory_space<vmem>>) offsets(%dma_start3A_253 : memref<128xi32, #tpu.memory_space<vmem>>) semaphore(%arg10 : memref<!tpu.dma_semaphore, #tpu.memory_space<semaphore_mem>>)
      %dma_wait3A_257 = arith.constant 4 : i32
      %dma_wait3A_258 = arith.constant 0 : i32
      %dma_wait3A_259 = arith.constant 0 : i32
      %dma_wait3A_260 = arith.constant 0 : i32
      %dma_wait3A_261 = tpu.memref_slice %arg8[%dma_wait3A_258, %dma_wait3A_259, %dma_wait3A_260] : memref<4x128x64xf32, #tpu.memory_space<vmem>> -> memref<1x128x64xf32, #tpu.memory_space<vmem>>
      %dma_wait3A_262 = tpu.memref_squeeze %dma_wait3A_261 : memref<1x128x64xf32, #tpu.memory_space<vmem>> -> memref<128x64xf32, #tpu.memory_space<vmem>>
      %dma_wait3A_263 = arith.constant 0 : i32
      %dma_wait3A_264 = tpu.memref_slice %arg6[%dma_wait3A_257, %dma_wait3A_263] : memref<16x128xi32, #tpu.memory_space<vmem>> -> memref<1x128xi32, #tpu.memory_space<vmem>>
      %dma_wait3A_265 = tpu.memref_squeeze %dma_wait3A_264 : memref<1x128xi32, #tpu.memory_space<vmem>> -> memref<128xi32, #tpu.memory_space<vmem>>
      %dma_wait3A_266 = arith.constant 0 : i32
      %dma_wait3A_267 = arith.constant 0 : i32
      %dma_wait3A_268 = tpu.memref_slice %arg2[%dma_wait3A_266, %dma_wait3A_267] : memref<10000x64xf32, #tpu.memory_space<hbm>> -> memref<10000x64xf32, #tpu.memory_space<hbm>>
      tpu.wait_indirect_dma semaphore(%arg10 : memref<!tpu.dma_semaphore, #tpu.memory_space<semaphore_mem>>) src(%dma_wait3A_268 : memref<10000x64xf32, #tpu.memory_space<hbm>>) dst(%dma_wait3A_262 : memref<128x64xf32, #tpu.memory_space<vmem>>)
      %dma_start3A_269 = arith.constant 0 : i32
      %dma_start3A_270 = arith.constant 4 : i32
      %dma_start3A_271 = arith.constant 0 : i32
      %dma_start3A_272 = arith.constant 0 : i32
      %dma_start3A_273 = tpu.memref_slice %arg8[%dma_start3A_269, %dma_start3A_271, %dma_start3A_272] : memref<4x128x64xf32, #tpu.memory_space<vmem>> -> memref<1x128x64xf32, #tpu.memory_space<vmem>>
      %dma_start3A_274 = tpu.memref_squeeze %dma_start3A_273 : memref<1x128x64xf32, #tpu.memory_space<vmem>> -> memref<128x64xf32, #tpu.memory_space<vmem>>
      %dma_start3A_275 = arith.constant 0 : i32
      %dma_start3A_276 = tpu.memref_slice %arg7[%dma_start3A_270, %dma_start3A_275] : memref<16x128xi32, #tpu.memory_space<vmem>> -> memref<1x128xi32, #tpu.memory_space<vmem>>
      %dma_start3A_277 = tpu.memref_squeeze %dma_start3A_276 : memref<1x128xi32, #tpu.memory_space<vmem>> -> memref<128xi32, #tpu.memory_space<vmem>>
      %dma_start3A_278 = arith.constant 0 : i32
      %dma_start3A_279 = arith.constant 0 : i32
      %dma_start3A_280 = tpu.memref_slice %arg9[%dma_start3A_278, %dma_start3A_279] : memref<10240x64xf32, #tpu.memory_space<vmem_shared>> -> memref<10240x64xf32, #tpu.memory_space<vmem_shared>>
      tpu.enqueue_indirect_dma source(%dma_start3A_274 : memref<128x64xf32, #tpu.memory_space<vmem>>) target(%dma_start3A_280 : memref<10240x64xf32, #tpu.memory_space<vmem_shared>>) offsets(%dma_start3A_277 : memref<128xi32, #tpu.memory_space<vmem>>) semaphore(%arg11 : memref<!tpu.dma_semaphore, #tpu.memory_space<semaphore_mem>>) {add = true}
      %dma_wait3A_281 = arith.constant 0 : i32
      %dma_wait3A_282 = arith.constant 4 : i32
      %dma_wait3A_283 = arith.constant 0 : i32
      %dma_wait3A_284 = arith.constant 0 : i32
      %dma_wait3A_285 = tpu.memref_slice %arg8[%dma_wait3A_281, %dma_wait3A_283, %dma_wait3A_284] : memref<4x128x64xf32, #tpu.memory_space<vmem>> -> memref<1x128x64xf32, #tpu.memory_space<vmem>>
      %dma_wait3A_286 = tpu.memref_squeeze %dma_wait3A_285 : memref<1x128x64xf32, #tpu.memory_space<vmem>> -> memref<128x64xf32, #tpu.memory_space<vmem>>
      %dma_wait3A_287 = arith.constant 0 : i32
      %dma_wait3A_288 = tpu.memref_slice %arg7[%dma_wait3A_282, %dma_wait3A_287] : memref<16x128xi32, #tpu.memory_space<vmem>> -> memref<1x128xi32, #tpu.memory_space<vmem>>
      %dma_wait3A_289 = tpu.memref_squeeze %dma_wait3A_288 : memref<1x128xi32, #tpu.memory_space<vmem>> -> memref<128xi32, #tpu.memory_space<vmem>>
      %dma_wait3A_290 = arith.constant 0 : i32
      %dma_wait3A_291 = arith.constant 0 : i32
      %dma_wait3A_292 = tpu.memref_slice %arg9[%dma_wait3A_290, %dma_wait3A_291] : memref<10240x64xf32, #tpu.memory_space<vmem_shared>> -> memref<10240x64xf32, #tpu.memory_space<vmem_shared>>
      tpu.wait_indirect_dma semaphore(%arg11 : memref<!tpu.dma_semaphore, #tpu.memory_space<semaphore_mem>>) src(%dma_wait3A_286 : memref<128x64xf32, #tpu.memory_space<vmem>>) dst(%dma_wait3A_292 : memref<10240x64xf32, #tpu.memory_space<vmem_shared>>)
      %dma_start3A_293 = arith.constant 8 : i32
      %dma_start3A_294 = arith.constant 0 : i32
      %dma_start3A_295 = arith.constant 0 : i32
      %dma_start3A_296 = arith.constant 0 : i32
      %dma_start3A_297 = tpu.memref_slice %arg8[%dma_start3A_294, %dma_start3A_295, %dma_start3A_296] : memref<4x128x64xf32, #tpu.memory_space<vmem>> -> memref<1x128x64xf32, #tpu.memory_space<vmem>>
      %dma_start3A_298 = tpu.memref_squeeze %dma_start3A_297 : memref<1x128x64xf32, #tpu.memory_space<vmem>> -> memref<128x64xf32, #tpu.memory_space<vmem>>
      %dma_start3A_299 = arith.constant 0 : i32
      %dma_start3A_300 = tpu.memref_slice %arg6[%dma_start3A_293, %dma_start3A_299] : memref<16x128xi32, #tpu.memory_space<vmem>> -> memref<1x128xi32, #tpu.memory_space<vmem>>
      %dma_start3A_301 = tpu.memref_squeeze %dma_start3A_300 : memref<1x128xi32, #tpu.memory_space<vmem>> -> memref<128xi32, #tpu.memory_space<vmem>>
      %dma_start3A_302 = arith.constant 0 : i32
      %dma_start3A_303 = arith.constant 0 : i32
      %dma_start3A_304 = tpu.memref_slice %arg2[%dma_start3A_302, %dma_start3A_303] : memref<10000x64xf32, #tpu.memory_space<hbm>> -> memref<10000x64xf32, #tpu.memory_space<hbm>>
      tpu.enqueue_indirect_dma source(%dma_start3A_304 : memref<10000x64xf32, #tpu.memory_space<hbm>>) target(%dma_start3A_298 : memref<128x64xf32, #tpu.memory_space<vmem>>) offsets(%dma_start3A_301 : memref<128xi32, #tpu.memory_space<vmem>>) semaphore(%arg10 : memref<!tpu.dma_semaphore, #tpu.memory_space<semaphore_mem>>)
      %dma_wait3A_305 = arith.constant 5 : i32
      %dma_wait3A_306 = arith.constant 1 : i32
      %dma_wait3A_307 = arith.constant 0 : i32
      %dma_wait3A_308 = arith.constant 0 : i32
      %dma_wait3A_309 = tpu.memref_slice %arg8[%dma_wait3A_306, %dma_wait3A_307, %dma_wait3A_308] : memref<4x128x64xf32, #tpu.memory_space<vmem>> -> memref<1x128x64xf32, #tpu.memory_space<vmem>>
      %dma_wait3A_310 = tpu.memref_squeeze %dma_wait3A_309 : memref<1x128x64xf32, #tpu.memory_space<vmem>> -> memref<128x64xf32, #tpu.memory_space<vmem>>
      %dma_wait3A_311 = arith.constant 0 : i32
      %dma_wait3A_312 = tpu.memref_slice %arg6[%dma_wait3A_305, %dma_wait3A_311] : memref<16x128xi32, #tpu.memory_space<vmem>> -> memref<1x128xi32, #tpu.memory_space<vmem>>
      %dma_wait3A_313 = tpu.memref_squeeze %dma_wait3A_312 : memref<1x128xi32, #tpu.memory_space<vmem>> -> memref<128xi32, #tpu.memory_space<vmem>>
      %dma_wait3A_314 = arith.constant 0 : i32
      %dma_wait3A_315 = arith.constant 0 : i32
      %dma_wait3A_316 = tpu.memref_slice %arg2[%dma_wait3A_314, %dma_wait3A_315] : memref<10000x64xf32, #tpu.memory_space<hbm>> -> memref<10000x64xf32, #tpu.memory_space<hbm>>
      tpu.wait_indirect_dma semaphore(%arg10 : memref<!tpu.dma_semaphore, #tpu.memory_space<semaphore_mem>>) src(%dma_wait3A_316 : memref<10000x64xf32, #tpu.memory_space<hbm>>) dst(%dma_wait3A_310 : memref<128x64xf32, #tpu.memory_space<vmem>>)
      %dma_start3A_317 = arith.constant 1 : i32
      %dma_start3A_318 = arith.constant 5 : i32
      %dma_start3A_319 = arith.constant 0 : i32
      %dma_start3A_320 = arith.constant 0 : i32
      %dma_start3A_321 = tpu.memref_slice %arg8[%dma_start3A_317, %dma_start3A_319, %dma_start3A_320] : memref<4x128x64xf32, #tpu.memory_space<vmem>> -> memref<1x128x64xf32, #tpu.memory_space<vmem>>
      %dma_start3A_322 = tpu.memref_squeeze %dma_start3A_321 : memref<1x128x64xf32, #tpu.memory_space<vmem>> -> memref<128x64xf32, #tpu.memory_space<vmem>>
      %dma_start3A_323 = arith.constant 0 : i32
      %dma_start3A_324 = tpu.memref_slice %arg7[%dma_start3A_318, %dma_start3A_323] : memref<16x128xi32, #tpu.memory_space<vmem>> -> memref<1x128xi32, #tpu.memory_space<vmem>>
      %dma_start3A_325 = tpu.memref_squeeze %dma_start3A_324 : memref<1x128xi32, #tpu.memory_space<vmem>> -> memref<128xi32, #tpu.memory_space<vmem>>
      %dma_start3A_326 = arith.constant 0 : i32
      %dma_start3A_327 = arith.constant 0 : i32
      %dma_start3A_328 = tpu.memref_slice %arg9[%dma_start3A_326, %dma_start3A_327] : memref<10240x64xf32, #tpu.memory_space<vmem_shared>> -> memref<10240x64xf32, #tpu.memory_space<vmem_shared>>
      tpu.enqueue_indirect_dma source(%dma_start3A_322 : memref<128x64xf32, #tpu.memory_space<vmem>>) target(%dma_start3A_328 : memref<10240x64xf32, #tpu.memory_space<vmem_shared>>) offsets(%dma_start3A_325 : memref<128xi32, #tpu.memory_space<vmem>>) semaphore(%arg11 : memref<!tpu.dma_semaphore, #tpu.memory_space<semaphore_mem>>) {add = true}
      %dma_wait3A_329 = arith.constant 1 : i32
      %dma_wait3A_330 = arith.constant 5 : i32
      %dma_wait3A_331 = arith.constant 0 : i32
      %dma_wait3A_332 = arith.constant 0 : i32
      %dma_wait3A_333 = tpu.memref_slice %arg8[%dma_wait3A_329, %dma_wait3A_331, %dma_wait3A_332] : memref<4x128x64xf32, #tpu.memory_space<vmem>> -> memref<1x128x64xf32, #tpu.memory_space<vmem>>
      %dma_wait3A_334 = tpu.memref_squeeze %dma_wait3A_333 : memref<1x128x64xf32, #tpu.memory_space<vmem>> -> memref<128x64xf32, #tpu.memory_space<vmem>>
      %dma_wait3A_335 = arith.constant 0 : i32
      %dma_wait3A_336 = tpu.memref_slice %arg7[%dma_wait3A_330, %dma_wait3A_335] : memref<16x128xi32, #tpu.memory_space<vmem>> -> memref<1x128xi32, #tpu.memory_space<vmem>>
      %dma_wait3A_337 = tpu.memref_squeeze %dma_wait3A_336 : memref<1x128xi32, #tpu.memory_space<vmem>> -> memref<128xi32, #tpu.memory_space<vmem>>
      %dma_wait3A_338 = arith.constant 0 : i32
      %dma_wait3A_339 = arith.constant 0 : i32
      %dma_wait3A_340 = tpu.memref_slice %arg9[%dma_wait3A_338, %dma_wait3A_339] : memref<10240x64xf32, #tpu.memory_space<vmem_shared>> -> memref<10240x64xf32, #tpu.memory_space<vmem_shared>>
      tpu.wait_indirect_dma semaphore(%arg11 : memref<!tpu.dma_semaphore, #tpu.memory_space<semaphore_mem>>) src(%dma_wait3A_334 : memref<128x64xf32, #tpu.memory_space<vmem>>) dst(%dma_wait3A_340 : memref<10240x64xf32, #tpu.memory_space<vmem_shared>>)
      %dma_start3A_341 = arith.constant 9 : i32
      %dma_start3A_342 = arith.constant 1 : i32
      %dma_start3A_343 = arith.constant 0 : i32
      %dma_start3A_344 = arith.constant 0 : i32
      %dma_start3A_345 = tpu.memref_slice %arg8[%dma_start3A_342, %dma_start3A_343, %dma_start3A_344] : memref<4x128x64xf32, #tpu.memory_space<vmem>> -> memref<1x128x64xf32, #tpu.memory_space<vmem>>
      %dma_start3A_346 = tpu.memref_squeeze %dma_start3A_345 : memref<1x128x64xf32, #tpu.memory_space<vmem>> -> memref<128x64xf32, #tpu.memory_space<vmem>>
      %dma_start3A_347 = arith.constant 0 : i32
      %dma_start3A_348 = tpu.memref_slice %arg6[%dma_start3A_341, %dma_start3A_347] : memref<16x128xi32, #tpu.memory_space<vmem>> -> memref<1x128xi32, #tpu.memory_space<vmem>>
      %dma_start3A_349 = tpu.memref_squeeze %dma_start3A_348 : memref<1x128xi32, #tpu.memory_space<vmem>> -> memref<128xi32, #tpu.memory_space<vmem>>
      %dma_start3A_350 = arith.constant 0 : i32
      %dma_start3A_351 = arith.constant 0 : i32
      %dma_start3A_352 = tpu.memref_slice %arg2[%dma_start3A_350, %dma_start3A_351] : memref<10000x64xf32, #tpu.memory_space<hbm>> -> memref<10000x64xf32, #tpu.memory_space<hbm>>
      tpu.enqueue_indirect_dma source(%dma_start3A_352 : memref<10000x64xf32, #tpu.memory_space<hbm>>) target(%dma_start3A_346 : memref<128x64xf32, #tpu.memory_space<vmem>>) offsets(%dma_start3A_349 : memref<128xi32, #tpu.memory_space<vmem>>) semaphore(%arg10 : memref<!tpu.dma_semaphore, #tpu.memory_space<semaphore_mem>>)
      %dma_wait3A_353 = arith.constant 6 : i32
      %dma_wait3A_354 = arith.constant 2 : i32
      %dma_wait3A_355 = arith.constant 0 : i32
      %dma_wait3A_356 = arith.constant 0 : i32
      %dma_wait3A_357 = tpu.memref_slice %arg8[%dma_wait3A_354, %dma_wait3A_355, %dma_wait3A_356] : memref<4x128x64xf32, #tpu.memory_space<vmem>> -> memref<1x128x64xf32, #tpu.memory_space<vmem>>
      %dma_wait3A_358 = tpu.memref_squeeze %dma_wait3A_357 : memref<1x128x64xf32, #tpu.memory_space<vmem>> -> memref<128x64xf32, #tpu.memory_space<vmem>>
      %dma_wait3A_359 = arith.constant 0 : i32
      %dma_wait3A_360 = tpu.memref_slice %arg6[%dma_wait3A_353, %dma_wait3A_359] : memref<16x128xi32, #tpu.memory_space<vmem>> -> memref<1x128xi32, #tpu.memory_space<vmem>>
      %dma_wait3A_361 = tpu.memref_squeeze %dma_wait3A_360 : memref<1x128xi32, #tpu.memory_space<vmem>> -> memref<128xi32, #tpu.memory_space<vmem>>
      %dma_wait3A_362 = arith.constant 0 : i32
      %dma_wait3A_363 = arith.constant 0 : i32
      %dma_wait3A_364 = tpu.memref_slice %arg2[%dma_wait3A_362, %dma_wait3A_363] : memref<10000x64xf32, #tpu.memory_space<hbm>> -> memref<10000x64xf32, #tpu.memory_space<hbm>>
      tpu.wait_indirect_dma semaphore(%arg10 : memref<!tpu.dma_semaphore, #tpu.memory_space<semaphore_mem>>) src(%dma_wait3A_364 : memref<10000x64xf32, #tpu.memory_space<hbm>>) dst(%dma_wait3A_358 : memref<128x64xf32, #tpu.memory_space<vmem>>)
      %dma_start3A_365 = arith.constant 2 : i32
      %dma_start3A_366 = arith.constant 6 : i32
      %dma_start3A_367 = arith.constant 0 : i32
      %dma_start3A_368 = arith.constant 0 : i32
      %dma_start3A_369 = tpu.memref_slice %arg8[%dma_start3A_365, %dma_start3A_367, %dma_start3A_368] : memref<4x128x64xf32, #tpu.memory_space<vmem>> -> memref<1x128x64xf32, #tpu.memory_space<vmem>>
      %dma_start3A_370 = tpu.memref_squeeze %dma_start3A_369 : memref<1x128x64xf32, #tpu.memory_space<vmem>> -> memref<128x64xf32, #tpu.memory_space<vmem>>
      %dma_start3A_371 = arith.constant 0 : i32
      %dma_start3A_372 = tpu.memref_slice %arg7[%dma_start3A_366, %dma_start3A_371] : memref<16x128xi32, #tpu.memory_space<vmem>> -> memref<1x128xi32, #tpu.memory_space<vmem>>
      %dma_start3A_373 = tpu.memref_squeeze %dma_start3A_372 : memref<1x128xi32, #tpu.memory_space<vmem>> -> memref<128xi32, #tpu.memory_space<vmem>>
      %dma_start3A_374 = arith.constant 0 : i32
      %dma_start3A_375 = arith.constant 0 : i32
      %dma_start3A_376 = tpu.memref_slice %arg9[%dma_start3A_374, %dma_start3A_375] : memref<10240x64xf32, #tpu.memory_space<vmem_shared>> -> memref<10240x64xf32, #tpu.memory_space<vmem_shared>>
      tpu.enqueue_indirect_dma source(%dma_start3A_370 : memref<128x64xf32, #tpu.memory_space<vmem>>) target(%dma_start3A_376 : memref<10240x64xf32, #tpu.memory_space<vmem_shared>>) offsets(%dma_start3A_373 : memref<128xi32, #tpu.memory_space<vmem>>) semaphore(%arg11 : memref<!tpu.dma_semaphore, #tpu.memory_space<semaphore_mem>>) {add = true}
      %dma_wait3A_377 = arith.constant 2 : i32
      %dma_wait3A_378 = arith.constant 6 : i32
      %dma_wait3A_379 = arith.constant 0 : i32
      %dma_wait3A_380 = arith.constant 0 : i32
      %dma_wait3A_381 = tpu.memref_slice %arg8[%dma_wait3A_377, %dma_wait3A_379, %dma_wait3A_380] : memref<4x128x64xf32, #tpu.memory_space<vmem>> -> memref<1x128x64xf32, #tpu.memory_space<vmem>>
      %dma_wait3A_382 = tpu.memref_squeeze %dma_wait3A_381 : memref<1x128x64xf32, #tpu.memory_space<vmem>> -> memref<128x64xf32, #tpu.memory_space<vmem>>
      %dma_wait3A_383 = arith.constant 0 : i32
      %dma_wait3A_384 = tpu.memref_slice %arg7[%dma_wait3A_378, %dma_wait3A_383] : memref<16x128xi32, #tpu.memory_space<vmem>> -> memref<1x128xi32, #tpu.memory_space<vmem>>
      %dma_wait3A_385 = tpu.memref_squeeze %dma_wait3A_384 : memref<1x128xi32, #tpu.memory_space<vmem>> -> memref<128xi32, #tpu.memory_space<vmem>>
      %dma_wait3A_386 = arith.constant 0 : i32
      %dma_wait3A_387 = arith.constant 0 : i32
      %dma_wait3A_388 = tpu.memref_slice %arg9[%dma_wait3A_386, %dma_wait3A_387] : memref<10240x64xf32, #tpu.memory_space<vmem_shared>> -> memref<10240x64xf32, #tpu.memory_space<vmem_shared>>
      tpu.wait_indirect_dma semaphore(%arg11 : memref<!tpu.dma_semaphore, #tpu.memory_space<semaphore_mem>>) src(%dma_wait3A_382 : memref<128x64xf32, #tpu.memory_space<vmem>>) dst(%dma_wait3A_388 : memref<10240x64xf32, #tpu.memory_space<vmem_shared>>)
      %dma_start3A_389 = arith.constant 10 : i32
      %dma_start3A_390 = arith.constant 2 : i32
      %dma_start3A_391 = arith.constant 0 : i32
      %dma_start3A_392 = arith.constant 0 : i32
      %dma_start3A_393 = tpu.memref_slice %arg8[%dma_start3A_390, %dma_start3A_391, %dma_start3A_392] : memref<4x128x64xf32, #tpu.memory_space<vmem>> -> memref<1x128x64xf32, #tpu.memory_space<vmem>>
      %dma_start3A_394 = tpu.memref_squeeze %dma_start3A_393 : memref<1x128x64xf32, #tpu.memory_space<vmem>> -> memref<128x64xf32, #tpu.memory_space<vmem>>
      %dma_start3A_395 = arith.constant 0 : i32
      %dma_start3A_396 = tpu.memref_slice %arg6[%dma_start3A_389, %dma_start3A_395] : memref<16x128xi32, #tpu.memory_space<vmem>> -> memref<1x128xi32, #tpu.memory_space<vmem>>
      %dma_start3A_397 = tpu.memref_squeeze %dma_start3A_396 : memref<1x128xi32, #tpu.memory_space<vmem>> -> memref<128xi32, #tpu.memory_space<vmem>>
      %dma_start3A_398 = arith.constant 0 : i32
      %dma_start3A_399 = arith.constant 0 : i32
      %dma_start3A_400 = tpu.memref_slice %arg2[%dma_start3A_398, %dma_start3A_399] : memref<10000x64xf32, #tpu.memory_space<hbm>> -> memref<10000x64xf32, #tpu.memory_space<hbm>>
      tpu.enqueue_indirect_dma source(%dma_start3A_400 : memref<10000x64xf32, #tpu.memory_space<hbm>>) target(%dma_start3A_394 : memref<128x64xf32, #tpu.memory_space<vmem>>) offsets(%dma_start3A_397 : memref<128xi32, #tpu.memory_space<vmem>>) semaphore(%arg10 : memref<!tpu.dma_semaphore, #tpu.memory_space<semaphore_mem>>)
      %dma_wait3A_401 = arith.constant 7 : i32
      %dma_wait3A_402 = arith.constant 3 : i32
      %dma_wait3A_403 = arith.constant 0 : i32
      %dma_wait3A_404 = arith.constant 0 : i32
      %dma_wait3A_405 = tpu.memref_slice %arg8[%dma_wait3A_402, %dma_wait3A_403, %dma_wait3A_404] : memref<4x128x64xf32, #tpu.memory_space<vmem>> -> memref<1x128x64xf32, #tpu.memory_space<vmem>>
      %dma_wait3A_406 = tpu.memref_squeeze %dma_wait3A_405 : memref<1x128x64xf32, #tpu.memory_space<vmem>> -> memref<128x64xf32, #tpu.memory_space<vmem>>
      %dma_wait3A_407 = arith.constant 0 : i32
      %dma_wait3A_408 = tpu.memref_slice %arg6[%dma_wait3A_401, %dma_wait3A_407] : memref<16x128xi32, #tpu.memory_space<vmem>> -> memref<1x128xi32, #tpu.memory_space<vmem>>
      %dma_wait3A_409 = tpu.memref_squeeze %dma_wait3A_408 : memref<1x128xi32, #tpu.memory_space<vmem>> -> memref<128xi32, #tpu.memory_space<vmem>>
      %dma_wait3A_410 = arith.constant 0 : i32
      %dma_wait3A_411 = arith.constant 0 : i32
      %dma_wait3A_412 = tpu.memref_slice %arg2[%dma_wait3A_410, %dma_wait3A_411] : memref<10000x64xf32, #tpu.memory_space<hbm>> -> memref<10000x64xf32, #tpu.memory_space<hbm>>
      tpu.wait_indirect_dma semaphore(%arg10 : memref<!tpu.dma_semaphore, #tpu.memory_space<semaphore_mem>>) src(%dma_wait3A_412 : memref<10000x64xf32, #tpu.memory_space<hbm>>) dst(%dma_wait3A_406 : memref<128x64xf32, #tpu.memory_space<vmem>>)
      %dma_start3A_413 = arith.constant 3 : i32
      %dma_start3A_414 = arith.constant 7 : i32
      %dma_start3A_415 = arith.constant 0 : i32
      %dma_start3A_416 = arith.constant 0 : i32
      %dma_start3A_417 = tpu.memref_slice %arg8[%dma_start3A_413, %dma_start3A_415, %dma_start3A_416] : memref<4x128x64xf32, #tpu.memory_space<vmem>> -> memref<1x128x64xf32, #tpu.memory_space<vmem>>
      %dma_start3A_418 = tpu.memref_squeeze %dma_start3A_417 : memref<1x128x64xf32, #tpu.memory_space<vmem>> -> memref<128x64xf32, #tpu.memory_space<vmem>>
      %dma_start3A_419 = arith.constant 0 : i32
      %dma_start3A_420 = tpu.memref_slice %arg7[%dma_start3A_414, %dma_start3A_419] : memref<16x128xi32, #tpu.memory_space<vmem>> -> memref<1x128xi32, #tpu.memory_space<vmem>>
      %dma_start3A_421 = tpu.memref_squeeze %dma_start3A_420 : memref<1x128xi32, #tpu.memory_space<vmem>> -> memref<128xi32, #tpu.memory_space<vmem>>
      %dma_start3A_422 = arith.constant 0 : i32
      %dma_start3A_423 = arith.constant 0 : i32
      %dma_start3A_424 = tpu.memref_slice %arg9[%dma_start3A_422, %dma_start3A_423] : memref<10240x64xf32, #tpu.memory_space<vmem_shared>> -> memref<10240x64xf32, #tpu.memory_space<vmem_shared>>
      tpu.enqueue_indirect_dma source(%dma_start3A_418 : memref<128x64xf32, #tpu.memory_space<vmem>>) target(%dma_start3A_424 : memref<10240x64xf32, #tpu.memory_space<vmem_shared>>) offsets(%dma_start3A_421 : memref<128xi32, #tpu.memory_space<vmem>>) semaphore(%arg11 : memref<!tpu.dma_semaphore, #tpu.memory_space<semaphore_mem>>) {add = true}
      %dma_wait3A_425 = arith.constant 3 : i32
      %dma_wait3A_426 = arith.constant 7 : i32
      %dma_wait3A_427 = arith.constant 0 : i32
      %dma_wait3A_428 = arith.constant 0 : i32
      %dma_wait3A_429 = tpu.memref_slice %arg8[%dma_wait3A_425, %dma_wait3A_427, %dma_wait3A_428] : memref<4x128x64xf32, #tpu.memory_space<vmem>> -> memref<1x128x64xf32, #tpu.memory_space<vmem>>
      %dma_wait3A_430 = tpu.memref_squeeze %dma_wait3A_429 : memref<1x128x64xf32, #tpu.memory_space<vmem>> -> memref<128x64xf32, #tpu.memory_space<vmem>>
      %dma_wait3A_431 = arith.constant 0 : i32
      %dma_wait3A_432 = tpu.memref_slice %arg7[%dma_wait3A_426, %dma_wait3A_431] : memref<16x128xi32, #tpu.memory_space<vmem>> -> memref<1x128xi32, #tpu.memory_space<vmem>>
      %dma_wait3A_433 = tpu.memref_squeeze %dma_wait3A_432 : memref<1x128xi32, #tpu.memory_space<vmem>> -> memref<128xi32, #tpu.memory_space<vmem>>
      %dma_wait3A_434 = arith.constant 0 : i32
      %dma_wait3A_435 = arith.constant 0 : i32
      %dma_wait3A_436 = tpu.memref_slice %arg9[%dma_wait3A_434, %dma_wait3A_435] : memref<10240x64xf32, #tpu.memory_space<vmem_shared>> -> memref<10240x64xf32, #tpu.memory_space<vmem_shared>>
      tpu.wait_indirect_dma semaphore(%arg11 : memref<!tpu.dma_semaphore, #tpu.memory_space<semaphore_mem>>) src(%dma_wait3A_430 : memref<128x64xf32, #tpu.memory_space<vmem>>) dst(%dma_wait3A_436 : memref<10240x64xf32, #tpu.memory_space<vmem_shared>>)
      %dma_start3A_437 = arith.constant 11 : i32
      %dma_start3A_438 = arith.constant 3 : i32
      %dma_start3A_439 = arith.constant 0 : i32
      %dma_start3A_440 = arith.constant 0 : i32
      %dma_start3A_441 = tpu.memref_slice %arg8[%dma_start3A_438, %dma_start3A_439, %dma_start3A_440] : memref<4x128x64xf32, #tpu.memory_space<vmem>> -> memref<1x128x64xf32, #tpu.memory_space<vmem>>
      %dma_start3A_442 = tpu.memref_squeeze %dma_start3A_441 : memref<1x128x64xf32, #tpu.memory_space<vmem>> -> memref<128x64xf32, #tpu.memory_space<vmem>>
      %dma_start3A_443 = arith.constant 0 : i32
      %dma_start3A_444 = tpu.memref_slice %arg6[%dma_start3A_437, %dma_start3A_443] : memref<16x128xi32, #tpu.memory_space<vmem>> -> memref<1x128xi32, #tpu.memory_space<vmem>>
      %dma_start3A_445 = tpu.memref_squeeze %dma_start3A_444 : memref<1x128xi32, #tpu.memory_space<vmem>> -> memref<128xi32, #tpu.memory_space<vmem>>
      %dma_start3A_446 = arith.constant 0 : i32
      %dma_start3A_447 = arith.constant 0 : i32
      %dma_start3A_448 = tpu.memref_slice %arg2[%dma_start3A_446, %dma_start3A_447] : memref<10000x64xf32, #tpu.memory_space<hbm>> -> memref<10000x64xf32, #tpu.memory_space<hbm>>
      tpu.enqueue_indirect_dma source(%dma_start3A_448 : memref<10000x64xf32, #tpu.memory_space<hbm>>) target(%dma_start3A_442 : memref<128x64xf32, #tpu.memory_space<vmem>>) offsets(%dma_start3A_445 : memref<128xi32, #tpu.memory_space<vmem>>) semaphore(%arg10 : memref<!tpu.dma_semaphore, #tpu.memory_space<semaphore_mem>>)
      %dma_wait3A_449 = arith.constant 8 : i32
      %dma_wait3A_450 = arith.constant 0 : i32
      %dma_wait3A_451 = arith.constant 0 : i32
      %dma_wait3A_452 = arith.constant 0 : i32
      %dma_wait3A_453 = tpu.memref_slice %arg8[%dma_wait3A_450, %dma_wait3A_451, %dma_wait3A_452] : memref<4x128x64xf32, #tpu.memory_space<vmem>> -> memref<1x128x64xf32, #tpu.memory_space<vmem>>
      %dma_wait3A_454 = tpu.memref_squeeze %dma_wait3A_453 : memref<1x128x64xf32, #tpu.memory_space<vmem>> -> memref<128x64xf32, #tpu.memory_space<vmem>>
      %dma_wait3A_455 = arith.constant 0 : i32
      %dma_wait3A_456 = tpu.memref_slice %arg6[%dma_wait3A_449, %dma_wait3A_455] : memref<16x128xi32, #tpu.memory_space<vmem>> -> memref<1x128xi32, #tpu.memory_space<vmem>>
      %dma_wait3A_457 = tpu.memref_squeeze %dma_wait3A_456 : memref<1x128xi32, #tpu.memory_space<vmem>> -> memref<128xi32, #tpu.memory_space<vmem>>
      %dma_wait3A_458 = arith.constant 0 : i32
      %dma_wait3A_459 = arith.constant 0 : i32
      %dma_wait3A_460 = tpu.memref_slice %arg2[%dma_wait3A_458, %dma_wait3A_459] : memref<10000x64xf32, #tpu.memory_space<hbm>> -> memref<10000x64xf32, #tpu.memory_space<hbm>>
      tpu.wait_indirect_dma semaphore(%arg10 : memref<!tpu.dma_semaphore, #tpu.memory_space<semaphore_mem>>) src(%dma_wait3A_460 : memref<10000x64xf32, #tpu.memory_space<hbm>>) dst(%dma_wait3A_454 : memref<128x64xf32, #tpu.memory_space<vmem>>)
      %dma_start3A_461 = arith.constant 0 : i32
      %dma_start3A_462 = arith.constant 8 : i32
      %dma_start3A_463 = arith.constant 0 : i32
      %dma_start3A_464 = arith.constant 0 : i32
      %dma_start3A_465 = tpu.memref_slice %arg8[%dma_start3A_461, %dma_start3A_463, %dma_start3A_464] : memref<4x128x64xf32, #tpu.memory_space<vmem>> -> memref<1x128x64xf32, #tpu.memory_space<vmem>>
      %dma_start3A_466 = tpu.memref_squeeze %dma_start3A_465 : memref<1x128x64xf32, #tpu.memory_space<vmem>> -> memref<128x64xf32, #tpu.memory_space<vmem>>
      %dma_start3A_467 = arith.constant 0 : i32
      %dma_start3A_468 = tpu.memref_slice %arg7[%dma_start3A_462, %dma_start3A_467] : memref<16x128xi32, #tpu.memory_space<vmem>> -> memref<1x128xi32, #tpu.memory_space<vmem>>
      %dma_start3A_469 = tpu.memref_squeeze %dma_start3A_468 : memref<1x128xi32, #tpu.memory_space<vmem>> -> memref<128xi32, #tpu.memory_space<vmem>>
      %dma_start3A_470 = arith.constant 0 : i32
      %dma_start3A_471 = arith.constant 0 : i32
      %dma_start3A_472 = tpu.memref_slice %arg9[%dma_start3A_470, %dma_start3A_471] : memref<10240x64xf32, #tpu.memory_space<vmem_shared>> -> memref<10240x64xf32, #tpu.memory_space<vmem_shared>>
      tpu.enqueue_indirect_dma source(%dma_start3A_466 : memref<128x64xf32, #tpu.memory_space<vmem>>) target(%dma_start3A_472 : memref<10240x64xf32, #tpu.memory_space<vmem_shared>>) offsets(%dma_start3A_469 : memref<128xi32, #tpu.memory_space<vmem>>) semaphore(%arg11 : memref<!tpu.dma_semaphore, #tpu.memory_space<semaphore_mem>>) {add = true}
      %dma_wait3A_473 = arith.constant 0 : i32
      %dma_wait3A_474 = arith.constant 8 : i32
      %dma_wait3A_475 = arith.constant 0 : i32
      %dma_wait3A_476 = arith.constant 0 : i32
      %dma_wait3A_477 = tpu.memref_slice %arg8[%dma_wait3A_473, %dma_wait3A_475, %dma_wait3A_476] : memref<4x128x64xf32, #tpu.memory_space<vmem>> -> memref<1x128x64xf32, #tpu.memory_space<vmem>>
      %dma_wait3A_478 = tpu.memref_squeeze %dma_wait3A_477 : memref<1x128x64xf32, #tpu.memory_space<vmem>> -> memref<128x64xf32, #tpu.memory_space<vmem>>
      %dma_wait3A_479 = arith.constant 0 : i32
      %dma_wait3A_480 = tpu.memref_slice %arg7[%dma_wait3A_474, %dma_wait3A_479] : memref<16x128xi32, #tpu.memory_space<vmem>> -> memref<1x128xi32, #tpu.memory_space<vmem>>
      %dma_wait3A_481 = tpu.memref_squeeze %dma_wait3A_480 : memref<1x128xi32, #tpu.memory_space<vmem>> -> memref<128xi32, #tpu.memory_space<vmem>>
      %dma_wait3A_482 = arith.constant 0 : i32
      %dma_wait3A_483 = arith.constant 0 : i32
      %dma_wait3A_484 = tpu.memref_slice %arg9[%dma_wait3A_482, %dma_wait3A_483] : memref<10240x64xf32, #tpu.memory_space<vmem_shared>> -> memref<10240x64xf32, #tpu.memory_space<vmem_shared>>
      tpu.wait_indirect_dma semaphore(%arg11 : memref<!tpu.dma_semaphore, #tpu.memory_space<semaphore_mem>>) src(%dma_wait3A_478 : memref<128x64xf32, #tpu.memory_space<vmem>>) dst(%dma_wait3A_484 : memref<10240x64xf32, #tpu.memory_space<vmem_shared>>)
      %dma_start3A_485 = arith.constant 12 : i32
      %dma_start3A_486 = arith.constant 0 : i32
      %dma_start3A_487 = arith.constant 0 : i32
      %dma_start3A_488 = arith.constant 0 : i32
      %dma_start3A_489 = tpu.memref_slice %arg8[%dma_start3A_486, %dma_start3A_487, %dma_start3A_488] : memref<4x128x64xf32, #tpu.memory_space<vmem>> -> memref<1x128x64xf32, #tpu.memory_space<vmem>>
      %dma_start3A_490 = tpu.memref_squeeze %dma_start3A_489 : memref<1x128x64xf32, #tpu.memory_space<vmem>> -> memref<128x64xf32, #tpu.memory_space<vmem>>
      %dma_start3A_491 = arith.constant 0 : i32
      %dma_start3A_492 = tpu.memref_slice %arg6[%dma_start3A_485, %dma_start3A_491] : memref<16x128xi32, #tpu.memory_space<vmem>> -> memref<1x128xi32, #tpu.memory_space<vmem>>
      %dma_start3A_493 = tpu.memref_squeeze %dma_start3A_492 : memref<1x128xi32, #tpu.memory_space<vmem>> -> memref<128xi32, #tpu.memory_space<vmem>>
      %dma_start3A_494 = arith.constant 0 : i32
      %dma_start3A_495 = arith.constant 0 : i32
      %dma_start3A_496 = tpu.memref_slice %arg2[%dma_start3A_494, %dma_start3A_495] : memref<10000x64xf32, #tpu.memory_space<hbm>> -> memref<10000x64xf32, #tpu.memory_space<hbm>>
      tpu.enqueue_indirect_dma source(%dma_start3A_496 : memref<10000x64xf32, #tpu.memory_space<hbm>>) target(%dma_start3A_490 : memref<128x64xf32, #tpu.memory_space<vmem>>) offsets(%dma_start3A_493 : memref<128xi32, #tpu.memory_space<vmem>>) semaphore(%arg10 : memref<!tpu.dma_semaphore, #tpu.memory_space<semaphore_mem>>)
      %dma_wait3A_497 = arith.constant 9 : i32
      %dma_wait3A_498 = arith.constant 1 : i32
      %dma_wait3A_499 = arith.constant 0 : i32
      %dma_wait3A_500 = arith.constant 0 : i32
      %dma_wait3A_501 = tpu.memref_slice %arg8[%dma_wait3A_498, %dma_wait3A_499, %dma_wait3A_500] : memref<4x128x64xf32, #tpu.memory_space<vmem>> -> memref<1x128x64xf32, #tpu.memory_space<vmem>>
      %dma_wait3A_502 = tpu.memref_squeeze %dma_wait3A_501 : memref<1x128x64xf32, #tpu.memory_space<vmem>> -> memref<128x64xf32, #tpu.memory_space<vmem>>
      %dma_wait3A_503 = arith.constant 0 : i32
      %dma_wait3A_504 = tpu.memref_slice %arg6[%dma_wait3A_497, %dma_wait3A_503] : memref<16x128xi32, #tpu.memory_space<vmem>> -> memref<1x128xi32, #tpu.memory_space<vmem>>
      %dma_wait3A_505 = tpu.memref_squeeze %dma_wait3A_504 : memref<1x128xi32, #tpu.memory_space<vmem>> -> memref<128xi32, #tpu.memory_space<vmem>>
      %dma_wait3A_506 = arith.constant 0 : i32
      %dma_wait3A_507 = arith.constant 0 : i32
      %dma_wait3A_508 = tpu.memref_slice %arg2[%dma_wait3A_506, %dma_wait3A_507] : memref<10000x64xf32, #tpu.memory_space<hbm>> -> memref<10000x64xf32, #tpu.memory_space<hbm>>
      tpu.wait_indirect_dma semaphore(%arg10 : memref<!tpu.dma_semaphore, #tpu.memory_space<semaphore_mem>>) src(%dma_wait3A_508 : memref<10000x64xf32, #tpu.memory_space<hbm>>) dst(%dma_wait3A_502 : memref<128x64xf32, #tpu.memory_space<vmem>>)
      %dma_start3A_509 = arith.constant 1 : i32
      %dma_start3A_510 = arith.constant 9 : i32
      %dma_start3A_511 = arith.constant 0 : i32
      %dma_start3A_512 = arith.constant 0 : i32
      %dma_start3A_513 = tpu.memref_slice %arg8[%dma_start3A_509, %dma_start3A_511, %dma_start3A_512] : memref<4x128x64xf32, #tpu.memory_space<vmem>> -> memref<1x128x64xf32, #tpu.memory_space<vmem>>
      %dma_start3A_514 = tpu.memref_squeeze %dma_start3A_513 : memref<1x128x64xf32, #tpu.memory_space<vmem>> -> memref<128x64xf32, #tpu.memory_space<vmem>>
      %dma_start3A_515 = arith.constant 0 : i32
      %dma_start3A_516 = tpu.memref_slice %arg7[%dma_start3A_510, %dma_start3A_515] : memref<16x128xi32, #tpu.memory_space<vmem>> -> memref<1x128xi32, #tpu.memory_space<vmem>>
      %dma_start3A_517 = tpu.memref_squeeze %dma_start3A_516 : memref<1x128xi32, #tpu.memory_space<vmem>> -> memref<128xi32, #tpu.memory_space<vmem>>
      %dma_start3A_518 = arith.constant 0 : i32
      %dma_start3A_519 = arith.constant 0 : i32
      %dma_start3A_520 = tpu.memref_slice %arg9[%dma_start3A_518, %dma_start3A_519] : memref<10240x64xf32, #tpu.memory_space<vmem_shared>> -> memref<10240x64xf32, #tpu.memory_space<vmem_shared>>
      tpu.enqueue_indirect_dma source(%dma_start3A_514 : memref<128x64xf32, #tpu.memory_space<vmem>>) target(%dma_start3A_520 : memref<10240x64xf32, #tpu.memory_space<vmem_shared>>) offsets(%dma_start3A_517 : memref<128xi32, #tpu.memory_space<vmem>>) semaphore(%arg11 : memref<!tpu.dma_semaphore, #tpu.memory_space<semaphore_mem>>) {add = true}
      %dma_wait3A_521 = arith.constant 1 : i32
      %dma_wait3A_522 = arith.constant 9 : i32
      %dma_wait3A_523 = arith.constant 0 : i32
      %dma_wait3A_524 = arith.constant 0 : i32
      %dma_wait3A_525 = tpu.memref_slice %arg8[%dma_wait3A_521, %dma_wait3A_523, %dma_wait3A_524] : memref<4x128x64xf32, #tpu.memory_space<vmem>> -> memref<1x128x64xf32, #tpu.memory_space<vmem>>
      %dma_wait3A_526 = tpu.memref_squeeze %dma_wait3A_525 : memref<1x128x64xf32, #tpu.memory_space<vmem>> -> memref<128x64xf32, #tpu.memory_space<vmem>>
      %dma_wait3A_527 = arith.constant 0 : i32
      %dma_wait3A_528 = tpu.memref_slice %arg7[%dma_wait3A_522, %dma_wait3A_527] : memref<16x128xi32, #tpu.memory_space<vmem>> -> memref<1x128xi32, #tpu.memory_space<vmem>>
      %dma_wait3A_529 = tpu.memref_squeeze %dma_wait3A_528 : memref<1x128xi32, #tpu.memory_space<vmem>> -> memref<128xi32, #tpu.memory_space<vmem>>
      %dma_wait3A_530 = arith.constant 0 : i32
      %dma_wait3A_531 = arith.constant 0 : i32
      %dma_wait3A_532 = tpu.memref_slice %arg9[%dma_wait3A_530, %dma_wait3A_531] : memref<10240x64xf32, #tpu.memory_space<vmem_shared>> -> memref<10240x64xf32, #tpu.memory_space<vmem_shared>>
      tpu.wait_indirect_dma semaphore(%arg11 : memref<!tpu.dma_semaphore, #tpu.memory_space<semaphore_mem>>) src(%dma_wait3A_526 : memref<128x64xf32, #tpu.memory_space<vmem>>) dst(%dma_wait3A_532 : memref<10240x64xf32, #tpu.memory_space<vmem_shared>>)
      %dma_start3A_533 = arith.constant 13 : i32
      %dma_start3A_534 = arith.constant 1 : i32
      %dma_start3A_535 = arith.constant 0 : i32
      %dma_start3A_536 = arith.constant 0 : i32
      %dma_start3A_537 = tpu.memref_slice %arg8[%dma_start3A_534, %dma_start3A_535, %dma_start3A_536] : memref<4x128x64xf32, #tpu.memory_space<vmem>> -> memref<1x128x64xf32, #tpu.memory_space<vmem>>
      %dma_start3A_538 = tpu.memref_squeeze %dma_start3A_537 : memref<1x128x64xf32, #tpu.memory_space<vmem>> -> memref<128x64xf32, #tpu.memory_space<vmem>>
      %dma_start3A_539 = arith.constant 0 : i32
      %dma_start3A_540 = tpu.memref_slice %arg6[%dma_start3A_533, %dma_start3A_539] : memref<16x128xi32, #tpu.memory_space<vmem>> -> memref<1x128xi32, #tpu.memory_space<vmem>>
      %dma_start3A_541 = tpu.memref_squeeze %dma_start3A_540 : memref<1x128xi32, #tpu.memory_space<vmem>> -> memref<128xi32, #tpu.memory_space<vmem>>
      %dma_start3A_542 = arith.constant 0 : i32
      %dma_start3A_543 = arith.constant 0 : i32
      %dma_start3A_544 = tpu.memref_slice %arg2[%dma_start3A_542, %dma_start3A_543] : memref<10000x64xf32, #tpu.memory_space<hbm>> -> memref<10000x64xf32, #tpu.memory_space<hbm>>
      tpu.enqueue_indirect_dma source(%dma_start3A_544 : memref<10000x64xf32, #tpu.memory_space<hbm>>) target(%dma_start3A_538 : memref<128x64xf32, #tpu.memory_space<vmem>>) offsets(%dma_start3A_541 : memref<128xi32, #tpu.memory_space<vmem>>) semaphore(%arg10 : memref<!tpu.dma_semaphore, #tpu.memory_space<semaphore_mem>>)
      %dma_wait3A_545 = arith.constant 10 : i32
      %dma_wait3A_546 = arith.constant 2 : i32
      %dma_wait3A_547 = arith.constant 0 : i32
      %dma_wait3A_548 = arith.constant 0 : i32
      %dma_wait3A_549 = tpu.memref_slice %arg8[%dma_wait3A_546, %dma_wait3A_547, %dma_wait3A_548] : memref<4x128x64xf32, #tpu.memory_space<vmem>> -> memref<1x128x64xf32, #tpu.memory_space<vmem>>
      %dma_wait3A_550 = tpu.memref_squeeze %dma_wait3A_549 : memref<1x128x64xf32, #tpu.memory_space<vmem>> -> memref<128x64xf32, #tpu.memory_space<vmem>>
      %dma_wait3A_551 = arith.constant 0 : i32
      %dma_wait3A_552 = tpu.memref_slice %arg6[%dma_wait3A_545, %dma_wait3A_551] : memref<16x128xi32, #tpu.memory_space<vmem>> -> memref<1x128xi32, #tpu.memory_space<vmem>>
      %dma_wait3A_553 = tpu.memref_squeeze %dma_wait3A_552 : memref<1x128xi32, #tpu.memory_space<vmem>> -> memref<128xi32, #tpu.memory_space<vmem>>
      %dma_wait3A_554 = arith.constant 0 : i32
      %dma_wait3A_555 = arith.constant 0 : i32
      %dma_wait3A_556 = tpu.memref_slice %arg2[%dma_wait3A_554, %dma_wait3A_555] : memref<10000x64xf32, #tpu.memory_space<hbm>> -> memref<10000x64xf32, #tpu.memory_space<hbm>>
      tpu.wait_indirect_dma semaphore(%arg10 : memref<!tpu.dma_semaphore, #tpu.memory_space<semaphore_mem>>) src(%dma_wait3A_556 : memref<10000x64xf32, #tpu.memory_space<hbm>>) dst(%dma_wait3A_550 : memref<128x64xf32, #tpu.memory_space<vmem>>)
      %dma_start3A_557 = arith.constant 2 : i32
      %dma_start3A_558 = arith.constant 10 : i32
      %dma_start3A_559 = arith.constant 0 : i32
      %dma_start3A_560 = arith.constant 0 : i32
      %dma_start3A_561 = tpu.memref_slice %arg8[%dma_start3A_557, %dma_start3A_559, %dma_start3A_560] : memref<4x128x64xf32, #tpu.memory_space<vmem>> -> memref<1x128x64xf32, #tpu.memory_space<vmem>>
      %dma_start3A_562 = tpu.memref_squeeze %dma_start3A_561 : memref<1x128x64xf32, #tpu.memory_space<vmem>> -> memref<128x64xf32, #tpu.memory_space<vmem>>
      %dma_start3A_563 = arith.constant 0 : i32
      %dma_start3A_564 = tpu.memref_slice %arg7[%dma_start3A_558, %dma_start3A_563] : memref<16x128xi32, #tpu.memory_space<vmem>> -> memref<1x128xi32, #tpu.memory_space<vmem>>
      %dma_start3A_565 = tpu.memref_squeeze %dma_start3A_564 : memref<1x128xi32, #tpu.memory_space<vmem>> -> memref<128xi32, #tpu.memory_space<vmem>>
      %dma_start3A_566 = arith.constant 0 : i32
      %dma_start3A_567 = arith.constant 0 : i32
      %dma_start3A_568 = tpu.memref_slice %arg9[%dma_start3A_566, %dma_start3A_567] : memref<10240x64xf32, #tpu.memory_space<vmem_shared>> -> memref<10240x64xf32, #tpu.memory_space<vmem_shared>>
      tpu.enqueue_indirect_dma source(%dma_start3A_562 : memref<128x64xf32, #tpu.memory_space<vmem>>) target(%dma_start3A_568 : memref<10240x64xf32, #tpu.memory_space<vmem_shared>>) offsets(%dma_start3A_565 : memref<128xi32, #tpu.memory_space<vmem>>) semaphore(%arg11 : memref<!tpu.dma_semaphore, #tpu.memory_space<semaphore_mem>>) {add = true}
      %dma_wait3A_569 = arith.constant 2 : i32
      %dma_wait3A_570 = arith.constant 10 : i32
      %dma_wait3A_571 = arith.constant 0 : i32
      %dma_wait3A_572 = arith.constant 0 : i32
      %dma_wait3A_573 = tpu.memref_slice %arg8[%dma_wait3A_569, %dma_wait3A_571, %dma_wait3A_572] : memref<4x128x64xf32, #tpu.memory_space<vmem>> -> memref<1x128x64xf32, #tpu.memory_space<vmem>>
      %dma_wait3A_574 = tpu.memref_squeeze %dma_wait3A_573 : memref<1x128x64xf32, #tpu.memory_space<vmem>> -> memref<128x64xf32, #tpu.memory_space<vmem>>
      %dma_wait3A_575 = arith.constant 0 : i32
      %dma_wait3A_576 = tpu.memref_slice %arg7[%dma_wait3A_570, %dma_wait3A_575] : memref<16x128xi32, #tpu.memory_space<vmem>> -> memref<1x128xi32, #tpu.memory_space<vmem>>
      %dma_wait3A_577 = tpu.memref_squeeze %dma_wait3A_576 : memref<1x128xi32, #tpu.memory_space<vmem>> -> memref<128xi32, #tpu.memory_space<vmem>>
      %dma_wait3A_578 = arith.constant 0 : i32
      %dma_wait3A_579 = arith.constant 0 : i32
      %dma_wait3A_580 = tpu.memref_slice %arg9[%dma_wait3A_578, %dma_wait3A_579] : memref<10240x64xf32, #tpu.memory_space<vmem_shared>> -> memref<10240x64xf32, #tpu.memory_space<vmem_shared>>
      tpu.wait_indirect_dma semaphore(%arg11 : memref<!tpu.dma_semaphore, #tpu.memory_space<semaphore_mem>>) src(%dma_wait3A_574 : memref<128x64xf32, #tpu.memory_space<vmem>>) dst(%dma_wait3A_580 : memref<10240x64xf32, #tpu.memory_space<vmem_shared>>)
      %dma_start3A_581 = arith.constant 14 : i32
      %dma_start3A_582 = arith.constant 2 : i32
      %dma_start3A_583 = arith.constant 0 : i32
      %dma_start3A_584 = arith.constant 0 : i32
      %dma_start3A_585 = tpu.memref_slice %arg8[%dma_start3A_582, %dma_start3A_583, %dma_start3A_584] : memref<4x128x64xf32, #tpu.memory_space<vmem>> -> memref<1x128x64xf32, #tpu.memory_space<vmem>>
      %dma_start3A_586 = tpu.memref_squeeze %dma_start3A_585 : memref<1x128x64xf32, #tpu.memory_space<vmem>> -> memref<128x64xf32, #tpu.memory_space<vmem>>
      %dma_start3A_587 = arith.constant 0 : i32
      %dma_start3A_588 = tpu.memref_slice %arg6[%dma_start3A_581, %dma_start3A_587] : memref<16x128xi32, #tpu.memory_space<vmem>> -> memref<1x128xi32, #tpu.memory_space<vmem>>
      %dma_start3A_589 = tpu.memref_squeeze %dma_start3A_588 : memref<1x128xi32, #tpu.memory_space<vmem>> -> memref<128xi32, #tpu.memory_space<vmem>>
      %dma_start3A_590 = arith.constant 0 : i32
      %dma_start3A_591 = arith.constant 0 : i32
      %dma_start3A_592 = tpu.memref_slice %arg2[%dma_start3A_590, %dma_start3A_591] : memref<10000x64xf32, #tpu.memory_space<hbm>> -> memref<10000x64xf32, #tpu.memory_space<hbm>>
      tpu.enqueue_indirect_dma source(%dma_start3A_592 : memref<10000x64xf32, #tpu.memory_space<hbm>>) target(%dma_start3A_586 : memref<128x64xf32, #tpu.memory_space<vmem>>) offsets(%dma_start3A_589 : memref<128xi32, #tpu.memory_space<vmem>>) semaphore(%arg10 : memref<!tpu.dma_semaphore, #tpu.memory_space<semaphore_mem>>)
      %dma_wait3A_593 = arith.constant 11 : i32
      %dma_wait3A_594 = arith.constant 3 : i32
      %dma_wait3A_595 = arith.constant 0 : i32
      %dma_wait3A_596 = arith.constant 0 : i32
      %dma_wait3A_597 = tpu.memref_slice %arg8[%dma_wait3A_594, %dma_wait3A_595, %dma_wait3A_596] : memref<4x128x64xf32, #tpu.memory_space<vmem>> -> memref<1x128x64xf32, #tpu.memory_space<vmem>>
      %dma_wait3A_598 = tpu.memref_squeeze %dma_wait3A_597 : memref<1x128x64xf32, #tpu.memory_space<vmem>> -> memref<128x64xf32, #tpu.memory_space<vmem>>
      %dma_wait3A_599 = arith.constant 0 : i32
      %dma_wait3A_600 = tpu.memref_slice %arg6[%dma_wait3A_593, %dma_wait3A_599] : memref<16x128xi32, #tpu.memory_space<vmem>> -> memref<1x128xi32, #tpu.memory_space<vmem>>
      %dma_wait3A_601 = tpu.memref_squeeze %dma_wait3A_600 : memref<1x128xi32, #tpu.memory_space<vmem>> -> memref<128xi32, #tpu.memory_space<vmem>>
      %dma_wait3A_602 = arith.constant 0 : i32
      %dma_wait3A_603 = arith.constant 0 : i32
      %dma_wait3A_604 = tpu.memref_slice %arg2[%dma_wait3A_602, %dma_wait3A_603] : memref<10000x64xf32, #tpu.memory_space<hbm>> -> memref<10000x64xf32, #tpu.memory_space<hbm>>
      tpu.wait_indirect_dma semaphore(%arg10 : memref<!tpu.dma_semaphore, #tpu.memory_space<semaphore_mem>>) src(%dma_wait3A_604 : memref<10000x64xf32, #tpu.memory_space<hbm>>) dst(%dma_wait3A_598 : memref<128x64xf32, #tpu.memory_space<vmem>>)
      %dma_start3A_605 = arith.constant 3 : i32
      %dma_start3A_606 = arith.constant 11 : i32
      %dma_start3A_607 = arith.constant 0 : i32
      %dma_start3A_608 = arith.constant 0 : i32
      %dma_start3A_609 = tpu.memref_slice %arg8[%dma_start3A_605, %dma_start3A_607, %dma_start3A_608] : memref<4x128x64xf32, #tpu.memory_space<vmem>> -> memref<1x128x64xf32, #tpu.memory_space<vmem>>
      %dma_start3A_610 = tpu.memref_squeeze %dma_start3A_609 : memref<1x128x64xf32, #tpu.memory_space<vmem>> -> memref<128x64xf32, #tpu.memory_space<vmem>>
      %dma_start3A_611 = arith.constant 0 : i32
      %dma_start3A_612 = tpu.memref_slice %arg7[%dma_start3A_606, %dma_start3A_611] : memref<16x128xi32, #tpu.memory_space<vmem>> -> memref<1x128xi32, #tpu.memory_space<vmem>>
      %dma_start3A_613 = tpu.memref_squeeze %dma_start3A_612 : memref<1x128xi32, #tpu.memory_space<vmem>> -> memref<128xi32, #tpu.memory_space<vmem>>
      %dma_start3A_614 = arith.constant 0 : i32
      %dma_start3A_615 = arith.constant 0 : i32
      %dma_start3A_616 = tpu.memref_slice %arg9[%dma_start3A_614, %dma_start3A_615] : memref<10240x64xf32, #tpu.memory_space<vmem_shared>> -> memref<10240x64xf32, #tpu.memory_space<vmem_shared>>
      tpu.enqueue_indirect_dma source(%dma_start3A_610 : memref<128x64xf32, #tpu.memory_space<vmem>>) target(%dma_start3A_616 : memref<10240x64xf32, #tpu.memory_space<vmem_shared>>) offsets(%dma_start3A_613 : memref<128xi32, #tpu.memory_space<vmem>>) semaphore(%arg11 : memref<!tpu.dma_semaphore, #tpu.memory_space<semaphore_mem>>) {add = true}
      %dma_wait3A_617 = arith.constant 3 : i32
      %dma_wait3A_618 = arith.constant 11 : i32
      %dma_wait3A_619 = arith.constant 0 : i32
      %dma_wait3A_620 = arith.constant 0 : i32
      %dma_wait3A_621 = tpu.memref_slice %arg8[%dma_wait3A_617, %dma_wait3A_619, %dma_wait3A_620] : memref<4x128x64xf32, #tpu.memory_space<vmem>> -> memref<1x128x64xf32, #tpu.memory_space<vmem>>
      %dma_wait3A_622 = tpu.memref_squeeze %dma_wait3A_621 : memref<1x128x64xf32, #tpu.memory_space<vmem>> -> memref<128x64xf32, #tpu.memory_space<vmem>>
      %dma_wait3A_623 = arith.constant 0 : i32
      %dma_wait3A_624 = tpu.memref_slice %arg7[%dma_wait3A_618, %dma_wait3A_623] : memref<16x128xi32, #tpu.memory_space<vmem>> -> memref<1x128xi32, #tpu.memory_space<vmem>>
      %dma_wait3A_625 = tpu.memref_squeeze %dma_wait3A_624 : memref<1x128xi32, #tpu.memory_space<vmem>> -> memref<128xi32, #tpu.memory_space<vmem>>
      %dma_wait3A_626 = arith.constant 0 : i32
      %dma_wait3A_627 = arith.constant 0 : i32
      %dma_wait3A_628 = tpu.memref_slice %arg9[%dma_wait3A_626, %dma_wait3A_627] : memref<10240x64xf32, #tpu.memory_space<vmem_shared>> -> memref<10240x64xf32, #tpu.memory_space<vmem_shared>>
      tpu.wait_indirect_dma semaphore(%arg11 : memref<!tpu.dma_semaphore, #tpu.memory_space<semaphore_mem>>) src(%dma_wait3A_622 : memref<128x64xf32, #tpu.memory_space<vmem>>) dst(%dma_wait3A_628 : memref<10240x64xf32, #tpu.memory_space<vmem_shared>>)
      %dma_start3A_629 = arith.constant 15 : i32
      %dma_start3A_630 = arith.constant 3 : i32
      %dma_start3A_631 = arith.constant 0 : i32
      %dma_start3A_632 = arith.constant 0 : i32
      %dma_start3A_633 = tpu.memref_slice %arg8[%dma_start3A_630, %dma_start3A_631, %dma_start3A_632] : memref<4x128x64xf32, #tpu.memory_space<vmem>> -> memref<1x128x64xf32, #tpu.memory_space<vmem>>
      %dma_start3A_634 = tpu.memref_squeeze %dma_start3A_633 : memref<1x128x64xf32, #tpu.memory_space<vmem>> -> memref<128x64xf32, #tpu.memory_space<vmem>>
      %dma_start3A_635 = arith.constant 0 : i32
      %dma_start3A_636 = tpu.memref_slice %arg6[%dma_start3A_629, %dma_start3A_635] : memref<16x128xi32, #tpu.memory_space<vmem>> -> memref<1x128xi32, #tpu.memory_space<vmem>>
      %dma_start3A_637 = tpu.memref_squeeze %dma_start3A_636 : memref<1x128xi32, #tpu.memory_space<vmem>> -> memref<128xi32, #tpu.memory_space<vmem>>
      %dma_start3A_638 = arith.constant 0 : i32
      %dma_start3A_639 = arith.constant 0 : i32
      %dma_start3A_640 = tpu.memref_slice %arg2[%dma_start3A_638, %dma_start3A_639] : memref<10000x64xf32, #tpu.memory_space<hbm>> -> memref<10000x64xf32, #tpu.memory_space<hbm>>
      tpu.enqueue_indirect_dma source(%dma_start3A_640 : memref<10000x64xf32, #tpu.memory_space<hbm>>) target(%dma_start3A_634 : memref<128x64xf32, #tpu.memory_space<vmem>>) offsets(%dma_start3A_637 : memref<128xi32, #tpu.memory_space<vmem>>) semaphore(%arg10 : memref<!tpu.dma_semaphore, #tpu.memory_space<semaphore_mem>>)
      %dma_wait3A_641 = arith.constant 12 : i32
      %dma_wait3A_642 = arith.constant 0 : i32
      %dma_wait3A_643 = arith.constant 0 : i32
      %dma_wait3A_644 = arith.constant 0 : i32
      %dma_wait3A_645 = tpu.memref_slice %arg8[%dma_wait3A_642, %dma_wait3A_643, %dma_wait3A_644] : memref<4x128x64xf32, #tpu.memory_space<vmem>> -> memref<1x128x64xf32, #tpu.memory_space<vmem>>
      %dma_wait3A_646 = tpu.memref_squeeze %dma_wait3A_645 : memref<1x128x64xf32, #tpu.memory_space<vmem>> -> memref<128x64xf32, #tpu.memory_space<vmem>>
      %dma_wait3A_647 = arith.constant 0 : i32
      %dma_wait3A_648 = tpu.memref_slice %arg6[%dma_wait3A_641, %dma_wait3A_647] : memref<16x128xi32, #tpu.memory_space<vmem>> -> memref<1x128xi32, #tpu.memory_space<vmem>>
      %dma_wait3A_649 = tpu.memref_squeeze %dma_wait3A_648 : memref<1x128xi32, #tpu.memory_space<vmem>> -> memref<128xi32, #tpu.memory_space<vmem>>
      %dma_wait3A_650 = arith.constant 0 : i32
      %dma_wait3A_651 = arith.constant 0 : i32
      %dma_wait3A_652 = tpu.memref_slice %arg2[%dma_wait3A_650, %dma_wait3A_651] : memref<10000x64xf32, #tpu.memory_space<hbm>> -> memref<10000x64xf32, #tpu.memory_space<hbm>>
      tpu.wait_indirect_dma semaphore(%arg10 : memref<!tpu.dma_semaphore, #tpu.memory_space<semaphore_mem>>) src(%dma_wait3A_652 : memref<10000x64xf32, #tpu.memory_space<hbm>>) dst(%dma_wait3A_646 : memref<128x64xf32, #tpu.memory_space<vmem>>)
      %dma_start3A_653 = arith.constant 0 : i32
      %dma_start3A_654 = arith.constant 12 : i32
      %dma_start3A_655 = arith.constant 0 : i32
      %dma_start3A_656 = arith.constant 0 : i32
      %dma_start3A_657 = tpu.memref_slice %arg8[%dma_start3A_653, %dma_start3A_655, %dma_start3A_656] : memref<4x128x64xf32, #tpu.memory_space<vmem>> -> memref<1x128x64xf32, #tpu.memory_space<vmem>>
      %dma_start3A_658 = tpu.memref_squeeze %dma_start3A_657 : memref<1x128x64xf32, #tpu.memory_space<vmem>> -> memref<128x64xf32, #tpu.memory_space<vmem>>
      %dma_start3A_659 = arith.constant 0 : i32
      %dma_start3A_660 = tpu.memref_slice %arg7[%dma_start3A_654, %dma_start3A_659] : memref<16x128xi32, #tpu.memory_space<vmem>> -> memref<1x128xi32, #tpu.memory_space<vmem>>
      %dma_start3A_661 = tpu.memref_squeeze %dma_start3A_660 : memref<1x128xi32, #tpu.memory_space<vmem>> -> memref<128xi32, #tpu.memory_space<vmem>>
      %dma_start3A_662 = arith.constant 0 : i32
      %dma_start3A_663 = arith.constant 0 : i32
      %dma_start3A_664 = tpu.memref_slice %arg9[%dma_start3A_662, %dma_start3A_663] : memref<10240x64xf32, #tpu.memory_space<vmem_shared>> -> memref<10240x64xf32, #tpu.memory_space<vmem_shared>>
      tpu.enqueue_indirect_dma source(%dma_start3A_658 : memref<128x64xf32, #tpu.memory_space<vmem>>) target(%dma_start3A_664 : memref<10240x64xf32, #tpu.memory_space<vmem_shared>>) offsets(%dma_start3A_661 : memref<128xi32, #tpu.memory_space<vmem>>) semaphore(%arg11 : memref<!tpu.dma_semaphore, #tpu.memory_space<semaphore_mem>>) {add = true}
      %dma_wait3A_665 = arith.constant 0 : i32
      %dma_wait3A_666 = arith.constant 12 : i32
      %dma_wait3A_667 = arith.constant 0 : i32
      %dma_wait3A_668 = arith.constant 0 : i32
      %dma_wait3A_669 = tpu.memref_slice %arg8[%dma_wait3A_665, %dma_wait3A_667, %dma_wait3A_668] : memref<4x128x64xf32, #tpu.memory_space<vmem>> -> memref<1x128x64xf32, #tpu.memory_space<vmem>>
      %dma_wait3A_670 = tpu.memref_squeeze %dma_wait3A_669 : memref<1x128x64xf32, #tpu.memory_space<vmem>> -> memref<128x64xf32, #tpu.memory_space<vmem>>
      %dma_wait3A_671 = arith.constant 0 : i32
      %dma_wait3A_672 = tpu.memref_slice %arg7[%dma_wait3A_666, %dma_wait3A_671] : memref<16x128xi32, #tpu.memory_space<vmem>> -> memref<1x128xi32, #tpu.memory_space<vmem>>
      %dma_wait3A_673 = tpu.memref_squeeze %dma_wait3A_672 : memref<1x128xi32, #tpu.memory_space<vmem>> -> memref<128xi32, #tpu.memory_space<vmem>>
      %dma_wait3A_674 = arith.constant 0 : i32
      %dma_wait3A_675 = arith.constant 0 : i32
      %dma_wait3A_676 = tpu.memref_slice %arg9[%dma_wait3A_674, %dma_wait3A_675] : memref<10240x64xf32, #tpu.memory_space<vmem_shared>> -> memref<10240x64xf32, #tpu.memory_space<vmem_shared>>
      tpu.wait_indirect_dma semaphore(%arg11 : memref<!tpu.dma_semaphore, #tpu.memory_space<semaphore_mem>>) src(%dma_wait3A_670 : memref<128x64xf32, #tpu.memory_space<vmem>>) dst(%dma_wait3A_676 : memref<10240x64xf32, #tpu.memory_space<vmem_shared>>)
      %dma_wait3A_677 = arith.constant 13 : i32
      %dma_wait3A_678 = arith.constant 1 : i32
      %dma_wait3A_679 = arith.constant 0 : i32
      %dma_wait3A_680 = arith.constant 0 : i32
      %dma_wait3A_681 = tpu.memref_slice %arg8[%dma_wait3A_678, %dma_wait3A_679, %dma_wait3A_680] : memref<4x128x64xf32, #tpu.memory_space<vmem>> -> memref<1x128x64xf32, #tpu.memory_space<vmem>>
      %dma_wait3A_682 = tpu.memref_squeeze %dma_wait3A_681 : memref<1x128x64xf32, #tpu.memory_space<vmem>> -> memref<128x64xf32, #tpu.memory_space<vmem>>
      %dma_wait3A_683 = arith.constant 0 : i32
      %dma_wait3A_684 = tpu.memref_slice %arg6[%dma_wait3A_677, %dma_wait3A_683] : memref<16x128xi32, #tpu.memory_space<vmem>> -> memref<1x128xi32, #tpu.memory_space<vmem>>
      %dma_wait3A_685 = tpu.memref_squeeze %dma_wait3A_684 : memref<1x128xi32, #tpu.memory_space<vmem>> -> memref<128xi32, #tpu.memory_space<vmem>>
      %dma_wait3A_686 = arith.constant 0 : i32
      %dma_wait3A_687 = arith.constant 0 : i32
      %dma_wait3A_688 = tpu.memref_slice %arg2[%dma_wait3A_686, %dma_wait3A_687] : memref<10000x64xf32, #tpu.memory_space<hbm>> -> memref<10000x64xf32, #tpu.memory_space<hbm>>
      tpu.wait_indirect_dma semaphore(%arg10 : memref<!tpu.dma_semaphore, #tpu.memory_space<semaphore_mem>>) src(%dma_wait3A_688 : memref<10000x64xf32, #tpu.memory_space<hbm>>) dst(%dma_wait3A_682 : memref<128x64xf32, #tpu.memory_space<vmem>>)
      %dma_start3A_689 = arith.constant 1 : i32
      %dma_start3A_690 = arith.constant 13 : i32
      %dma_start3A_691 = arith.constant 0 : i32
      %dma_start3A_692 = arith.constant 0 : i32
      %dma_start3A_693 = tpu.memref_slice %arg8[%dma_start3A_689, %dma_start3A_691, %dma_start3A_692] : memref<4x128x64xf32, #tpu.memory_space<vmem>> -> memref<1x128x64xf32, #tpu.memory_space<vmem>>
      %dma_start3A_694 = tpu.memref_squeeze %dma_start3A_693 : memref<1x128x64xf32, #tpu.memory_space<vmem>> -> memref<128x64xf32, #tpu.memory_space<vmem>>
      %dma_start3A_695 = arith.constant 0 : i32
      %dma_start3A_696 = tpu.memref_slice %arg7[%dma_start3A_690, %dma_start3A_695] : memref<16x128xi32, #tpu.memory_space<vmem>> -> memref<1x128xi32, #tpu.memory_space<vmem>>
      %dma_start3A_697 = tpu.memref_squeeze %dma_start3A_696 : memref<1x128xi32, #tpu.memory_space<vmem>> -> memref<128xi32, #tpu.memory_space<vmem>>
      %dma_start3A_698 = arith.constant 0 : i32
      %dma_start3A_699 = arith.constant 0 : i32
      %dma_start3A_700 = tpu.memref_slice %arg9[%dma_start3A_698, %dma_start3A_699] : memref<10240x64xf32, #tpu.memory_space<vmem_shared>> -> memref<10240x64xf32, #tpu.memory_space<vmem_shared>>
      tpu.enqueue_indirect_dma source(%dma_start3A_694 : memref<128x64xf32, #tpu.memory_space<vmem>>) target(%dma_start3A_700 : memref<10240x64xf32, #tpu.memory_space<vmem_shared>>) offsets(%dma_start3A_697 : memref<128xi32, #tpu.memory_space<vmem>>) semaphore(%arg11 : memref<!tpu.dma_semaphore, #tpu.memory_space<semaphore_mem>>) {add = true}
      %dma_wait3A_701 = arith.constant 1 : i32
      %dma_wait3A_702 = arith.constant 13 : i32
      %dma_wait3A_703 = arith.constant 0 : i32
      %dma_wait3A_704 = arith.constant 0 : i32
      %dma_wait3A_705 = tpu.memref_slice %arg8[%dma_wait3A_701, %dma_wait3A_703, %dma_wait3A_704] : memref<4x128x64xf32, #tpu.memory_space<vmem>> -> memref<1x128x64xf32, #tpu.memory_space<vmem>>
      %dma_wait3A_706 = tpu.memref_squeeze %dma_wait3A_705 : memref<1x128x64xf32, #tpu.memory_space<vmem>> -> memref<128x64xf32, #tpu.memory_space<vmem>>
      %dma_wait3A_707 = arith.constant 0 : i32
      %dma_wait3A_708 = tpu.memref_slice %arg7[%dma_wait3A_702, %dma_wait3A_707] : memref<16x128xi32, #tpu.memory_space<vmem>> -> memref<1x128xi32, #tpu.memory_space<vmem>>
      %dma_wait3A_709 = tpu.memref_squeeze %dma_wait3A_708 : memref<1x128xi32, #tpu.memory_space<vmem>> -> memref<128xi32, #tpu.memory_space<vmem>>
      %dma_wait3A_710 = arith.constant 0 : i32
      %dma_wait3A_711 = arith.constant 0 : i32
      %dma_wait3A_712 = tpu.memref_slice %arg9[%dma_wait3A_710, %dma_wait3A_711] : memref<10240x64xf32, #tpu.memory_space<vmem_shared>> -> memref<10240x64xf32, #tpu.memory_space<vmem_shared>>
      tpu.wait_indirect_dma semaphore(%arg11 : memref<!tpu.dma_semaphore, #tpu.memory_space<semaphore_mem>>) src(%dma_wait3A_706 : memref<128x64xf32, #tpu.memory_space<vmem>>) dst(%dma_wait3A_712 : memref<10240x64xf32, #tpu.memory_space<vmem_shared>>)
      %dma_wait3A_713 = arith.constant 14 : i32
      %dma_wait3A_714 = arith.constant 2 : i32
      %dma_wait3A_715 = arith.constant 0 : i32
      %dma_wait3A_716 = arith.constant 0 : i32
      %dma_wait3A_717 = tpu.memref_slice %arg8[%dma_wait3A_714, %dma_wait3A_715, %dma_wait3A_716] : memref<4x128x64xf32, #tpu.memory_space<vmem>> -> memref<1x128x64xf32, #tpu.memory_space<vmem>>
      %dma_wait3A_718 = tpu.memref_squeeze %dma_wait3A_717 : memref<1x128x64xf32, #tpu.memory_space<vmem>> -> memref<128x64xf32, #tpu.memory_space<vmem>>
      %dma_wait3A_719 = arith.constant 0 : i32
      %dma_wait3A_720 = tpu.memref_slice %arg6[%dma_wait3A_713, %dma_wait3A_719] : memref<16x128xi32, #tpu.memory_space<vmem>> -> memref<1x128xi32, #tpu.memory_space<vmem>>
      %dma_wait3A_721 = tpu.memref_squeeze %dma_wait3A_720 : memref<1x128xi32, #tpu.memory_space<vmem>> -> memref<128xi32, #tpu.memory_space<vmem>>
      %dma_wait3A_722 = arith.constant 0 : i32
      %dma_wait3A_723 = arith.constant 0 : i32
      %dma_wait3A_724 = tpu.memref_slice %arg2[%dma_wait3A_722, %dma_wait3A_723] : memref<10000x64xf32, #tpu.memory_space<hbm>> -> memref<10000x64xf32, #tpu.memory_space<hbm>>
      tpu.wait_indirect_dma semaphore(%arg10 : memref<!tpu.dma_semaphore, #tpu.memory_space<semaphore_mem>>) src(%dma_wait3A_724 : memref<10000x64xf32, #tpu.memory_space<hbm>>) dst(%dma_wait3A_718 : memref<128x64xf32, #tpu.memory_space<vmem>>)
      %dma_start3A_725 = arith.constant 2 : i32
      %dma_start3A_726 = arith.constant 14 : i32
      %dma_start3A_727 = arith.constant 0 : i32
      %dma_start3A_728 = arith.constant 0 : i32
      %dma_start3A_729 = tpu.memref_slice %arg8[%dma_start3A_725, %dma_start3A_727, %dma_start3A_728] : memref<4x128x64xf32, #tpu.memory_space<vmem>> -> memref<1x128x64xf32, #tpu.memory_space<vmem>>
      %dma_start3A_730 = tpu.memref_squeeze %dma_start3A_729 : memref<1x128x64xf32, #tpu.memory_space<vmem>> -> memref<128x64xf32, #tpu.memory_space<vmem>>
      %dma_start3A_731 = arith.constant 0 : i32
      %dma_start3A_732 = tpu.memref_slice %arg7[%dma_start3A_726, %dma_start3A_731] : memref<16x128xi32, #tpu.memory_space<vmem>> -> memref<1x128xi32, #tpu.memory_space<vmem>>
      %dma_start3A_733 = tpu.memref_squeeze %dma_start3A_732 : memref<1x128xi32, #tpu.memory_space<vmem>> -> memref<128xi32, #tpu.memory_space<vmem>>
      %dma_start3A_734 = arith.constant 0 : i32
      %dma_start3A_735 = arith.constant 0 : i32
      %dma_start3A_736 = tpu.memref_slice %arg9[%dma_start3A_734, %dma_start3A_735] : memref<10240x64xf32, #tpu.memory_space<vmem_shared>> -> memref<10240x64xf32, #tpu.memory_space<vmem_shared>>
      tpu.enqueue_indirect_dma source(%dma_start3A_730 : memref<128x64xf32, #tpu.memory_space<vmem>>) target(%dma_start3A_736 : memref<10240x64xf32, #tpu.memory_space<vmem_shared>>) offsets(%dma_start3A_733 : memref<128xi32, #tpu.memory_space<vmem>>) semaphore(%arg11 : memref<!tpu.dma_semaphore, #tpu.memory_space<semaphore_mem>>) {add = true}
      %dma_wait3A_737 = arith.constant 2 : i32
      %dma_wait3A_738 = arith.constant 14 : i32
      %dma_wait3A_739 = arith.constant 0 : i32
      %dma_wait3A_740 = arith.constant 0 : i32
      %dma_wait3A_741 = tpu.memref_slice %arg8[%dma_wait3A_737, %dma_wait3A_739, %dma_wait3A_740] : memref<4x128x64xf32, #tpu.memory_space<vmem>> -> memref<1x128x64xf32, #tpu.memory_space<vmem>>
      %dma_wait3A_742 = tpu.memref_squeeze %dma_wait3A_741 : memref<1x128x64xf32, #tpu.memory_space<vmem>> -> memref<128x64xf32, #tpu.memory_space<vmem>>
      %dma_wait3A_743 = arith.constant 0 : i32
      %dma_wait3A_744 = tpu.memref_slice %arg7[%dma_wait3A_738, %dma_wait3A_743] : memref<16x128xi32, #tpu.memory_space<vmem>> -> memref<1x128xi32, #tpu.memory_space<vmem>>
      %dma_wait3A_745 = tpu.memref_squeeze %dma_wait3A_744 : memref<1x128xi32, #tpu.memory_space<vmem>> -> memref<128xi32, #tpu.memory_space<vmem>>
      %dma_wait3A_746 = arith.constant 0 : i32
      %dma_wait3A_747 = arith.constant 0 : i32
      %dma_wait3A_748 = tpu.memref_slice %arg9[%dma_wait3A_746, %dma_wait3A_747] : memref<10240x64xf32, #tpu.memory_space<vmem_shared>> -> memref<10240x64xf32, #tpu.memory_space<vmem_shared>>
      tpu.wait_indirect_dma semaphore(%arg11 : memref<!tpu.dma_semaphore, #tpu.memory_space<semaphore_mem>>) src(%dma_wait3A_742 : memref<128x64xf32, #tpu.memory_space<vmem>>) dst(%dma_wait3A_748 : memref<10240x64xf32, #tpu.memory_space<vmem_shared>>)
      %dma_wait3A_749 = arith.constant 15 : i32
      %dma_wait3A_750 = arith.constant 3 : i32
      %dma_wait3A_751 = arith.constant 0 : i32
      %dma_wait3A_752 = arith.constant 0 : i32
      %dma_wait3A_753 = tpu.memref_slice %arg8[%dma_wait3A_750, %dma_wait3A_751, %dma_wait3A_752] : memref<4x128x64xf32, #tpu.memory_space<vmem>> -> memref<1x128x64xf32, #tpu.memory_space<vmem>>
      %dma_wait3A_754 = tpu.memref_squeeze %dma_wait3A_753 : memref<1x128x64xf32, #tpu.memory_space<vmem>> -> memref<128x64xf32, #tpu.memory_space<vmem>>
      %dma_wait3A_755 = arith.constant 0 : i32
      %dma_wait3A_756 = tpu.memref_slice %arg6[%dma_wait3A_749, %dma_wait3A_755] : memref<16x128xi32, #tpu.memory_space<vmem>> -> memref<1x128xi32, #tpu.memory_space<vmem>>
      %dma_wait3A_757 = tpu.memref_squeeze %dma_wait3A_756 : memref<1x128xi32, #tpu.memory_space<vmem>> -> memref<128xi32, #tpu.memory_space<vmem>>
      %dma_wait3A_758 = arith.constant 0 : i32
      %dma_wait3A_759 = arith.constant 0 : i32
      %dma_wait3A_760 = tpu.memref_slice %arg2[%dma_wait3A_758, %dma_wait3A_759] : memref<10000x64xf32, #tpu.memory_space<hbm>> -> memref<10000x64xf32, #tpu.memory_space<hbm>>
      tpu.wait_indirect_dma semaphore(%arg10 : memref<!tpu.dma_semaphore, #tpu.memory_space<semaphore_mem>>) src(%dma_wait3A_760 : memref<10000x64xf32, #tpu.memory_space<hbm>>) dst(%dma_wait3A_754 : memref<128x64xf32, #tpu.memory_space<vmem>>)
      %dma_start3A_761 = arith.constant 3 : i32
      %dma_start3A_762 = arith.constant 15 : i32
      %dma_start3A_763 = arith.constant 0 : i32
      %dma_start3A_764 = arith.constant 0 : i32
      %dma_start3A_765 = tpu.memref_slice %arg8[%dma_start3A_761, %dma_start3A_763, %dma_start3A_764] : memref<4x128x64xf32, #tpu.memory_space<vmem>> -> memref<1x128x64xf32, #tpu.memory_space<vmem>>
      %dma_start3A_766 = tpu.memref_squeeze %dma_start3A_765 : memref<1x128x64xf32, #tpu.memory_space<vmem>> -> memref<128x64xf32, #tpu.memory_space<vmem>>
      %dma_start3A_767 = arith.constant 0 : i32
      %dma_start3A_768 = tpu.memref_slice %arg7[%dma_start3A_762, %dma_start3A_767] : memref<16x128xi32, #tpu.memory_space<vmem>> -> memref<1x128xi32, #tpu.memory_space<vmem>>
      %dma_start3A_769 = tpu.memref_squeeze %dma_start3A_768 : memref<1x128xi32, #tpu.memory_space<vmem>> -> memref<128xi32, #tpu.memory_space<vmem>>
      %dma_start3A_770 = arith.constant 0 : i32
      %dma_start3A_771 = arith.constant 0 : i32
      %dma_start3A_772 = tpu.memref_slice %arg9[%dma_start3A_770, %dma_start3A_771] : memref<10240x64xf32, #tpu.memory_space<vmem_shared>> -> memref<10240x64xf32, #tpu.memory_space<vmem_shared>>
      tpu.enqueue_indirect_dma source(%dma_start3A_766 : memref<128x64xf32, #tpu.memory_space<vmem>>) target(%dma_start3A_772 : memref<10240x64xf32, #tpu.memory_space<vmem_shared>>) offsets(%dma_start3A_769 : memref<128xi32, #tpu.memory_space<vmem>>) semaphore(%arg11 : memref<!tpu.dma_semaphore, #tpu.memory_space<semaphore_mem>>) {add = true}
      %dma_wait3A_773 = arith.constant 3 : i32
      %dma_wait3A_774 = arith.constant 15 : i32
      %dma_wait3A_775 = arith.constant 0 : i32
      %dma_wait3A_776 = arith.constant 0 : i32
      %dma_wait3A_777 = tpu.memref_slice %arg8[%dma_wait3A_773, %dma_wait3A_775, %dma_wait3A_776] : memref<4x128x64xf32, #tpu.memory_space<vmem>> -> memref<1x128x64xf32, #tpu.memory_space<vmem>>
      %dma_wait3A_778 = tpu.memref_squeeze %dma_wait3A_777 : memref<1x128x64xf32, #tpu.memory_space<vmem>> -> memref<128x64xf32, #tpu.memory_space<vmem>>
      %dma_wait3A_779 = arith.constant 0 : i32
      %dma_wait3A_780 = tpu.memref_slice %arg7[%dma_wait3A_774, %dma_wait3A_779] : memref<16x128xi32, #tpu.memory_space<vmem>> -> memref<1x128xi32, #tpu.memory_space<vmem>>
      %dma_wait3A_781 = tpu.memref_squeeze %dma_wait3A_780 : memref<1x128xi32, #tpu.memory_space<vmem>> -> memref<128xi32, #tpu.memory_space<vmem>>
      %dma_wait3A_782 = arith.constant 0 : i32
      %dma_wait3A_783 = arith.constant 0 : i32
      %dma_wait3A_784 = tpu.memref_slice %arg9[%dma_wait3A_782, %dma_wait3A_783] : memref<10240x64xf32, #tpu.memory_space<vmem_shared>> -> memref<10240x64xf32, #tpu.memory_space<vmem_shared>>
      tpu.wait_indirect_dma semaphore(%arg11 : memref<!tpu.dma_semaphore, #tpu.memory_space<semaphore_mem>>) src(%dma_wait3A_778 : memref<128x64xf32, #tpu.memory_space<vmem>>) dst(%dma_wait3A_784 : memref<10240x64xf32, #tpu.memory_space<vmem_shared>>)
      %scan3A_785 = arith.constant 0 : i32
      scf.yield %scan3A_785 : i32
    }
    %scan3A_8 = arith.constant 5 : i32
    %barrier3A_9 = arith.constant 0 : index
    tpu.barrier barrier_id(%barrier3A_9)
    "tpu.region"() ({
      %run_scoped3A = tpu.sem_alloc : memref<!tpu.dma_semaphore, #tpu.memory_space<semaphore_mem>>
      %dma_start3A = arith.constant 0 : i32
      %dma_start3A_10 = tpu.memref_slice %arg5[%arg0, %multiple_of3A, %dma_start3A] : memref<2x10240x64xf32, #tpu.memory_space<hbm>> -> memref<1x640x64xf32, #tpu.memory_space<hbm>>
      %dma_start3A_11 = tpu.memref_squeeze %dma_start3A_10 : memref<1x640x64xf32, #tpu.memory_space<hbm>> -> memref<640x64xf32, #tpu.memory_space<hbm>>
      %dma_start3A_12 = arith.constant 0 : i32
      %dma_start3A_13 = tpu.memref_slice %arg9[%multiple_of3A, %dma_start3A_12] : memref<10240x64xf32, #tpu.memory_space<vmem_shared>> -> memref<640x64xf32, #tpu.memory_space<vmem_shared>>
      tpu.enqueue_dma source(%dma_start3A_13 : memref<640x64xf32, #tpu.memory_space<vmem_shared>>) target(%dma_start3A_11 : memref<640x64xf32, #tpu.memory_space<hbm>>) target_semaphore(%run_scoped3A : memref<!tpu.dma_semaphore, #tpu.memory_space<semaphore_mem>>)
      %dma_wait3A = arith.constant 0 : i32
      %dma_wait3A_14 = tpu.memref_slice %arg5[%arg0, %multiple_of3A, %dma_wait3A] : memref<2x10240x64xf32, #tpu.memory_space<hbm>> -> memref<1x640x64xf32, #tpu.memory_space<hbm>>
      %dma_wait3A_15 = tpu.memref_squeeze %dma_wait3A_14 : memref<1x640x64xf32, #tpu.memory_space<hbm>> -> memref<640x64xf32, #tpu.memory_space<hbm>>
      %dma_wait3A_16 = arith.constant 0 : i32
      %dma_wait3A_17 = tpu.memref_slice %arg9[%multiple_of3A, %dma_wait3A_16] : memref<10240x64xf32, #tpu.memory_space<vmem_shared>> -> memref<640x64xf32, #tpu.memory_space<vmem_shared>>
      tpu.wait_dma2 semaphore(%run_scoped3A : memref<!tpu.dma_semaphore, #tpu.memory_space<semaphore_mem>>) src(%dma_wait3A_17 : memref<640x64xf32, #tpu.memory_space<vmem_shared>>) dst(%dma_wait3A_15 : memref<640x64xf32, #tpu.memory_space<hbm>>)
      tpu.yield
    }) : () -> ()
    return
  }
}

#map = affine_map<(d0, d1) -> (0, 0, 0)>
#map1 = affine_map<(d0, d1) -> (0, 0)>
module attributes {stable_mosaic.version = 14 : i64} {
  func.func @deg_kernel(%arg0: i32, %arg1: i32, %arg2: memref<4x128x8xf32, #tpu.memory_space<hbm>>, %arg3: memref<2x2560x128xi32, #tpu.memory_space<hbm>>, %arg4: memref<640x8xf32, #tpu.memory_space<hbm>>, %arg5: memref<2x10240x8xf32, #tpu.memory_space<hbm>>, %arg6: memref<16x128xi32, #tpu.memory_space<vmem>>, %arg7: memref<4x128x8xf32, #tpu.memory_space<vmem>>, %arg8: memref<10240x8xf32, #tpu.memory_space<vmem_shared>>, %arg9: memref<!tpu.dma_semaphore, #tpu.memory_space<semaphore_mem>>) attributes {dimension_semantics = [#tpu.dimension_semantics<core_parallel>, #tpu.dimension_semantics<subcore_parallel>], iteration_bounds = array<i64: 2, 16>, scalar_prefetch = 0 : i64, scratch_operands = 4 : i64, tpu.core_type = #tpu.core_type<sc_vector_subcore>, window_params = [{transform_indices = #map}, {transform_indices = #map}, {transform_indices = #map1}, {transform_indices = #map}]} {
    %mul3A = arith.constant 16 : i32
    %mul3A_0 = arith.muli %arg0, %mul3A : i32
    %add3A = arith.addi %mul3A_0, %arg1 : i32
    %mul3A_1 = arith.constant 640 : i32
    %mul3A_2 = arith.muli %arg1, %mul3A_1 : i32
    %multiple_of3A = tpu.assume_multiple %mul3A_2, 128 : i32
    "tpu.region"() ({
      %run_scoped3A = tpu.sem_alloc : memref<!tpu.dma_semaphore, #tpu.memory_space<semaphore_mem>>
      %dma_start3A = arith.constant 0 : i32
      %dma_start3A_10 = tpu.memref_slice %arg8[%multiple_of3A, %dma_start3A] : memref<10240x8xf32, #tpu.memory_space<vmem_shared>> -> memref<640x8xf32, #tpu.memory_space<vmem_shared>>
      tpu.enqueue_dma source(%arg4 : memref<640x8xf32, #tpu.memory_space<hbm>>) target(%dma_start3A_10 : memref<640x8xf32, #tpu.memory_space<vmem_shared>>) target_semaphore(%run_scoped3A : memref<!tpu.dma_semaphore, #tpu.memory_space<semaphore_mem>>)
      %dma_wait3A = arith.constant 0 : i32
      %dma_wait3A_11 = tpu.memref_slice %arg8[%multiple_of3A, %dma_wait3A] : memref<10240x8xf32, #tpu.memory_space<vmem_shared>> -> memref<640x8xf32, #tpu.memory_space<vmem_shared>>
      tpu.wait_dma2 semaphore(%run_scoped3A : memref<!tpu.dma_semaphore, #tpu.memory_space<semaphore_mem>>) src(%arg4 : memref<640x8xf32, #tpu.memory_space<hbm>>) dst(%dma_wait3A_11 : memref<640x8xf32, #tpu.memory_space<vmem_shared>>)
      tpu.yield
    }) : () -> ()
    %barrier3A = arith.constant 0 : index
    tpu.barrier barrier_id(%barrier3A)
    %scan3A = arith.constant 0 : i32
    %scan3A_3 = arith.constant 0 : i32
    %scan3A_4 = arith.constant 5 : i32
    %scan3A_5 = arith.addi %scan3A_3, %scan3A_4 : i32
    %scan3A_6 = arith.constant 1 : i32
    %scan3A_7 = scf.for %scan3A_10 = %scan3A_3 to %scan3A_5 step %scan3A_6 iter_args(%scan3A_11 = %scan3A) -> (i32)  : i32 {
      %mul3A_12 = arith.constant 80 : i32
      %mul3A_13 = arith.muli %add3A, %mul3A_12 : i32
      %mul3A_14 = arith.constant 16 : i32
      %mul3A_15 = arith.muli %scan3A_10, %mul3A_14 : i32
      %add3A_16 = arith.addi %mul3A_13, %mul3A_15 : i32
      %multiple_of3A_17 = tpu.assume_multiple %add3A_16, 16 : i32
      %run_scoped3A = arith.constant 1 : i32
      "tpu.region"() ({
        %run_scoped3A_401 = tpu.sem_alloc : memref<!tpu.dma_semaphore, #tpu.memory_space<semaphore_mem>>
        %dma_start3A_402 = arith.constant 0 : i32
        %dma_start3A_403 = tpu.memref_slice %arg3[%run_scoped3A, %multiple_of3A_17, %dma_start3A_402] : memref<2x2560x128xi32, #tpu.memory_space<hbm>> -> memref<1x16x128xi32, #tpu.memory_space<hbm>>
        %dma_start3A_404 = tpu.memref_squeeze %dma_start3A_403 : memref<1x16x128xi32, #tpu.memory_space<hbm>> -> memref<16x128xi32, #tpu.memory_space<hbm>>
        %dma_start3A_405 = arith.constant 0 : i32
        %dma_start3A_406 = tpu.memref_slice %arg3[%run_scoped3A, %multiple_of3A_17, %dma_start3A_405] : memref<2x2560x128xi32, #tpu.memory_space<hbm>> -> memref<1x16x128xi32, #tpu.memory_space<hbm>>
        %dma_start3A_407 = tpu.memref_squeeze %dma_start3A_406 : memref<1x16x128xi32, #tpu.memory_space<hbm>> -> memref<16x128xi32, #tpu.memory_space<hbm>>
        tpu.enqueue_dma source(%dma_start3A_407 : memref<16x128xi32, #tpu.memory_space<hbm>>) target(%arg6 : memref<16x128xi32, #tpu.memory_space<vmem>>) target_semaphore(%run_scoped3A_401 : memref<!tpu.dma_semaphore, #tpu.memory_space<semaphore_mem>>)
        %dma_wait3A_408 = arith.constant 0 : i32
        %dma_wait3A_409 = tpu.memref_slice %arg3[%run_scoped3A, %multiple_of3A_17, %dma_wait3A_408] : memref<2x2560x128xi32, #tpu.memory_space<hbm>> -> memref<1x16x128xi32, #tpu.memory_space<hbm>>
        %dma_wait3A_410 = tpu.memref_squeeze %dma_wait3A_409 : memref<1x16x128xi32, #tpu.memory_space<hbm>> -> memref<16x128xi32, #tpu.memory_space<hbm>>
        %dma_wait3A_411 = arith.constant 0 : i32
        %dma_wait3A_412 = tpu.memref_slice %arg3[%run_scoped3A, %multiple_of3A_17, %dma_wait3A_411] : memref<2x2560x128xi32, #tpu.memory_space<hbm>> -> memref<1x16x128xi32, #tpu.memory_space<hbm>>
        %dma_wait3A_413 = tpu.memref_squeeze %dma_wait3A_412 : memref<1x16x128xi32, #tpu.memory_space<hbm>> -> memref<16x128xi32, #tpu.memory_space<hbm>>
        tpu.wait_dma2 semaphore(%run_scoped3A_401 : memref<!tpu.dma_semaphore, #tpu.memory_space<semaphore_mem>>) src(%dma_wait3A_413 : memref<16x128xi32, #tpu.memory_space<hbm>>) dst(%arg6 : memref<16x128xi32, #tpu.memory_space<vmem>>)
        tpu.yield
      }) : () -> ()
      "tpu.region"() ({
        %run_scoped3A_401 = tpu.sem_alloc : memref<!tpu.dma_semaphore, #tpu.memory_space<semaphore_mem>>
        tpu.enqueue_dma source(%arg2 : memref<4x128x8xf32, #tpu.memory_space<hbm>>) target(%arg7 : memref<4x128x8xf32, #tpu.memory_space<vmem>>) target_semaphore(%run_scoped3A_401 : memref<!tpu.dma_semaphore, #tpu.memory_space<semaphore_mem>>)
        tpu.wait_dma2 semaphore(%run_scoped3A_401 : memref<!tpu.dma_semaphore, #tpu.memory_space<semaphore_mem>>) src(%arg2 : memref<4x128x8xf32, #tpu.memory_space<hbm>>) dst(%arg7 : memref<4x128x8xf32, #tpu.memory_space<vmem>>)
        tpu.yield
      }) : () -> ()
      %dma_start3A = arith.constant 0 : i32
      %dma_start3A_18 = arith.constant 0 : i32
      %dma_start3A_19 = arith.constant 0 : i32
      %dma_start3A_20 = arith.constant 0 : i32
      %dma_start3A_21 = tpu.memref_slice %arg7[%dma_start3A, %dma_start3A_19, %dma_start3A_20] : memref<4x128x8xf32, #tpu.memory_space<vmem>> -> memref<1x128x8xf32, #tpu.memory_space<vmem>>
      %dma_start3A_22 = tpu.memref_squeeze %dma_start3A_21 : memref<1x128x8xf32, #tpu.memory_space<vmem>> -> memref<128x8xf32, #tpu.memory_space<vmem>>
      %dma_start3A_23 = arith.constant 0 : i32
      %dma_start3A_24 = tpu.memref_slice %arg6[%dma_start3A_18, %dma_start3A_23] : memref<16x128xi32, #tpu.memory_space<vmem>> -> memref<1x128xi32, #tpu.memory_space<vmem>>
      %dma_start3A_25 = tpu.memref_squeeze %dma_start3A_24 : memref<1x128xi32, #tpu.memory_space<vmem>> -> memref<128xi32, #tpu.memory_space<vmem>>
      %dma_start3A_26 = arith.constant 0 : i32
      %dma_start3A_27 = arith.constant 0 : i32
      %dma_start3A_28 = tpu.memref_slice %arg8[%dma_start3A_26, %dma_start3A_27] : memref<10240x8xf32, #tpu.memory_space<vmem_shared>> -> memref<10240x8xf32, #tpu.memory_space<vmem_shared>>
      tpu.enqueue_indirect_dma source(%dma_start3A_22 : memref<128x8xf32, #tpu.memory_space<vmem>>) target(%dma_start3A_28 : memref<10240x8xf32, #tpu.memory_space<vmem_shared>>) offsets(%dma_start3A_25 : memref<128xi32, #tpu.memory_space<vmem>>) semaphore(%arg9 : memref<!tpu.dma_semaphore, #tpu.memory_space<semaphore_mem>>) {add = true}
      %dma_start3A_29 = arith.constant 1 : i32
      %dma_start3A_30 = arith.constant 1 : i32
      %dma_start3A_31 = arith.constant 0 : i32
      %dma_start3A_32 = arith.constant 0 : i32
      %dma_start3A_33 = tpu.memref_slice %arg7[%dma_start3A_29, %dma_start3A_31, %dma_start3A_32] : memref<4x128x8xf32, #tpu.memory_space<vmem>> -> memref<1x128x8xf32, #tpu.memory_space<vmem>>
      %dma_start3A_34 = tpu.memref_squeeze %dma_start3A_33 : memref<1x128x8xf32, #tpu.memory_space<vmem>> -> memref<128x8xf32, #tpu.memory_space<vmem>>
      %dma_start3A_35 = arith.constant 0 : i32
      %dma_start3A_36 = tpu.memref_slice %arg6[%dma_start3A_30, %dma_start3A_35] : memref<16x128xi32, #tpu.memory_space<vmem>> -> memref<1x128xi32, #tpu.memory_space<vmem>>
      %dma_start3A_37 = tpu.memref_squeeze %dma_start3A_36 : memref<1x128xi32, #tpu.memory_space<vmem>> -> memref<128xi32, #tpu.memory_space<vmem>>
      %dma_start3A_38 = arith.constant 0 : i32
      %dma_start3A_39 = arith.constant 0 : i32
      %dma_start3A_40 = tpu.memref_slice %arg8[%dma_start3A_38, %dma_start3A_39] : memref<10240x8xf32, #tpu.memory_space<vmem_shared>> -> memref<10240x8xf32, #tpu.memory_space<vmem_shared>>
      tpu.enqueue_indirect_dma source(%dma_start3A_34 : memref<128x8xf32, #tpu.memory_space<vmem>>) target(%dma_start3A_40 : memref<10240x8xf32, #tpu.memory_space<vmem_shared>>) offsets(%dma_start3A_37 : memref<128xi32, #tpu.memory_space<vmem>>) semaphore(%arg9 : memref<!tpu.dma_semaphore, #tpu.memory_space<semaphore_mem>>) {add = true}
      %dma_start3A_41 = arith.constant 2 : i32
      %dma_start3A_42 = arith.constant 2 : i32
      %dma_start3A_43 = arith.constant 0 : i32
      %dma_start3A_44 = arith.constant 0 : i32
      %dma_start3A_45 = tpu.memref_slice %arg7[%dma_start3A_41, %dma_start3A_43, %dma_start3A_44] : memref<4x128x8xf32, #tpu.memory_space<vmem>> -> memref<1x128x8xf32, #tpu.memory_space<vmem>>
      %dma_start3A_46 = tpu.memref_squeeze %dma_start3A_45 : memref<1x128x8xf32, #tpu.memory_space<vmem>> -> memref<128x8xf32, #tpu.memory_space<vmem>>
      %dma_start3A_47 = arith.constant 0 : i32
      %dma_start3A_48 = tpu.memref_slice %arg6[%dma_start3A_42, %dma_start3A_47] : memref<16x128xi32, #tpu.memory_space<vmem>> -> memref<1x128xi32, #tpu.memory_space<vmem>>
      %dma_start3A_49 = tpu.memref_squeeze %dma_start3A_48 : memref<1x128xi32, #tpu.memory_space<vmem>> -> memref<128xi32, #tpu.memory_space<vmem>>
      %dma_start3A_50 = arith.constant 0 : i32
      %dma_start3A_51 = arith.constant 0 : i32
      %dma_start3A_52 = tpu.memref_slice %arg8[%dma_start3A_50, %dma_start3A_51] : memref<10240x8xf32, #tpu.memory_space<vmem_shared>> -> memref<10240x8xf32, #tpu.memory_space<vmem_shared>>
      tpu.enqueue_indirect_dma source(%dma_start3A_46 : memref<128x8xf32, #tpu.memory_space<vmem>>) target(%dma_start3A_52 : memref<10240x8xf32, #tpu.memory_space<vmem_shared>>) offsets(%dma_start3A_49 : memref<128xi32, #tpu.memory_space<vmem>>) semaphore(%arg9 : memref<!tpu.dma_semaphore, #tpu.memory_space<semaphore_mem>>) {add = true}
      %dma_start3A_53 = arith.constant 3 : i32
      %dma_start3A_54 = arith.constant 3 : i32
      %dma_start3A_55 = arith.constant 0 : i32
      %dma_start3A_56 = arith.constant 0 : i32
      %dma_start3A_57 = tpu.memref_slice %arg7[%dma_start3A_53, %dma_start3A_55, %dma_start3A_56] : memref<4x128x8xf32, #tpu.memory_space<vmem>> -> memref<1x128x8xf32, #tpu.memory_space<vmem>>
      %dma_start3A_58 = tpu.memref_squeeze %dma_start3A_57 : memref<1x128x8xf32, #tpu.memory_space<vmem>> -> memref<128x8xf32, #tpu.memory_space<vmem>>
      %dma_start3A_59 = arith.constant 0 : i32
      %dma_start3A_60 = tpu.memref_slice %arg6[%dma_start3A_54, %dma_start3A_59] : memref<16x128xi32, #tpu.memory_space<vmem>> -> memref<1x128xi32, #tpu.memory_space<vmem>>
      %dma_start3A_61 = tpu.memref_squeeze %dma_start3A_60 : memref<1x128xi32, #tpu.memory_space<vmem>> -> memref<128xi32, #tpu.memory_space<vmem>>
      %dma_start3A_62 = arith.constant 0 : i32
      %dma_start3A_63 = arith.constant 0 : i32
      %dma_start3A_64 = tpu.memref_slice %arg8[%dma_start3A_62, %dma_start3A_63] : memref<10240x8xf32, #tpu.memory_space<vmem_shared>> -> memref<10240x8xf32, #tpu.memory_space<vmem_shared>>
      tpu.enqueue_indirect_dma source(%dma_start3A_58 : memref<128x8xf32, #tpu.memory_space<vmem>>) target(%dma_start3A_64 : memref<10240x8xf32, #tpu.memory_space<vmem_shared>>) offsets(%dma_start3A_61 : memref<128xi32, #tpu.memory_space<vmem>>) semaphore(%arg9 : memref<!tpu.dma_semaphore, #tpu.memory_space<semaphore_mem>>) {add = true}
      %dma_start3A_65 = arith.constant 0 : i32
      %dma_start3A_66 = arith.constant 4 : i32
      %dma_start3A_67 = arith.constant 0 : i32
      %dma_start3A_68 = arith.constant 0 : i32
      %dma_start3A_69 = tpu.memref_slice %arg7[%dma_start3A_65, %dma_start3A_67, %dma_start3A_68] : memref<4x128x8xf32, #tpu.memory_space<vmem>> -> memref<1x128x8xf32, #tpu.memory_space<vmem>>
      %dma_start3A_70 = tpu.memref_squeeze %dma_start3A_69 : memref<1x128x8xf32, #tpu.memory_space<vmem>> -> memref<128x8xf32, #tpu.memory_space<vmem>>
      %dma_start3A_71 = arith.constant 0 : i32
      %dma_start3A_72 = tpu.memref_slice %arg6[%dma_start3A_66, %dma_start3A_71] : memref<16x128xi32, #tpu.memory_space<vmem>> -> memref<1x128xi32, #tpu.memory_space<vmem>>
      %dma_start3A_73 = tpu.memref_squeeze %dma_start3A_72 : memref<1x128xi32, #tpu.memory_space<vmem>> -> memref<128xi32, #tpu.memory_space<vmem>>
      %dma_start3A_74 = arith.constant 0 : i32
      %dma_start3A_75 = arith.constant 0 : i32
      %dma_start3A_76 = tpu.memref_slice %arg8[%dma_start3A_74, %dma_start3A_75] : memref<10240x8xf32, #tpu.memory_space<vmem_shared>> -> memref<10240x8xf32, #tpu.memory_space<vmem_shared>>
      tpu.enqueue_indirect_dma source(%dma_start3A_70 : memref<128x8xf32, #tpu.memory_space<vmem>>) target(%dma_start3A_76 : memref<10240x8xf32, #tpu.memory_space<vmem_shared>>) offsets(%dma_start3A_73 : memref<128xi32, #tpu.memory_space<vmem>>) semaphore(%arg9 : memref<!tpu.dma_semaphore, #tpu.memory_space<semaphore_mem>>) {add = true}
      %dma_start3A_77 = arith.constant 1 : i32
      %dma_start3A_78 = arith.constant 5 : i32
      %dma_start3A_79 = arith.constant 0 : i32
      %dma_start3A_80 = arith.constant 0 : i32
      %dma_start3A_81 = tpu.memref_slice %arg7[%dma_start3A_77, %dma_start3A_79, %dma_start3A_80] : memref<4x128x8xf32, #tpu.memory_space<vmem>> -> memref<1x128x8xf32, #tpu.memory_space<vmem>>
      %dma_start3A_82 = tpu.memref_squeeze %dma_start3A_81 : memref<1x128x8xf32, #tpu.memory_space<vmem>> -> memref<128x8xf32, #tpu.memory_space<vmem>>
      %dma_start3A_83 = arith.constant 0 : i32
      %dma_start3A_84 = tpu.memref_slice %arg6[%dma_start3A_78, %dma_start3A_83] : memref<16x128xi32, #tpu.memory_space<vmem>> -> memref<1x128xi32, #tpu.memory_space<vmem>>
      %dma_start3A_85 = tpu.memref_squeeze %dma_start3A_84 : memref<1x128xi32, #tpu.memory_space<vmem>> -> memref<128xi32, #tpu.memory_space<vmem>>
      %dma_start3A_86 = arith.constant 0 : i32
      %dma_start3A_87 = arith.constant 0 : i32
      %dma_start3A_88 = tpu.memref_slice %arg8[%dma_start3A_86, %dma_start3A_87] : memref<10240x8xf32, #tpu.memory_space<vmem_shared>> -> memref<10240x8xf32, #tpu.memory_space<vmem_shared>>
      tpu.enqueue_indirect_dma source(%dma_start3A_82 : memref<128x8xf32, #tpu.memory_space<vmem>>) target(%dma_start3A_88 : memref<10240x8xf32, #tpu.memory_space<vmem_shared>>) offsets(%dma_start3A_85 : memref<128xi32, #tpu.memory_space<vmem>>) semaphore(%arg9 : memref<!tpu.dma_semaphore, #tpu.memory_space<semaphore_mem>>) {add = true}
      %dma_start3A_89 = arith.constant 2 : i32
      %dma_start3A_90 = arith.constant 6 : i32
      %dma_start3A_91 = arith.constant 0 : i32
      %dma_start3A_92 = arith.constant 0 : i32
      %dma_start3A_93 = tpu.memref_slice %arg7[%dma_start3A_89, %dma_start3A_91, %dma_start3A_92] : memref<4x128x8xf32, #tpu.memory_space<vmem>> -> memref<1x128x8xf32, #tpu.memory_space<vmem>>
      %dma_start3A_94 = tpu.memref_squeeze %dma_start3A_93 : memref<1x128x8xf32, #tpu.memory_space<vmem>> -> memref<128x8xf32, #tpu.memory_space<vmem>>
      %dma_start3A_95 = arith.constant 0 : i32
      %dma_start3A_96 = tpu.memref_slice %arg6[%dma_start3A_90, %dma_start3A_95] : memref<16x128xi32, #tpu.memory_space<vmem>> -> memref<1x128xi32, #tpu.memory_space<vmem>>
      %dma_start3A_97 = tpu.memref_squeeze %dma_start3A_96 : memref<1x128xi32, #tpu.memory_space<vmem>> -> memref<128xi32, #tpu.memory_space<vmem>>
      %dma_start3A_98 = arith.constant 0 : i32
      %dma_start3A_99 = arith.constant 0 : i32
      %dma_start3A_100 = tpu.memref_slice %arg8[%dma_start3A_98, %dma_start3A_99] : memref<10240x8xf32, #tpu.memory_space<vmem_shared>> -> memref<10240x8xf32, #tpu.memory_space<vmem_shared>>
      tpu.enqueue_indirect_dma source(%dma_start3A_94 : memref<128x8xf32, #tpu.memory_space<vmem>>) target(%dma_start3A_100 : memref<10240x8xf32, #tpu.memory_space<vmem_shared>>) offsets(%dma_start3A_97 : memref<128xi32, #tpu.memory_space<vmem>>) semaphore(%arg9 : memref<!tpu.dma_semaphore, #tpu.memory_space<semaphore_mem>>) {add = true}
      %dma_start3A_101 = arith.constant 3 : i32
      %dma_start3A_102 = arith.constant 7 : i32
      %dma_start3A_103 = arith.constant 0 : i32
      %dma_start3A_104 = arith.constant 0 : i32
      %dma_start3A_105 = tpu.memref_slice %arg7[%dma_start3A_101, %dma_start3A_103, %dma_start3A_104] : memref<4x128x8xf32, #tpu.memory_space<vmem>> -> memref<1x128x8xf32, #tpu.memory_space<vmem>>
      %dma_start3A_106 = tpu.memref_squeeze %dma_start3A_105 : memref<1x128x8xf32, #tpu.memory_space<vmem>> -> memref<128x8xf32, #tpu.memory_space<vmem>>
      %dma_start3A_107 = arith.constant 0 : i32
      %dma_start3A_108 = tpu.memref_slice %arg6[%dma_start3A_102, %dma_start3A_107] : memref<16x128xi32, #tpu.memory_space<vmem>> -> memref<1x128xi32, #tpu.memory_space<vmem>>
      %dma_start3A_109 = tpu.memref_squeeze %dma_start3A_108 : memref<1x128xi32, #tpu.memory_space<vmem>> -> memref<128xi32, #tpu.memory_space<vmem>>
      %dma_start3A_110 = arith.constant 0 : i32
      %dma_start3A_111 = arith.constant 0 : i32
      %dma_start3A_112 = tpu.memref_slice %arg8[%dma_start3A_110, %dma_start3A_111] : memref<10240x8xf32, #tpu.memory_space<vmem_shared>> -> memref<10240x8xf32, #tpu.memory_space<vmem_shared>>
      tpu.enqueue_indirect_dma source(%dma_start3A_106 : memref<128x8xf32, #tpu.memory_space<vmem>>) target(%dma_start3A_112 : memref<10240x8xf32, #tpu.memory_space<vmem_shared>>) offsets(%dma_start3A_109 : memref<128xi32, #tpu.memory_space<vmem>>) semaphore(%arg9 : memref<!tpu.dma_semaphore, #tpu.memory_space<semaphore_mem>>) {add = true}
      %dma_start3A_113 = arith.constant 0 : i32
      %dma_start3A_114 = arith.constant 8 : i32
      %dma_start3A_115 = arith.constant 0 : i32
      %dma_start3A_116 = arith.constant 0 : i32
      %dma_start3A_117 = tpu.memref_slice %arg7[%dma_start3A_113, %dma_start3A_115, %dma_start3A_116] : memref<4x128x8xf32, #tpu.memory_space<vmem>> -> memref<1x128x8xf32, #tpu.memory_space<vmem>>
      %dma_start3A_118 = tpu.memref_squeeze %dma_start3A_117 : memref<1x128x8xf32, #tpu.memory_space<vmem>> -> memref<128x8xf32, #tpu.memory_space<vmem>>
      %dma_start3A_119 = arith.constant 0 : i32
      %dma_start3A_120 = tpu.memref_slice %arg6[%dma_start3A_114, %dma_start3A_119] : memref<16x128xi32, #tpu.memory_space<vmem>> -> memref<1x128xi32, #tpu.memory_space<vmem>>
      %dma_start3A_121 = tpu.memref_squeeze %dma_start3A_120 : memref<1x128xi32, #tpu.memory_space<vmem>> -> memref<128xi32, #tpu.memory_space<vmem>>
      %dma_start3A_122 = arith.constant 0 : i32
      %dma_start3A_123 = arith.constant 0 : i32
      %dma_start3A_124 = tpu.memref_slice %arg8[%dma_start3A_122, %dma_start3A_123] : memref<10240x8xf32, #tpu.memory_space<vmem_shared>> -> memref<10240x8xf32, #tpu.memory_space<vmem_shared>>
      tpu.enqueue_indirect_dma source(%dma_start3A_118 : memref<128x8xf32, #tpu.memory_space<vmem>>) target(%dma_start3A_124 : memref<10240x8xf32, #tpu.memory_space<vmem_shared>>) offsets(%dma_start3A_121 : memref<128xi32, #tpu.memory_space<vmem>>) semaphore(%arg9 : memref<!tpu.dma_semaphore, #tpu.memory_space<semaphore_mem>>) {add = true}
      %dma_start3A_125 = arith.constant 1 : i32
      %dma_start3A_126 = arith.constant 9 : i32
      %dma_start3A_127 = arith.constant 0 : i32
      %dma_start3A_128 = arith.constant 0 : i32
      %dma_start3A_129 = tpu.memref_slice %arg7[%dma_start3A_125, %dma_start3A_127, %dma_start3A_128] : memref<4x128x8xf32, #tpu.memory_space<vmem>> -> memref<1x128x8xf32, #tpu.memory_space<vmem>>
      %dma_start3A_130 = tpu.memref_squeeze %dma_start3A_129 : memref<1x128x8xf32, #tpu.memory_space<vmem>> -> memref<128x8xf32, #tpu.memory_space<vmem>>
      %dma_start3A_131 = arith.constant 0 : i32
      %dma_start3A_132 = tpu.memref_slice %arg6[%dma_start3A_126, %dma_start3A_131] : memref<16x128xi32, #tpu.memory_space<vmem>> -> memref<1x128xi32, #tpu.memory_space<vmem>>
      %dma_start3A_133 = tpu.memref_squeeze %dma_start3A_132 : memref<1x128xi32, #tpu.memory_space<vmem>> -> memref<128xi32, #tpu.memory_space<vmem>>
      %dma_start3A_134 = arith.constant 0 : i32
      %dma_start3A_135 = arith.constant 0 : i32
      %dma_start3A_136 = tpu.memref_slice %arg8[%dma_start3A_134, %dma_start3A_135] : memref<10240x8xf32, #tpu.memory_space<vmem_shared>> -> memref<10240x8xf32, #tpu.memory_space<vmem_shared>>
      tpu.enqueue_indirect_dma source(%dma_start3A_130 : memref<128x8xf32, #tpu.memory_space<vmem>>) target(%dma_start3A_136 : memref<10240x8xf32, #tpu.memory_space<vmem_shared>>) offsets(%dma_start3A_133 : memref<128xi32, #tpu.memory_space<vmem>>) semaphore(%arg9 : memref<!tpu.dma_semaphore, #tpu.memory_space<semaphore_mem>>) {add = true}
      %dma_start3A_137 = arith.constant 2 : i32
      %dma_start3A_138 = arith.constant 10 : i32
      %dma_start3A_139 = arith.constant 0 : i32
      %dma_start3A_140 = arith.constant 0 : i32
      %dma_start3A_141 = tpu.memref_slice %arg7[%dma_start3A_137, %dma_start3A_139, %dma_start3A_140] : memref<4x128x8xf32, #tpu.memory_space<vmem>> -> memref<1x128x8xf32, #tpu.memory_space<vmem>>
      %dma_start3A_142 = tpu.memref_squeeze %dma_start3A_141 : memref<1x128x8xf32, #tpu.memory_space<vmem>> -> memref<128x8xf32, #tpu.memory_space<vmem>>
      %dma_start3A_143 = arith.constant 0 : i32
      %dma_start3A_144 = tpu.memref_slice %arg6[%dma_start3A_138, %dma_start3A_143] : memref<16x128xi32, #tpu.memory_space<vmem>> -> memref<1x128xi32, #tpu.memory_space<vmem>>
      %dma_start3A_145 = tpu.memref_squeeze %dma_start3A_144 : memref<1x128xi32, #tpu.memory_space<vmem>> -> memref<128xi32, #tpu.memory_space<vmem>>
      %dma_start3A_146 = arith.constant 0 : i32
      %dma_start3A_147 = arith.constant 0 : i32
      %dma_start3A_148 = tpu.memref_slice %arg8[%dma_start3A_146, %dma_start3A_147] : memref<10240x8xf32, #tpu.memory_space<vmem_shared>> -> memref<10240x8xf32, #tpu.memory_space<vmem_shared>>
      tpu.enqueue_indirect_dma source(%dma_start3A_142 : memref<128x8xf32, #tpu.memory_space<vmem>>) target(%dma_start3A_148 : memref<10240x8xf32, #tpu.memory_space<vmem_shared>>) offsets(%dma_start3A_145 : memref<128xi32, #tpu.memory_space<vmem>>) semaphore(%arg9 : memref<!tpu.dma_semaphore, #tpu.memory_space<semaphore_mem>>) {add = true}
      %dma_start3A_149 = arith.constant 3 : i32
      %dma_start3A_150 = arith.constant 11 : i32
      %dma_start3A_151 = arith.constant 0 : i32
      %dma_start3A_152 = arith.constant 0 : i32
      %dma_start3A_153 = tpu.memref_slice %arg7[%dma_start3A_149, %dma_start3A_151, %dma_start3A_152] : memref<4x128x8xf32, #tpu.memory_space<vmem>> -> memref<1x128x8xf32, #tpu.memory_space<vmem>>
      %dma_start3A_154 = tpu.memref_squeeze %dma_start3A_153 : memref<1x128x8xf32, #tpu.memory_space<vmem>> -> memref<128x8xf32, #tpu.memory_space<vmem>>
      %dma_start3A_155 = arith.constant 0 : i32
      %dma_start3A_156 = tpu.memref_slice %arg6[%dma_start3A_150, %dma_start3A_155] : memref<16x128xi32, #tpu.memory_space<vmem>> -> memref<1x128xi32, #tpu.memory_space<vmem>>
      %dma_start3A_157 = tpu.memref_squeeze %dma_start3A_156 : memref<1x128xi32, #tpu.memory_space<vmem>> -> memref<128xi32, #tpu.memory_space<vmem>>
      %dma_start3A_158 = arith.constant 0 : i32
      %dma_start3A_159 = arith.constant 0 : i32
      %dma_start3A_160 = tpu.memref_slice %arg8[%dma_start3A_158, %dma_start3A_159] : memref<10240x8xf32, #tpu.memory_space<vmem_shared>> -> memref<10240x8xf32, #tpu.memory_space<vmem_shared>>
      tpu.enqueue_indirect_dma source(%dma_start3A_154 : memref<128x8xf32, #tpu.memory_space<vmem>>) target(%dma_start3A_160 : memref<10240x8xf32, #tpu.memory_space<vmem_shared>>) offsets(%dma_start3A_157 : memref<128xi32, #tpu.memory_space<vmem>>) semaphore(%arg9 : memref<!tpu.dma_semaphore, #tpu.memory_space<semaphore_mem>>) {add = true}
      %dma_start3A_161 = arith.constant 0 : i32
      %dma_start3A_162 = arith.constant 12 : i32
      %dma_start3A_163 = arith.constant 0 : i32
      %dma_start3A_164 = arith.constant 0 : i32
      %dma_start3A_165 = tpu.memref_slice %arg7[%dma_start3A_161, %dma_start3A_163, %dma_start3A_164] : memref<4x128x8xf32, #tpu.memory_space<vmem>> -> memref<1x128x8xf32, #tpu.memory_space<vmem>>
      %dma_start3A_166 = tpu.memref_squeeze %dma_start3A_165 : memref<1x128x8xf32, #tpu.memory_space<vmem>> -> memref<128x8xf32, #tpu.memory_space<vmem>>
      %dma_start3A_167 = arith.constant 0 : i32
      %dma_start3A_168 = tpu.memref_slice %arg6[%dma_start3A_162, %dma_start3A_167] : memref<16x128xi32, #tpu.memory_space<vmem>> -> memref<1x128xi32, #tpu.memory_space<vmem>>
      %dma_start3A_169 = tpu.memref_squeeze %dma_start3A_168 : memref<1x128xi32, #tpu.memory_space<vmem>> -> memref<128xi32, #tpu.memory_space<vmem>>
      %dma_start3A_170 = arith.constant 0 : i32
      %dma_start3A_171 = arith.constant 0 : i32
      %dma_start3A_172 = tpu.memref_slice %arg8[%dma_start3A_170, %dma_start3A_171] : memref<10240x8xf32, #tpu.memory_space<vmem_shared>> -> memref<10240x8xf32, #tpu.memory_space<vmem_shared>>
      tpu.enqueue_indirect_dma source(%dma_start3A_166 : memref<128x8xf32, #tpu.memory_space<vmem>>) target(%dma_start3A_172 : memref<10240x8xf32, #tpu.memory_space<vmem_shared>>) offsets(%dma_start3A_169 : memref<128xi32, #tpu.memory_space<vmem>>) semaphore(%arg9 : memref<!tpu.dma_semaphore, #tpu.memory_space<semaphore_mem>>) {add = true}
      %dma_start3A_173 = arith.constant 1 : i32
      %dma_start3A_174 = arith.constant 13 : i32
      %dma_start3A_175 = arith.constant 0 : i32
      %dma_start3A_176 = arith.constant 0 : i32
      %dma_start3A_177 = tpu.memref_slice %arg7[%dma_start3A_173, %dma_start3A_175, %dma_start3A_176] : memref<4x128x8xf32, #tpu.memory_space<vmem>> -> memref<1x128x8xf32, #tpu.memory_space<vmem>>
      %dma_start3A_178 = tpu.memref_squeeze %dma_start3A_177 : memref<1x128x8xf32, #tpu.memory_space<vmem>> -> memref<128x8xf32, #tpu.memory_space<vmem>>
      %dma_start3A_179 = arith.constant 0 : i32
      %dma_start3A_180 = tpu.memref_slice %arg6[%dma_start3A_174, %dma_start3A_179] : memref<16x128xi32, #tpu.memory_space<vmem>> -> memref<1x128xi32, #tpu.memory_space<vmem>>
      %dma_start3A_181 = tpu.memref_squeeze %dma_start3A_180 : memref<1x128xi32, #tpu.memory_space<vmem>> -> memref<128xi32, #tpu.memory_space<vmem>>
      %dma_start3A_182 = arith.constant 0 : i32
      %dma_start3A_183 = arith.constant 0 : i32
      %dma_start3A_184 = tpu.memref_slice %arg8[%dma_start3A_182, %dma_start3A_183] : memref<10240x8xf32, #tpu.memory_space<vmem_shared>> -> memref<10240x8xf32, #tpu.memory_space<vmem_shared>>
      tpu.enqueue_indirect_dma source(%dma_start3A_178 : memref<128x8xf32, #tpu.memory_space<vmem>>) target(%dma_start3A_184 : memref<10240x8xf32, #tpu.memory_space<vmem_shared>>) offsets(%dma_start3A_181 : memref<128xi32, #tpu.memory_space<vmem>>) semaphore(%arg9 : memref<!tpu.dma_semaphore, #tpu.memory_space<semaphore_mem>>) {add = true}
      %dma_start3A_185 = arith.constant 2 : i32
      %dma_start3A_186 = arith.constant 14 : i32
      %dma_start3A_187 = arith.constant 0 : i32
      %dma_start3A_188 = arith.constant 0 : i32
      %dma_start3A_189 = tpu.memref_slice %arg7[%dma_start3A_185, %dma_start3A_187, %dma_start3A_188] : memref<4x128x8xf32, #tpu.memory_space<vmem>> -> memref<1x128x8xf32, #tpu.memory_space<vmem>>
      %dma_start3A_190 = tpu.memref_squeeze %dma_start3A_189 : memref<1x128x8xf32, #tpu.memory_space<vmem>> -> memref<128x8xf32, #tpu.memory_space<vmem>>
      %dma_start3A_191 = arith.constant 0 : i32
      %dma_start3A_192 = tpu.memref_slice %arg6[%dma_start3A_186, %dma_start3A_191] : memref<16x128xi32, #tpu.memory_space<vmem>> -> memref<1x128xi32, #tpu.memory_space<vmem>>
      %dma_start3A_193 = tpu.memref_squeeze %dma_start3A_192 : memref<1x128xi32, #tpu.memory_space<vmem>> -> memref<128xi32, #tpu.memory_space<vmem>>
      %dma_start3A_194 = arith.constant 0 : i32
      %dma_start3A_195 = arith.constant 0 : i32
      %dma_start3A_196 = tpu.memref_slice %arg8[%dma_start3A_194, %dma_start3A_195] : memref<10240x8xf32, #tpu.memory_space<vmem_shared>> -> memref<10240x8xf32, #tpu.memory_space<vmem_shared>>
      tpu.enqueue_indirect_dma source(%dma_start3A_190 : memref<128x8xf32, #tpu.memory_space<vmem>>) target(%dma_start3A_196 : memref<10240x8xf32, #tpu.memory_space<vmem_shared>>) offsets(%dma_start3A_193 : memref<128xi32, #tpu.memory_space<vmem>>) semaphore(%arg9 : memref<!tpu.dma_semaphore, #tpu.memory_space<semaphore_mem>>) {add = true}
      %dma_start3A_197 = arith.constant 3 : i32
      %dma_start3A_198 = arith.constant 15 : i32
      %dma_start3A_199 = arith.constant 0 : i32
      %dma_start3A_200 = arith.constant 0 : i32
      %dma_start3A_201 = tpu.memref_slice %arg7[%dma_start3A_197, %dma_start3A_199, %dma_start3A_200] : memref<4x128x8xf32, #tpu.memory_space<vmem>> -> memref<1x128x8xf32, #tpu.memory_space<vmem>>
      %dma_start3A_202 = tpu.memref_squeeze %dma_start3A_201 : memref<1x128x8xf32, #tpu.memory_space<vmem>> -> memref<128x8xf32, #tpu.memory_space<vmem>>
      %dma_start3A_203 = arith.constant 0 : i32
      %dma_start3A_204 = tpu.memref_slice %arg6[%dma_start3A_198, %dma_start3A_203] : memref<16x128xi32, #tpu.memory_space<vmem>> -> memref<1x128xi32, #tpu.memory_space<vmem>>
      %dma_start3A_205 = tpu.memref_squeeze %dma_start3A_204 : memref<1x128xi32, #tpu.memory_space<vmem>> -> memref<128xi32, #tpu.memory_space<vmem>>
      %dma_start3A_206 = arith.constant 0 : i32
      %dma_start3A_207 = arith.constant 0 : i32
      %dma_start3A_208 = tpu.memref_slice %arg8[%dma_start3A_206, %dma_start3A_207] : memref<10240x8xf32, #tpu.memory_space<vmem_shared>> -> memref<10240x8xf32, #tpu.memory_space<vmem_shared>>
      tpu.enqueue_indirect_dma source(%dma_start3A_202 : memref<128x8xf32, #tpu.memory_space<vmem>>) target(%dma_start3A_208 : memref<10240x8xf32, #tpu.memory_space<vmem_shared>>) offsets(%dma_start3A_205 : memref<128xi32, #tpu.memory_space<vmem>>) semaphore(%arg9 : memref<!tpu.dma_semaphore, #tpu.memory_space<semaphore_mem>>) {add = true}
      %dma_wait3A = arith.constant 0 : i32
      %dma_wait3A_209 = arith.constant 0 : i32
      %dma_wait3A_210 = arith.constant 0 : i32
      %dma_wait3A_211 = arith.constant 0 : i32
      %dma_wait3A_212 = tpu.memref_slice %arg7[%dma_wait3A, %dma_wait3A_210, %dma_wait3A_211] : memref<4x128x8xf32, #tpu.memory_space<vmem>> -> memref<1x128x8xf32, #tpu.memory_space<vmem>>
      %dma_wait3A_213 = tpu.memref_squeeze %dma_wait3A_212 : memref<1x128x8xf32, #tpu.memory_space<vmem>> -> memref<128x8xf32, #tpu.memory_space<vmem>>
      %dma_wait3A_214 = arith.constant 0 : i32
      %dma_wait3A_215 = tpu.memref_slice %arg6[%dma_wait3A_209, %dma_wait3A_214] : memref<16x128xi32, #tpu.memory_space<vmem>> -> memref<1x128xi32, #tpu.memory_space<vmem>>
      %dma_wait3A_216 = tpu.memref_squeeze %dma_wait3A_215 : memref<1x128xi32, #tpu.memory_space<vmem>> -> memref<128xi32, #tpu.memory_space<vmem>>
      %dma_wait3A_217 = arith.constant 0 : i32
      %dma_wait3A_218 = arith.constant 0 : i32
      %dma_wait3A_219 = tpu.memref_slice %arg8[%dma_wait3A_217, %dma_wait3A_218] : memref<10240x8xf32, #tpu.memory_space<vmem_shared>> -> memref<10240x8xf32, #tpu.memory_space<vmem_shared>>
      tpu.wait_indirect_dma semaphore(%arg9 : memref<!tpu.dma_semaphore, #tpu.memory_space<semaphore_mem>>) src(%dma_wait3A_213 : memref<128x8xf32, #tpu.memory_space<vmem>>) dst(%dma_wait3A_219 : memref<10240x8xf32, #tpu.memory_space<vmem_shared>>)
      %dma_wait3A_220 = arith.constant 1 : i32
      %dma_wait3A_221 = arith.constant 1 : i32
      %dma_wait3A_222 = arith.constant 0 : i32
      %dma_wait3A_223 = arith.constant 0 : i32
      %dma_wait3A_224 = tpu.memref_slice %arg7[%dma_wait3A_220, %dma_wait3A_222, %dma_wait3A_223] : memref<4x128x8xf32, #tpu.memory_space<vmem>> -> memref<1x128x8xf32, #tpu.memory_space<vmem>>
      %dma_wait3A_225 = tpu.memref_squeeze %dma_wait3A_224 : memref<1x128x8xf32, #tpu.memory_space<vmem>> -> memref<128x8xf32, #tpu.memory_space<vmem>>
      %dma_wait3A_226 = arith.constant 0 : i32
      %dma_wait3A_227 = tpu.memref_slice %arg6[%dma_wait3A_221, %dma_wait3A_226] : memref<16x128xi32, #tpu.memory_space<vmem>> -> memref<1x128xi32, #tpu.memory_space<vmem>>
      %dma_wait3A_228 = tpu.memref_squeeze %dma_wait3A_227 : memref<1x128xi32, #tpu.memory_space<vmem>> -> memref<128xi32, #tpu.memory_space<vmem>>
      %dma_wait3A_229 = arith.constant 0 : i32
      %dma_wait3A_230 = arith.constant 0 : i32
      %dma_wait3A_231 = tpu.memref_slice %arg8[%dma_wait3A_229, %dma_wait3A_230] : memref<10240x8xf32, #tpu.memory_space<vmem_shared>> -> memref<10240x8xf32, #tpu.memory_space<vmem_shared>>
      tpu.wait_indirect_dma semaphore(%arg9 : memref<!tpu.dma_semaphore, #tpu.memory_space<semaphore_mem>>) src(%dma_wait3A_225 : memref<128x8xf32, #tpu.memory_space<vmem>>) dst(%dma_wait3A_231 : memref<10240x8xf32, #tpu.memory_space<vmem_shared>>)
      %dma_wait3A_232 = arith.constant 2 : i32
      %dma_wait3A_233 = arith.constant 2 : i32
      %dma_wait3A_234 = arith.constant 0 : i32
      %dma_wait3A_235 = arith.constant 0 : i32
      %dma_wait3A_236 = tpu.memref_slice %arg7[%dma_wait3A_232, %dma_wait3A_234, %dma_wait3A_235] : memref<4x128x8xf32, #tpu.memory_space<vmem>> -> memref<1x128x8xf32, #tpu.memory_space<vmem>>
      %dma_wait3A_237 = tpu.memref_squeeze %dma_wait3A_236 : memref<1x128x8xf32, #tpu.memory_space<vmem>> -> memref<128x8xf32, #tpu.memory_space<vmem>>
      %dma_wait3A_238 = arith.constant 0 : i32
      %dma_wait3A_239 = tpu.memref_slice %arg6[%dma_wait3A_233, %dma_wait3A_238] : memref<16x128xi32, #tpu.memory_space<vmem>> -> memref<1x128xi32, #tpu.memory_space<vmem>>
      %dma_wait3A_240 = tpu.memref_squeeze %dma_wait3A_239 : memref<1x128xi32, #tpu.memory_space<vmem>> -> memref<128xi32, #tpu.memory_space<vmem>>
      %dma_wait3A_241 = arith.constant 0 : i32
      %dma_wait3A_242 = arith.constant 0 : i32
      %dma_wait3A_243 = tpu.memref_slice %arg8[%dma_wait3A_241, %dma_wait3A_242] : memref<10240x8xf32, #tpu.memory_space<vmem_shared>> -> memref<10240x8xf32, #tpu.memory_space<vmem_shared>>
      tpu.wait_indirect_dma semaphore(%arg9 : memref<!tpu.dma_semaphore, #tpu.memory_space<semaphore_mem>>) src(%dma_wait3A_237 : memref<128x8xf32, #tpu.memory_space<vmem>>) dst(%dma_wait3A_243 : memref<10240x8xf32, #tpu.memory_space<vmem_shared>>)
      %dma_wait3A_244 = arith.constant 3 : i32
      %dma_wait3A_245 = arith.constant 3 : i32
      %dma_wait3A_246 = arith.constant 0 : i32
      %dma_wait3A_247 = arith.constant 0 : i32
      %dma_wait3A_248 = tpu.memref_slice %arg7[%dma_wait3A_244, %dma_wait3A_246, %dma_wait3A_247] : memref<4x128x8xf32, #tpu.memory_space<vmem>> -> memref<1x128x8xf32, #tpu.memory_space<vmem>>
      %dma_wait3A_249 = tpu.memref_squeeze %dma_wait3A_248 : memref<1x128x8xf32, #tpu.memory_space<vmem>> -> memref<128x8xf32, #tpu.memory_space<vmem>>
      %dma_wait3A_250 = arith.constant 0 : i32
      %dma_wait3A_251 = tpu.memref_slice %arg6[%dma_wait3A_245, %dma_wait3A_250] : memref<16x128xi32, #tpu.memory_space<vmem>> -> memref<1x128xi32, #tpu.memory_space<vmem>>
      %dma_wait3A_252 = tpu.memref_squeeze %dma_wait3A_251 : memref<1x128xi32, #tpu.memory_space<vmem>> -> memref<128xi32, #tpu.memory_space<vmem>>
      %dma_wait3A_253 = arith.constant 0 : i32
      %dma_wait3A_254 = arith.constant 0 : i32
      %dma_wait3A_255 = tpu.memref_slice %arg8[%dma_wait3A_253, %dma_wait3A_254] : memref<10240x8xf32, #tpu.memory_space<vmem_shared>> -> memref<10240x8xf32, #tpu.memory_space<vmem_shared>>
      tpu.wait_indirect_dma semaphore(%arg9 : memref<!tpu.dma_semaphore, #tpu.memory_space<semaphore_mem>>) src(%dma_wait3A_249 : memref<128x8xf32, #tpu.memory_space<vmem>>) dst(%dma_wait3A_255 : memref<10240x8xf32, #tpu.memory_space<vmem_shared>>)
      %dma_wait3A_256 = arith.constant 0 : i32
      %dma_wait3A_257 = arith.constant 4 : i32
      %dma_wait3A_258 = arith.constant 0 : i32
      %dma_wait3A_259 = arith.constant 0 : i32
      %dma_wait3A_260 = tpu.memref_slice %arg7[%dma_wait3A_256, %dma_wait3A_258, %dma_wait3A_259] : memref<4x128x8xf32, #tpu.memory_space<vmem>> -> memref<1x128x8xf32, #tpu.memory_space<vmem>>
      %dma_wait3A_261 = tpu.memref_squeeze %dma_wait3A_260 : memref<1x128x8xf32, #tpu.memory_space<vmem>> -> memref<128x8xf32, #tpu.memory_space<vmem>>
      %dma_wait3A_262 = arith.constant 0 : i32
      %dma_wait3A_263 = tpu.memref_slice %arg6[%dma_wait3A_257, %dma_wait3A_262] : memref<16x128xi32, #tpu.memory_space<vmem>> -> memref<1x128xi32, #tpu.memory_space<vmem>>
      %dma_wait3A_264 = tpu.memref_squeeze %dma_wait3A_263 : memref<1x128xi32, #tpu.memory_space<vmem>> -> memref<128xi32, #tpu.memory_space<vmem>>
      %dma_wait3A_265 = arith.constant 0 : i32
      %dma_wait3A_266 = arith.constant 0 : i32
      %dma_wait3A_267 = tpu.memref_slice %arg8[%dma_wait3A_265, %dma_wait3A_266] : memref<10240x8xf32, #tpu.memory_space<vmem_shared>> -> memref<10240x8xf32, #tpu.memory_space<vmem_shared>>
      tpu.wait_indirect_dma semaphore(%arg9 : memref<!tpu.dma_semaphore, #tpu.memory_space<semaphore_mem>>) src(%dma_wait3A_261 : memref<128x8xf32, #tpu.memory_space<vmem>>) dst(%dma_wait3A_267 : memref<10240x8xf32, #tpu.memory_space<vmem_shared>>)
      %dma_wait3A_268 = arith.constant 1 : i32
      %dma_wait3A_269 = arith.constant 5 : i32
      %dma_wait3A_270 = arith.constant 0 : i32
      %dma_wait3A_271 = arith.constant 0 : i32
      %dma_wait3A_272 = tpu.memref_slice %arg7[%dma_wait3A_268, %dma_wait3A_270, %dma_wait3A_271] : memref<4x128x8xf32, #tpu.memory_space<vmem>> -> memref<1x128x8xf32, #tpu.memory_space<vmem>>
      %dma_wait3A_273 = tpu.memref_squeeze %dma_wait3A_272 : memref<1x128x8xf32, #tpu.memory_space<vmem>> -> memref<128x8xf32, #tpu.memory_space<vmem>>
      %dma_wait3A_274 = arith.constant 0 : i32
      %dma_wait3A_275 = tpu.memref_slice %arg6[%dma_wait3A_269, %dma_wait3A_274] : memref<16x128xi32, #tpu.memory_space<vmem>> -> memref<1x128xi32, #tpu.memory_space<vmem>>
      %dma_wait3A_276 = tpu.memref_squeeze %dma_wait3A_275 : memref<1x128xi32, #tpu.memory_space<vmem>> -> memref<128xi32, #tpu.memory_space<vmem>>
      %dma_wait3A_277 = arith.constant 0 : i32
      %dma_wait3A_278 = arith.constant 0 : i32
      %dma_wait3A_279 = tpu.memref_slice %arg8[%dma_wait3A_277, %dma_wait3A_278] : memref<10240x8xf32, #tpu.memory_space<vmem_shared>> -> memref<10240x8xf32, #tpu.memory_space<vmem_shared>>
      tpu.wait_indirect_dma semaphore(%arg9 : memref<!tpu.dma_semaphore, #tpu.memory_space<semaphore_mem>>) src(%dma_wait3A_273 : memref<128x8xf32, #tpu.memory_space<vmem>>) dst(%dma_wait3A_279 : memref<10240x8xf32, #tpu.memory_space<vmem_shared>>)
      %dma_wait3A_280 = arith.constant 2 : i32
      %dma_wait3A_281 = arith.constant 6 : i32
      %dma_wait3A_282 = arith.constant 0 : i32
      %dma_wait3A_283 = arith.constant 0 : i32
      %dma_wait3A_284 = tpu.memref_slice %arg7[%dma_wait3A_280, %dma_wait3A_282, %dma_wait3A_283] : memref<4x128x8xf32, #tpu.memory_space<vmem>> -> memref<1x128x8xf32, #tpu.memory_space<vmem>>
      %dma_wait3A_285 = tpu.memref_squeeze %dma_wait3A_284 : memref<1x128x8xf32, #tpu.memory_space<vmem>> -> memref<128x8xf32, #tpu.memory_space<vmem>>
      %dma_wait3A_286 = arith.constant 0 : i32
      %dma_wait3A_287 = tpu.memref_slice %arg6[%dma_wait3A_281, %dma_wait3A_286] : memref<16x128xi32, #tpu.memory_space<vmem>> -> memref<1x128xi32, #tpu.memory_space<vmem>>
      %dma_wait3A_288 = tpu.memref_squeeze %dma_wait3A_287 : memref<1x128xi32, #tpu.memory_space<vmem>> -> memref<128xi32, #tpu.memory_space<vmem>>
      %dma_wait3A_289 = arith.constant 0 : i32
      %dma_wait3A_290 = arith.constant 0 : i32
      %dma_wait3A_291 = tpu.memref_slice %arg8[%dma_wait3A_289, %dma_wait3A_290] : memref<10240x8xf32, #tpu.memory_space<vmem_shared>> -> memref<10240x8xf32, #tpu.memory_space<vmem_shared>>
      tpu.wait_indirect_dma semaphore(%arg9 : memref<!tpu.dma_semaphore, #tpu.memory_space<semaphore_mem>>) src(%dma_wait3A_285 : memref<128x8xf32, #tpu.memory_space<vmem>>) dst(%dma_wait3A_291 : memref<10240x8xf32, #tpu.memory_space<vmem_shared>>)
      %dma_wait3A_292 = arith.constant 3 : i32
      %dma_wait3A_293 = arith.constant 7 : i32
      %dma_wait3A_294 = arith.constant 0 : i32
      %dma_wait3A_295 = arith.constant 0 : i32
      %dma_wait3A_296 = tpu.memref_slice %arg7[%dma_wait3A_292, %dma_wait3A_294, %dma_wait3A_295] : memref<4x128x8xf32, #tpu.memory_space<vmem>> -> memref<1x128x8xf32, #tpu.memory_space<vmem>>
      %dma_wait3A_297 = tpu.memref_squeeze %dma_wait3A_296 : memref<1x128x8xf32, #tpu.memory_space<vmem>> -> memref<128x8xf32, #tpu.memory_space<vmem>>
      %dma_wait3A_298 = arith.constant 0 : i32
      %dma_wait3A_299 = tpu.memref_slice %arg6[%dma_wait3A_293, %dma_wait3A_298] : memref<16x128xi32, #tpu.memory_space<vmem>> -> memref<1x128xi32, #tpu.memory_space<vmem>>
      %dma_wait3A_300 = tpu.memref_squeeze %dma_wait3A_299 : memref<1x128xi32, #tpu.memory_space<vmem>> -> memref<128xi32, #tpu.memory_space<vmem>>
      %dma_wait3A_301 = arith.constant 0 : i32
      %dma_wait3A_302 = arith.constant 0 : i32
      %dma_wait3A_303 = tpu.memref_slice %arg8[%dma_wait3A_301, %dma_wait3A_302] : memref<10240x8xf32, #tpu.memory_space<vmem_shared>> -> memref<10240x8xf32, #tpu.memory_space<vmem_shared>>
      tpu.wait_indirect_dma semaphore(%arg9 : memref<!tpu.dma_semaphore, #tpu.memory_space<semaphore_mem>>) src(%dma_wait3A_297 : memref<128x8xf32, #tpu.memory_space<vmem>>) dst(%dma_wait3A_303 : memref<10240x8xf32, #tpu.memory_space<vmem_shared>>)
      %dma_wait3A_304 = arith.constant 0 : i32
      %dma_wait3A_305 = arith.constant 8 : i32
      %dma_wait3A_306 = arith.constant 0 : i32
      %dma_wait3A_307 = arith.constant 0 : i32
      %dma_wait3A_308 = tpu.memref_slice %arg7[%dma_wait3A_304, %dma_wait3A_306, %dma_wait3A_307] : memref<4x128x8xf32, #tpu.memory_space<vmem>> -> memref<1x128x8xf32, #tpu.memory_space<vmem>>
      %dma_wait3A_309 = tpu.memref_squeeze %dma_wait3A_308 : memref<1x128x8xf32, #tpu.memory_space<vmem>> -> memref<128x8xf32, #tpu.memory_space<vmem>>
      %dma_wait3A_310 = arith.constant 0 : i32
      %dma_wait3A_311 = tpu.memref_slice %arg6[%dma_wait3A_305, %dma_wait3A_310] : memref<16x128xi32, #tpu.memory_space<vmem>> -> memref<1x128xi32, #tpu.memory_space<vmem>>
      %dma_wait3A_312 = tpu.memref_squeeze %dma_wait3A_311 : memref<1x128xi32, #tpu.memory_space<vmem>> -> memref<128xi32, #tpu.memory_space<vmem>>
      %dma_wait3A_313 = arith.constant 0 : i32
      %dma_wait3A_314 = arith.constant 0 : i32
      %dma_wait3A_315 = tpu.memref_slice %arg8[%dma_wait3A_313, %dma_wait3A_314] : memref<10240x8xf32, #tpu.memory_space<vmem_shared>> -> memref<10240x8xf32, #tpu.memory_space<vmem_shared>>
      tpu.wait_indirect_dma semaphore(%arg9 : memref<!tpu.dma_semaphore, #tpu.memory_space<semaphore_mem>>) src(%dma_wait3A_309 : memref<128x8xf32, #tpu.memory_space<vmem>>) dst(%dma_wait3A_315 : memref<10240x8xf32, #tpu.memory_space<vmem_shared>>)
      %dma_wait3A_316 = arith.constant 1 : i32
      %dma_wait3A_317 = arith.constant 9 : i32
      %dma_wait3A_318 = arith.constant 0 : i32
      %dma_wait3A_319 = arith.constant 0 : i32
      %dma_wait3A_320 = tpu.memref_slice %arg7[%dma_wait3A_316, %dma_wait3A_318, %dma_wait3A_319] : memref<4x128x8xf32, #tpu.memory_space<vmem>> -> memref<1x128x8xf32, #tpu.memory_space<vmem>>
      %dma_wait3A_321 = tpu.memref_squeeze %dma_wait3A_320 : memref<1x128x8xf32, #tpu.memory_space<vmem>> -> memref<128x8xf32, #tpu.memory_space<vmem>>
      %dma_wait3A_322 = arith.constant 0 : i32
      %dma_wait3A_323 = tpu.memref_slice %arg6[%dma_wait3A_317, %dma_wait3A_322] : memref<16x128xi32, #tpu.memory_space<vmem>> -> memref<1x128xi32, #tpu.memory_space<vmem>>
      %dma_wait3A_324 = tpu.memref_squeeze %dma_wait3A_323 : memref<1x128xi32, #tpu.memory_space<vmem>> -> memref<128xi32, #tpu.memory_space<vmem>>
      %dma_wait3A_325 = arith.constant 0 : i32
      %dma_wait3A_326 = arith.constant 0 : i32
      %dma_wait3A_327 = tpu.memref_slice %arg8[%dma_wait3A_325, %dma_wait3A_326] : memref<10240x8xf32, #tpu.memory_space<vmem_shared>> -> memref<10240x8xf32, #tpu.memory_space<vmem_shared>>
      tpu.wait_indirect_dma semaphore(%arg9 : memref<!tpu.dma_semaphore, #tpu.memory_space<semaphore_mem>>) src(%dma_wait3A_321 : memref<128x8xf32, #tpu.memory_space<vmem>>) dst(%dma_wait3A_327 : memref<10240x8xf32, #tpu.memory_space<vmem_shared>>)
      %dma_wait3A_328 = arith.constant 2 : i32
      %dma_wait3A_329 = arith.constant 10 : i32
      %dma_wait3A_330 = arith.constant 0 : i32
      %dma_wait3A_331 = arith.constant 0 : i32
      %dma_wait3A_332 = tpu.memref_slice %arg7[%dma_wait3A_328, %dma_wait3A_330, %dma_wait3A_331] : memref<4x128x8xf32, #tpu.memory_space<vmem>> -> memref<1x128x8xf32, #tpu.memory_space<vmem>>
      %dma_wait3A_333 = tpu.memref_squeeze %dma_wait3A_332 : memref<1x128x8xf32, #tpu.memory_space<vmem>> -> memref<128x8xf32, #tpu.memory_space<vmem>>
      %dma_wait3A_334 = arith.constant 0 : i32
      %dma_wait3A_335 = tpu.memref_slice %arg6[%dma_wait3A_329, %dma_wait3A_334] : memref<16x128xi32, #tpu.memory_space<vmem>> -> memref<1x128xi32, #tpu.memory_space<vmem>>
      %dma_wait3A_336 = tpu.memref_squeeze %dma_wait3A_335 : memref<1x128xi32, #tpu.memory_space<vmem>> -> memref<128xi32, #tpu.memory_space<vmem>>
      %dma_wait3A_337 = arith.constant 0 : i32
      %dma_wait3A_338 = arith.constant 0 : i32
      %dma_wait3A_339 = tpu.memref_slice %arg8[%dma_wait3A_337, %dma_wait3A_338] : memref<10240x8xf32, #tpu.memory_space<vmem_shared>> -> memref<10240x8xf32, #tpu.memory_space<vmem_shared>>
      tpu.wait_indirect_dma semaphore(%arg9 : memref<!tpu.dma_semaphore, #tpu.memory_space<semaphore_mem>>) src(%dma_wait3A_333 : memref<128x8xf32, #tpu.memory_space<vmem>>) dst(%dma_wait3A_339 : memref<10240x8xf32, #tpu.memory_space<vmem_shared>>)
      %dma_wait3A_340 = arith.constant 3 : i32
      %dma_wait3A_341 = arith.constant 11 : i32
      %dma_wait3A_342 = arith.constant 0 : i32
      %dma_wait3A_343 = arith.constant 0 : i32
      %dma_wait3A_344 = tpu.memref_slice %arg7[%dma_wait3A_340, %dma_wait3A_342, %dma_wait3A_343] : memref<4x128x8xf32, #tpu.memory_space<vmem>> -> memref<1x128x8xf32, #tpu.memory_space<vmem>>
      %dma_wait3A_345 = tpu.memref_squeeze %dma_wait3A_344 : memref<1x128x8xf32, #tpu.memory_space<vmem>> -> memref<128x8xf32, #tpu.memory_space<vmem>>
      %dma_wait3A_346 = arith.constant 0 : i32
      %dma_wait3A_347 = tpu.memref_slice %arg6[%dma_wait3A_341, %dma_wait3A_346] : memref<16x128xi32, #tpu.memory_space<vmem>> -> memref<1x128xi32, #tpu.memory_space<vmem>>
      %dma_wait3A_348 = tpu.memref_squeeze %dma_wait3A_347 : memref<1x128xi32, #tpu.memory_space<vmem>> -> memref<128xi32, #tpu.memory_space<vmem>>
      %dma_wait3A_349 = arith.constant 0 : i32
      %dma_wait3A_350 = arith.constant 0 : i32
      %dma_wait3A_351 = tpu.memref_slice %arg8[%dma_wait3A_349, %dma_wait3A_350] : memref<10240x8xf32, #tpu.memory_space<vmem_shared>> -> memref<10240x8xf32, #tpu.memory_space<vmem_shared>>
      tpu.wait_indirect_dma semaphore(%arg9 : memref<!tpu.dma_semaphore, #tpu.memory_space<semaphore_mem>>) src(%dma_wait3A_345 : memref<128x8xf32, #tpu.memory_space<vmem>>) dst(%dma_wait3A_351 : memref<10240x8xf32, #tpu.memory_space<vmem_shared>>)
      %dma_wait3A_352 = arith.constant 0 : i32
      %dma_wait3A_353 = arith.constant 12 : i32
      %dma_wait3A_354 = arith.constant 0 : i32
      %dma_wait3A_355 = arith.constant 0 : i32
      %dma_wait3A_356 = tpu.memref_slice %arg7[%dma_wait3A_352, %dma_wait3A_354, %dma_wait3A_355] : memref<4x128x8xf32, #tpu.memory_space<vmem>> -> memref<1x128x8xf32, #tpu.memory_space<vmem>>
      %dma_wait3A_357 = tpu.memref_squeeze %dma_wait3A_356 : memref<1x128x8xf32, #tpu.memory_space<vmem>> -> memref<128x8xf32, #tpu.memory_space<vmem>>
      %dma_wait3A_358 = arith.constant 0 : i32
      %dma_wait3A_359 = tpu.memref_slice %arg6[%dma_wait3A_353, %dma_wait3A_358] : memref<16x128xi32, #tpu.memory_space<vmem>> -> memref<1x128xi32, #tpu.memory_space<vmem>>
      %dma_wait3A_360 = tpu.memref_squeeze %dma_wait3A_359 : memref<1x128xi32, #tpu.memory_space<vmem>> -> memref<128xi32, #tpu.memory_space<vmem>>
      %dma_wait3A_361 = arith.constant 0 : i32
      %dma_wait3A_362 = arith.constant 0 : i32
      %dma_wait3A_363 = tpu.memref_slice %arg8[%dma_wait3A_361, %dma_wait3A_362] : memref<10240x8xf32, #tpu.memory_space<vmem_shared>> -> memref<10240x8xf32, #tpu.memory_space<vmem_shared>>
      tpu.wait_indirect_dma semaphore(%arg9 : memref<!tpu.dma_semaphore, #tpu.memory_space<semaphore_mem>>) src(%dma_wait3A_357 : memref<128x8xf32, #tpu.memory_space<vmem>>) dst(%dma_wait3A_363 : memref<10240x8xf32, #tpu.memory_space<vmem_shared>>)
      %dma_wait3A_364 = arith.constant 1 : i32
      %dma_wait3A_365 = arith.constant 13 : i32
      %dma_wait3A_366 = arith.constant 0 : i32
      %dma_wait3A_367 = arith.constant 0 : i32
      %dma_wait3A_368 = tpu.memref_slice %arg7[%dma_wait3A_364, %dma_wait3A_366, %dma_wait3A_367] : memref<4x128x8xf32, #tpu.memory_space<vmem>> -> memref<1x128x8xf32, #tpu.memory_space<vmem>>
      %dma_wait3A_369 = tpu.memref_squeeze %dma_wait3A_368 : memref<1x128x8xf32, #tpu.memory_space<vmem>> -> memref<128x8xf32, #tpu.memory_space<vmem>>
      %dma_wait3A_370 = arith.constant 0 : i32
      %dma_wait3A_371 = tpu.memref_slice %arg6[%dma_wait3A_365, %dma_wait3A_370] : memref<16x128xi32, #tpu.memory_space<vmem>> -> memref<1x128xi32, #tpu.memory_space<vmem>>
      %dma_wait3A_372 = tpu.memref_squeeze %dma_wait3A_371 : memref<1x128xi32, #tpu.memory_space<vmem>> -> memref<128xi32, #tpu.memory_space<vmem>>
      %dma_wait3A_373 = arith.constant 0 : i32
      %dma_wait3A_374 = arith.constant 0 : i32
      %dma_wait3A_375 = tpu.memref_slice %arg8[%dma_wait3A_373, %dma_wait3A_374] : memref<10240x8xf32, #tpu.memory_space<vmem_shared>> -> memref<10240x8xf32, #tpu.memory_space<vmem_shared>>
      tpu.wait_indirect_dma semaphore(%arg9 : memref<!tpu.dma_semaphore, #tpu.memory_space<semaphore_mem>>) src(%dma_wait3A_369 : memref<128x8xf32, #tpu.memory_space<vmem>>) dst(%dma_wait3A_375 : memref<10240x8xf32, #tpu.memory_space<vmem_shared>>)
      %dma_wait3A_376 = arith.constant 2 : i32
      %dma_wait3A_377 = arith.constant 14 : i32
      %dma_wait3A_378 = arith.constant 0 : i32
      %dma_wait3A_379 = arith.constant 0 : i32
      %dma_wait3A_380 = tpu.memref_slice %arg7[%dma_wait3A_376, %dma_wait3A_378, %dma_wait3A_379] : memref<4x128x8xf32, #tpu.memory_space<vmem>> -> memref<1x128x8xf32, #tpu.memory_space<vmem>>
      %dma_wait3A_381 = tpu.memref_squeeze %dma_wait3A_380 : memref<1x128x8xf32, #tpu.memory_space<vmem>> -> memref<128x8xf32, #tpu.memory_space<vmem>>
      %dma_wait3A_382 = arith.constant 0 : i32
      %dma_wait3A_383 = tpu.memref_slice %arg6[%dma_wait3A_377, %dma_wait3A_382] : memref<16x128xi32, #tpu.memory_space<vmem>> -> memref<1x128xi32, #tpu.memory_space<vmem>>
      %dma_wait3A_384 = tpu.memref_squeeze %dma_wait3A_383 : memref<1x128xi32, #tpu.memory_space<vmem>> -> memref<128xi32, #tpu.memory_space<vmem>>
      %dma_wait3A_385 = arith.constant 0 : i32
      %dma_wait3A_386 = arith.constant 0 : i32
      %dma_wait3A_387 = tpu.memref_slice %arg8[%dma_wait3A_385, %dma_wait3A_386] : memref<10240x8xf32, #tpu.memory_space<vmem_shared>> -> memref<10240x8xf32, #tpu.memory_space<vmem_shared>>
      tpu.wait_indirect_dma semaphore(%arg9 : memref<!tpu.dma_semaphore, #tpu.memory_space<semaphore_mem>>) src(%dma_wait3A_381 : memref<128x8xf32, #tpu.memory_space<vmem>>) dst(%dma_wait3A_387 : memref<10240x8xf32, #tpu.memory_space<vmem_shared>>)
      %dma_wait3A_388 = arith.constant 3 : i32
      %dma_wait3A_389 = arith.constant 15 : i32
      %dma_wait3A_390 = arith.constant 0 : i32
      %dma_wait3A_391 = arith.constant 0 : i32
      %dma_wait3A_392 = tpu.memref_slice %arg7[%dma_wait3A_388, %dma_wait3A_390, %dma_wait3A_391] : memref<4x128x8xf32, #tpu.memory_space<vmem>> -> memref<1x128x8xf32, #tpu.memory_space<vmem>>
      %dma_wait3A_393 = tpu.memref_squeeze %dma_wait3A_392 : memref<1x128x8xf32, #tpu.memory_space<vmem>> -> memref<128x8xf32, #tpu.memory_space<vmem>>
      %dma_wait3A_394 = arith.constant 0 : i32
      %dma_wait3A_395 = tpu.memref_slice %arg6[%dma_wait3A_389, %dma_wait3A_394] : memref<16x128xi32, #tpu.memory_space<vmem>> -> memref<1x128xi32, #tpu.memory_space<vmem>>
      %dma_wait3A_396 = tpu.memref_squeeze %dma_wait3A_395 : memref<1x128xi32, #tpu.memory_space<vmem>> -> memref<128xi32, #tpu.memory_space<vmem>>
      %dma_wait3A_397 = arith.constant 0 : i32
      %dma_wait3A_398 = arith.constant 0 : i32
      %dma_wait3A_399 = tpu.memref_slice %arg8[%dma_wait3A_397, %dma_wait3A_398] : memref<10240x8xf32, #tpu.memory_space<vmem_shared>> -> memref<10240x8xf32, #tpu.memory_space<vmem_shared>>
      tpu.wait_indirect_dma semaphore(%arg9 : memref<!tpu.dma_semaphore, #tpu.memory_space<semaphore_mem>>) src(%dma_wait3A_393 : memref<128x8xf32, #tpu.memory_space<vmem>>) dst(%dma_wait3A_399 : memref<10240x8xf32, #tpu.memory_space<vmem_shared>>)
      %scan3A_400 = arith.constant 0 : i32
      scf.yield %scan3A_400 : i32
    }
    %scan3A_8 = arith.constant 5 : i32
    %barrier3A_9 = arith.constant 0 : index
    tpu.barrier barrier_id(%barrier3A_9)
    "tpu.region"() ({
      %run_scoped3A = tpu.sem_alloc : memref<!tpu.dma_semaphore, #tpu.memory_space<semaphore_mem>>
      %dma_start3A = arith.constant 0 : i32
      %dma_start3A_10 = tpu.memref_slice %arg5[%arg0, %multiple_of3A, %dma_start3A] : memref<2x10240x8xf32, #tpu.memory_space<hbm>> -> memref<1x640x8xf32, #tpu.memory_space<hbm>>
      %dma_start3A_11 = tpu.memref_squeeze %dma_start3A_10 : memref<1x640x8xf32, #tpu.memory_space<hbm>> -> memref<640x8xf32, #tpu.memory_space<hbm>>
      %dma_start3A_12 = arith.constant 0 : i32
      %dma_start3A_13 = tpu.memref_slice %arg8[%multiple_of3A, %dma_start3A_12] : memref<10240x8xf32, #tpu.memory_space<vmem_shared>> -> memref<640x8xf32, #tpu.memory_space<vmem_shared>>
      tpu.enqueue_dma source(%dma_start3A_13 : memref<640x8xf32, #tpu.memory_space<vmem_shared>>) target(%dma_start3A_11 : memref<640x8xf32, #tpu.memory_space<hbm>>) target_semaphore(%run_scoped3A : memref<!tpu.dma_semaphore, #tpu.memory_space<semaphore_mem>>)
      %dma_wait3A = arith.constant 0 : i32
      %dma_wait3A_14 = tpu.memref_slice %arg5[%arg0, %multiple_of3A, %dma_wait3A] : memref<2x10240x8xf32, #tpu.memory_space<hbm>> -> memref<1x640x8xf32, #tpu.memory_space<hbm>>
      %dma_wait3A_15 = tpu.memref_squeeze %dma_wait3A_14 : memref<1x640x8xf32, #tpu.memory_space<hbm>> -> memref<640x8xf32, #tpu.memory_space<hbm>>
      %dma_wait3A_16 = arith.constant 0 : i32
      %dma_wait3A_17 = tpu.memref_slice %arg8[%multiple_of3A, %dma_wait3A_16] : memref<10240x8xf32, #tpu.memory_space<vmem_shared>> -> memref<640x8xf32, #tpu.memory_space<vmem_shared>>
      tpu.wait_dma2 semaphore(%run_scoped3A : memref<!tpu.dma_semaphore, #tpu.memory_space<semaphore_mem>>) src(%dma_wait3A_17 : memref<640x8xf32, #tpu.memory_space<vmem_shared>>) dst(%dma_wait3A_15 : memref<640x8xf32, #tpu.memory_space<hbm>>)
      tpu.yield
    }) : () -> ()
    return
  }
}

#map = affine_map<(d0, d1) -> (0, 0)>
#map1 = affine_map<(d0, d1) -> (0, 0, 0)>
module attributes {stable_mosaic.version = 14 : i64} {
  func.func @agg_kernel(%arg0: i32, %arg1: i32, %arg2: memref<10000x128xf32, #tpu.memory_space<hbm>>, %arg3: memref<2x2560x128xi32, #tpu.memory_space<hbm>>, %arg4: memref<640x128xf32, #tpu.memory_space<hbm>>, %arg5: memref<2x10240x128xf32, #tpu.memory_space<hbm>>, %arg6: memref<16x128xi32, #tpu.memory_space<vmem>>, %arg7: memref<16x128xi32, #tpu.memory_space<vmem>>, %arg8: memref<2x128x128xf32, #tpu.memory_space<vmem>>, %arg9: memref<10240x128xf32, #tpu.memory_space<vmem_shared>>, %arg10: memref<!tpu.dma_semaphore, #tpu.memory_space<semaphore_mem>>, %arg11: memref<!tpu.dma_semaphore, #tpu.memory_space<semaphore_mem>>) attributes {dimension_semantics = [#tpu.dimension_semantics<core_parallel>, #tpu.dimension_semantics<subcore_parallel>], iteration_bounds = array<i64: 2, 16>, scalar_prefetch = 0 : i64, scratch_operands = 6 : i64, tpu.core_type = #tpu.core_type<sc_vector_subcore>, window_params = [{transform_indices = #map}, {transform_indices = #map1}, {transform_indices = #map}, {transform_indices = #map1}]} {
    %mul3A = arith.constant 16 : i32
    %mul3A_0 = arith.muli %arg0, %mul3A : i32
    %add3A = arith.addi %mul3A_0, %arg1 : i32
    %mul3A_1 = arith.constant 640 : i32
    %mul3A_2 = arith.muli %arg1, %mul3A_1 : i32
    %multiple_of3A = tpu.assume_multiple %mul3A_2, 128 : i32
    "tpu.region"() ({
      %run_scoped3A = tpu.sem_alloc : memref<!tpu.dma_semaphore, #tpu.memory_space<semaphore_mem>>
      %dma_start3A = arith.constant 0 : i32
      %dma_start3A_10 = tpu.memref_slice %arg9[%multiple_of3A, %dma_start3A] : memref<10240x128xf32, #tpu.memory_space<vmem_shared>> -> memref<640x128xf32, #tpu.memory_space<vmem_shared>>
      tpu.enqueue_dma source(%arg4 : memref<640x128xf32, #tpu.memory_space<hbm>>) target(%dma_start3A_10 : memref<640x128xf32, #tpu.memory_space<vmem_shared>>) target_semaphore(%run_scoped3A : memref<!tpu.dma_semaphore, #tpu.memory_space<semaphore_mem>>)
      %dma_wait3A = arith.constant 0 : i32
      %dma_wait3A_11 = tpu.memref_slice %arg9[%multiple_of3A, %dma_wait3A] : memref<10240x128xf32, #tpu.memory_space<vmem_shared>> -> memref<640x128xf32, #tpu.memory_space<vmem_shared>>
      tpu.wait_dma2 semaphore(%run_scoped3A : memref<!tpu.dma_semaphore, #tpu.memory_space<semaphore_mem>>) src(%arg4 : memref<640x128xf32, #tpu.memory_space<hbm>>) dst(%dma_wait3A_11 : memref<640x128xf32, #tpu.memory_space<vmem_shared>>)
      tpu.yield
    }) : () -> ()
    %barrier3A = arith.constant 0 : index
    tpu.barrier barrier_id(%barrier3A)
    %scan3A = arith.constant 0 : i32
    %scan3A_3 = arith.constant 0 : i32
    %scan3A_4 = arith.constant 5 : i32
    %scan3A_5 = arith.addi %scan3A_3, %scan3A_4 : i32
    %scan3A_6 = arith.constant 1 : i32
    %scan3A_7 = scf.for %scan3A_10 = %scan3A_3 to %scan3A_5 step %scan3A_6 iter_args(%scan3A_11 = %scan3A) -> (i32)  : i32 {
      %mul3A_12 = arith.constant 80 : i32
      %mul3A_13 = arith.muli %add3A, %mul3A_12 : i32
      %mul3A_14 = arith.constant 16 : i32
      %mul3A_15 = arith.muli %scan3A_10, %mul3A_14 : i32
      %add3A_16 = arith.addi %mul3A_13, %mul3A_15 : i32
      %multiple_of3A_17 = tpu.assume_multiple %add3A_16, 16 : i32
      %run_scoped3A = arith.constant 0 : i32
      "tpu.region"() ({
        %run_scoped3A_786 = tpu.sem_alloc : memref<!tpu.dma_semaphore, #tpu.memory_space<semaphore_mem>>
        %dma_start3A_787 = arith.constant 0 : i32
        %dma_start3A_788 = tpu.memref_slice %arg3[%run_scoped3A, %multiple_of3A_17, %dma_start3A_787] : memref<2x2560x128xi32, #tpu.memory_space<hbm>> -> memref<1x16x128xi32, #tpu.memory_space<hbm>>
        %dma_start3A_789 = tpu.memref_squeeze %dma_start3A_788 : memref<1x16x128xi32, #tpu.memory_space<hbm>> -> memref<16x128xi32, #tpu.memory_space<hbm>>
        %dma_start3A_790 = arith.constant 0 : i32
        %dma_start3A_791 = tpu.memref_slice %arg3[%run_scoped3A, %multiple_of3A_17, %dma_start3A_790] : memref<2x2560x128xi32, #tpu.memory_space<hbm>> -> memref<1x16x128xi32, #tpu.memory_space<hbm>>
        %dma_start3A_792 = tpu.memref_squeeze %dma_start3A_791 : memref<1x16x128xi32, #tpu.memory_space<hbm>> -> memref<16x128xi32, #tpu.memory_space<hbm>>
        tpu.enqueue_dma source(%dma_start3A_792 : memref<16x128xi32, #tpu.memory_space<hbm>>) target(%arg6 : memref<16x128xi32, #tpu.memory_space<vmem>>) target_semaphore(%run_scoped3A_786 : memref<!tpu.dma_semaphore, #tpu.memory_space<semaphore_mem>>)
        %dma_wait3A_793 = arith.constant 0 : i32
        %dma_wait3A_794 = tpu.memref_slice %arg3[%run_scoped3A, %multiple_of3A_17, %dma_wait3A_793] : memref<2x2560x128xi32, #tpu.memory_space<hbm>> -> memref<1x16x128xi32, #tpu.memory_space<hbm>>
        %dma_wait3A_795 = tpu.memref_squeeze %dma_wait3A_794 : memref<1x16x128xi32, #tpu.memory_space<hbm>> -> memref<16x128xi32, #tpu.memory_space<hbm>>
        %dma_wait3A_796 = arith.constant 0 : i32
        %dma_wait3A_797 = tpu.memref_slice %arg3[%run_scoped3A, %multiple_of3A_17, %dma_wait3A_796] : memref<2x2560x128xi32, #tpu.memory_space<hbm>> -> memref<1x16x128xi32, #tpu.memory_space<hbm>>
        %dma_wait3A_798 = tpu.memref_squeeze %dma_wait3A_797 : memref<1x16x128xi32, #tpu.memory_space<hbm>> -> memref<16x128xi32, #tpu.memory_space<hbm>>
        tpu.wait_dma2 semaphore(%run_scoped3A_786 : memref<!tpu.dma_semaphore, #tpu.memory_space<semaphore_mem>>) src(%dma_wait3A_798 : memref<16x128xi32, #tpu.memory_space<hbm>>) dst(%arg6 : memref<16x128xi32, #tpu.memory_space<vmem>>)
        tpu.yield
      }) : () -> ()
      %run_scoped3A_18 = arith.constant 1 : i32
      "tpu.region"() ({
        %run_scoped3A_786 = tpu.sem_alloc : memref<!tpu.dma_semaphore, #tpu.memory_space<semaphore_mem>>
        %dma_start3A_787 = arith.constant 0 : i32
        %dma_start3A_788 = tpu.memref_slice %arg3[%run_scoped3A_18, %multiple_of3A_17, %dma_start3A_787] : memref<2x2560x128xi32, #tpu.memory_space<hbm>> -> memref<1x16x128xi32, #tpu.memory_space<hbm>>
        %dma_start3A_789 = tpu.memref_squeeze %dma_start3A_788 : memref<1x16x128xi32, #tpu.memory_space<hbm>> -> memref<16x128xi32, #tpu.memory_space<hbm>>
        %dma_start3A_790 = arith.constant 0 : i32
        %dma_start3A_791 = tpu.memref_slice %arg3[%run_scoped3A_18, %multiple_of3A_17, %dma_start3A_790] : memref<2x2560x128xi32, #tpu.memory_space<hbm>> -> memref<1x16x128xi32, #tpu.memory_space<hbm>>
        %dma_start3A_792 = tpu.memref_squeeze %dma_start3A_791 : memref<1x16x128xi32, #tpu.memory_space<hbm>> -> memref<16x128xi32, #tpu.memory_space<hbm>>
        tpu.enqueue_dma source(%dma_start3A_792 : memref<16x128xi32, #tpu.memory_space<hbm>>) target(%arg7 : memref<16x128xi32, #tpu.memory_space<vmem>>) target_semaphore(%run_scoped3A_786 : memref<!tpu.dma_semaphore, #tpu.memory_space<semaphore_mem>>)
        %dma_wait3A_793 = arith.constant 0 : i32
        %dma_wait3A_794 = tpu.memref_slice %arg3[%run_scoped3A_18, %multiple_of3A_17, %dma_wait3A_793] : memref<2x2560x128xi32, #tpu.memory_space<hbm>> -> memref<1x16x128xi32, #tpu.memory_space<hbm>>
        %dma_wait3A_795 = tpu.memref_squeeze %dma_wait3A_794 : memref<1x16x128xi32, #tpu.memory_space<hbm>> -> memref<16x128xi32, #tpu.memory_space<hbm>>
        %dma_wait3A_796 = arith.constant 0 : i32
        %dma_wait3A_797 = tpu.memref_slice %arg3[%run_scoped3A_18, %multiple_of3A_17, %dma_wait3A_796] : memref<2x2560x128xi32, #tpu.memory_space<hbm>> -> memref<1x16x128xi32, #tpu.memory_space<hbm>>
        %dma_wait3A_798 = tpu.memref_squeeze %dma_wait3A_797 : memref<1x16x128xi32, #tpu.memory_space<hbm>> -> memref<16x128xi32, #tpu.memory_space<hbm>>
        tpu.wait_dma2 semaphore(%run_scoped3A_786 : memref<!tpu.dma_semaphore, #tpu.memory_space<semaphore_mem>>) src(%dma_wait3A_798 : memref<16x128xi32, #tpu.memory_space<hbm>>) dst(%arg7 : memref<16x128xi32, #tpu.memory_space<vmem>>)
        tpu.yield
      }) : () -> ()
      %dma_start3A = arith.constant 0 : i32
      %dma_start3A_19 = arith.constant 0 : i32
      %dma_start3A_20 = arith.constant 0 : i32
      %dma_start3A_21 = arith.constant 0 : i32
      %dma_start3A_22 = tpu.memref_slice %arg8[%dma_start3A_19, %dma_start3A_20, %dma_start3A_21] : memref<2x128x128xf32, #tpu.memory_space<vmem>> -> memref<1x128x128xf32, #tpu.memory_space<vmem>>
      %dma_start3A_23 = tpu.memref_squeeze %dma_start3A_22 : memref<1x128x128xf32, #tpu.memory_space<vmem>> -> memref<128x128xf32, #tpu.memory_space<vmem>>
      %dma_start3A_24 = arith.constant 0 : i32
      %dma_start3A_25 = tpu.memref_slice %arg6[%dma_start3A, %dma_start3A_24] : memref<16x128xi32, #tpu.memory_space<vmem>> -> memref<1x128xi32, #tpu.memory_space<vmem>>
      %dma_start3A_26 = tpu.memref_squeeze %dma_start3A_25 : memref<1x128xi32, #tpu.memory_space<vmem>> -> memref<128xi32, #tpu.memory_space<vmem>>
      %dma_start3A_27 = arith.constant 0 : i32
      %dma_start3A_28 = arith.constant 0 : i32
      %dma_start3A_29 = tpu.memref_slice %arg2[%dma_start3A_27, %dma_start3A_28] : memref<10000x128xf32, #tpu.memory_space<hbm>> -> memref<10000x128xf32, #tpu.memory_space<hbm>>
      tpu.enqueue_indirect_dma source(%dma_start3A_29 : memref<10000x128xf32, #tpu.memory_space<hbm>>) target(%dma_start3A_23 : memref<128x128xf32, #tpu.memory_space<vmem>>) offsets(%dma_start3A_26 : memref<128xi32, #tpu.memory_space<vmem>>) semaphore(%arg10 : memref<!tpu.dma_semaphore, #tpu.memory_space<semaphore_mem>>)
      %dma_start3A_30 = arith.constant 1 : i32
      %dma_start3A_31 = arith.constant 1 : i32
      %dma_start3A_32 = arith.constant 0 : i32
      %dma_start3A_33 = arith.constant 0 : i32
      %dma_start3A_34 = tpu.memref_slice %arg8[%dma_start3A_31, %dma_start3A_32, %dma_start3A_33] : memref<2x128x128xf32, #tpu.memory_space<vmem>> -> memref<1x128x128xf32, #tpu.memory_space<vmem>>
      %dma_start3A_35 = tpu.memref_squeeze %dma_start3A_34 : memref<1x128x128xf32, #tpu.memory_space<vmem>> -> memref<128x128xf32, #tpu.memory_space<vmem>>
      %dma_start3A_36 = arith.constant 0 : i32
      %dma_start3A_37 = tpu.memref_slice %arg6[%dma_start3A_30, %dma_start3A_36] : memref<16x128xi32, #tpu.memory_space<vmem>> -> memref<1x128xi32, #tpu.memory_space<vmem>>
      %dma_start3A_38 = tpu.memref_squeeze %dma_start3A_37 : memref<1x128xi32, #tpu.memory_space<vmem>> -> memref<128xi32, #tpu.memory_space<vmem>>
      %dma_start3A_39 = arith.constant 0 : i32
      %dma_start3A_40 = arith.constant 0 : i32
      %dma_start3A_41 = tpu.memref_slice %arg2[%dma_start3A_39, %dma_start3A_40] : memref<10000x128xf32, #tpu.memory_space<hbm>> -> memref<10000x128xf32, #tpu.memory_space<hbm>>
      tpu.enqueue_indirect_dma source(%dma_start3A_41 : memref<10000x128xf32, #tpu.memory_space<hbm>>) target(%dma_start3A_35 : memref<128x128xf32, #tpu.memory_space<vmem>>) offsets(%dma_start3A_38 : memref<128xi32, #tpu.memory_space<vmem>>) semaphore(%arg10 : memref<!tpu.dma_semaphore, #tpu.memory_space<semaphore_mem>>)
      %dma_wait3A = arith.constant 0 : i32
      %dma_wait3A_42 = arith.constant 0 : i32
      %dma_wait3A_43 = arith.constant 0 : i32
      %dma_wait3A_44 = arith.constant 0 : i32
      %dma_wait3A_45 = tpu.memref_slice %arg8[%dma_wait3A_42, %dma_wait3A_43, %dma_wait3A_44] : memref<2x128x128xf32, #tpu.memory_space<vmem>> -> memref<1x128x128xf32, #tpu.memory_space<vmem>>
      %dma_wait3A_46 = tpu.memref_squeeze %dma_wait3A_45 : memref<1x128x128xf32, #tpu.memory_space<vmem>> -> memref<128x128xf32, #tpu.memory_space<vmem>>
      %dma_wait3A_47 = arith.constant 0 : i32
      %dma_wait3A_48 = tpu.memref_slice %arg6[%dma_wait3A, %dma_wait3A_47] : memref<16x128xi32, #tpu.memory_space<vmem>> -> memref<1x128xi32, #tpu.memory_space<vmem>>
      %dma_wait3A_49 = tpu.memref_squeeze %dma_wait3A_48 : memref<1x128xi32, #tpu.memory_space<vmem>> -> memref<128xi32, #tpu.memory_space<vmem>>
      %dma_wait3A_50 = arith.constant 0 : i32
      %dma_wait3A_51 = arith.constant 0 : i32
      %dma_wait3A_52 = tpu.memref_slice %arg2[%dma_wait3A_50, %dma_wait3A_51] : memref<10000x128xf32, #tpu.memory_space<hbm>> -> memref<10000x128xf32, #tpu.memory_space<hbm>>
      tpu.wait_indirect_dma semaphore(%arg10 : memref<!tpu.dma_semaphore, #tpu.memory_space<semaphore_mem>>) src(%dma_wait3A_52 : memref<10000x128xf32, #tpu.memory_space<hbm>>) dst(%dma_wait3A_46 : memref<128x128xf32, #tpu.memory_space<vmem>>)
      %dma_start3A_53 = arith.constant 0 : i32
      %dma_start3A_54 = arith.constant 0 : i32
      %dma_start3A_55 = arith.constant 0 : i32
      %dma_start3A_56 = arith.constant 0 : i32
      %dma_start3A_57 = tpu.memref_slice %arg8[%dma_start3A_53, %dma_start3A_55, %dma_start3A_56] : memref<2x128x128xf32, #tpu.memory_space<vmem>> -> memref<1x128x128xf32, #tpu.memory_space<vmem>>
      %dma_start3A_58 = tpu.memref_squeeze %dma_start3A_57 : memref<1x128x128xf32, #tpu.memory_space<vmem>> -> memref<128x128xf32, #tpu.memory_space<vmem>>
      %dma_start3A_59 = arith.constant 0 : i32
      %dma_start3A_60 = tpu.memref_slice %arg7[%dma_start3A_54, %dma_start3A_59] : memref<16x128xi32, #tpu.memory_space<vmem>> -> memref<1x128xi32, #tpu.memory_space<vmem>>
      %dma_start3A_61 = tpu.memref_squeeze %dma_start3A_60 : memref<1x128xi32, #tpu.memory_space<vmem>> -> memref<128xi32, #tpu.memory_space<vmem>>
      %dma_start3A_62 = arith.constant 0 : i32
      %dma_start3A_63 = arith.constant 0 : i32
      %dma_start3A_64 = tpu.memref_slice %arg9[%dma_start3A_62, %dma_start3A_63] : memref<10240x128xf32, #tpu.memory_space<vmem_shared>> -> memref<10240x128xf32, #tpu.memory_space<vmem_shared>>
      tpu.enqueue_indirect_dma source(%dma_start3A_58 : memref<128x128xf32, #tpu.memory_space<vmem>>) target(%dma_start3A_64 : memref<10240x128xf32, #tpu.memory_space<vmem_shared>>) offsets(%dma_start3A_61 : memref<128xi32, #tpu.memory_space<vmem>>) semaphore(%arg11 : memref<!tpu.dma_semaphore, #tpu.memory_space<semaphore_mem>>) {add = true}
      %dma_wait3A_65 = arith.constant 0 : i32
      %dma_wait3A_66 = arith.constant 0 : i32
      %dma_wait3A_67 = arith.constant 0 : i32
      %dma_wait3A_68 = arith.constant 0 : i32
      %dma_wait3A_69 = tpu.memref_slice %arg8[%dma_wait3A_65, %dma_wait3A_67, %dma_wait3A_68] : memref<2x128x128xf32, #tpu.memory_space<vmem>> -> memref<1x128x128xf32, #tpu.memory_space<vmem>>
      %dma_wait3A_70 = tpu.memref_squeeze %dma_wait3A_69 : memref<1x128x128xf32, #tpu.memory_space<vmem>> -> memref<128x128xf32, #tpu.memory_space<vmem>>
      %dma_wait3A_71 = arith.constant 0 : i32
      %dma_wait3A_72 = tpu.memref_slice %arg7[%dma_wait3A_66, %dma_wait3A_71] : memref<16x128xi32, #tpu.memory_space<vmem>> -> memref<1x128xi32, #tpu.memory_space<vmem>>
      %dma_wait3A_73 = tpu.memref_squeeze %dma_wait3A_72 : memref<1x128xi32, #tpu.memory_space<vmem>> -> memref<128xi32, #tpu.memory_space<vmem>>
      %dma_wait3A_74 = arith.constant 0 : i32
      %dma_wait3A_75 = arith.constant 0 : i32
      %dma_wait3A_76 = tpu.memref_slice %arg9[%dma_wait3A_74, %dma_wait3A_75] : memref<10240x128xf32, #tpu.memory_space<vmem_shared>> -> memref<10240x128xf32, #tpu.memory_space<vmem_shared>>
      tpu.wait_indirect_dma semaphore(%arg11 : memref<!tpu.dma_semaphore, #tpu.memory_space<semaphore_mem>>) src(%dma_wait3A_70 : memref<128x128xf32, #tpu.memory_space<vmem>>) dst(%dma_wait3A_76 : memref<10240x128xf32, #tpu.memory_space<vmem_shared>>)
      %dma_start3A_77 = arith.constant 2 : i32
      %dma_start3A_78 = arith.constant 0 : i32
      %dma_start3A_79 = arith.constant 0 : i32
      %dma_start3A_80 = arith.constant 0 : i32
      %dma_start3A_81 = tpu.memref_slice %arg8[%dma_start3A_78, %dma_start3A_79, %dma_start3A_80] : memref<2x128x128xf32, #tpu.memory_space<vmem>> -> memref<1x128x128xf32, #tpu.memory_space<vmem>>
      %dma_start3A_82 = tpu.memref_squeeze %dma_start3A_81 : memref<1x128x128xf32, #tpu.memory_space<vmem>> -> memref<128x128xf32, #tpu.memory_space<vmem>>
      %dma_start3A_83 = arith.constant 0 : i32
      %dma_start3A_84 = tpu.memref_slice %arg6[%dma_start3A_77, %dma_start3A_83] : memref<16x128xi32, #tpu.memory_space<vmem>> -> memref<1x128xi32, #tpu.memory_space<vmem>>
      %dma_start3A_85 = tpu.memref_squeeze %dma_start3A_84 : memref<1x128xi32, #tpu.memory_space<vmem>> -> memref<128xi32, #tpu.memory_space<vmem>>
      %dma_start3A_86 = arith.constant 0 : i32
      %dma_start3A_87 = arith.constant 0 : i32
      %dma_start3A_88 = tpu.memref_slice %arg2[%dma_start3A_86, %dma_start3A_87] : memref<10000x128xf32, #tpu.memory_space<hbm>> -> memref<10000x128xf32, #tpu.memory_space<hbm>>
      tpu.enqueue_indirect_dma source(%dma_start3A_88 : memref<10000x128xf32, #tpu.memory_space<hbm>>) target(%dma_start3A_82 : memref<128x128xf32, #tpu.memory_space<vmem>>) offsets(%dma_start3A_85 : memref<128xi32, #tpu.memory_space<vmem>>) semaphore(%arg10 : memref<!tpu.dma_semaphore, #tpu.memory_space<semaphore_mem>>)
      %dma_wait3A_89 = arith.constant 1 : i32
      %dma_wait3A_90 = arith.constant 1 : i32
      %dma_wait3A_91 = arith.constant 0 : i32
      %dma_wait3A_92 = arith.constant 0 : i32
      %dma_wait3A_93 = tpu.memref_slice %arg8[%dma_wait3A_90, %dma_wait3A_91, %dma_wait3A_92] : memref<2x128x128xf32, #tpu.memory_space<vmem>> -> memref<1x128x128xf32, #tpu.memory_space<vmem>>
      %dma_wait3A_94 = tpu.memref_squeeze %dma_wait3A_93 : memref<1x128x128xf32, #tpu.memory_space<vmem>> -> memref<128x128xf32, #tpu.memory_space<vmem>>
      %dma_wait3A_95 = arith.constant 0 : i32
      %dma_wait3A_96 = tpu.memref_slice %arg6[%dma_wait3A_89, %dma_wait3A_95] : memref<16x128xi32, #tpu.memory_space<vmem>> -> memref<1x128xi32, #tpu.memory_space<vmem>>
      %dma_wait3A_97 = tpu.memref_squeeze %dma_wait3A_96 : memref<1x128xi32, #tpu.memory_space<vmem>> -> memref<128xi32, #tpu.memory_space<vmem>>
      %dma_wait3A_98 = arith.constant 0 : i32
      %dma_wait3A_99 = arith.constant 0 : i32
      %dma_wait3A_100 = tpu.memref_slice %arg2[%dma_wait3A_98, %dma_wait3A_99] : memref<10000x128xf32, #tpu.memory_space<hbm>> -> memref<10000x128xf32, #tpu.memory_space<hbm>>
      tpu.wait_indirect_dma semaphore(%arg10 : memref<!tpu.dma_semaphore, #tpu.memory_space<semaphore_mem>>) src(%dma_wait3A_100 : memref<10000x128xf32, #tpu.memory_space<hbm>>) dst(%dma_wait3A_94 : memref<128x128xf32, #tpu.memory_space<vmem>>)
      %dma_start3A_101 = arith.constant 1 : i32
      %dma_start3A_102 = arith.constant 1 : i32
      %dma_start3A_103 = arith.constant 0 : i32
      %dma_start3A_104 = arith.constant 0 : i32
      %dma_start3A_105 = tpu.memref_slice %arg8[%dma_start3A_101, %dma_start3A_103, %dma_start3A_104] : memref<2x128x128xf32, #tpu.memory_space<vmem>> -> memref<1x128x128xf32, #tpu.memory_space<vmem>>
      %dma_start3A_106 = tpu.memref_squeeze %dma_start3A_105 : memref<1x128x128xf32, #tpu.memory_space<vmem>> -> memref<128x128xf32, #tpu.memory_space<vmem>>
      %dma_start3A_107 = arith.constant 0 : i32
      %dma_start3A_108 = tpu.memref_slice %arg7[%dma_start3A_102, %dma_start3A_107] : memref<16x128xi32, #tpu.memory_space<vmem>> -> memref<1x128xi32, #tpu.memory_space<vmem>>
      %dma_start3A_109 = tpu.memref_squeeze %dma_start3A_108 : memref<1x128xi32, #tpu.memory_space<vmem>> -> memref<128xi32, #tpu.memory_space<vmem>>
      %dma_start3A_110 = arith.constant 0 : i32
      %dma_start3A_111 = arith.constant 0 : i32
      %dma_start3A_112 = tpu.memref_slice %arg9[%dma_start3A_110, %dma_start3A_111] : memref<10240x128xf32, #tpu.memory_space<vmem_shared>> -> memref<10240x128xf32, #tpu.memory_space<vmem_shared>>
      tpu.enqueue_indirect_dma source(%dma_start3A_106 : memref<128x128xf32, #tpu.memory_space<vmem>>) target(%dma_start3A_112 : memref<10240x128xf32, #tpu.memory_space<vmem_shared>>) offsets(%dma_start3A_109 : memref<128xi32, #tpu.memory_space<vmem>>) semaphore(%arg11 : memref<!tpu.dma_semaphore, #tpu.memory_space<semaphore_mem>>) {add = true}
      %dma_wait3A_113 = arith.constant 1 : i32
      %dma_wait3A_114 = arith.constant 1 : i32
      %dma_wait3A_115 = arith.constant 0 : i32
      %dma_wait3A_116 = arith.constant 0 : i32
      %dma_wait3A_117 = tpu.memref_slice %arg8[%dma_wait3A_113, %dma_wait3A_115, %dma_wait3A_116] : memref<2x128x128xf32, #tpu.memory_space<vmem>> -> memref<1x128x128xf32, #tpu.memory_space<vmem>>
      %dma_wait3A_118 = tpu.memref_squeeze %dma_wait3A_117 : memref<1x128x128xf32, #tpu.memory_space<vmem>> -> memref<128x128xf32, #tpu.memory_space<vmem>>
      %dma_wait3A_119 = arith.constant 0 : i32
      %dma_wait3A_120 = tpu.memref_slice %arg7[%dma_wait3A_114, %dma_wait3A_119] : memref<16x128xi32, #tpu.memory_space<vmem>> -> memref<1x128xi32, #tpu.memory_space<vmem>>
      %dma_wait3A_121 = tpu.memref_squeeze %dma_wait3A_120 : memref<1x128xi32, #tpu.memory_space<vmem>> -> memref<128xi32, #tpu.memory_space<vmem>>
      %dma_wait3A_122 = arith.constant 0 : i32
      %dma_wait3A_123 = arith.constant 0 : i32
      %dma_wait3A_124 = tpu.memref_slice %arg9[%dma_wait3A_122, %dma_wait3A_123] : memref<10240x128xf32, #tpu.memory_space<vmem_shared>> -> memref<10240x128xf32, #tpu.memory_space<vmem_shared>>
      tpu.wait_indirect_dma semaphore(%arg11 : memref<!tpu.dma_semaphore, #tpu.memory_space<semaphore_mem>>) src(%dma_wait3A_118 : memref<128x128xf32, #tpu.memory_space<vmem>>) dst(%dma_wait3A_124 : memref<10240x128xf32, #tpu.memory_space<vmem_shared>>)
      %dma_start3A_125 = arith.constant 3 : i32
      %dma_start3A_126 = arith.constant 1 : i32
      %dma_start3A_127 = arith.constant 0 : i32
      %dma_start3A_128 = arith.constant 0 : i32
      %dma_start3A_129 = tpu.memref_slice %arg8[%dma_start3A_126, %dma_start3A_127, %dma_start3A_128] : memref<2x128x128xf32, #tpu.memory_space<vmem>> -> memref<1x128x128xf32, #tpu.memory_space<vmem>>
      %dma_start3A_130 = tpu.memref_squeeze %dma_start3A_129 : memref<1x128x128xf32, #tpu.memory_space<vmem>> -> memref<128x128xf32, #tpu.memory_space<vmem>>
      %dma_start3A_131 = arith.constant 0 : i32
      %dma_start3A_132 = tpu.memref_slice %arg6[%dma_start3A_125, %dma_start3A_131] : memref<16x128xi32, #tpu.memory_space<vmem>> -> memref<1x128xi32, #tpu.memory_space<vmem>>
      %dma_start3A_133 = tpu.memref_squeeze %dma_start3A_132 : memref<1x128xi32, #tpu.memory_space<vmem>> -> memref<128xi32, #tpu.memory_space<vmem>>
      %dma_start3A_134 = arith.constant 0 : i32
      %dma_start3A_135 = arith.constant 0 : i32
      %dma_start3A_136 = tpu.memref_slice %arg2[%dma_start3A_134, %dma_start3A_135] : memref<10000x128xf32, #tpu.memory_space<hbm>> -> memref<10000x128xf32, #tpu.memory_space<hbm>>
      tpu.enqueue_indirect_dma source(%dma_start3A_136 : memref<10000x128xf32, #tpu.memory_space<hbm>>) target(%dma_start3A_130 : memref<128x128xf32, #tpu.memory_space<vmem>>) offsets(%dma_start3A_133 : memref<128xi32, #tpu.memory_space<vmem>>) semaphore(%arg10 : memref<!tpu.dma_semaphore, #tpu.memory_space<semaphore_mem>>)
      %dma_wait3A_137 = arith.constant 2 : i32
      %dma_wait3A_138 = arith.constant 0 : i32
      %dma_wait3A_139 = arith.constant 0 : i32
      %dma_wait3A_140 = arith.constant 0 : i32
      %dma_wait3A_141 = tpu.memref_slice %arg8[%dma_wait3A_138, %dma_wait3A_139, %dma_wait3A_140] : memref<2x128x128xf32, #tpu.memory_space<vmem>> -> memref<1x128x128xf32, #tpu.memory_space<vmem>>
      %dma_wait3A_142 = tpu.memref_squeeze %dma_wait3A_141 : memref<1x128x128xf32, #tpu.memory_space<vmem>> -> memref<128x128xf32, #tpu.memory_space<vmem>>
      %dma_wait3A_143 = arith.constant 0 : i32
      %dma_wait3A_144 = tpu.memref_slice %arg6[%dma_wait3A_137, %dma_wait3A_143] : memref<16x128xi32, #tpu.memory_space<vmem>> -> memref<1x128xi32, #tpu.memory_space<vmem>>
      %dma_wait3A_145 = tpu.memref_squeeze %dma_wait3A_144 : memref<1x128xi32, #tpu.memory_space<vmem>> -> memref<128xi32, #tpu.memory_space<vmem>>
      %dma_wait3A_146 = arith.constant 0 : i32
      %dma_wait3A_147 = arith.constant 0 : i32
      %dma_wait3A_148 = tpu.memref_slice %arg2[%dma_wait3A_146, %dma_wait3A_147] : memref<10000x128xf32, #tpu.memory_space<hbm>> -> memref<10000x128xf32, #tpu.memory_space<hbm>>
      tpu.wait_indirect_dma semaphore(%arg10 : memref<!tpu.dma_semaphore, #tpu.memory_space<semaphore_mem>>) src(%dma_wait3A_148 : memref<10000x128xf32, #tpu.memory_space<hbm>>) dst(%dma_wait3A_142 : memref<128x128xf32, #tpu.memory_space<vmem>>)
      %dma_start3A_149 = arith.constant 0 : i32
      %dma_start3A_150 = arith.constant 2 : i32
      %dma_start3A_151 = arith.constant 0 : i32
      %dma_start3A_152 = arith.constant 0 : i32
      %dma_start3A_153 = tpu.memref_slice %arg8[%dma_start3A_149, %dma_start3A_151, %dma_start3A_152] : memref<2x128x128xf32, #tpu.memory_space<vmem>> -> memref<1x128x128xf32, #tpu.memory_space<vmem>>
      %dma_start3A_154 = tpu.memref_squeeze %dma_start3A_153 : memref<1x128x128xf32, #tpu.memory_space<vmem>> -> memref<128x128xf32, #tpu.memory_space<vmem>>
      %dma_start3A_155 = arith.constant 0 : i32
      %dma_start3A_156 = tpu.memref_slice %arg7[%dma_start3A_150, %dma_start3A_155] : memref<16x128xi32, #tpu.memory_space<vmem>> -> memref<1x128xi32, #tpu.memory_space<vmem>>
      %dma_start3A_157 = tpu.memref_squeeze %dma_start3A_156 : memref<1x128xi32, #tpu.memory_space<vmem>> -> memref<128xi32, #tpu.memory_space<vmem>>
      %dma_start3A_158 = arith.constant 0 : i32
      %dma_start3A_159 = arith.constant 0 : i32
      %dma_start3A_160 = tpu.memref_slice %arg9[%dma_start3A_158, %dma_start3A_159] : memref<10240x128xf32, #tpu.memory_space<vmem_shared>> -> memref<10240x128xf32, #tpu.memory_space<vmem_shared>>
      tpu.enqueue_indirect_dma source(%dma_start3A_154 : memref<128x128xf32, #tpu.memory_space<vmem>>) target(%dma_start3A_160 : memref<10240x128xf32, #tpu.memory_space<vmem_shared>>) offsets(%dma_start3A_157 : memref<128xi32, #tpu.memory_space<vmem>>) semaphore(%arg11 : memref<!tpu.dma_semaphore, #tpu.memory_space<semaphore_mem>>) {add = true}
      %dma_wait3A_161 = arith.constant 0 : i32
      %dma_wait3A_162 = arith.constant 2 : i32
      %dma_wait3A_163 = arith.constant 0 : i32
      %dma_wait3A_164 = arith.constant 0 : i32
      %dma_wait3A_165 = tpu.memref_slice %arg8[%dma_wait3A_161, %dma_wait3A_163, %dma_wait3A_164] : memref<2x128x128xf32, #tpu.memory_space<vmem>> -> memref<1x128x128xf32, #tpu.memory_space<vmem>>
      %dma_wait3A_166 = tpu.memref_squeeze %dma_wait3A_165 : memref<1x128x128xf32, #tpu.memory_space<vmem>> -> memref<128x128xf32, #tpu.memory_space<vmem>>
      %dma_wait3A_167 = arith.constant 0 : i32
      %dma_wait3A_168 = tpu.memref_slice %arg7[%dma_wait3A_162, %dma_wait3A_167] : memref<16x128xi32, #tpu.memory_space<vmem>> -> memref<1x128xi32, #tpu.memory_space<vmem>>
      %dma_wait3A_169 = tpu.memref_squeeze %dma_wait3A_168 : memref<1x128xi32, #tpu.memory_space<vmem>> -> memref<128xi32, #tpu.memory_space<vmem>>
      %dma_wait3A_170 = arith.constant 0 : i32
      %dma_wait3A_171 = arith.constant 0 : i32
      %dma_wait3A_172 = tpu.memref_slice %arg9[%dma_wait3A_170, %dma_wait3A_171] : memref<10240x128xf32, #tpu.memory_space<vmem_shared>> -> memref<10240x128xf32, #tpu.memory_space<vmem_shared>>
      tpu.wait_indirect_dma semaphore(%arg11 : memref<!tpu.dma_semaphore, #tpu.memory_space<semaphore_mem>>) src(%dma_wait3A_166 : memref<128x128xf32, #tpu.memory_space<vmem>>) dst(%dma_wait3A_172 : memref<10240x128xf32, #tpu.memory_space<vmem_shared>>)
      %dma_start3A_173 = arith.constant 4 : i32
      %dma_start3A_174 = arith.constant 0 : i32
      %dma_start3A_175 = arith.constant 0 : i32
      %dma_start3A_176 = arith.constant 0 : i32
      %dma_start3A_177 = tpu.memref_slice %arg8[%dma_start3A_174, %dma_start3A_175, %dma_start3A_176] : memref<2x128x128xf32, #tpu.memory_space<vmem>> -> memref<1x128x128xf32, #tpu.memory_space<vmem>>
      %dma_start3A_178 = tpu.memref_squeeze %dma_start3A_177 : memref<1x128x128xf32, #tpu.memory_space<vmem>> -> memref<128x128xf32, #tpu.memory_space<vmem>>
      %dma_start3A_179 = arith.constant 0 : i32
      %dma_start3A_180 = tpu.memref_slice %arg6[%dma_start3A_173, %dma_start3A_179] : memref<16x128xi32, #tpu.memory_space<vmem>> -> memref<1x128xi32, #tpu.memory_space<vmem>>
      %dma_start3A_181 = tpu.memref_squeeze %dma_start3A_180 : memref<1x128xi32, #tpu.memory_space<vmem>> -> memref<128xi32, #tpu.memory_space<vmem>>
      %dma_start3A_182 = arith.constant 0 : i32
      %dma_start3A_183 = arith.constant 0 : i32
      %dma_start3A_184 = tpu.memref_slice %arg2[%dma_start3A_182, %dma_start3A_183] : memref<10000x128xf32, #tpu.memory_space<hbm>> -> memref<10000x128xf32, #tpu.memory_space<hbm>>
      tpu.enqueue_indirect_dma source(%dma_start3A_184 : memref<10000x128xf32, #tpu.memory_space<hbm>>) target(%dma_start3A_178 : memref<128x128xf32, #tpu.memory_space<vmem>>) offsets(%dma_start3A_181 : memref<128xi32, #tpu.memory_space<vmem>>) semaphore(%arg10 : memref<!tpu.dma_semaphore, #tpu.memory_space<semaphore_mem>>)
      %dma_wait3A_185 = arith.constant 3 : i32
      %dma_wait3A_186 = arith.constant 1 : i32
      %dma_wait3A_187 = arith.constant 0 : i32
      %dma_wait3A_188 = arith.constant 0 : i32
      %dma_wait3A_189 = tpu.memref_slice %arg8[%dma_wait3A_186, %dma_wait3A_187, %dma_wait3A_188] : memref<2x128x128xf32, #tpu.memory_space<vmem>> -> memref<1x128x128xf32, #tpu.memory_space<vmem>>
      %dma_wait3A_190 = tpu.memref_squeeze %dma_wait3A_189 : memref<1x128x128xf32, #tpu.memory_space<vmem>> -> memref<128x128xf32, #tpu.memory_space<vmem>>
      %dma_wait3A_191 = arith.constant 0 : i32
      %dma_wait3A_192 = tpu.memref_slice %arg6[%dma_wait3A_185, %dma_wait3A_191] : memref<16x128xi32, #tpu.memory_space<vmem>> -> memref<1x128xi32, #tpu.memory_space<vmem>>
      %dma_wait3A_193 = tpu.memref_squeeze %dma_wait3A_192 : memref<1x128xi32, #tpu.memory_space<vmem>> -> memref<128xi32, #tpu.memory_space<vmem>>
      %dma_wait3A_194 = arith.constant 0 : i32
      %dma_wait3A_195 = arith.constant 0 : i32
      %dma_wait3A_196 = tpu.memref_slice %arg2[%dma_wait3A_194, %dma_wait3A_195] : memref<10000x128xf32, #tpu.memory_space<hbm>> -> memref<10000x128xf32, #tpu.memory_space<hbm>>
      tpu.wait_indirect_dma semaphore(%arg10 : memref<!tpu.dma_semaphore, #tpu.memory_space<semaphore_mem>>) src(%dma_wait3A_196 : memref<10000x128xf32, #tpu.memory_space<hbm>>) dst(%dma_wait3A_190 : memref<128x128xf32, #tpu.memory_space<vmem>>)
      %dma_start3A_197 = arith.constant 1 : i32
      %dma_start3A_198 = arith.constant 3 : i32
      %dma_start3A_199 = arith.constant 0 : i32
      %dma_start3A_200 = arith.constant 0 : i32
      %dma_start3A_201 = tpu.memref_slice %arg8[%dma_start3A_197, %dma_start3A_199, %dma_start3A_200] : memref<2x128x128xf32, #tpu.memory_space<vmem>> -> memref<1x128x128xf32, #tpu.memory_space<vmem>>
      %dma_start3A_202 = tpu.memref_squeeze %dma_start3A_201 : memref<1x128x128xf32, #tpu.memory_space<vmem>> -> memref<128x128xf32, #tpu.memory_space<vmem>>
      %dma_start3A_203 = arith.constant 0 : i32
      %dma_start3A_204 = tpu.memref_slice %arg7[%dma_start3A_198, %dma_start3A_203] : memref<16x128xi32, #tpu.memory_space<vmem>> -> memref<1x128xi32, #tpu.memory_space<vmem>>
      %dma_start3A_205 = tpu.memref_squeeze %dma_start3A_204 : memref<1x128xi32, #tpu.memory_space<vmem>> -> memref<128xi32, #tpu.memory_space<vmem>>
      %dma_start3A_206 = arith.constant 0 : i32
      %dma_start3A_207 = arith.constant 0 : i32
      %dma_start3A_208 = tpu.memref_slice %arg9[%dma_start3A_206, %dma_start3A_207] : memref<10240x128xf32, #tpu.memory_space<vmem_shared>> -> memref<10240x128xf32, #tpu.memory_space<vmem_shared>>
      tpu.enqueue_indirect_dma source(%dma_start3A_202 : memref<128x128xf32, #tpu.memory_space<vmem>>) target(%dma_start3A_208 : memref<10240x128xf32, #tpu.memory_space<vmem_shared>>) offsets(%dma_start3A_205 : memref<128xi32, #tpu.memory_space<vmem>>) semaphore(%arg11 : memref<!tpu.dma_semaphore, #tpu.memory_space<semaphore_mem>>) {add = true}
      %dma_wait3A_209 = arith.constant 1 : i32
      %dma_wait3A_210 = arith.constant 3 : i32
      %dma_wait3A_211 = arith.constant 0 : i32
      %dma_wait3A_212 = arith.constant 0 : i32
      %dma_wait3A_213 = tpu.memref_slice %arg8[%dma_wait3A_209, %dma_wait3A_211, %dma_wait3A_212] : memref<2x128x128xf32, #tpu.memory_space<vmem>> -> memref<1x128x128xf32, #tpu.memory_space<vmem>>
      %dma_wait3A_214 = tpu.memref_squeeze %dma_wait3A_213 : memref<1x128x128xf32, #tpu.memory_space<vmem>> -> memref<128x128xf32, #tpu.memory_space<vmem>>
      %dma_wait3A_215 = arith.constant 0 : i32
      %dma_wait3A_216 = tpu.memref_slice %arg7[%dma_wait3A_210, %dma_wait3A_215] : memref<16x128xi32, #tpu.memory_space<vmem>> -> memref<1x128xi32, #tpu.memory_space<vmem>>
      %dma_wait3A_217 = tpu.memref_squeeze %dma_wait3A_216 : memref<1x128xi32, #tpu.memory_space<vmem>> -> memref<128xi32, #tpu.memory_space<vmem>>
      %dma_wait3A_218 = arith.constant 0 : i32
      %dma_wait3A_219 = arith.constant 0 : i32
      %dma_wait3A_220 = tpu.memref_slice %arg9[%dma_wait3A_218, %dma_wait3A_219] : memref<10240x128xf32, #tpu.memory_space<vmem_shared>> -> memref<10240x128xf32, #tpu.memory_space<vmem_shared>>
      tpu.wait_indirect_dma semaphore(%arg11 : memref<!tpu.dma_semaphore, #tpu.memory_space<semaphore_mem>>) src(%dma_wait3A_214 : memref<128x128xf32, #tpu.memory_space<vmem>>) dst(%dma_wait3A_220 : memref<10240x128xf32, #tpu.memory_space<vmem_shared>>)
      %dma_start3A_221 = arith.constant 5 : i32
      %dma_start3A_222 = arith.constant 1 : i32
      %dma_start3A_223 = arith.constant 0 : i32
      %dma_start3A_224 = arith.constant 0 : i32
      %dma_start3A_225 = tpu.memref_slice %arg8[%dma_start3A_222, %dma_start3A_223, %dma_start3A_224] : memref<2x128x128xf32, #tpu.memory_space<vmem>> -> memref<1x128x128xf32, #tpu.memory_space<vmem>>
      %dma_start3A_226 = tpu.memref_squeeze %dma_start3A_225 : memref<1x128x128xf32, #tpu.memory_space<vmem>> -> memref<128x128xf32, #tpu.memory_space<vmem>>
      %dma_start3A_227 = arith.constant 0 : i32
      %dma_start3A_228 = tpu.memref_slice %arg6[%dma_start3A_221, %dma_start3A_227] : memref<16x128xi32, #tpu.memory_space<vmem>> -> memref<1x128xi32, #tpu.memory_space<vmem>>
      %dma_start3A_229 = tpu.memref_squeeze %dma_start3A_228 : memref<1x128xi32, #tpu.memory_space<vmem>> -> memref<128xi32, #tpu.memory_space<vmem>>
      %dma_start3A_230 = arith.constant 0 : i32
      %dma_start3A_231 = arith.constant 0 : i32
      %dma_start3A_232 = tpu.memref_slice %arg2[%dma_start3A_230, %dma_start3A_231] : memref<10000x128xf32, #tpu.memory_space<hbm>> -> memref<10000x128xf32, #tpu.memory_space<hbm>>
      tpu.enqueue_indirect_dma source(%dma_start3A_232 : memref<10000x128xf32, #tpu.memory_space<hbm>>) target(%dma_start3A_226 : memref<128x128xf32, #tpu.memory_space<vmem>>) offsets(%dma_start3A_229 : memref<128xi32, #tpu.memory_space<vmem>>) semaphore(%arg10 : memref<!tpu.dma_semaphore, #tpu.memory_space<semaphore_mem>>)
      %dma_wait3A_233 = arith.constant 4 : i32
      %dma_wait3A_234 = arith.constant 0 : i32
      %dma_wait3A_235 = arith.constant 0 : i32
      %dma_wait3A_236 = arith.constant 0 : i32
      %dma_wait3A_237 = tpu.memref_slice %arg8[%dma_wait3A_234, %dma_wait3A_235, %dma_wait3A_236] : memref<2x128x128xf32, #tpu.memory_space<vmem>> -> memref<1x128x128xf32, #tpu.memory_space<vmem>>
      %dma_wait3A_238 = tpu.memref_squeeze %dma_wait3A_237 : memref<1x128x128xf32, #tpu.memory_space<vmem>> -> memref<128x128xf32, #tpu.memory_space<vmem>>
      %dma_wait3A_239 = arith.constant 0 : i32
      %dma_wait3A_240 = tpu.memref_slice %arg6[%dma_wait3A_233, %dma_wait3A_239] : memref<16x128xi32, #tpu.memory_space<vmem>> -> memref<1x128xi32, #tpu.memory_space<vmem>>
      %dma_wait3A_241 = tpu.memref_squeeze %dma_wait3A_240 : memref<1x128xi32, #tpu.memory_space<vmem>> -> memref<128xi32, #tpu.memory_space<vmem>>
      %dma_wait3A_242 = arith.constant 0 : i32
      %dma_wait3A_243 = arith.constant 0 : i32
      %dma_wait3A_244 = tpu.memref_slice %arg2[%dma_wait3A_242, %dma_wait3A_243] : memref<10000x128xf32, #tpu.memory_space<hbm>> -> memref<10000x128xf32, #tpu.memory_space<hbm>>
      tpu.wait_indirect_dma semaphore(%arg10 : memref<!tpu.dma_semaphore, #tpu.memory_space<semaphore_mem>>) src(%dma_wait3A_244 : memref<10000x128xf32, #tpu.memory_space<hbm>>) dst(%dma_wait3A_238 : memref<128x128xf32, #tpu.memory_space<vmem>>)
      %dma_start3A_245 = arith.constant 0 : i32
      %dma_start3A_246 = arith.constant 4 : i32
      %dma_start3A_247 = arith.constant 0 : i32
      %dma_start3A_248 = arith.constant 0 : i32
      %dma_start3A_249 = tpu.memref_slice %arg8[%dma_start3A_245, %dma_start3A_247, %dma_start3A_248] : memref<2x128x128xf32, #tpu.memory_space<vmem>> -> memref<1x128x128xf32, #tpu.memory_space<vmem>>
      %dma_start3A_250 = tpu.memref_squeeze %dma_start3A_249 : memref<1x128x128xf32, #tpu.memory_space<vmem>> -> memref<128x128xf32, #tpu.memory_space<vmem>>
      %dma_start3A_251 = arith.constant 0 : i32
      %dma_start3A_252 = tpu.memref_slice %arg7[%dma_start3A_246, %dma_start3A_251] : memref<16x128xi32, #tpu.memory_space<vmem>> -> memref<1x128xi32, #tpu.memory_space<vmem>>
      %dma_start3A_253 = tpu.memref_squeeze %dma_start3A_252 : memref<1x128xi32, #tpu.memory_space<vmem>> -> memref<128xi32, #tpu.memory_space<vmem>>
      %dma_start3A_254 = arith.constant 0 : i32
      %dma_start3A_255 = arith.constant 0 : i32
      %dma_start3A_256 = tpu.memref_slice %arg9[%dma_start3A_254, %dma_start3A_255] : memref<10240x128xf32, #tpu.memory_space<vmem_shared>> -> memref<10240x128xf32, #tpu.memory_space<vmem_shared>>
      tpu.enqueue_indirect_dma source(%dma_start3A_250 : memref<128x128xf32, #tpu.memory_space<vmem>>) target(%dma_start3A_256 : memref<10240x128xf32, #tpu.memory_space<vmem_shared>>) offsets(%dma_start3A_253 : memref<128xi32, #tpu.memory_space<vmem>>) semaphore(%arg11 : memref<!tpu.dma_semaphore, #tpu.memory_space<semaphore_mem>>) {add = true}
      %dma_wait3A_257 = arith.constant 0 : i32
      %dma_wait3A_258 = arith.constant 4 : i32
      %dma_wait3A_259 = arith.constant 0 : i32
      %dma_wait3A_260 = arith.constant 0 : i32
      %dma_wait3A_261 = tpu.memref_slice %arg8[%dma_wait3A_257, %dma_wait3A_259, %dma_wait3A_260] : memref<2x128x128xf32, #tpu.memory_space<vmem>> -> memref<1x128x128xf32, #tpu.memory_space<vmem>>
      %dma_wait3A_262 = tpu.memref_squeeze %dma_wait3A_261 : memref<1x128x128xf32, #tpu.memory_space<vmem>> -> memref<128x128xf32, #tpu.memory_space<vmem>>
      %dma_wait3A_263 = arith.constant 0 : i32
      %dma_wait3A_264 = tpu.memref_slice %arg7[%dma_wait3A_258, %dma_wait3A_263] : memref<16x128xi32, #tpu.memory_space<vmem>> -> memref<1x128xi32, #tpu.memory_space<vmem>>
      %dma_wait3A_265 = tpu.memref_squeeze %dma_wait3A_264 : memref<1x128xi32, #tpu.memory_space<vmem>> -> memref<128xi32, #tpu.memory_space<vmem>>
      %dma_wait3A_266 = arith.constant 0 : i32
      %dma_wait3A_267 = arith.constant 0 : i32
      %dma_wait3A_268 = tpu.memref_slice %arg9[%dma_wait3A_266, %dma_wait3A_267] : memref<10240x128xf32, #tpu.memory_space<vmem_shared>> -> memref<10240x128xf32, #tpu.memory_space<vmem_shared>>
      tpu.wait_indirect_dma semaphore(%arg11 : memref<!tpu.dma_semaphore, #tpu.memory_space<semaphore_mem>>) src(%dma_wait3A_262 : memref<128x128xf32, #tpu.memory_space<vmem>>) dst(%dma_wait3A_268 : memref<10240x128xf32, #tpu.memory_space<vmem_shared>>)
      %dma_start3A_269 = arith.constant 6 : i32
      %dma_start3A_270 = arith.constant 0 : i32
      %dma_start3A_271 = arith.constant 0 : i32
      %dma_start3A_272 = arith.constant 0 : i32
      %dma_start3A_273 = tpu.memref_slice %arg8[%dma_start3A_270, %dma_start3A_271, %dma_start3A_272] : memref<2x128x128xf32, #tpu.memory_space<vmem>> -> memref<1x128x128xf32, #tpu.memory_space<vmem>>
      %dma_start3A_274 = tpu.memref_squeeze %dma_start3A_273 : memref<1x128x128xf32, #tpu.memory_space<vmem>> -> memref<128x128xf32, #tpu.memory_space<vmem>>
      %dma_start3A_275 = arith.constant 0 : i32
      %dma_start3A_276 = tpu.memref_slice %arg6[%dma_start3A_269, %dma_start3A_275] : memref<16x128xi32, #tpu.memory_space<vmem>> -> memref<1x128xi32, #tpu.memory_space<vmem>>
      %dma_start3A_277 = tpu.memref_squeeze %dma_start3A_276 : memref<1x128xi32, #tpu.memory_space<vmem>> -> memref<128xi32, #tpu.memory_space<vmem>>
      %dma_start3A_278 = arith.constant 0 : i32
      %dma_start3A_279 = arith.constant 0 : i32
      %dma_start3A_280 = tpu.memref_slice %arg2[%dma_start3A_278, %dma_start3A_279] : memref<10000x128xf32, #tpu.memory_space<hbm>> -> memref<10000x128xf32, #tpu.memory_space<hbm>>
      tpu.enqueue_indirect_dma source(%dma_start3A_280 : memref<10000x128xf32, #tpu.memory_space<hbm>>) target(%dma_start3A_274 : memref<128x128xf32, #tpu.memory_space<vmem>>) offsets(%dma_start3A_277 : memref<128xi32, #tpu.memory_space<vmem>>) semaphore(%arg10 : memref<!tpu.dma_semaphore, #tpu.memory_space<semaphore_mem>>)
      %dma_wait3A_281 = arith.constant 5 : i32
      %dma_wait3A_282 = arith.constant 1 : i32
      %dma_wait3A_283 = arith.constant 0 : i32
      %dma_wait3A_284 = arith.constant 0 : i32
      %dma_wait3A_285 = tpu.memref_slice %arg8[%dma_wait3A_282, %dma_wait3A_283, %dma_wait3A_284] : memref<2x128x128xf32, #tpu.memory_space<vmem>> -> memref<1x128x128xf32, #tpu.memory_space<vmem>>
      %dma_wait3A_286 = tpu.memref_squeeze %dma_wait3A_285 : memref<1x128x128xf32, #tpu.memory_space<vmem>> -> memref<128x128xf32, #tpu.memory_space<vmem>>
      %dma_wait3A_287 = arith.constant 0 : i32
      %dma_wait3A_288 = tpu.memref_slice %arg6[%dma_wait3A_281, %dma_wait3A_287] : memref<16x128xi32, #tpu.memory_space<vmem>> -> memref<1x128xi32, #tpu.memory_space<vmem>>
      %dma_wait3A_289 = tpu.memref_squeeze %dma_wait3A_288 : memref<1x128xi32, #tpu.memory_space<vmem>> -> memref<128xi32, #tpu.memory_space<vmem>>
      %dma_wait3A_290 = arith.constant 0 : i32
      %dma_wait3A_291 = arith.constant 0 : i32
      %dma_wait3A_292 = tpu.memref_slice %arg2[%dma_wait3A_290, %dma_wait3A_291] : memref<10000x128xf32, #tpu.memory_space<hbm>> -> memref<10000x128xf32, #tpu.memory_space<hbm>>
      tpu.wait_indirect_dma semaphore(%arg10 : memref<!tpu.dma_semaphore, #tpu.memory_space<semaphore_mem>>) src(%dma_wait3A_292 : memref<10000x128xf32, #tpu.memory_space<hbm>>) dst(%dma_wait3A_286 : memref<128x128xf32, #tpu.memory_space<vmem>>)
      %dma_start3A_293 = arith.constant 1 : i32
      %dma_start3A_294 = arith.constant 5 : i32
      %dma_start3A_295 = arith.constant 0 : i32
      %dma_start3A_296 = arith.constant 0 : i32
      %dma_start3A_297 = tpu.memref_slice %arg8[%dma_start3A_293, %dma_start3A_295, %dma_start3A_296] : memref<2x128x128xf32, #tpu.memory_space<vmem>> -> memref<1x128x128xf32, #tpu.memory_space<vmem>>
      %dma_start3A_298 = tpu.memref_squeeze %dma_start3A_297 : memref<1x128x128xf32, #tpu.memory_space<vmem>> -> memref<128x128xf32, #tpu.memory_space<vmem>>
      %dma_start3A_299 = arith.constant 0 : i32
      %dma_start3A_300 = tpu.memref_slice %arg7[%dma_start3A_294, %dma_start3A_299] : memref<16x128xi32, #tpu.memory_space<vmem>> -> memref<1x128xi32, #tpu.memory_space<vmem>>
      %dma_start3A_301 = tpu.memref_squeeze %dma_start3A_300 : memref<1x128xi32, #tpu.memory_space<vmem>> -> memref<128xi32, #tpu.memory_space<vmem>>
      %dma_start3A_302 = arith.constant 0 : i32
      %dma_start3A_303 = arith.constant 0 : i32
      %dma_start3A_304 = tpu.memref_slice %arg9[%dma_start3A_302, %dma_start3A_303] : memref<10240x128xf32, #tpu.memory_space<vmem_shared>> -> memref<10240x128xf32, #tpu.memory_space<vmem_shared>>
      tpu.enqueue_indirect_dma source(%dma_start3A_298 : memref<128x128xf32, #tpu.memory_space<vmem>>) target(%dma_start3A_304 : memref<10240x128xf32, #tpu.memory_space<vmem_shared>>) offsets(%dma_start3A_301 : memref<128xi32, #tpu.memory_space<vmem>>) semaphore(%arg11 : memref<!tpu.dma_semaphore, #tpu.memory_space<semaphore_mem>>) {add = true}
      %dma_wait3A_305 = arith.constant 1 : i32
      %dma_wait3A_306 = arith.constant 5 : i32
      %dma_wait3A_307 = arith.constant 0 : i32
      %dma_wait3A_308 = arith.constant 0 : i32
      %dma_wait3A_309 = tpu.memref_slice %arg8[%dma_wait3A_305, %dma_wait3A_307, %dma_wait3A_308] : memref<2x128x128xf32, #tpu.memory_space<vmem>> -> memref<1x128x128xf32, #tpu.memory_space<vmem>>
      %dma_wait3A_310 = tpu.memref_squeeze %dma_wait3A_309 : memref<1x128x128xf32, #tpu.memory_space<vmem>> -> memref<128x128xf32, #tpu.memory_space<vmem>>
      %dma_wait3A_311 = arith.constant 0 : i32
      %dma_wait3A_312 = tpu.memref_slice %arg7[%dma_wait3A_306, %dma_wait3A_311] : memref<16x128xi32, #tpu.memory_space<vmem>> -> memref<1x128xi32, #tpu.memory_space<vmem>>
      %dma_wait3A_313 = tpu.memref_squeeze %dma_wait3A_312 : memref<1x128xi32, #tpu.memory_space<vmem>> -> memref<128xi32, #tpu.memory_space<vmem>>
      %dma_wait3A_314 = arith.constant 0 : i32
      %dma_wait3A_315 = arith.constant 0 : i32
      %dma_wait3A_316 = tpu.memref_slice %arg9[%dma_wait3A_314, %dma_wait3A_315] : memref<10240x128xf32, #tpu.memory_space<vmem_shared>> -> memref<10240x128xf32, #tpu.memory_space<vmem_shared>>
      tpu.wait_indirect_dma semaphore(%arg11 : memref<!tpu.dma_semaphore, #tpu.memory_space<semaphore_mem>>) src(%dma_wait3A_310 : memref<128x128xf32, #tpu.memory_space<vmem>>) dst(%dma_wait3A_316 : memref<10240x128xf32, #tpu.memory_space<vmem_shared>>)
      %dma_start3A_317 = arith.constant 7 : i32
      %dma_start3A_318 = arith.constant 1 : i32
      %dma_start3A_319 = arith.constant 0 : i32
      %dma_start3A_320 = arith.constant 0 : i32
      %dma_start3A_321 = tpu.memref_slice %arg8[%dma_start3A_318, %dma_start3A_319, %dma_start3A_320] : memref<2x128x128xf32, #tpu.memory_space<vmem>> -> memref<1x128x128xf32, #tpu.memory_space<vmem>>
      %dma_start3A_322 = tpu.memref_squeeze %dma_start3A_321 : memref<1x128x128xf32, #tpu.memory_space<vmem>> -> memref<128x128xf32, #tpu.memory_space<vmem>>
      %dma_start3A_323 = arith.constant 0 : i32
      %dma_start3A_324 = tpu.memref_slice %arg6[%dma_start3A_317, %dma_start3A_323] : memref<16x128xi32, #tpu.memory_space<vmem>> -> memref<1x128xi32, #tpu.memory_space<vmem>>
      %dma_start3A_325 = tpu.memref_squeeze %dma_start3A_324 : memref<1x128xi32, #tpu.memory_space<vmem>> -> memref<128xi32, #tpu.memory_space<vmem>>
      %dma_start3A_326 = arith.constant 0 : i32
      %dma_start3A_327 = arith.constant 0 : i32
      %dma_start3A_328 = tpu.memref_slice %arg2[%dma_start3A_326, %dma_start3A_327] : memref<10000x128xf32, #tpu.memory_space<hbm>> -> memref<10000x128xf32, #tpu.memory_space<hbm>>
      tpu.enqueue_indirect_dma source(%dma_start3A_328 : memref<10000x128xf32, #tpu.memory_space<hbm>>) target(%dma_start3A_322 : memref<128x128xf32, #tpu.memory_space<vmem>>) offsets(%dma_start3A_325 : memref<128xi32, #tpu.memory_space<vmem>>) semaphore(%arg10 : memref<!tpu.dma_semaphore, #tpu.memory_space<semaphore_mem>>)
      %dma_wait3A_329 = arith.constant 6 : i32
      %dma_wait3A_330 = arith.constant 0 : i32
      %dma_wait3A_331 = arith.constant 0 : i32
      %dma_wait3A_332 = arith.constant 0 : i32
      %dma_wait3A_333 = tpu.memref_slice %arg8[%dma_wait3A_330, %dma_wait3A_331, %dma_wait3A_332] : memref<2x128x128xf32, #tpu.memory_space<vmem>> -> memref<1x128x128xf32, #tpu.memory_space<vmem>>
      %dma_wait3A_334 = tpu.memref_squeeze %dma_wait3A_333 : memref<1x128x128xf32, #tpu.memory_space<vmem>> -> memref<128x128xf32, #tpu.memory_space<vmem>>
      %dma_wait3A_335 = arith.constant 0 : i32
      %dma_wait3A_336 = tpu.memref_slice %arg6[%dma_wait3A_329, %dma_wait3A_335] : memref<16x128xi32, #tpu.memory_space<vmem>> -> memref<1x128xi32, #tpu.memory_space<vmem>>
      %dma_wait3A_337 = tpu.memref_squeeze %dma_wait3A_336 : memref<1x128xi32, #tpu.memory_space<vmem>> -> memref<128xi32, #tpu.memory_space<vmem>>
      %dma_wait3A_338 = arith.constant 0 : i32
      %dma_wait3A_339 = arith.constant 0 : i32
      %dma_wait3A_340 = tpu.memref_slice %arg2[%dma_wait3A_338, %dma_wait3A_339] : memref<10000x128xf32, #tpu.memory_space<hbm>> -> memref<10000x128xf32, #tpu.memory_space<hbm>>
      tpu.wait_indirect_dma semaphore(%arg10 : memref<!tpu.dma_semaphore, #tpu.memory_space<semaphore_mem>>) src(%dma_wait3A_340 : memref<10000x128xf32, #tpu.memory_space<hbm>>) dst(%dma_wait3A_334 : memref<128x128xf32, #tpu.memory_space<vmem>>)
      %dma_start3A_341 = arith.constant 0 : i32
      %dma_start3A_342 = arith.constant 6 : i32
      %dma_start3A_343 = arith.constant 0 : i32
      %dma_start3A_344 = arith.constant 0 : i32
      %dma_start3A_345 = tpu.memref_slice %arg8[%dma_start3A_341, %dma_start3A_343, %dma_start3A_344] : memref<2x128x128xf32, #tpu.memory_space<vmem>> -> memref<1x128x128xf32, #tpu.memory_space<vmem>>
      %dma_start3A_346 = tpu.memref_squeeze %dma_start3A_345 : memref<1x128x128xf32, #tpu.memory_space<vmem>> -> memref<128x128xf32, #tpu.memory_space<vmem>>
      %dma_start3A_347 = arith.constant 0 : i32
      %dma_start3A_348 = tpu.memref_slice %arg7[%dma_start3A_342, %dma_start3A_347] : memref<16x128xi32, #tpu.memory_space<vmem>> -> memref<1x128xi32, #tpu.memory_space<vmem>>
      %dma_start3A_349 = tpu.memref_squeeze %dma_start3A_348 : memref<1x128xi32, #tpu.memory_space<vmem>> -> memref<128xi32, #tpu.memory_space<vmem>>
      %dma_start3A_350 = arith.constant 0 : i32
      %dma_start3A_351 = arith.constant 0 : i32
      %dma_start3A_352 = tpu.memref_slice %arg9[%dma_start3A_350, %dma_start3A_351] : memref<10240x128xf32, #tpu.memory_space<vmem_shared>> -> memref<10240x128xf32, #tpu.memory_space<vmem_shared>>
      tpu.enqueue_indirect_dma source(%dma_start3A_346 : memref<128x128xf32, #tpu.memory_space<vmem>>) target(%dma_start3A_352 : memref<10240x128xf32, #tpu.memory_space<vmem_shared>>) offsets(%dma_start3A_349 : memref<128xi32, #tpu.memory_space<vmem>>) semaphore(%arg11 : memref<!tpu.dma_semaphore, #tpu.memory_space<semaphore_mem>>) {add = true}
      %dma_wait3A_353 = arith.constant 0 : i32
      %dma_wait3A_354 = arith.constant 6 : i32
      %dma_wait3A_355 = arith.constant 0 : i32
      %dma_wait3A_356 = arith.constant 0 : i32
      %dma_wait3A_357 = tpu.memref_slice %arg8[%dma_wait3A_353, %dma_wait3A_355, %dma_wait3A_356] : memref<2x128x128xf32, #tpu.memory_space<vmem>> -> memref<1x128x128xf32, #tpu.memory_space<vmem>>
      %dma_wait3A_358 = tpu.memref_squeeze %dma_wait3A_357 : memref<1x128x128xf32, #tpu.memory_space<vmem>> -> memref<128x128xf32, #tpu.memory_space<vmem>>
      %dma_wait3A_359 = arith.constant 0 : i32
      %dma_wait3A_360 = tpu.memref_slice %arg7[%dma_wait3A_354, %dma_wait3A_359] : memref<16x128xi32, #tpu.memory_space<vmem>> -> memref<1x128xi32, #tpu.memory_space<vmem>>
      %dma_wait3A_361 = tpu.memref_squeeze %dma_wait3A_360 : memref<1x128xi32, #tpu.memory_space<vmem>> -> memref<128xi32, #tpu.memory_space<vmem>>
      %dma_wait3A_362 = arith.constant 0 : i32
      %dma_wait3A_363 = arith.constant 0 : i32
      %dma_wait3A_364 = tpu.memref_slice %arg9[%dma_wait3A_362, %dma_wait3A_363] : memref<10240x128xf32, #tpu.memory_space<vmem_shared>> -> memref<10240x128xf32, #tpu.memory_space<vmem_shared>>
      tpu.wait_indirect_dma semaphore(%arg11 : memref<!tpu.dma_semaphore, #tpu.memory_space<semaphore_mem>>) src(%dma_wait3A_358 : memref<128x128xf32, #tpu.memory_space<vmem>>) dst(%dma_wait3A_364 : memref<10240x128xf32, #tpu.memory_space<vmem_shared>>)
      %dma_start3A_365 = arith.constant 8 : i32
      %dma_start3A_366 = arith.constant 0 : i32
      %dma_start3A_367 = arith.constant 0 : i32
      %dma_start3A_368 = arith.constant 0 : i32
      %dma_start3A_369 = tpu.memref_slice %arg8[%dma_start3A_366, %dma_start3A_367, %dma_start3A_368] : memref<2x128x128xf32, #tpu.memory_space<vmem>> -> memref<1x128x128xf32, #tpu.memory_space<vmem>>
      %dma_start3A_370 = tpu.memref_squeeze %dma_start3A_369 : memref<1x128x128xf32, #tpu.memory_space<vmem>> -> memref<128x128xf32, #tpu.memory_space<vmem>>
      %dma_start3A_371 = arith.constant 0 : i32
      %dma_start3A_372 = tpu.memref_slice %arg6[%dma_start3A_365, %dma_start3A_371] : memref<16x128xi32, #tpu.memory_space<vmem>> -> memref<1x128xi32, #tpu.memory_space<vmem>>
      %dma_start3A_373 = tpu.memref_squeeze %dma_start3A_372 : memref<1x128xi32, #tpu.memory_space<vmem>> -> memref<128xi32, #tpu.memory_space<vmem>>
      %dma_start3A_374 = arith.constant 0 : i32
      %dma_start3A_375 = arith.constant 0 : i32
      %dma_start3A_376 = tpu.memref_slice %arg2[%dma_start3A_374, %dma_start3A_375] : memref<10000x128xf32, #tpu.memory_space<hbm>> -> memref<10000x128xf32, #tpu.memory_space<hbm>>
      tpu.enqueue_indirect_dma source(%dma_start3A_376 : memref<10000x128xf32, #tpu.memory_space<hbm>>) target(%dma_start3A_370 : memref<128x128xf32, #tpu.memory_space<vmem>>) offsets(%dma_start3A_373 : memref<128xi32, #tpu.memory_space<vmem>>) semaphore(%arg10 : memref<!tpu.dma_semaphore, #tpu.memory_space<semaphore_mem>>)
      %dma_wait3A_377 = arith.constant 7 : i32
      %dma_wait3A_378 = arith.constant 1 : i32
      %dma_wait3A_379 = arith.constant 0 : i32
      %dma_wait3A_380 = arith.constant 0 : i32
      %dma_wait3A_381 = tpu.memref_slice %arg8[%dma_wait3A_378, %dma_wait3A_379, %dma_wait3A_380] : memref<2x128x128xf32, #tpu.memory_space<vmem>> -> memref<1x128x128xf32, #tpu.memory_space<vmem>>
      %dma_wait3A_382 = tpu.memref_squeeze %dma_wait3A_381 : memref<1x128x128xf32, #tpu.memory_space<vmem>> -> memref<128x128xf32, #tpu.memory_space<vmem>>
      %dma_wait3A_383 = arith.constant 0 : i32
      %dma_wait3A_384 = tpu.memref_slice %arg6[%dma_wait3A_377, %dma_wait3A_383] : memref<16x128xi32, #tpu.memory_space<vmem>> -> memref<1x128xi32, #tpu.memory_space<vmem>>
      %dma_wait3A_385 = tpu.memref_squeeze %dma_wait3A_384 : memref<1x128xi32, #tpu.memory_space<vmem>> -> memref<128xi32, #tpu.memory_space<vmem>>
      %dma_wait3A_386 = arith.constant 0 : i32
      %dma_wait3A_387 = arith.constant 0 : i32
      %dma_wait3A_388 = tpu.memref_slice %arg2[%dma_wait3A_386, %dma_wait3A_387] : memref<10000x128xf32, #tpu.memory_space<hbm>> -> memref<10000x128xf32, #tpu.memory_space<hbm>>
      tpu.wait_indirect_dma semaphore(%arg10 : memref<!tpu.dma_semaphore, #tpu.memory_space<semaphore_mem>>) src(%dma_wait3A_388 : memref<10000x128xf32, #tpu.memory_space<hbm>>) dst(%dma_wait3A_382 : memref<128x128xf32, #tpu.memory_space<vmem>>)
      %dma_start3A_389 = arith.constant 1 : i32
      %dma_start3A_390 = arith.constant 7 : i32
      %dma_start3A_391 = arith.constant 0 : i32
      %dma_start3A_392 = arith.constant 0 : i32
      %dma_start3A_393 = tpu.memref_slice %arg8[%dma_start3A_389, %dma_start3A_391, %dma_start3A_392] : memref<2x128x128xf32, #tpu.memory_space<vmem>> -> memref<1x128x128xf32, #tpu.memory_space<vmem>>
      %dma_start3A_394 = tpu.memref_squeeze %dma_start3A_393 : memref<1x128x128xf32, #tpu.memory_space<vmem>> -> memref<128x128xf32, #tpu.memory_space<vmem>>
      %dma_start3A_395 = arith.constant 0 : i32
      %dma_start3A_396 = tpu.memref_slice %arg7[%dma_start3A_390, %dma_start3A_395] : memref<16x128xi32, #tpu.memory_space<vmem>> -> memref<1x128xi32, #tpu.memory_space<vmem>>
      %dma_start3A_397 = tpu.memref_squeeze %dma_start3A_396 : memref<1x128xi32, #tpu.memory_space<vmem>> -> memref<128xi32, #tpu.memory_space<vmem>>
      %dma_start3A_398 = arith.constant 0 : i32
      %dma_start3A_399 = arith.constant 0 : i32
      %dma_start3A_400 = tpu.memref_slice %arg9[%dma_start3A_398, %dma_start3A_399] : memref<10240x128xf32, #tpu.memory_space<vmem_shared>> -> memref<10240x128xf32, #tpu.memory_space<vmem_shared>>
      tpu.enqueue_indirect_dma source(%dma_start3A_394 : memref<128x128xf32, #tpu.memory_space<vmem>>) target(%dma_start3A_400 : memref<10240x128xf32, #tpu.memory_space<vmem_shared>>) offsets(%dma_start3A_397 : memref<128xi32, #tpu.memory_space<vmem>>) semaphore(%arg11 : memref<!tpu.dma_semaphore, #tpu.memory_space<semaphore_mem>>) {add = true}
      %dma_wait3A_401 = arith.constant 1 : i32
      %dma_wait3A_402 = arith.constant 7 : i32
      %dma_wait3A_403 = arith.constant 0 : i32
      %dma_wait3A_404 = arith.constant 0 : i32
      %dma_wait3A_405 = tpu.memref_slice %arg8[%dma_wait3A_401, %dma_wait3A_403, %dma_wait3A_404] : memref<2x128x128xf32, #tpu.memory_space<vmem>> -> memref<1x128x128xf32, #tpu.memory_space<vmem>>
      %dma_wait3A_406 = tpu.memref_squeeze %dma_wait3A_405 : memref<1x128x128xf32, #tpu.memory_space<vmem>> -> memref<128x128xf32, #tpu.memory_space<vmem>>
      %dma_wait3A_407 = arith.constant 0 : i32
      %dma_wait3A_408 = tpu.memref_slice %arg7[%dma_wait3A_402, %dma_wait3A_407] : memref<16x128xi32, #tpu.memory_space<vmem>> -> memref<1x128xi32, #tpu.memory_space<vmem>>
      %dma_wait3A_409 = tpu.memref_squeeze %dma_wait3A_408 : memref<1x128xi32, #tpu.memory_space<vmem>> -> memref<128xi32, #tpu.memory_space<vmem>>
      %dma_wait3A_410 = arith.constant 0 : i32
      %dma_wait3A_411 = arith.constant 0 : i32
      %dma_wait3A_412 = tpu.memref_slice %arg9[%dma_wait3A_410, %dma_wait3A_411] : memref<10240x128xf32, #tpu.memory_space<vmem_shared>> -> memref<10240x128xf32, #tpu.memory_space<vmem_shared>>
      tpu.wait_indirect_dma semaphore(%arg11 : memref<!tpu.dma_semaphore, #tpu.memory_space<semaphore_mem>>) src(%dma_wait3A_406 : memref<128x128xf32, #tpu.memory_space<vmem>>) dst(%dma_wait3A_412 : memref<10240x128xf32, #tpu.memory_space<vmem_shared>>)
      %dma_start3A_413 = arith.constant 9 : i32
      %dma_start3A_414 = arith.constant 1 : i32
      %dma_start3A_415 = arith.constant 0 : i32
      %dma_start3A_416 = arith.constant 0 : i32
      %dma_start3A_417 = tpu.memref_slice %arg8[%dma_start3A_414, %dma_start3A_415, %dma_start3A_416] : memref<2x128x128xf32, #tpu.memory_space<vmem>> -> memref<1x128x128xf32, #tpu.memory_space<vmem>>
      %dma_start3A_418 = tpu.memref_squeeze %dma_start3A_417 : memref<1x128x128xf32, #tpu.memory_space<vmem>> -> memref<128x128xf32, #tpu.memory_space<vmem>>
      %dma_start3A_419 = arith.constant 0 : i32
      %dma_start3A_420 = tpu.memref_slice %arg6[%dma_start3A_413, %dma_start3A_419] : memref<16x128xi32, #tpu.memory_space<vmem>> -> memref<1x128xi32, #tpu.memory_space<vmem>>
      %dma_start3A_421 = tpu.memref_squeeze %dma_start3A_420 : memref<1x128xi32, #tpu.memory_space<vmem>> -> memref<128xi32, #tpu.memory_space<vmem>>
      %dma_start3A_422 = arith.constant 0 : i32
      %dma_start3A_423 = arith.constant 0 : i32
      %dma_start3A_424 = tpu.memref_slice %arg2[%dma_start3A_422, %dma_start3A_423] : memref<10000x128xf32, #tpu.memory_space<hbm>> -> memref<10000x128xf32, #tpu.memory_space<hbm>>
      tpu.enqueue_indirect_dma source(%dma_start3A_424 : memref<10000x128xf32, #tpu.memory_space<hbm>>) target(%dma_start3A_418 : memref<128x128xf32, #tpu.memory_space<vmem>>) offsets(%dma_start3A_421 : memref<128xi32, #tpu.memory_space<vmem>>) semaphore(%arg10 : memref<!tpu.dma_semaphore, #tpu.memory_space<semaphore_mem>>)
      %dma_wait3A_425 = arith.constant 8 : i32
      %dma_wait3A_426 = arith.constant 0 : i32
      %dma_wait3A_427 = arith.constant 0 : i32
      %dma_wait3A_428 = arith.constant 0 : i32
      %dma_wait3A_429 = tpu.memref_slice %arg8[%dma_wait3A_426, %dma_wait3A_427, %dma_wait3A_428] : memref<2x128x128xf32, #tpu.memory_space<vmem>> -> memref<1x128x128xf32, #tpu.memory_space<vmem>>
      %dma_wait3A_430 = tpu.memref_squeeze %dma_wait3A_429 : memref<1x128x128xf32, #tpu.memory_space<vmem>> -> memref<128x128xf32, #tpu.memory_space<vmem>>
      %dma_wait3A_431 = arith.constant 0 : i32
      %dma_wait3A_432 = tpu.memref_slice %arg6[%dma_wait3A_425, %dma_wait3A_431] : memref<16x128xi32, #tpu.memory_space<vmem>> -> memref<1x128xi32, #tpu.memory_space<vmem>>
      %dma_wait3A_433 = tpu.memref_squeeze %dma_wait3A_432 : memref<1x128xi32, #tpu.memory_space<vmem>> -> memref<128xi32, #tpu.memory_space<vmem>>
      %dma_wait3A_434 = arith.constant 0 : i32
      %dma_wait3A_435 = arith.constant 0 : i32
      %dma_wait3A_436 = tpu.memref_slice %arg2[%dma_wait3A_434, %dma_wait3A_435] : memref<10000x128xf32, #tpu.memory_space<hbm>> -> memref<10000x128xf32, #tpu.memory_space<hbm>>
      tpu.wait_indirect_dma semaphore(%arg10 : memref<!tpu.dma_semaphore, #tpu.memory_space<semaphore_mem>>) src(%dma_wait3A_436 : memref<10000x128xf32, #tpu.memory_space<hbm>>) dst(%dma_wait3A_430 : memref<128x128xf32, #tpu.memory_space<vmem>>)
      %dma_start3A_437 = arith.constant 0 : i32
      %dma_start3A_438 = arith.constant 8 : i32
      %dma_start3A_439 = arith.constant 0 : i32
      %dma_start3A_440 = arith.constant 0 : i32
      %dma_start3A_441 = tpu.memref_slice %arg8[%dma_start3A_437, %dma_start3A_439, %dma_start3A_440] : memref<2x128x128xf32, #tpu.memory_space<vmem>> -> memref<1x128x128xf32, #tpu.memory_space<vmem>>
      %dma_start3A_442 = tpu.memref_squeeze %dma_start3A_441 : memref<1x128x128xf32, #tpu.memory_space<vmem>> -> memref<128x128xf32, #tpu.memory_space<vmem>>
      %dma_start3A_443 = arith.constant 0 : i32
      %dma_start3A_444 = tpu.memref_slice %arg7[%dma_start3A_438, %dma_start3A_443] : memref<16x128xi32, #tpu.memory_space<vmem>> -> memref<1x128xi32, #tpu.memory_space<vmem>>
      %dma_start3A_445 = tpu.memref_squeeze %dma_start3A_444 : memref<1x128xi32, #tpu.memory_space<vmem>> -> memref<128xi32, #tpu.memory_space<vmem>>
      %dma_start3A_446 = arith.constant 0 : i32
      %dma_start3A_447 = arith.constant 0 : i32
      %dma_start3A_448 = tpu.memref_slice %arg9[%dma_start3A_446, %dma_start3A_447] : memref<10240x128xf32, #tpu.memory_space<vmem_shared>> -> memref<10240x128xf32, #tpu.memory_space<vmem_shared>>
      tpu.enqueue_indirect_dma source(%dma_start3A_442 : memref<128x128xf32, #tpu.memory_space<vmem>>) target(%dma_start3A_448 : memref<10240x128xf32, #tpu.memory_space<vmem_shared>>) offsets(%dma_start3A_445 : memref<128xi32, #tpu.memory_space<vmem>>) semaphore(%arg11 : memref<!tpu.dma_semaphore, #tpu.memory_space<semaphore_mem>>) {add = true}
      %dma_wait3A_449 = arith.constant 0 : i32
      %dma_wait3A_450 = arith.constant 8 : i32
      %dma_wait3A_451 = arith.constant 0 : i32
      %dma_wait3A_452 = arith.constant 0 : i32
      %dma_wait3A_453 = tpu.memref_slice %arg8[%dma_wait3A_449, %dma_wait3A_451, %dma_wait3A_452] : memref<2x128x128xf32, #tpu.memory_space<vmem>> -> memref<1x128x128xf32, #tpu.memory_space<vmem>>
      %dma_wait3A_454 = tpu.memref_squeeze %dma_wait3A_453 : memref<1x128x128xf32, #tpu.memory_space<vmem>> -> memref<128x128xf32, #tpu.memory_space<vmem>>
      %dma_wait3A_455 = arith.constant 0 : i32
      %dma_wait3A_456 = tpu.memref_slice %arg7[%dma_wait3A_450, %dma_wait3A_455] : memref<16x128xi32, #tpu.memory_space<vmem>> -> memref<1x128xi32, #tpu.memory_space<vmem>>
      %dma_wait3A_457 = tpu.memref_squeeze %dma_wait3A_456 : memref<1x128xi32, #tpu.memory_space<vmem>> -> memref<128xi32, #tpu.memory_space<vmem>>
      %dma_wait3A_458 = arith.constant 0 : i32
      %dma_wait3A_459 = arith.constant 0 : i32
      %dma_wait3A_460 = tpu.memref_slice %arg9[%dma_wait3A_458, %dma_wait3A_459] : memref<10240x128xf32, #tpu.memory_space<vmem_shared>> -> memref<10240x128xf32, #tpu.memory_space<vmem_shared>>
      tpu.wait_indirect_dma semaphore(%arg11 : memref<!tpu.dma_semaphore, #tpu.memory_space<semaphore_mem>>) src(%dma_wait3A_454 : memref<128x128xf32, #tpu.memory_space<vmem>>) dst(%dma_wait3A_460 : memref<10240x128xf32, #tpu.memory_space<vmem_shared>>)
      %dma_start3A_461 = arith.constant 10 : i32
      %dma_start3A_462 = arith.constant 0 : i32
      %dma_start3A_463 = arith.constant 0 : i32
      %dma_start3A_464 = arith.constant 0 : i32
      %dma_start3A_465 = tpu.memref_slice %arg8[%dma_start3A_462, %dma_start3A_463, %dma_start3A_464] : memref<2x128x128xf32, #tpu.memory_space<vmem>> -> memref<1x128x128xf32, #tpu.memory_space<vmem>>
      %dma_start3A_466 = tpu.memref_squeeze %dma_start3A_465 : memref<1x128x128xf32, #tpu.memory_space<vmem>> -> memref<128x128xf32, #tpu.memory_space<vmem>>
      %dma_start3A_467 = arith.constant 0 : i32
      %dma_start3A_468 = tpu.memref_slice %arg6[%dma_start3A_461, %dma_start3A_467] : memref<16x128xi32, #tpu.memory_space<vmem>> -> memref<1x128xi32, #tpu.memory_space<vmem>>
      %dma_start3A_469 = tpu.memref_squeeze %dma_start3A_468 : memref<1x128xi32, #tpu.memory_space<vmem>> -> memref<128xi32, #tpu.memory_space<vmem>>
      %dma_start3A_470 = arith.constant 0 : i32
      %dma_start3A_471 = arith.constant 0 : i32
      %dma_start3A_472 = tpu.memref_slice %arg2[%dma_start3A_470, %dma_start3A_471] : memref<10000x128xf32, #tpu.memory_space<hbm>> -> memref<10000x128xf32, #tpu.memory_space<hbm>>
      tpu.enqueue_indirect_dma source(%dma_start3A_472 : memref<10000x128xf32, #tpu.memory_space<hbm>>) target(%dma_start3A_466 : memref<128x128xf32, #tpu.memory_space<vmem>>) offsets(%dma_start3A_469 : memref<128xi32, #tpu.memory_space<vmem>>) semaphore(%arg10 : memref<!tpu.dma_semaphore, #tpu.memory_space<semaphore_mem>>)
      %dma_wait3A_473 = arith.constant 9 : i32
      %dma_wait3A_474 = arith.constant 1 : i32
      %dma_wait3A_475 = arith.constant 0 : i32
      %dma_wait3A_476 = arith.constant 0 : i32
      %dma_wait3A_477 = tpu.memref_slice %arg8[%dma_wait3A_474, %dma_wait3A_475, %dma_wait3A_476] : memref<2x128x128xf32, #tpu.memory_space<vmem>> -> memref<1x128x128xf32, #tpu.memory_space<vmem>>
      %dma_wait3A_478 = tpu.memref_squeeze %dma_wait3A_477 : memref<1x128x128xf32, #tpu.memory_space<vmem>> -> memref<128x128xf32, #tpu.memory_space<vmem>>
      %dma_wait3A_479 = arith.constant 0 : i32
      %dma_wait3A_480 = tpu.memref_slice %arg6[%dma_wait3A_473, %dma_wait3A_479] : memref<16x128xi32, #tpu.memory_space<vmem>> -> memref<1x128xi32, #tpu.memory_space<vmem>>
      %dma_wait3A_481 = tpu.memref_squeeze %dma_wait3A_480 : memref<1x128xi32, #tpu.memory_space<vmem>> -> memref<128xi32, #tpu.memory_space<vmem>>
      %dma_wait3A_482 = arith.constant 0 : i32
      %dma_wait3A_483 = arith.constant 0 : i32
      %dma_wait3A_484 = tpu.memref_slice %arg2[%dma_wait3A_482, %dma_wait3A_483] : memref<10000x128xf32, #tpu.memory_space<hbm>> -> memref<10000x128xf32, #tpu.memory_space<hbm>>
      tpu.wait_indirect_dma semaphore(%arg10 : memref<!tpu.dma_semaphore, #tpu.memory_space<semaphore_mem>>) src(%dma_wait3A_484 : memref<10000x128xf32, #tpu.memory_space<hbm>>) dst(%dma_wait3A_478 : memref<128x128xf32, #tpu.memory_space<vmem>>)
      %dma_start3A_485 = arith.constant 1 : i32
      %dma_start3A_486 = arith.constant 9 : i32
      %dma_start3A_487 = arith.constant 0 : i32
      %dma_start3A_488 = arith.constant 0 : i32
      %dma_start3A_489 = tpu.memref_slice %arg8[%dma_start3A_485, %dma_start3A_487, %dma_start3A_488] : memref<2x128x128xf32, #tpu.memory_space<vmem>> -> memref<1x128x128xf32, #tpu.memory_space<vmem>>
      %dma_start3A_490 = tpu.memref_squeeze %dma_start3A_489 : memref<1x128x128xf32, #tpu.memory_space<vmem>> -> memref<128x128xf32, #tpu.memory_space<vmem>>
      %dma_start3A_491 = arith.constant 0 : i32
      %dma_start3A_492 = tpu.memref_slice %arg7[%dma_start3A_486, %dma_start3A_491] : memref<16x128xi32, #tpu.memory_space<vmem>> -> memref<1x128xi32, #tpu.memory_space<vmem>>
      %dma_start3A_493 = tpu.memref_squeeze %dma_start3A_492 : memref<1x128xi32, #tpu.memory_space<vmem>> -> memref<128xi32, #tpu.memory_space<vmem>>
      %dma_start3A_494 = arith.constant 0 : i32
      %dma_start3A_495 = arith.constant 0 : i32
      %dma_start3A_496 = tpu.memref_slice %arg9[%dma_start3A_494, %dma_start3A_495] : memref<10240x128xf32, #tpu.memory_space<vmem_shared>> -> memref<10240x128xf32, #tpu.memory_space<vmem_shared>>
      tpu.enqueue_indirect_dma source(%dma_start3A_490 : memref<128x128xf32, #tpu.memory_space<vmem>>) target(%dma_start3A_496 : memref<10240x128xf32, #tpu.memory_space<vmem_shared>>) offsets(%dma_start3A_493 : memref<128xi32, #tpu.memory_space<vmem>>) semaphore(%arg11 : memref<!tpu.dma_semaphore, #tpu.memory_space<semaphore_mem>>) {add = true}
      %dma_wait3A_497 = arith.constant 1 : i32
      %dma_wait3A_498 = arith.constant 9 : i32
      %dma_wait3A_499 = arith.constant 0 : i32
      %dma_wait3A_500 = arith.constant 0 : i32
      %dma_wait3A_501 = tpu.memref_slice %arg8[%dma_wait3A_497, %dma_wait3A_499, %dma_wait3A_500] : memref<2x128x128xf32, #tpu.memory_space<vmem>> -> memref<1x128x128xf32, #tpu.memory_space<vmem>>
      %dma_wait3A_502 = tpu.memref_squeeze %dma_wait3A_501 : memref<1x128x128xf32, #tpu.memory_space<vmem>> -> memref<128x128xf32, #tpu.memory_space<vmem>>
      %dma_wait3A_503 = arith.constant 0 : i32
      %dma_wait3A_504 = tpu.memref_slice %arg7[%dma_wait3A_498, %dma_wait3A_503] : memref<16x128xi32, #tpu.memory_space<vmem>> -> memref<1x128xi32, #tpu.memory_space<vmem>>
      %dma_wait3A_505 = tpu.memref_squeeze %dma_wait3A_504 : memref<1x128xi32, #tpu.memory_space<vmem>> -> memref<128xi32, #tpu.memory_space<vmem>>
      %dma_wait3A_506 = arith.constant 0 : i32
      %dma_wait3A_507 = arith.constant 0 : i32
      %dma_wait3A_508 = tpu.memref_slice %arg9[%dma_wait3A_506, %dma_wait3A_507] : memref<10240x128xf32, #tpu.memory_space<vmem_shared>> -> memref<10240x128xf32, #tpu.memory_space<vmem_shared>>
      tpu.wait_indirect_dma semaphore(%arg11 : memref<!tpu.dma_semaphore, #tpu.memory_space<semaphore_mem>>) src(%dma_wait3A_502 : memref<128x128xf32, #tpu.memory_space<vmem>>) dst(%dma_wait3A_508 : memref<10240x128xf32, #tpu.memory_space<vmem_shared>>)
      %dma_start3A_509 = arith.constant 11 : i32
      %dma_start3A_510 = arith.constant 1 : i32
      %dma_start3A_511 = arith.constant 0 : i32
      %dma_start3A_512 = arith.constant 0 : i32
      %dma_start3A_513 = tpu.memref_slice %arg8[%dma_start3A_510, %dma_start3A_511, %dma_start3A_512] : memref<2x128x128xf32, #tpu.memory_space<vmem>> -> memref<1x128x128xf32, #tpu.memory_space<vmem>>
      %dma_start3A_514 = tpu.memref_squeeze %dma_start3A_513 : memref<1x128x128xf32, #tpu.memory_space<vmem>> -> memref<128x128xf32, #tpu.memory_space<vmem>>
      %dma_start3A_515 = arith.constant 0 : i32
      %dma_start3A_516 = tpu.memref_slice %arg6[%dma_start3A_509, %dma_start3A_515] : memref<16x128xi32, #tpu.memory_space<vmem>> -> memref<1x128xi32, #tpu.memory_space<vmem>>
      %dma_start3A_517 = tpu.memref_squeeze %dma_start3A_516 : memref<1x128xi32, #tpu.memory_space<vmem>> -> memref<128xi32, #tpu.memory_space<vmem>>
      %dma_start3A_518 = arith.constant 0 : i32
      %dma_start3A_519 = arith.constant 0 : i32
      %dma_start3A_520 = tpu.memref_slice %arg2[%dma_start3A_518, %dma_start3A_519] : memref<10000x128xf32, #tpu.memory_space<hbm>> -> memref<10000x128xf32, #tpu.memory_space<hbm>>
      tpu.enqueue_indirect_dma source(%dma_start3A_520 : memref<10000x128xf32, #tpu.memory_space<hbm>>) target(%dma_start3A_514 : memref<128x128xf32, #tpu.memory_space<vmem>>) offsets(%dma_start3A_517 : memref<128xi32, #tpu.memory_space<vmem>>) semaphore(%arg10 : memref<!tpu.dma_semaphore, #tpu.memory_space<semaphore_mem>>)
      %dma_wait3A_521 = arith.constant 10 : i32
      %dma_wait3A_522 = arith.constant 0 : i32
      %dma_wait3A_523 = arith.constant 0 : i32
      %dma_wait3A_524 = arith.constant 0 : i32
      %dma_wait3A_525 = tpu.memref_slice %arg8[%dma_wait3A_522, %dma_wait3A_523, %dma_wait3A_524] : memref<2x128x128xf32, #tpu.memory_space<vmem>> -> memref<1x128x128xf32, #tpu.memory_space<vmem>>
      %dma_wait3A_526 = tpu.memref_squeeze %dma_wait3A_525 : memref<1x128x128xf32, #tpu.memory_space<vmem>> -> memref<128x128xf32, #tpu.memory_space<vmem>>
      %dma_wait3A_527 = arith.constant 0 : i32
      %dma_wait3A_528 = tpu.memref_slice %arg6[%dma_wait3A_521, %dma_wait3A_527] : memref<16x128xi32, #tpu.memory_space<vmem>> -> memref<1x128xi32, #tpu.memory_space<vmem>>
      %dma_wait3A_529 = tpu.memref_squeeze %dma_wait3A_528 : memref<1x128xi32, #tpu.memory_space<vmem>> -> memref<128xi32, #tpu.memory_space<vmem>>
      %dma_wait3A_530 = arith.constant 0 : i32
      %dma_wait3A_531 = arith.constant 0 : i32
      %dma_wait3A_532 = tpu.memref_slice %arg2[%dma_wait3A_530, %dma_wait3A_531] : memref<10000x128xf32, #tpu.memory_space<hbm>> -> memref<10000x128xf32, #tpu.memory_space<hbm>>
      tpu.wait_indirect_dma semaphore(%arg10 : memref<!tpu.dma_semaphore, #tpu.memory_space<semaphore_mem>>) src(%dma_wait3A_532 : memref<10000x128xf32, #tpu.memory_space<hbm>>) dst(%dma_wait3A_526 : memref<128x128xf32, #tpu.memory_space<vmem>>)
      %dma_start3A_533 = arith.constant 0 : i32
      %dma_start3A_534 = arith.constant 10 : i32
      %dma_start3A_535 = arith.constant 0 : i32
      %dma_start3A_536 = arith.constant 0 : i32
      %dma_start3A_537 = tpu.memref_slice %arg8[%dma_start3A_533, %dma_start3A_535, %dma_start3A_536] : memref<2x128x128xf32, #tpu.memory_space<vmem>> -> memref<1x128x128xf32, #tpu.memory_space<vmem>>
      %dma_start3A_538 = tpu.memref_squeeze %dma_start3A_537 : memref<1x128x128xf32, #tpu.memory_space<vmem>> -> memref<128x128xf32, #tpu.memory_space<vmem>>
      %dma_start3A_539 = arith.constant 0 : i32
      %dma_start3A_540 = tpu.memref_slice %arg7[%dma_start3A_534, %dma_start3A_539] : memref<16x128xi32, #tpu.memory_space<vmem>> -> memref<1x128xi32, #tpu.memory_space<vmem>>
      %dma_start3A_541 = tpu.memref_squeeze %dma_start3A_540 : memref<1x128xi32, #tpu.memory_space<vmem>> -> memref<128xi32, #tpu.memory_space<vmem>>
      %dma_start3A_542 = arith.constant 0 : i32
      %dma_start3A_543 = arith.constant 0 : i32
      %dma_start3A_544 = tpu.memref_slice %arg9[%dma_start3A_542, %dma_start3A_543] : memref<10240x128xf32, #tpu.memory_space<vmem_shared>> -> memref<10240x128xf32, #tpu.memory_space<vmem_shared>>
      tpu.enqueue_indirect_dma source(%dma_start3A_538 : memref<128x128xf32, #tpu.memory_space<vmem>>) target(%dma_start3A_544 : memref<10240x128xf32, #tpu.memory_space<vmem_shared>>) offsets(%dma_start3A_541 : memref<128xi32, #tpu.memory_space<vmem>>) semaphore(%arg11 : memref<!tpu.dma_semaphore, #tpu.memory_space<semaphore_mem>>) {add = true}
      %dma_wait3A_545 = arith.constant 0 : i32
      %dma_wait3A_546 = arith.constant 10 : i32
      %dma_wait3A_547 = arith.constant 0 : i32
      %dma_wait3A_548 = arith.constant 0 : i32
      %dma_wait3A_549 = tpu.memref_slice %arg8[%dma_wait3A_545, %dma_wait3A_547, %dma_wait3A_548] : memref<2x128x128xf32, #tpu.memory_space<vmem>> -> memref<1x128x128xf32, #tpu.memory_space<vmem>>
      %dma_wait3A_550 = tpu.memref_squeeze %dma_wait3A_549 : memref<1x128x128xf32, #tpu.memory_space<vmem>> -> memref<128x128xf32, #tpu.memory_space<vmem>>
      %dma_wait3A_551 = arith.constant 0 : i32
      %dma_wait3A_552 = tpu.memref_slice %arg7[%dma_wait3A_546, %dma_wait3A_551] : memref<16x128xi32, #tpu.memory_space<vmem>> -> memref<1x128xi32, #tpu.memory_space<vmem>>
      %dma_wait3A_553 = tpu.memref_squeeze %dma_wait3A_552 : memref<1x128xi32, #tpu.memory_space<vmem>> -> memref<128xi32, #tpu.memory_space<vmem>>
      %dma_wait3A_554 = arith.constant 0 : i32
      %dma_wait3A_555 = arith.constant 0 : i32
      %dma_wait3A_556 = tpu.memref_slice %arg9[%dma_wait3A_554, %dma_wait3A_555] : memref<10240x128xf32, #tpu.memory_space<vmem_shared>> -> memref<10240x128xf32, #tpu.memory_space<vmem_shared>>
      tpu.wait_indirect_dma semaphore(%arg11 : memref<!tpu.dma_semaphore, #tpu.memory_space<semaphore_mem>>) src(%dma_wait3A_550 : memref<128x128xf32, #tpu.memory_space<vmem>>) dst(%dma_wait3A_556 : memref<10240x128xf32, #tpu.memory_space<vmem_shared>>)
      %dma_start3A_557 = arith.constant 12 : i32
      %dma_start3A_558 = arith.constant 0 : i32
      %dma_start3A_559 = arith.constant 0 : i32
      %dma_start3A_560 = arith.constant 0 : i32
      %dma_start3A_561 = tpu.memref_slice %arg8[%dma_start3A_558, %dma_start3A_559, %dma_start3A_560] : memref<2x128x128xf32, #tpu.memory_space<vmem>> -> memref<1x128x128xf32, #tpu.memory_space<vmem>>
      %dma_start3A_562 = tpu.memref_squeeze %dma_start3A_561 : memref<1x128x128xf32, #tpu.memory_space<vmem>> -> memref<128x128xf32, #tpu.memory_space<vmem>>
      %dma_start3A_563 = arith.constant 0 : i32
      %dma_start3A_564 = tpu.memref_slice %arg6[%dma_start3A_557, %dma_start3A_563] : memref<16x128xi32, #tpu.memory_space<vmem>> -> memref<1x128xi32, #tpu.memory_space<vmem>>
      %dma_start3A_565 = tpu.memref_squeeze %dma_start3A_564 : memref<1x128xi32, #tpu.memory_space<vmem>> -> memref<128xi32, #tpu.memory_space<vmem>>
      %dma_start3A_566 = arith.constant 0 : i32
      %dma_start3A_567 = arith.constant 0 : i32
      %dma_start3A_568 = tpu.memref_slice %arg2[%dma_start3A_566, %dma_start3A_567] : memref<10000x128xf32, #tpu.memory_space<hbm>> -> memref<10000x128xf32, #tpu.memory_space<hbm>>
      tpu.enqueue_indirect_dma source(%dma_start3A_568 : memref<10000x128xf32, #tpu.memory_space<hbm>>) target(%dma_start3A_562 : memref<128x128xf32, #tpu.memory_space<vmem>>) offsets(%dma_start3A_565 : memref<128xi32, #tpu.memory_space<vmem>>) semaphore(%arg10 : memref<!tpu.dma_semaphore, #tpu.memory_space<semaphore_mem>>)
      %dma_wait3A_569 = arith.constant 11 : i32
      %dma_wait3A_570 = arith.constant 1 : i32
      %dma_wait3A_571 = arith.constant 0 : i32
      %dma_wait3A_572 = arith.constant 0 : i32
      %dma_wait3A_573 = tpu.memref_slice %arg8[%dma_wait3A_570, %dma_wait3A_571, %dma_wait3A_572] : memref<2x128x128xf32, #tpu.memory_space<vmem>> -> memref<1x128x128xf32, #tpu.memory_space<vmem>>
      %dma_wait3A_574 = tpu.memref_squeeze %dma_wait3A_573 : memref<1x128x128xf32, #tpu.memory_space<vmem>> -> memref<128x128xf32, #tpu.memory_space<vmem>>
      %dma_wait3A_575 = arith.constant 0 : i32
      %dma_wait3A_576 = tpu.memref_slice %arg6[%dma_wait3A_569, %dma_wait3A_575] : memref<16x128xi32, #tpu.memory_space<vmem>> -> memref<1x128xi32, #tpu.memory_space<vmem>>
      %dma_wait3A_577 = tpu.memref_squeeze %dma_wait3A_576 : memref<1x128xi32, #tpu.memory_space<vmem>> -> memref<128xi32, #tpu.memory_space<vmem>>
      %dma_wait3A_578 = arith.constant 0 : i32
      %dma_wait3A_579 = arith.constant 0 : i32
      %dma_wait3A_580 = tpu.memref_slice %arg2[%dma_wait3A_578, %dma_wait3A_579] : memref<10000x128xf32, #tpu.memory_space<hbm>> -> memref<10000x128xf32, #tpu.memory_space<hbm>>
      tpu.wait_indirect_dma semaphore(%arg10 : memref<!tpu.dma_semaphore, #tpu.memory_space<semaphore_mem>>) src(%dma_wait3A_580 : memref<10000x128xf32, #tpu.memory_space<hbm>>) dst(%dma_wait3A_574 : memref<128x128xf32, #tpu.memory_space<vmem>>)
      %dma_start3A_581 = arith.constant 1 : i32
      %dma_start3A_582 = arith.constant 11 : i32
      %dma_start3A_583 = arith.constant 0 : i32
      %dma_start3A_584 = arith.constant 0 : i32
      %dma_start3A_585 = tpu.memref_slice %arg8[%dma_start3A_581, %dma_start3A_583, %dma_start3A_584] : memref<2x128x128xf32, #tpu.memory_space<vmem>> -> memref<1x128x128xf32, #tpu.memory_space<vmem>>
      %dma_start3A_586 = tpu.memref_squeeze %dma_start3A_585 : memref<1x128x128xf32, #tpu.memory_space<vmem>> -> memref<128x128xf32, #tpu.memory_space<vmem>>
      %dma_start3A_587 = arith.constant 0 : i32
      %dma_start3A_588 = tpu.memref_slice %arg7[%dma_start3A_582, %dma_start3A_587] : memref<16x128xi32, #tpu.memory_space<vmem>> -> memref<1x128xi32, #tpu.memory_space<vmem>>
      %dma_start3A_589 = tpu.memref_squeeze %dma_start3A_588 : memref<1x128xi32, #tpu.memory_space<vmem>> -> memref<128xi32, #tpu.memory_space<vmem>>
      %dma_start3A_590 = arith.constant 0 : i32
      %dma_start3A_591 = arith.constant 0 : i32
      %dma_start3A_592 = tpu.memref_slice %arg9[%dma_start3A_590, %dma_start3A_591] : memref<10240x128xf32, #tpu.memory_space<vmem_shared>> -> memref<10240x128xf32, #tpu.memory_space<vmem_shared>>
      tpu.enqueue_indirect_dma source(%dma_start3A_586 : memref<128x128xf32, #tpu.memory_space<vmem>>) target(%dma_start3A_592 : memref<10240x128xf32, #tpu.memory_space<vmem_shared>>) offsets(%dma_start3A_589 : memref<128xi32, #tpu.memory_space<vmem>>) semaphore(%arg11 : memref<!tpu.dma_semaphore, #tpu.memory_space<semaphore_mem>>) {add = true}
      %dma_wait3A_593 = arith.constant 1 : i32
      %dma_wait3A_594 = arith.constant 11 : i32
      %dma_wait3A_595 = arith.constant 0 : i32
      %dma_wait3A_596 = arith.constant 0 : i32
      %dma_wait3A_597 = tpu.memref_slice %arg8[%dma_wait3A_593, %dma_wait3A_595, %dma_wait3A_596] : memref<2x128x128xf32, #tpu.memory_space<vmem>> -> memref<1x128x128xf32, #tpu.memory_space<vmem>>
      %dma_wait3A_598 = tpu.memref_squeeze %dma_wait3A_597 : memref<1x128x128xf32, #tpu.memory_space<vmem>> -> memref<128x128xf32, #tpu.memory_space<vmem>>
      %dma_wait3A_599 = arith.constant 0 : i32
      %dma_wait3A_600 = tpu.memref_slice %arg7[%dma_wait3A_594, %dma_wait3A_599] : memref<16x128xi32, #tpu.memory_space<vmem>> -> memref<1x128xi32, #tpu.memory_space<vmem>>
      %dma_wait3A_601 = tpu.memref_squeeze %dma_wait3A_600 : memref<1x128xi32, #tpu.memory_space<vmem>> -> memref<128xi32, #tpu.memory_space<vmem>>
      %dma_wait3A_602 = arith.constant 0 : i32
      %dma_wait3A_603 = arith.constant 0 : i32
      %dma_wait3A_604 = tpu.memref_slice %arg9[%dma_wait3A_602, %dma_wait3A_603] : memref<10240x128xf32, #tpu.memory_space<vmem_shared>> -> memref<10240x128xf32, #tpu.memory_space<vmem_shared>>
      tpu.wait_indirect_dma semaphore(%arg11 : memref<!tpu.dma_semaphore, #tpu.memory_space<semaphore_mem>>) src(%dma_wait3A_598 : memref<128x128xf32, #tpu.memory_space<vmem>>) dst(%dma_wait3A_604 : memref<10240x128xf32, #tpu.memory_space<vmem_shared>>)
      %dma_start3A_605 = arith.constant 13 : i32
      %dma_start3A_606 = arith.constant 1 : i32
      %dma_start3A_607 = arith.constant 0 : i32
      %dma_start3A_608 = arith.constant 0 : i32
      %dma_start3A_609 = tpu.memref_slice %arg8[%dma_start3A_606, %dma_start3A_607, %dma_start3A_608] : memref<2x128x128xf32, #tpu.memory_space<vmem>> -> memref<1x128x128xf32, #tpu.memory_space<vmem>>
      %dma_start3A_610 = tpu.memref_squeeze %dma_start3A_609 : memref<1x128x128xf32, #tpu.memory_space<vmem>> -> memref<128x128xf32, #tpu.memory_space<vmem>>
      %dma_start3A_611 = arith.constant 0 : i32
      %dma_start3A_612 = tpu.memref_slice %arg6[%dma_start3A_605, %dma_start3A_611] : memref<16x128xi32, #tpu.memory_space<vmem>> -> memref<1x128xi32, #tpu.memory_space<vmem>>
      %dma_start3A_613 = tpu.memref_squeeze %dma_start3A_612 : memref<1x128xi32, #tpu.memory_space<vmem>> -> memref<128xi32, #tpu.memory_space<vmem>>
      %dma_start3A_614 = arith.constant 0 : i32
      %dma_start3A_615 = arith.constant 0 : i32
      %dma_start3A_616 = tpu.memref_slice %arg2[%dma_start3A_614, %dma_start3A_615] : memref<10000x128xf32, #tpu.memory_space<hbm>> -> memref<10000x128xf32, #tpu.memory_space<hbm>>
      tpu.enqueue_indirect_dma source(%dma_start3A_616 : memref<10000x128xf32, #tpu.memory_space<hbm>>) target(%dma_start3A_610 : memref<128x128xf32, #tpu.memory_space<vmem>>) offsets(%dma_start3A_613 : memref<128xi32, #tpu.memory_space<vmem>>) semaphore(%arg10 : memref<!tpu.dma_semaphore, #tpu.memory_space<semaphore_mem>>)
      %dma_wait3A_617 = arith.constant 12 : i32
      %dma_wait3A_618 = arith.constant 0 : i32
      %dma_wait3A_619 = arith.constant 0 : i32
      %dma_wait3A_620 = arith.constant 0 : i32
      %dma_wait3A_621 = tpu.memref_slice %arg8[%dma_wait3A_618, %dma_wait3A_619, %dma_wait3A_620] : memref<2x128x128xf32, #tpu.memory_space<vmem>> -> memref<1x128x128xf32, #tpu.memory_space<vmem>>
      %dma_wait3A_622 = tpu.memref_squeeze %dma_wait3A_621 : memref<1x128x128xf32, #tpu.memory_space<vmem>> -> memref<128x128xf32, #tpu.memory_space<vmem>>
      %dma_wait3A_623 = arith.constant 0 : i32
      %dma_wait3A_624 = tpu.memref_slice %arg6[%dma_wait3A_617, %dma_wait3A_623] : memref<16x128xi32, #tpu.memory_space<vmem>> -> memref<1x128xi32, #tpu.memory_space<vmem>>
      %dma_wait3A_625 = tpu.memref_squeeze %dma_wait3A_624 : memref<1x128xi32, #tpu.memory_space<vmem>> -> memref<128xi32, #tpu.memory_space<vmem>>
      %dma_wait3A_626 = arith.constant 0 : i32
      %dma_wait3A_627 = arith.constant 0 : i32
      %dma_wait3A_628 = tpu.memref_slice %arg2[%dma_wait3A_626, %dma_wait3A_627] : memref<10000x128xf32, #tpu.memory_space<hbm>> -> memref<10000x128xf32, #tpu.memory_space<hbm>>
      tpu.wait_indirect_dma semaphore(%arg10 : memref<!tpu.dma_semaphore, #tpu.memory_space<semaphore_mem>>) src(%dma_wait3A_628 : memref<10000x128xf32, #tpu.memory_space<hbm>>) dst(%dma_wait3A_622 : memref<128x128xf32, #tpu.memory_space<vmem>>)
      %dma_start3A_629 = arith.constant 0 : i32
      %dma_start3A_630 = arith.constant 12 : i32
      %dma_start3A_631 = arith.constant 0 : i32
      %dma_start3A_632 = arith.constant 0 : i32
      %dma_start3A_633 = tpu.memref_slice %arg8[%dma_start3A_629, %dma_start3A_631, %dma_start3A_632] : memref<2x128x128xf32, #tpu.memory_space<vmem>> -> memref<1x128x128xf32, #tpu.memory_space<vmem>>
      %dma_start3A_634 = tpu.memref_squeeze %dma_start3A_633 : memref<1x128x128xf32, #tpu.memory_space<vmem>> -> memref<128x128xf32, #tpu.memory_space<vmem>>
      %dma_start3A_635 = arith.constant 0 : i32
      %dma_start3A_636 = tpu.memref_slice %arg7[%dma_start3A_630, %dma_start3A_635] : memref<16x128xi32, #tpu.memory_space<vmem>> -> memref<1x128xi32, #tpu.memory_space<vmem>>
      %dma_start3A_637 = tpu.memref_squeeze %dma_start3A_636 : memref<1x128xi32, #tpu.memory_space<vmem>> -> memref<128xi32, #tpu.memory_space<vmem>>
      %dma_start3A_638 = arith.constant 0 : i32
      %dma_start3A_639 = arith.constant 0 : i32
      %dma_start3A_640 = tpu.memref_slice %arg9[%dma_start3A_638, %dma_start3A_639] : memref<10240x128xf32, #tpu.memory_space<vmem_shared>> -> memref<10240x128xf32, #tpu.memory_space<vmem_shared>>
      tpu.enqueue_indirect_dma source(%dma_start3A_634 : memref<128x128xf32, #tpu.memory_space<vmem>>) target(%dma_start3A_640 : memref<10240x128xf32, #tpu.memory_space<vmem_shared>>) offsets(%dma_start3A_637 : memref<128xi32, #tpu.memory_space<vmem>>) semaphore(%arg11 : memref<!tpu.dma_semaphore, #tpu.memory_space<semaphore_mem>>) {add = true}
      %dma_wait3A_641 = arith.constant 0 : i32
      %dma_wait3A_642 = arith.constant 12 : i32
      %dma_wait3A_643 = arith.constant 0 : i32
      %dma_wait3A_644 = arith.constant 0 : i32
      %dma_wait3A_645 = tpu.memref_slice %arg8[%dma_wait3A_641, %dma_wait3A_643, %dma_wait3A_644] : memref<2x128x128xf32, #tpu.memory_space<vmem>> -> memref<1x128x128xf32, #tpu.memory_space<vmem>>
      %dma_wait3A_646 = tpu.memref_squeeze %dma_wait3A_645 : memref<1x128x128xf32, #tpu.memory_space<vmem>> -> memref<128x128xf32, #tpu.memory_space<vmem>>
      %dma_wait3A_647 = arith.constant 0 : i32
      %dma_wait3A_648 = tpu.memref_slice %arg7[%dma_wait3A_642, %dma_wait3A_647] : memref<16x128xi32, #tpu.memory_space<vmem>> -> memref<1x128xi32, #tpu.memory_space<vmem>>
      %dma_wait3A_649 = tpu.memref_squeeze %dma_wait3A_648 : memref<1x128xi32, #tpu.memory_space<vmem>> -> memref<128xi32, #tpu.memory_space<vmem>>
      %dma_wait3A_650 = arith.constant 0 : i32
      %dma_wait3A_651 = arith.constant 0 : i32
      %dma_wait3A_652 = tpu.memref_slice %arg9[%dma_wait3A_650, %dma_wait3A_651] : memref<10240x128xf32, #tpu.memory_space<vmem_shared>> -> memref<10240x128xf32, #tpu.memory_space<vmem_shared>>
      tpu.wait_indirect_dma semaphore(%arg11 : memref<!tpu.dma_semaphore, #tpu.memory_space<semaphore_mem>>) src(%dma_wait3A_646 : memref<128x128xf32, #tpu.memory_space<vmem>>) dst(%dma_wait3A_652 : memref<10240x128xf32, #tpu.memory_space<vmem_shared>>)
      %dma_start3A_653 = arith.constant 14 : i32
      %dma_start3A_654 = arith.constant 0 : i32
      %dma_start3A_655 = arith.constant 0 : i32
      %dma_start3A_656 = arith.constant 0 : i32
      %dma_start3A_657 = tpu.memref_slice %arg8[%dma_start3A_654, %dma_start3A_655, %dma_start3A_656] : memref<2x128x128xf32, #tpu.memory_space<vmem>> -> memref<1x128x128xf32, #tpu.memory_space<vmem>>
      %dma_start3A_658 = tpu.memref_squeeze %dma_start3A_657 : memref<1x128x128xf32, #tpu.memory_space<vmem>> -> memref<128x128xf32, #tpu.memory_space<vmem>>
      %dma_start3A_659 = arith.constant 0 : i32
      %dma_start3A_660 = tpu.memref_slice %arg6[%dma_start3A_653, %dma_start3A_659] : memref<16x128xi32, #tpu.memory_space<vmem>> -> memref<1x128xi32, #tpu.memory_space<vmem>>
      %dma_start3A_661 = tpu.memref_squeeze %dma_start3A_660 : memref<1x128xi32, #tpu.memory_space<vmem>> -> memref<128xi32, #tpu.memory_space<vmem>>
      %dma_start3A_662 = arith.constant 0 : i32
      %dma_start3A_663 = arith.constant 0 : i32
      %dma_start3A_664 = tpu.memref_slice %arg2[%dma_start3A_662, %dma_start3A_663] : memref<10000x128xf32, #tpu.memory_space<hbm>> -> memref<10000x128xf32, #tpu.memory_space<hbm>>
      tpu.enqueue_indirect_dma source(%dma_start3A_664 : memref<10000x128xf32, #tpu.memory_space<hbm>>) target(%dma_start3A_658 : memref<128x128xf32, #tpu.memory_space<vmem>>) offsets(%dma_start3A_661 : memref<128xi32, #tpu.memory_space<vmem>>) semaphore(%arg10 : memref<!tpu.dma_semaphore, #tpu.memory_space<semaphore_mem>>)
      %dma_wait3A_665 = arith.constant 13 : i32
      %dma_wait3A_666 = arith.constant 1 : i32
      %dma_wait3A_667 = arith.constant 0 : i32
      %dma_wait3A_668 = arith.constant 0 : i32
      %dma_wait3A_669 = tpu.memref_slice %arg8[%dma_wait3A_666, %dma_wait3A_667, %dma_wait3A_668] : memref<2x128x128xf32, #tpu.memory_space<vmem>> -> memref<1x128x128xf32, #tpu.memory_space<vmem>>
      %dma_wait3A_670 = tpu.memref_squeeze %dma_wait3A_669 : memref<1x128x128xf32, #tpu.memory_space<vmem>> -> memref<128x128xf32, #tpu.memory_space<vmem>>
      %dma_wait3A_671 = arith.constant 0 : i32
      %dma_wait3A_672 = tpu.memref_slice %arg6[%dma_wait3A_665, %dma_wait3A_671] : memref<16x128xi32, #tpu.memory_space<vmem>> -> memref<1x128xi32, #tpu.memory_space<vmem>>
      %dma_wait3A_673 = tpu.memref_squeeze %dma_wait3A_672 : memref<1x128xi32, #tpu.memory_space<vmem>> -> memref<128xi32, #tpu.memory_space<vmem>>
      %dma_wait3A_674 = arith.constant 0 : i32
      %dma_wait3A_675 = arith.constant 0 : i32
      %dma_wait3A_676 = tpu.memref_slice %arg2[%dma_wait3A_674, %dma_wait3A_675] : memref<10000x128xf32, #tpu.memory_space<hbm>> -> memref<10000x128xf32, #tpu.memory_space<hbm>>
      tpu.wait_indirect_dma semaphore(%arg10 : memref<!tpu.dma_semaphore, #tpu.memory_space<semaphore_mem>>) src(%dma_wait3A_676 : memref<10000x128xf32, #tpu.memory_space<hbm>>) dst(%dma_wait3A_670 : memref<128x128xf32, #tpu.memory_space<vmem>>)
      %dma_start3A_677 = arith.constant 1 : i32
      %dma_start3A_678 = arith.constant 13 : i32
      %dma_start3A_679 = arith.constant 0 : i32
      %dma_start3A_680 = arith.constant 0 : i32
      %dma_start3A_681 = tpu.memref_slice %arg8[%dma_start3A_677, %dma_start3A_679, %dma_start3A_680] : memref<2x128x128xf32, #tpu.memory_space<vmem>> -> memref<1x128x128xf32, #tpu.memory_space<vmem>>
      %dma_start3A_682 = tpu.memref_squeeze %dma_start3A_681 : memref<1x128x128xf32, #tpu.memory_space<vmem>> -> memref<128x128xf32, #tpu.memory_space<vmem>>
      %dma_start3A_683 = arith.constant 0 : i32
      %dma_start3A_684 = tpu.memref_slice %arg7[%dma_start3A_678, %dma_start3A_683] : memref<16x128xi32, #tpu.memory_space<vmem>> -> memref<1x128xi32, #tpu.memory_space<vmem>>
      %dma_start3A_685 = tpu.memref_squeeze %dma_start3A_684 : memref<1x128xi32, #tpu.memory_space<vmem>> -> memref<128xi32, #tpu.memory_space<vmem>>
      %dma_start3A_686 = arith.constant 0 : i32
      %dma_start3A_687 = arith.constant 0 : i32
      %dma_start3A_688 = tpu.memref_slice %arg9[%dma_start3A_686, %dma_start3A_687] : memref<10240x128xf32, #tpu.memory_space<vmem_shared>> -> memref<10240x128xf32, #tpu.memory_space<vmem_shared>>
      tpu.enqueue_indirect_dma source(%dma_start3A_682 : memref<128x128xf32, #tpu.memory_space<vmem>>) target(%dma_start3A_688 : memref<10240x128xf32, #tpu.memory_space<vmem_shared>>) offsets(%dma_start3A_685 : memref<128xi32, #tpu.memory_space<vmem>>) semaphore(%arg11 : memref<!tpu.dma_semaphore, #tpu.memory_space<semaphore_mem>>) {add = true}
      %dma_wait3A_689 = arith.constant 1 : i32
      %dma_wait3A_690 = arith.constant 13 : i32
      %dma_wait3A_691 = arith.constant 0 : i32
      %dma_wait3A_692 = arith.constant 0 : i32
      %dma_wait3A_693 = tpu.memref_slice %arg8[%dma_wait3A_689, %dma_wait3A_691, %dma_wait3A_692] : memref<2x128x128xf32, #tpu.memory_space<vmem>> -> memref<1x128x128xf32, #tpu.memory_space<vmem>>
      %dma_wait3A_694 = tpu.memref_squeeze %dma_wait3A_693 : memref<1x128x128xf32, #tpu.memory_space<vmem>> -> memref<128x128xf32, #tpu.memory_space<vmem>>
      %dma_wait3A_695 = arith.constant 0 : i32
      %dma_wait3A_696 = tpu.memref_slice %arg7[%dma_wait3A_690, %dma_wait3A_695] : memref<16x128xi32, #tpu.memory_space<vmem>> -> memref<1x128xi32, #tpu.memory_space<vmem>>
      %dma_wait3A_697 = tpu.memref_squeeze %dma_wait3A_696 : memref<1x128xi32, #tpu.memory_space<vmem>> -> memref<128xi32, #tpu.memory_space<vmem>>
      %dma_wait3A_698 = arith.constant 0 : i32
      %dma_wait3A_699 = arith.constant 0 : i32
      %dma_wait3A_700 = tpu.memref_slice %arg9[%dma_wait3A_698, %dma_wait3A_699] : memref<10240x128xf32, #tpu.memory_space<vmem_shared>> -> memref<10240x128xf32, #tpu.memory_space<vmem_shared>>
      tpu.wait_indirect_dma semaphore(%arg11 : memref<!tpu.dma_semaphore, #tpu.memory_space<semaphore_mem>>) src(%dma_wait3A_694 : memref<128x128xf32, #tpu.memory_space<vmem>>) dst(%dma_wait3A_700 : memref<10240x128xf32, #tpu.memory_space<vmem_shared>>)
      %dma_start3A_701 = arith.constant 15 : i32
      %dma_start3A_702 = arith.constant 1 : i32
      %dma_start3A_703 = arith.constant 0 : i32
      %dma_start3A_704 = arith.constant 0 : i32
      %dma_start3A_705 = tpu.memref_slice %arg8[%dma_start3A_702, %dma_start3A_703, %dma_start3A_704] : memref<2x128x128xf32, #tpu.memory_space<vmem>> -> memref<1x128x128xf32, #tpu.memory_space<vmem>>
      %dma_start3A_706 = tpu.memref_squeeze %dma_start3A_705 : memref<1x128x128xf32, #tpu.memory_space<vmem>> -> memref<128x128xf32, #tpu.memory_space<vmem>>
      %dma_start3A_707 = arith.constant 0 : i32
      %dma_start3A_708 = tpu.memref_slice %arg6[%dma_start3A_701, %dma_start3A_707] : memref<16x128xi32, #tpu.memory_space<vmem>> -> memref<1x128xi32, #tpu.memory_space<vmem>>
      %dma_start3A_709 = tpu.memref_squeeze %dma_start3A_708 : memref<1x128xi32, #tpu.memory_space<vmem>> -> memref<128xi32, #tpu.memory_space<vmem>>
      %dma_start3A_710 = arith.constant 0 : i32
      %dma_start3A_711 = arith.constant 0 : i32
      %dma_start3A_712 = tpu.memref_slice %arg2[%dma_start3A_710, %dma_start3A_711] : memref<10000x128xf32, #tpu.memory_space<hbm>> -> memref<10000x128xf32, #tpu.memory_space<hbm>>
      tpu.enqueue_indirect_dma source(%dma_start3A_712 : memref<10000x128xf32, #tpu.memory_space<hbm>>) target(%dma_start3A_706 : memref<128x128xf32, #tpu.memory_space<vmem>>) offsets(%dma_start3A_709 : memref<128xi32, #tpu.memory_space<vmem>>) semaphore(%arg10 : memref<!tpu.dma_semaphore, #tpu.memory_space<semaphore_mem>>)
      %dma_wait3A_713 = arith.constant 14 : i32
      %dma_wait3A_714 = arith.constant 0 : i32
      %dma_wait3A_715 = arith.constant 0 : i32
      %dma_wait3A_716 = arith.constant 0 : i32
      %dma_wait3A_717 = tpu.memref_slice %arg8[%dma_wait3A_714, %dma_wait3A_715, %dma_wait3A_716] : memref<2x128x128xf32, #tpu.memory_space<vmem>> -> memref<1x128x128xf32, #tpu.memory_space<vmem>>
      %dma_wait3A_718 = tpu.memref_squeeze %dma_wait3A_717 : memref<1x128x128xf32, #tpu.memory_space<vmem>> -> memref<128x128xf32, #tpu.memory_space<vmem>>
      %dma_wait3A_719 = arith.constant 0 : i32
      %dma_wait3A_720 = tpu.memref_slice %arg6[%dma_wait3A_713, %dma_wait3A_719] : memref<16x128xi32, #tpu.memory_space<vmem>> -> memref<1x128xi32, #tpu.memory_space<vmem>>
      %dma_wait3A_721 = tpu.memref_squeeze %dma_wait3A_720 : memref<1x128xi32, #tpu.memory_space<vmem>> -> memref<128xi32, #tpu.memory_space<vmem>>
      %dma_wait3A_722 = arith.constant 0 : i32
      %dma_wait3A_723 = arith.constant 0 : i32
      %dma_wait3A_724 = tpu.memref_slice %arg2[%dma_wait3A_722, %dma_wait3A_723] : memref<10000x128xf32, #tpu.memory_space<hbm>> -> memref<10000x128xf32, #tpu.memory_space<hbm>>
      tpu.wait_indirect_dma semaphore(%arg10 : memref<!tpu.dma_semaphore, #tpu.memory_space<semaphore_mem>>) src(%dma_wait3A_724 : memref<10000x128xf32, #tpu.memory_space<hbm>>) dst(%dma_wait3A_718 : memref<128x128xf32, #tpu.memory_space<vmem>>)
      %dma_start3A_725 = arith.constant 0 : i32
      %dma_start3A_726 = arith.constant 14 : i32
      %dma_start3A_727 = arith.constant 0 : i32
      %dma_start3A_728 = arith.constant 0 : i32
      %dma_start3A_729 = tpu.memref_slice %arg8[%dma_start3A_725, %dma_start3A_727, %dma_start3A_728] : memref<2x128x128xf32, #tpu.memory_space<vmem>> -> memref<1x128x128xf32, #tpu.memory_space<vmem>>
      %dma_start3A_730 = tpu.memref_squeeze %dma_start3A_729 : memref<1x128x128xf32, #tpu.memory_space<vmem>> -> memref<128x128xf32, #tpu.memory_space<vmem>>
      %dma_start3A_731 = arith.constant 0 : i32
      %dma_start3A_732 = tpu.memref_slice %arg7[%dma_start3A_726, %dma_start3A_731] : memref<16x128xi32, #tpu.memory_space<vmem>> -> memref<1x128xi32, #tpu.memory_space<vmem>>
      %dma_start3A_733 = tpu.memref_squeeze %dma_start3A_732 : memref<1x128xi32, #tpu.memory_space<vmem>> -> memref<128xi32, #tpu.memory_space<vmem>>
      %dma_start3A_734 = arith.constant 0 : i32
      %dma_start3A_735 = arith.constant 0 : i32
      %dma_start3A_736 = tpu.memref_slice %arg9[%dma_start3A_734, %dma_start3A_735] : memref<10240x128xf32, #tpu.memory_space<vmem_shared>> -> memref<10240x128xf32, #tpu.memory_space<vmem_shared>>
      tpu.enqueue_indirect_dma source(%dma_start3A_730 : memref<128x128xf32, #tpu.memory_space<vmem>>) target(%dma_start3A_736 : memref<10240x128xf32, #tpu.memory_space<vmem_shared>>) offsets(%dma_start3A_733 : memref<128xi32, #tpu.memory_space<vmem>>) semaphore(%arg11 : memref<!tpu.dma_semaphore, #tpu.memory_space<semaphore_mem>>) {add = true}
      %dma_wait3A_737 = arith.constant 0 : i32
      %dma_wait3A_738 = arith.constant 14 : i32
      %dma_wait3A_739 = arith.constant 0 : i32
      %dma_wait3A_740 = arith.constant 0 : i32
      %dma_wait3A_741 = tpu.memref_slice %arg8[%dma_wait3A_737, %dma_wait3A_739, %dma_wait3A_740] : memref<2x128x128xf32, #tpu.memory_space<vmem>> -> memref<1x128x128xf32, #tpu.memory_space<vmem>>
      %dma_wait3A_742 = tpu.memref_squeeze %dma_wait3A_741 : memref<1x128x128xf32, #tpu.memory_space<vmem>> -> memref<128x128xf32, #tpu.memory_space<vmem>>
      %dma_wait3A_743 = arith.constant 0 : i32
      %dma_wait3A_744 = tpu.memref_slice %arg7[%dma_wait3A_738, %dma_wait3A_743] : memref<16x128xi32, #tpu.memory_space<vmem>> -> memref<1x128xi32, #tpu.memory_space<vmem>>
      %dma_wait3A_745 = tpu.memref_squeeze %dma_wait3A_744 : memref<1x128xi32, #tpu.memory_space<vmem>> -> memref<128xi32, #tpu.memory_space<vmem>>
      %dma_wait3A_746 = arith.constant 0 : i32
      %dma_wait3A_747 = arith.constant 0 : i32
      %dma_wait3A_748 = tpu.memref_slice %arg9[%dma_wait3A_746, %dma_wait3A_747] : memref<10240x128xf32, #tpu.memory_space<vmem_shared>> -> memref<10240x128xf32, #tpu.memory_space<vmem_shared>>
      tpu.wait_indirect_dma semaphore(%arg11 : memref<!tpu.dma_semaphore, #tpu.memory_space<semaphore_mem>>) src(%dma_wait3A_742 : memref<128x128xf32, #tpu.memory_space<vmem>>) dst(%dma_wait3A_748 : memref<10240x128xf32, #tpu.memory_space<vmem_shared>>)
      %dma_wait3A_749 = arith.constant 15 : i32
      %dma_wait3A_750 = arith.constant 1 : i32
      %dma_wait3A_751 = arith.constant 0 : i32
      %dma_wait3A_752 = arith.constant 0 : i32
      %dma_wait3A_753 = tpu.memref_slice %arg8[%dma_wait3A_750, %dma_wait3A_751, %dma_wait3A_752] : memref<2x128x128xf32, #tpu.memory_space<vmem>> -> memref<1x128x128xf32, #tpu.memory_space<vmem>>
      %dma_wait3A_754 = tpu.memref_squeeze %dma_wait3A_753 : memref<1x128x128xf32, #tpu.memory_space<vmem>> -> memref<128x128xf32, #tpu.memory_space<vmem>>
      %dma_wait3A_755 = arith.constant 0 : i32
      %dma_wait3A_756 = tpu.memref_slice %arg6[%dma_wait3A_749, %dma_wait3A_755] : memref<16x128xi32, #tpu.memory_space<vmem>> -> memref<1x128xi32, #tpu.memory_space<vmem>>
      %dma_wait3A_757 = tpu.memref_squeeze %dma_wait3A_756 : memref<1x128xi32, #tpu.memory_space<vmem>> -> memref<128xi32, #tpu.memory_space<vmem>>
      %dma_wait3A_758 = arith.constant 0 : i32
      %dma_wait3A_759 = arith.constant 0 : i32
      %dma_wait3A_760 = tpu.memref_slice %arg2[%dma_wait3A_758, %dma_wait3A_759] : memref<10000x128xf32, #tpu.memory_space<hbm>> -> memref<10000x128xf32, #tpu.memory_space<hbm>>
      tpu.wait_indirect_dma semaphore(%arg10 : memref<!tpu.dma_semaphore, #tpu.memory_space<semaphore_mem>>) src(%dma_wait3A_760 : memref<10000x128xf32, #tpu.memory_space<hbm>>) dst(%dma_wait3A_754 : memref<128x128xf32, #tpu.memory_space<vmem>>)
      %dma_start3A_761 = arith.constant 1 : i32
      %dma_start3A_762 = arith.constant 15 : i32
      %dma_start3A_763 = arith.constant 0 : i32
      %dma_start3A_764 = arith.constant 0 : i32
      %dma_start3A_765 = tpu.memref_slice %arg8[%dma_start3A_761, %dma_start3A_763, %dma_start3A_764] : memref<2x128x128xf32, #tpu.memory_space<vmem>> -> memref<1x128x128xf32, #tpu.memory_space<vmem>>
      %dma_start3A_766 = tpu.memref_squeeze %dma_start3A_765 : memref<1x128x128xf32, #tpu.memory_space<vmem>> -> memref<128x128xf32, #tpu.memory_space<vmem>>
      %dma_start3A_767 = arith.constant 0 : i32
      %dma_start3A_768 = tpu.memref_slice %arg7[%dma_start3A_762, %dma_start3A_767] : memref<16x128xi32, #tpu.memory_space<vmem>> -> memref<1x128xi32, #tpu.memory_space<vmem>>
      %dma_start3A_769 = tpu.memref_squeeze %dma_start3A_768 : memref<1x128xi32, #tpu.memory_space<vmem>> -> memref<128xi32, #tpu.memory_space<vmem>>
      %dma_start3A_770 = arith.constant 0 : i32
      %dma_start3A_771 = arith.constant 0 : i32
      %dma_start3A_772 = tpu.memref_slice %arg9[%dma_start3A_770, %dma_start3A_771] : memref<10240x128xf32, #tpu.memory_space<vmem_shared>> -> memref<10240x128xf32, #tpu.memory_space<vmem_shared>>
      tpu.enqueue_indirect_dma source(%dma_start3A_766 : memref<128x128xf32, #tpu.memory_space<vmem>>) target(%dma_start3A_772 : memref<10240x128xf32, #tpu.memory_space<vmem_shared>>) offsets(%dma_start3A_769 : memref<128xi32, #tpu.memory_space<vmem>>) semaphore(%arg11 : memref<!tpu.dma_semaphore, #tpu.memory_space<semaphore_mem>>) {add = true}
      %dma_wait3A_773 = arith.constant 1 : i32
      %dma_wait3A_774 = arith.constant 15 : i32
      %dma_wait3A_775 = arith.constant 0 : i32
      %dma_wait3A_776 = arith.constant 0 : i32
      %dma_wait3A_777 = tpu.memref_slice %arg8[%dma_wait3A_773, %dma_wait3A_775, %dma_wait3A_776] : memref<2x128x128xf32, #tpu.memory_space<vmem>> -> memref<1x128x128xf32, #tpu.memory_space<vmem>>
      %dma_wait3A_778 = tpu.memref_squeeze %dma_wait3A_777 : memref<1x128x128xf32, #tpu.memory_space<vmem>> -> memref<128x128xf32, #tpu.memory_space<vmem>>
      %dma_wait3A_779 = arith.constant 0 : i32
      %dma_wait3A_780 = tpu.memref_slice %arg7[%dma_wait3A_774, %dma_wait3A_779] : memref<16x128xi32, #tpu.memory_space<vmem>> -> memref<1x128xi32, #tpu.memory_space<vmem>>
      %dma_wait3A_781 = tpu.memref_squeeze %dma_wait3A_780 : memref<1x128xi32, #tpu.memory_space<vmem>> -> memref<128xi32, #tpu.memory_space<vmem>>
      %dma_wait3A_782 = arith.constant 0 : i32
      %dma_wait3A_783 = arith.constant 0 : i32
      %dma_wait3A_784 = tpu.memref_slice %arg9[%dma_wait3A_782, %dma_wait3A_783] : memref<10240x128xf32, #tpu.memory_space<vmem_shared>> -> memref<10240x128xf32, #tpu.memory_space<vmem_shared>>
      tpu.wait_indirect_dma semaphore(%arg11 : memref<!tpu.dma_semaphore, #tpu.memory_space<semaphore_mem>>) src(%dma_wait3A_778 : memref<128x128xf32, #tpu.memory_space<vmem>>) dst(%dma_wait3A_784 : memref<10240x128xf32, #tpu.memory_space<vmem_shared>>)
      %scan3A_785 = arith.constant 0 : i32
      scf.yield %scan3A_785 : i32
    }
    %scan3A_8 = arith.constant 5 : i32
    %barrier3A_9 = arith.constant 0 : index
    tpu.barrier barrier_id(%barrier3A_9)
    "tpu.region"() ({
      %run_scoped3A = tpu.sem_alloc : memref<!tpu.dma_semaphore, #tpu.memory_space<semaphore_mem>>
      %dma_start3A = arith.constant 0 : i32
      %dma_start3A_10 = tpu.memref_slice %arg5[%arg0, %multiple_of3A, %dma_start3A] : memref<2x10240x128xf32, #tpu.memory_space<hbm>> -> memref<1x640x128xf32, #tpu.memory_space<hbm>>
      %dma_start3A_11 = tpu.memref_squeeze %dma_start3A_10 : memref<1x640x128xf32, #tpu.memory_space<hbm>> -> memref<640x128xf32, #tpu.memory_space<hbm>>
      %dma_start3A_12 = arith.constant 0 : i32
      %dma_start3A_13 = tpu.memref_slice %arg9[%multiple_of3A, %dma_start3A_12] : memref<10240x128xf32, #tpu.memory_space<vmem_shared>> -> memref<640x128xf32, #tpu.memory_space<vmem_shared>>
      tpu.enqueue_dma source(%dma_start3A_13 : memref<640x128xf32, #tpu.memory_space<vmem_shared>>) target(%dma_start3A_11 : memref<640x128xf32, #tpu.memory_space<hbm>>) target_semaphore(%run_scoped3A : memref<!tpu.dma_semaphore, #tpu.memory_space<semaphore_mem>>)
      %dma_wait3A = arith.constant 0 : i32
      %dma_wait3A_14 = tpu.memref_slice %arg5[%arg0, %multiple_of3A, %dma_wait3A] : memref<2x10240x128xf32, #tpu.memory_space<hbm>> -> memref<1x640x128xf32, #tpu.memory_space<hbm>>
      %dma_wait3A_15 = tpu.memref_squeeze %dma_wait3A_14 : memref<1x640x128xf32, #tpu.memory_space<hbm>> -> memref<640x128xf32, #tpu.memory_space<hbm>>
      %dma_wait3A_16 = arith.constant 0 : i32
      %dma_wait3A_17 = tpu.memref_slice %arg9[%multiple_of3A, %dma_wait3A_16] : memref<10240x128xf32, #tpu.memory_space<vmem_shared>> -> memref<640x128xf32, #tpu.memory_space<vmem_shared>>
      tpu.wait_dma2 semaphore(%run_scoped3A : memref<!tpu.dma_semaphore, #tpu.memory_space<semaphore_mem>>) src(%dma_wait3A_17 : memref<640x128xf32, #tpu.memory_space<vmem_shared>>) dst(%dma_wait3A_15 : memref<640x128xf32, #tpu.memory_space<hbm>>)
      tpu.yield
    }) : () -> ()
    return
  }
}

module attributes {stable_mosaic.version = 14 : i64} {
  func.func @body(%arg0: i32, %arg1: memref<1000x128xf32, #tpu.memory_space<vmem>>, %arg2: memref<128x128xf32, #tpu.memory_space<vmem>>, %arg3: memref<1000x128xf32, #tpu.memory_space<vmem>>) attributes {dimension_semantics = [#tpu.dimension_semantics<arbitrary>], iteration_bounds = array<i64: 10>, scalar_prefetch = 0 : i64, scratch_operands = 0 : i64, tpu.core_type = #tpu.core_type<tc>, window_params = [{transform_indices = @transform_0, window_bounds = array<i64: 1000, 128>}, {pipeline_mode = #tpu.pipeline_mode<synchronous>, transform_indices = @transform_1, window_bounds = array<i64: 128, 128>}, {transform_indices = @transform_2, window_bounds = array<i64: 1000, 128>}]} {
    %get3A = arith.constant 0 : index
    %get3A_0 = arith.constant 0 : index
    %get3A_1 = vector.load %arg1[%get3A, %get3A_0] : memref<1000x128xf32, #tpu.memory_space<vmem>>, vector<1000x128xf32>
    %get3A_2 = arith.constant 0 : index
    %get3A_3 = arith.constant 0 : index
    %get3A_4 = vector.load %arg2[%get3A_2, %get3A_3] : memref<128x128xf32, #tpu.memory_space<vmem>>, vector<128x128xf32>
    %dot_general3A = arith.constant dense<0.000000e+00> : vector<1000x128xf32>
    %dot_general3A_5 = tpu.matmul %get3A_1, %get3A_4, %dot_general3A {dimension_numbers = #tpu.dot_dimension_numbers<[1], [0], [0], [1], [0, 0, 1, 1], [], []>, transpose_lhs_hint = false} : vector<1000x128xf32>, vector<128x128xf32>, vector<1000x128xf32> -> vector<1000x128xf32>
    %swap3A = arith.constant 0 : index
    %swap3A_6 = arith.constant 0 : index
    %swap3A_7 = vector.load %arg3[%swap3A, %swap3A_6] : memref<1000x128xf32, #tpu.memory_space<vmem>>, vector<1000x128xf32>
    tpu.vector_store %arg3[%swap3A, %swap3A_6], %dot_general3A_5 {strides = array<i32>} : memref<1000x128xf32, #tpu.memory_space<vmem>>, vector<1000x128xf32>,
    return
  }
  func.func @transform_0(%arg0: i32) -> (i32, i32) {
    %c0_i32 = arith.constant 0 : i32
    %c0_i32_0 = arith.constant 0 : i32
    return %arg0, %c0_i32 : i32, i32
  }
  func.func @transform_1(%arg0: i32) -> (i32, i32) {
    %c0_i32 = arith.constant 0 : i32
    %c0_i32_0 = arith.constant 0 : i32
    %c0_i32_1 = arith.constant 0 : i32
    return %c0_i32, %c0_i32_0 : i32, i32
  }
  func.func @transform_2(%arg0: i32) -> (i32, i32) {
    %c0_i32 = arith.constant 0 : i32
    %c0_i32_0 = arith.constant 0 : i32
    return %arg0, %c0_i32 : i32, i32
  }
}

module attributes {stable_mosaic.version = 14 : i64} {
  func.func @body(%arg0: i32, %arg1: memref<2048x128xf32, #tpu.memory_space<vmem>>, %arg2: memref<2048x1xf32, #tpu.memory_space<vmem>>, %arg3: memref<2048x128xf32, #tpu.memory_space<vmem>>) attributes {dimension_semantics = [#tpu.dimension_semantics<arbitrary>], iteration_bounds = array<i64: 5>, scalar_prefetch = 0 : i64, scratch_operands = 0 : i64, tpu.core_type = #tpu.core_type<tc>, window_params = [{transform_indices = @transform_0, window_bounds = array<i64: 2048, 128>}, {transform_indices = @transform_1, window_bounds = array<i64: 2048, 1>}, {transform_indices = @transform_2, window_bounds = array<i64: 2048, 128>}]} {
    %get3A = arith.constant 0 : index
    %get3A_0 = arith.constant 0 : index
    %get3A_1 = vector.load %arg1[%get3A, %get3A_0] : memref<2048x128xf32, #tpu.memory_space<vmem>>, vector<2048x128xf32>
    %get3A_2 = arith.constant 0 : index
    %get3A_3 = arith.constant 0 : index
    %get3A_4 = vector.load %arg2[%get3A_2, %get3A_3] : memref<2048x1xf32, #tpu.memory_space<vmem>>, vector<2048x1xf32>
    %mul3A = vector.broadcast %get3A_4 : vector<2048x1xf32> to vector<2048x128xf32>
    %mul3A_5 = arith.mulf %get3A_1, %mul3A : vector<2048x128xf32>
    %swap3A = arith.constant 0 : index
    %swap3A_6 = arith.constant 0 : index
    %swap3A_7 = vector.load %arg3[%swap3A, %swap3A_6] : memref<2048x128xf32, #tpu.memory_space<vmem>>, vector<2048x128xf32>
    tpu.vector_store %arg3[%swap3A, %swap3A_6], %mul3A_5 {strides = array<i32>} : memref<2048x128xf32, #tpu.memory_space<vmem>>, vector<2048x128xf32>,
    return
  }
  func.func @transform_0(%arg0: i32) -> (i32, i32) {
    %c0_i32 = arith.constant 0 : i32
    %c0_i32_0 = arith.constant 0 : i32
    return %arg0, %c0_i32 : i32, i32
  }
  func.func @transform_1(%arg0: i32) -> (i32, i32) {
    %c0_i32 = arith.constant 0 : i32
    %c0_i32_0 = arith.constant 0 : i32
    return %arg0, %c0_i32 : i32, i32
  }
  func.func @transform_2(%arg0: i32) -> (i32, i32) {
    %c0_i32 = arith.constant 0 : i32
    %c0_i32_0 = arith.constant 0 : i32
    return %arg0, %c0_i32 : i32, i32
  }
}

module attributes {stable_mosaic.version = 14 : i64} {
  func.func @body(%arg0: i32, %arg1: memref<2x2048x128xf32, #tpu.memory_space<vmem>>, %arg2: memref<2048x128xf32, #tpu.memory_space<vmem>>, %arg3: memref<2048x1xf32, #tpu.memory_space<vmem>>, %arg4: memref<128x64xf32, #tpu.memory_space<vmem>>, %arg5: memref<1x128xf32, #tpu.memory_space<vmem>>, %arg6: memref<2048x64xf32, #tpu.memory_space<vmem>>) attributes {dimension_semantics = [#tpu.dimension_semantics<arbitrary>], iteration_bounds = array<i64: 5>, scalar_prefetch = 0 : i64, scratch_operands = 0 : i64, tpu.core_type = #tpu.core_type<tc>, window_params = [{transform_indices = @transform_0, window_bounds = array<i64: 2, 2048, 128>}, {transform_indices = @transform_1, window_bounds = array<i64: 2048, 128>}, {transform_indices = @transform_2, window_bounds = array<i64: 2048, 1>}, {pipeline_mode = #tpu.pipeline_mode<synchronous>, transform_indices = @transform_3, window_bounds = array<i64: 128, 64>}, {pipeline_mode = #tpu.pipeline_mode<synchronous>, transform_indices = @transform_4, window_bounds = array<i64: 1, 128>}, {transform_indices = @transform_5, window_bounds = array<i64: 2048, 64>}]} {
    %get3A = arith.constant 0 : index
    %get3A_0 = arith.constant 0 : index
    %get3A_1 = vector.load %arg3[%get3A, %get3A_0] : memref<2048x1xf32, #tpu.memory_space<vmem>>, vector<2048x1xf32>
    %get3A_2 = arith.constant 0 : index
    %get3A_3 = arith.constant 0 : index
    %get3A_4 = arith.constant 0 : index
    %get3A_5 = vector.load %arg1[%get3A_2, %get3A_3, %get3A_4] : memref<2x2048x128xf32, #tpu.memory_space<vmem>>, vector<1x2048x128xf32>
    %get3A_6 = vector.shape_cast %get3A_5 : vector<1x2048x128xf32> to vector<2048x128xf32>
    %get3A_7 = arith.constant 1 : index
    %get3A_8 = arith.constant 0 : index
    %get3A_9 = arith.constant 0 : index
    %get3A_10 = vector.load %arg1[%get3A_7, %get3A_8, %get3A_9] : memref<2x2048x128xf32, #tpu.memory_space<vmem>>, vector<1x2048x128xf32>
    %get3A_11 = vector.shape_cast %get3A_10 : vector<1x2048x128xf32> to vector<2048x128xf32>
    %add3A = arith.addf %get3A_6, %get3A_11 : vector<2048x128xf32>
    %get3A_12 = arith.constant 0 : index
    %get3A_13 = arith.constant 0 : index
    %get3A_14 = vector.load %arg2[%get3A_12, %get3A_13] : memref<2048x128xf32, #tpu.memory_space<vmem>>, vector<2048x128xf32>
    %add3A_15 = arith.addf %add3A, %get3A_14 : vector<2048x128xf32>
    %mul3A = vector.broadcast %get3A_1 : vector<2048x1xf32> to vector<2048x128xf32>
    %mul3A_16 = arith.mulf %add3A_15, %mul3A : vector<2048x128xf32>
    %get3A_17 = arith.constant 0 : index
    %get3A_18 = arith.constant 0 : index
    %get3A_19 = vector.load %arg5[%get3A_17, %get3A_18] : memref<1x128xf32, #tpu.memory_space<vmem>>, vector<1x128xf32>
    %add3A_20 = vector.broadcast %get3A_19 : vector<1x128xf32> to vector<2048x128xf32>
    %add3A_21 = arith.addf %mul3A_16, %add3A_20 : vector<2048x128xf32>
    %max3A = arith.constant 0.000000e+00 : f32
    %max3A_22 = vector.broadcast %max3A : f32 to vector<2048x128xf32>
    %max3A_23 = arith.maximumf %add3A_21, %max3A_22 : vector<2048x128xf32>
    %get3A_24 = arith.constant 0 : index
    %get3A_25 = arith.constant 0 : index
    %get3A_26 = vector.load %arg4[%get3A_24, %get3A_25] : memref<128x64xf32, #tpu.memory_space<vmem>>, vector<128x64xf32>
    %dot_general3A = arith.constant dense<0.000000e+00> : vector<2048x64xf32>
    %dot_general3A_27 = tpu.matmul %max3A_23, %get3A_26, %dot_general3A {dimension_numbers = #tpu.dot_dimension_numbers<[1], [0], [0], [1], [0, 0, 1, 1], [], []>, transpose_lhs_hint = false} : vector<2048x128xf32>, vector<128x64xf32>, vector<2048x64xf32> -> vector<2048x64xf32>
    %mul3A_28 = vector.broadcast %get3A_1 : vector<2048x1xf32> to vector<2048x64xf32>
    %mul3A_29 = arith.mulf %dot_general3A_27, %mul3A_28 : vector<2048x64xf32>
    %swap3A = arith.constant 0 : index
    %swap3A_30 = arith.constant 0 : index
    %swap3A_31 = vector.load %arg6[%swap3A, %swap3A_30] : memref<2048x64xf32, #tpu.memory_space<vmem>>, vector<2048x64xf32>
    tpu.vector_store %arg6[%swap3A, %swap3A_30], %mul3A_29 {strides = array<i32>} : memref<2048x64xf32, #tpu.memory_space<vmem>>, vector<2048x64xf32>,
    return
  }
  func.func @transform_0(%arg0: i32) -> (i32, i32, i32) {
    %c0_i32 = arith.constant 0 : i32
    %c0_i32_0 = arith.constant 0 : i32
    %c0_i32_1 = arith.constant 0 : i32
    return %c0_i32, %arg0, %c0_i32_0 : i32, i32, i32
  }
  func.func @transform_1(%arg0: i32) -> (i32, i32) {
    %c0_i32 = arith.constant 0 : i32
    %c0_i32_0 = arith.constant 0 : i32
    return %arg0, %c0_i32 : i32, i32
  }
  func.func @transform_2(%arg0: i32) -> (i32, i32) {
    %c0_i32 = arith.constant 0 : i32
    %c0_i32_0 = arith.constant 0 : i32
    return %arg0, %c0_i32 : i32, i32
  }
  func.func @transform_3(%arg0: i32) -> (i32, i32) {
    %c0_i32 = arith.constant 0 : i32
    %c0_i32_0 = arith.constant 0 : i32
    %c0_i32_1 = arith.constant 0 : i32
    return %c0_i32, %c0_i32_0 : i32, i32
  }
  func.func @transform_4(%arg0: i32) -> (i32, i32) {
    %c0_i32 = arith.constant 0 : i32
    %c0_i32_0 = arith.constant 0 : i32
    %c0_i32_1 = arith.constant 0 : i32
    return %c0_i32, %c0_i32_0 : i32, i32
  }
  func.func @transform_5(%arg0: i32) -> (i32, i32) {
    %c0_i32 = arith.constant 0 : i32
    %c0_i32_0 = arith.constant 0 : i32
    return %arg0, %c0_i32 : i32, i32
  }
}

module attributes {stable_mosaic.version = 14 : i64} {
  func.func @body(%arg0: i32, %arg1: memref<2x2048x64xf32, #tpu.memory_space<vmem>>, %arg2: memref<2048x64xf32, #tpu.memory_space<vmem>>, %arg3: memref<2048x1xf32, #tpu.memory_space<vmem>>, %arg4: memref<1x64xf32, #tpu.memory_space<vmem>>, %arg5: memref<2048x64xf32, #tpu.memory_space<vmem>>) attributes {dimension_semantics = [#tpu.dimension_semantics<arbitrary>], iteration_bounds = array<i64: 5>, scalar_prefetch = 0 : i64, scratch_operands = 0 : i64, tpu.core_type = #tpu.core_type<tc>, window_params = [{transform_indices = @transform_0, window_bounds = array<i64: 2, 2048, 64>}, {transform_indices = @transform_1, window_bounds = array<i64: 2048, 64>}, {transform_indices = @transform_2, window_bounds = array<i64: 2048, 1>}, {pipeline_mode = #tpu.pipeline_mode<synchronous>, transform_indices = @transform_3, window_bounds = array<i64: 1, 64>}, {transform_indices = @transform_4, window_bounds = array<i64: 2048, 64>}]} {
    %get3A = arith.constant 0 : index
    %get3A_0 = arith.constant 0 : index
    %get3A_1 = arith.constant 0 : index
    %get3A_2 = vector.load %arg1[%get3A, %get3A_0, %get3A_1] : memref<2x2048x64xf32, #tpu.memory_space<vmem>>, vector<1x2048x64xf32>
    %get3A_3 = vector.shape_cast %get3A_2 : vector<1x2048x64xf32> to vector<2048x64xf32>
    %get3A_4 = arith.constant 1 : index
    %get3A_5 = arith.constant 0 : index
    %get3A_6 = arith.constant 0 : index
    %get3A_7 = vector.load %arg1[%get3A_4, %get3A_5, %get3A_6] : memref<2x2048x64xf32, #tpu.memory_space<vmem>>, vector<1x2048x64xf32>
    %get3A_8 = vector.shape_cast %get3A_7 : vector<1x2048x64xf32> to vector<2048x64xf32>
    %add3A = arith.addf %get3A_3, %get3A_8 : vector<2048x64xf32>
    %get3A_9 = arith.constant 0 : index
    %get3A_10 = arith.constant 0 : index
    %get3A_11 = vector.load %arg2[%get3A_9, %get3A_10] : memref<2048x64xf32, #tpu.memory_space<vmem>>, vector<2048x64xf32>
    %add3A_12 = arith.addf %add3A, %get3A_11 : vector<2048x64xf32>
    %get3A_13 = arith.constant 0 : index
    %get3A_14 = arith.constant 0 : index
    %get3A_15 = vector.load %arg3[%get3A_13, %get3A_14] : memref<2048x1xf32, #tpu.memory_space<vmem>>, vector<2048x1xf32>
    %mul3A = vector.broadcast %get3A_15 : vector<2048x1xf32> to vector<2048x64xf32>
    %mul3A_16 = arith.mulf %add3A_12, %mul3A : vector<2048x64xf32>
    %get3A_17 = arith.constant 0 : index
    %get3A_18 = arith.constant 0 : index
    %get3A_19 = vector.load %arg4[%get3A_17, %get3A_18] : memref<1x64xf32, #tpu.memory_space<vmem>>, vector<1x64xf32>
    %add3A_20 = vector.broadcast %get3A_19 : vector<1x64xf32> to vector<2048x64xf32>
    %add3A_21 = arith.addf %mul3A_16, %add3A_20 : vector<2048x64xf32>
    %swap3A = arith.constant 0 : index
    %swap3A_22 = arith.constant 0 : index
    %swap3A_23 = vector.load %arg5[%swap3A, %swap3A_22] : memref<2048x64xf32, #tpu.memory_space<vmem>>, vector<2048x64xf32>
    tpu.vector_store %arg5[%swap3A, %swap3A_22], %add3A_21 {strides = array<i32>} : memref<2048x64xf32, #tpu.memory_space<vmem>>, vector<2048x64xf32>,
    return
  }
  func.func @transform_0(%arg0: i32) -> (i32, i32, i32) {
    %c0_i32 = arith.constant 0 : i32
    %c0_i32_0 = arith.constant 0 : i32
    %c0_i32_1 = arith.constant 0 : i32
    return %c0_i32, %arg0, %c0_i32_0 : i32, i32, i32
  }
  func.func @transform_1(%arg0: i32) -> (i32, i32) {
    %c0_i32 = arith.constant 0 : i32
    %c0_i32_0 = arith.constant 0 : i32
    return %arg0, %c0_i32 : i32, i32
  }
  func.func @transform_2(%arg0: i32) -> (i32, i32) {
    %c0_i32 = arith.constant 0 : i32
    %c0_i32_0 = arith.constant 0 : i32
    return %arg0, %c0_i32 : i32, i32
  }
  func.func @transform_3(%arg0: i32) -> (i32, i32) {
    %c0_i32 = arith.constant 0 : i32
    %c0_i32_0 = arith.constant 0 : i32
    %c0_i32_1 = arith.constant 0 : i32
    return %c0_i32, %c0_i32_0 : i32, i32
  }
  func.func @transform_4(%arg0: i32) -> (i32, i32) {
    %c0_i32 = arith.constant 0 : i32
    %c0_i32_0 = arith.constant 0 : i32
    return %arg0, %c0_i32 : i32, i32
  }
}

</mosaic_0001>

<sc_bundles>
// kernel: kernel.12.cloned.1.call-start
scs
__scs_entry_jumppad:
0x0: {  	(pc) =	sbr.rel $0x88, $3  }
0x1: {  	(tag) =	ssettag $0x0;
	lr =	simm.s32 $0x1  }
0x2: {  	[smem:$0x3F9B] =	sst lr;
	_ =	strace $0xD0000000  }
0x3: {  	_ = 	snop  }
0x4: {  	_ = 	snop  }
0x5: {  	_ = 	snop  }
0x6: {  	_ = 	snop  }
0x7: {  	_ = 	snop  }
__scs_overlays_trampoline_lowered:
0x8: {  	[smem:$0x3FAA] =	sst s0  }
0x9: {  	[smem:$0x3FAB] =	sst s1  }
0xa: {  	[smem:$0x3FAC] =	sst s2  }
0xb: {  	[smem:$0x3FAD] =	sst s3  }
0xc: {  	[smem:$0x3FAE] =	sst s4  }
0xd: {  	[smem:$0x3FAF] =	sst s5  }
0xe: {  	[smem:$0x3FB0] =	sst s6  }
0xf: {  	[smem:$0x3FB1] =	sst s7  }
0x10: {  	[smem:$0x3FB2] =	sst s8  }
0x11: {  	[smem:$0x3FB3] =	sst s9;
	s0 =	simm.s32 @!p0 $0x0  }
0x12: {  	s1 =	sld [smem:$0x3F99];
	s0 =	simm.s32 @p0 $0x1  }
0x13: {  	[smem:$0x3FB4] =	sst s0;
	s0 =	simm.s32 @!p1 $0x0  }
0x14: {  	s2 =	sld [smem:$0x3F98];
	s0 =	simm.s32 @p1 $0x1  }
0x15: {  	[smem:$0x3FB5] =	sst s0;
	s0 =	simm.s32 @!p2 $0x0  }
0x16: {  	s3 =	sld [smem:$0x3FDB];
	s0 =	simm.s32 @p2 $0x1  }
0x17: {  	s4 =	simm.s32 $0x1BF5;
	[smem:$0x3FB7] =	sst s0  }
0x18: {  	s0 =	sld [smem:$0x3F9A];
	_ =	swait.ge [sflag:s4], $0x0  }
0x19: {  	s7 =	sld [smem:$0x3F9B]  }
0x1a: {  	s8 =	sadd.s32 $0xFFFFE003, lr  }
0x1b: {  	s9 =	sadd.s32 $0xFFFFFEF7, lr;
	s5 =	simm.s32 $0xFFFFFFFF;
	p2 =	slt.u32 s8, $0xFFFFF086  }
0x1c: {  	p1 =	slt.u32 s9, $0xF7A;
	s5 =	simm.s32 @!p2 $0x0  }
0x1d: {  	s5 =	simm.s32 @p1 $0x1;
	p0 =	seq.s32 s7, s2  }
0x1e: {  	s7 =	smul.u32 @!p0 $0xF7A, s2;
	p2 =	seq.s32 @!p0 s5, $0x0  }
0x1f: {  	s9 =	smul.u32 $0xF7A, s1;
	s8 =	simm.s32 @!p0 $0x1BF5;
	p2 =	por !p2, p0  }
0x20: {  	[sflag:s8] =	ssyncset.s32 @!p0 $0xFFFFF086;
	s6 =	sadd.s32 @!p0 s3, s7;
	s7 =	simm.s32 @!p0 $0x108  }
0x21: {  	s3 =	sadd.s32 s3, s9;
	s6 =	sadd.s32 @!p0 $0x88, s6;
	s7 =	simm.s32 @p2 $0x1082  }
0x22: {  	[simem:s7], [sflag:s8] =	dma.local @!p0 [hbm:s6], $0xF7A  }
0x23: {  	s9 =	sor.u32 $0xD0000000, s2;
	s6 =	simm.s32 $0x108;
	_ =	swait.ge @!p0 [sflag:s8], $0x0  }
0x24: {  	s3 =	sadd.s32 $0x88, s3;
	s6 =	simm.s32 @!p1 $0x1082;
	[sflag:s4] =	ssyncset.s32 $0xFFFFF086  }
0x25: {  	[simem:s6], [sflag:s4] =	dma.local [hbm:s3], $0xF7A  }
0x26: {  	[smem:$0x3F9B] =	sst s1;
	(tag) =	ssettag s2;
	_ =	strace s9  }
0x27: {  	s1 =	sld [smem:$0x3FAB]  }
0x28: {  	s2 =	sld [smem:$0x3FAC]  }
0x29: {  	s4 =	sld [smem:$0x3FAE]  }
0x2a: {  	p0 =	seq.s32 s5, $0x0;
	s5 =	sld [smem:$0x3FAF]  }
0x2b: {  	s6 =	sld [smem:$0x3FB0]  }
0x2c: {  	s7 =	sld [smem:$0x3FB1]  }
0x2d: {  	s3 =	simm.s32 $0x108;
	s8 =	sld [smem:$0x3FB2]  }
0x2e: {  	s3 =	simm.s32 @!p0 $0x1082;
	s9 =	sld [smem:$0x3FB3]  }
0x2f: {  	lr =	sadd.s32 s0, s3;
	s0 =	sld [smem:$0x3FAA]  }
0x30: {  	s3 =	sld [smem:$0x3FAD]  }
0x31: {  	[smem:$0x3FB6] =	sst s10  }
0x32: {  	s10 =	sld [smem:$0x3FB4];
	_ =	sdelay $0x3  }
0x33: {  	p0 =	seq.s32 s10, $0x1;
	s10 =	sld [smem:$0x3FB6];
	_ =	sdelay $0x3  }
0x34: {  	[smem:$0x3FB6] =	sst s10  }
0x35: {  	s10 =	sld [smem:$0x3FB5];
	_ =	sdelay $0x3  }
0x36: {  	p1 =	seq.s32 s10, $0x1;
	s10 =	sld [smem:$0x3FB6];
	_ =	sdelay $0x3  }
0x37: {  	[smem:$0x3FB6] =	sst s10  }
0x38: {  	s10 =	sld [smem:$0x3FB7]  }
0x39: {  	_ = 	snop;
	(pc) =	sbr.ind lr, $3  }
0x3a: {  	_ = 	snop  }
0x3b: {  	_ = 	snop  }
0x3c: {  	p2 =	seq.s32 s10, $0x1;
	s10 =	sld [smem:$0x3FB6]  }
0x3d: {  	_ =	shalt  }
0x3e: {  	_ =	shalt  }
0x3f: {  	_ =	shalt  }
0x40: {  	_ =	shalt  }
0x41: {  	_ =	shalt  }
0x42: {  	_ =	shalt  }
0x43: {  	_ =	shalt  }
0x44: {  	_ =	shalt  }
0x45: {  	_ =	shalt  }
0x46: {  	_ =	shalt  }
0x47: {  	_ =	shalt  }
0x48: {  	_ =	shalt  }
0x49: {  	_ =	shalt  }
0x4a: {  	_ =	shalt  }
0x4b: {  	_ =	shalt  }
0x4c: {  	_ =	shalt  }
0x4d: {  	_ =	shalt  }
0x4e: {  	_ =	shalt  }
0x4f: {  	_ =	shalt  }
0x50: {  	_ =	shalt  }
0x51: {  	_ =	shalt  }
0x52: {  	_ =	shalt  }
0x53: {  	_ =	shalt  }
0x54: {  	_ =	shalt  }
0x55: {  	_ =	shalt  }
0x56: {  	_ =	shalt  }
0x57: {  	_ =	shalt  }
0x58: {  	_ =	shalt  }
0x59: {  	_ =	shalt  }
0x5a: {  	_ =	shalt  }
0x5b: {  	_ =	shalt  }
0x5c: {  	_ =	shalt  }
0x5d: {  	_ =	shalt  }
0x5e: {  	_ =	shalt  }
0x5f: {  	_ =	shalt  }
0x60: {  	_ =	shalt  }
0x61: {  	_ =	shalt  }
0x62: {  	_ =	shalt  }
0x63: {  	_ =	shalt  }
0x64: {  	_ =	shalt  }
0x65: {  	_ =	shalt  }
0x66: {  	_ =	shalt  }
0x67: {  	_ =	shalt  }
0x68: {  	_ =	shalt  }
0x69: {  	_ =	shalt  }
0x6a: {  	_ =	shalt  }
0x6b: {  	_ =	shalt  }
0x6c: {  	_ =	shalt  }
0x6d: {  	_ =	shalt  }
0x6e: {  	_ =	shalt  }
0x6f: {  	_ =	shalt  }
0x70: {  	_ =	shalt  }
0x71: {  	_ =	shalt  }
0x72: {  	_ =	shalt  }
0x73: {  	_ =	shalt  }
0x74: {  	_ =	shalt  }
0x75: {  	_ =	shalt  }
0x76: {  	_ =	shalt  }
0x77: {  	_ =	shalt  }
0x78: {  	_ =	shalt  }
0x79: {  	_ =	shalt  }
0x7a: {  	_ =	shalt  }
0x7b: {  	_ =	shalt  }
0x7c: {  	_ =	shalt  }
0x7d: {  	_ =	shalt  }
0x7e: {  	_ =	shalt  }
0x7f: {  	_ =	shalt  }
0x80: {  	_ =	shalt  }
0x81: {  	_ =	shalt  }
0x82: {  	_ =	shalt  }
0x83: {  	_ =	shalt  }
0x84: {  	_ =	shalt  }
0x85: {  	_ =	shalt  }
0x86: {  	_ =	shalt  }
0x87: {  	_ =	shalt  }
.Lfunc_end0:
.L_simem_size_0:
called_computation.1_lowered:
.L_overlay_start_0:
0x88: {  	s2 =	sld [smem:$0x3FD9]  }
0x89: {  	s3 =	sld [smem:$0x3FFE];
	_ =	sdelay $0x1  }
0x8a: {  	s1 =	srdreg.scid  }
0x8b: {  	s0 =	sand.u32 $0x1, s1  }
0x8c: {  	s17 =	sshll.u32 s0, $0xA;
	s2 =	sadd.s32 s3, s2  }
0x8d: {  	s2 =	sadd.s32 s2, s17  }
0x8e: {  	[smem:$0x3FC2] =	sst s2  }
0x8f: {  	_ = 	snop  }
0x90: {  	s2 =	sld [smem:$0x3FD0];
	(tm) =	ssettm $0x1  }
0x91: {  	s18 =	sld [smem:$0x3FFB];
	_ =	sdelay $0x3  }
0x92: {  	_ =	strace s18  }
0x93: {  	s3 =	sld [smem:$0x3FFC];
	_ =	sdelay $0x3  }
0x94: {  	_ =	strace s3  }
0x95: {  	s3 =	sld [smem:$0x3FFD];
	_ =	sdelay $0x3  }
0x96: {  	_ =	strace s3  }
0x97: {  	_ =	strace $0x8FFFFFFF  }
0x98: {  	s19 =	sld [smem:$0x3FDB];
	_ =	sdelay $0x1  }
0x99: {  	s4 =	simm.s32 $_scs_section_size  }
0x9a: {  	s5 =	simm.s32 $_size__tile_overlayer_lowered;
	s6 =	simm.s32 $_tile_overlayer_lowered  }
0x9b: {  	s22 =	simm.s32 $0x1BFF;
	s21 =	sshll.u32 s6, $0x1;
	s3 =	sadd.s32 s4, s19  }
0x9c: {  	s7 =	simm.s32 $0x0;
	s20 =	sshll.u32 s5, $0x1;
	s5 =	sadd.s32 s21, s3  }
0x9d: {  	[timem:s7], [sflag:s22] =	dma.local [hbm:s5], s20  }
0x9e: {  	_ =	swait.ge [sflag:s22], s20  }
0x9f: {  	s4 =	ssub.s32 $0x0, s20;
	[sflag:s22] =	ssyncset.done $0x0  }
0xa0: {  	[sflag:s22] =	ssyncadd.s32 s4;
	_ =	sdelay $0x1  }
0xa1: {  	s23 =	simm.s32 $0x1B8B  }
0xa2: {  	_ =	swait.ge [sflag:s23], $0x1  }
0xa3: {  	[sflag:s23] =	ssyncset.done $0x0  }
0xa4: {  	s25 =	simm.s32 $0x1B8E;
	s24 =	sld [smem:$0x3FFE];
	[sflag:s23] =	ssyncadd.s32 $0xFFFFFFFF  }
0xa5: {  	s26 =	simm.s32 $execute0_lowered;
	[smem:$0x3FD2] =	sst s25  }
0xa6: {  	s5 =	sshll.u32 s26, $0x1;
	_ =	strace $0x80000049;
	[dreg:$0x1] =	wrdreg $0xFFFFFFFF  }
0xa7: {  	s28 =	simm.s32 $_size_execute0_lowered;
	s3 =	sadd.s32 s3, s5;
	[dreg:$0x0] =	wrdreg $0x0  }
0xa8: {  	s5 =	sshll.u32 s28, $0x1;
	[dreg:$0x2] =	wrdreg s3  }
0xa9: {  	[dreg:$0x3] =	wrdreg s5  }
0xaa: {  	[dreg:$0x4] =	wrdreg $0xC0  }
0xab: {  	_ =	task [dreg:s7], $0x5FFFF  }
0xac: {  	[dreg:$0x1] =	wrdreg $0xFFFFFFFF  }
0xad: {  	[dreg:$0x0] =	wrdreg $0x60  }
0xae: {  	[dreg:$0x2] =	wrdreg s24  }
0xaf: {  	[dreg:$0x3] =	wrdreg s2  }
0xb0: {  	[dreg:$0x4] =	wrdreg $0x90000  }
0xb1: {  	[dreg:$0x5] =	wrdreg $0x9  }
0xb2: {  	_ =	task.clear_ibuf [dreg:s7], $0x6FFFF;
	_ =	strace $0x90000049  }
0xb3: {  	s29 =	simm.s32 $0x9;
	_ =	strace $0x8000004B  }
0xb4: {  	_ =	swait.ge [sflag:s29], $0x1  }
0xb5: {  	[sflag:s29] =	ssyncadd.s32 $0xFFFFFFFF  }
0xb6: {  	_ =	strace $0x9000004B  }
0xb7: {  	_ =	sfence  }
0xb8: {  	s30 =	sld [smem:$0x0];
	_ =	sdelay $0x2  }
0xb9: {  	s31 =	sshll.u32 s1, $0xD;
	s1 =	sshrl.u32 s1, $0x2  }
0xba: {  	s3 =	sand.u32 $0x4000, s31;
	s1 =	sadd.s32 s1, s30  }
0xbb: {  	s0 =	sor.u32 s3, s0;
	s1 =	sshll.u32 s1, $0x11  }
0xbc: {  	s0 =	sor.u32 s1, s0  }
0xbd: {  	s0 =	sadd.s32 $0x8F2B, s0  }
0xbe: {  	[sflag:s0] =	ssyncadd.remote.s32 $0x1  }
0xbf: {  	_ =	sfence.sel $0xFFFF  }
0xc0: {  	[dreg:$0x0] =	wrdreg $0xFFFFFFFF;
	(pc) =	sbr.abs _section_cstart, $3  }
0xc1: {  	[dreg:$0x1] =	wrdreg $0xFFFFFFFF  }
0xc2: {  	_ =	task.clear_ibuf [dreg:s7], $0x2FFFF;
	_ =	strace $0x9FFFFFFF  }
0xc3: {  	(tm) =	ssettm $0x7FFFFFFF  }
tec
execute0_lowered:
.L_overlay_start_1:
0x0: {  	(tag) =	ssettag $0x1  }
0x1: {  	s0 =	srdreg.scid  }
0x2: {  	s10 =	stileid.u32;
	s1 =	rddreg [dreg:$0x0]  }
0x3: {  	s3 =	rddreg [dreg:$0x2];
	s4 =	simm.s32 $0x0;
	s14 =	simm.s32 $0x100  }
0x4: {  	s15 =	simm.s32 $0x880;
	s17 =	simm.s32 $0x180;
	s18 =	simm.s32 $0x900  }
0x5: {  	s19 =	simm.s32 $0x200;
	s20 =	simm.s32 $0x980;
	[smem:$0x7FF] =	sst s4  }
0x6: {  	s21 =	simm.s32 $0x280;
	_ =	strace $0x8000004A;
	[dreg:$0x6] =	wrdreg s14  }
0x7: {  	s22 =	simm.s32 $0xA00;
	s23 =	simm.s32 $0x300;
	[dreg:$0x7] =	wrdreg s15  }
0x8: {  	s24 =	simm.s32 $0xA80;
	s25 =	simm.s32 $0x380;
	[dreg:$0x8] =	wrdreg s17  }
0x9: {  	s26 =	simm.s32 $0xB00;
	s28 =	simm.s32 $0x680;
	[dreg:$0x9] =	wrdreg s18  }
0xa: {  	s29 =	simm.s32 $0xE00;
	s30 =	simm.s32 $0x700;
	[dreg:$0xa] =	wrdreg s19  }
0xb: {  	s31 =	simm.s32 $0xE80;
	s2 =	smul.u32 $0x14000, s10;
	[dreg:$0xb] =	wrdreg s20  }
0xc: {  	s0 =	sand.u32 $0x1, s0;
	s7 =	smul.u32 $0x2800, s10;
	[dreg:$0xc] =	wrdreg s21  }
0xd: {  	s9 =	sadd.s32 $0x2200, s1;
	s16 =	sshll.u32 s10, $0x6;
	[dreg:$0xd] =	wrdreg s22  }
0xe: {  	s10 =	simm.s32 $0x3;
	s5 =	smul.u32 $0x140000, s0;
	[dreg:$0xe] =	wrdreg s23  }
0xf: {  	s6 =	smul.u32 $0x28000, s0;
	s0 =	ssub.s32 $0x2, s0;
	[dreg:$0xf] =	wrdreg s24  }
0x10: {  	s14 =	simm.s32 $0x5000;
	[dreg:$0x10] =	wrdreg s25;
	s15 =	simm.s32 $0x1  }
0x11: {  	[dreg:$0x11] =	wrdreg s26;
	s17 =	simm.s32 $0x400;
	s18 =	simm.s32 $0xB80  }
0x12: {  	s19 =	simm.s32 $0x480;
	s20 =	simm.s32 $0xC00;
	s21 =	simm.s32 $0x500  }
0x13: {  	s22 =	simm.s32 $0xC80;
	s23 =	simm.s32 $0x580;
	s24 =	simm.s32 $0xD00  }
0x14: {  	s25 =	simm.s32 $0x600;
	s26 =	simm.s32 $0xD80;
	s13 =	sshrl.u32 s0, $0x1  }
0x15: {  	s8 =	sadd.s32 s2, s5;
	s6 =	sadd.s32 s7, s6;
	s5 =	sadd.s32 $0x16200, s1  }
0x16: {  	s0 =	ssub.s32 s0, s13;
	s2 =	sadd.s32 s2, s3;
	s13 =	simm.s32 $0x1000  }
0x17: {  	s8 =	sshrl.u32 s8, $0x3;
	s11 =	sadd.s32 $0x50000, s6;
	s6 =	sshrl.u32 s6, $0x3  }
0x18: {  	s0 =	smax.u32 s0, $0x1;
	s1 =	sadd.s32 s8, s1;
	s12 =	sshrl.u32 s11, $0x3  }
0x19: {  	s6 =	sadd.s32 s6, s9;
	[dreg:$0x14] =	wrdreg s0;
	s8 =	sshrl.u32 s2, $0x3  }
0x1a: {  	s11 =	simm.s32 $0x800;
	s0 =	simm.s32 $0xF00;
	[dreg:$0x5] =	wrdreg s6  }
0x1b: {  	s2 =	simm.s32 $0xF80;
	s7 =	sadd.s32 s12, s9;
	[dreg:$0x15] =	wrdreg s8  }
0x1c: {  	s1 =	sadd.s32 $0x3D400, s1;
	s12 =	simm.s32 $0x80;
	[dreg:$0x4] =	wrdreg s7  }
0x1d: {  	s9 =	simm.s32 $0x0;
	s7 =	sor.u32 $0x1C03, s16;
	[dreg:$0x13] =	wrdreg s1  }
0x1e: {  	s16 =	simm.s32 $0x2;
	s1 =	simm.s32 $0x780;
	[dreg:$0x12] =	wrdreg s7  }
.LBB2_1:
0x1f: {  	[dreg:$0x16] =	wrdreg s9  }
0x20: {  	s6 =	rddreg [dreg:$0x1]  }
0x21: {  	[spmem:s8], [sflag:s7] =	dma.local [hbm:s6], $0x2800  }
0x22: {  	_ =	swait.ge [sflag:s10], $0x2800  }
0x23: {  	[sflag:s10] =	ssyncset.done $0x0  }
0x24: {  	[sflag:s10] =	ssyncadd.s32 $0xFFFFD800  }
0x25: {  	[bflag:$0x0] =	sbarrier.arrive $0xFFFF  }
0x26: {  	s8 =	rddreg [dreg:$0x5]  }
0x27: {  	s6 =	sadd.s32 $0x0, s8  }
0x28: {  	[tilespmem:s4], [sflag:$0x3] =	stream.linear.gather [hbm4b:s6+s4], $0x800, $0x38;
	[tilespmem:$0x1D000] =	vst v63  }
0x29: {  	_ =	swait.ge [sflag:s10], $0x800  }
0x2a: {  	s9 =	rddreg [dreg:$0x4];
	[sflag:s10] =	ssyncset.done $0x0  }
0x2b: {  	[sflag:s10] =	ssyncadd.s32 $0xFFFFF800;
	s6 =	sadd.s32 $0x0, s9  }
0x2c: {  	[tilespmem:s11], [sflag:$0x3] =	stream.linear.gather [hbm4b:s6+s4], $0x800, $0x38;
	[tilespmem:$0x1D000] =	vst v63  }
0x2d: {  	_ =	swait.ge [sflag:s10], $0x800  }
0x2e: {  	[sflag:s10] =	ssyncset.done $0x0  }
0x2f: {  	[sflag:s10] =	ssyncadd.s32 $0xFFFFF800  }
0x30: {  	[tilespmem:s13], [sflag:$0x1] =	stream.indirect.gather [hbm4b:s5+s12], $0x80, s4, s12, $0xb8;
	[tilespmem:$0x1D000] =	vst v63  }
0x31: {  	_ = 	snop  }
0x32: {  	[tilespmem:s14], [sflag:$0x1] =	stream.indirect.gather [hbm4b:s5+s12], $0x80, s12, s12, $0xb8;
	[tilespmem:$0x1D000] =	vst v63  }
0x33: {  	_ =	swait.ge [sflag:s15], $0x4000  }
0x34: {  	[sflag:s15] =	ssyncset.done $0x0  }
0x35: {  	[sflag:s15] =	ssyncadd.s32 $0xFFFFC000  }
0x36: {  	[spmem:s3] =	stream.indirect.scatter.add.f32 [tilespmem:s13], [sflag:$0x2], $0x80, s11, s12, $0xb8;
	[tilespmem:$0x1D000] =	vst v63  }
0x37: {  	_ =	swait.ge [sflag:s16], $0x4000  }
0x38: {  	[sflag:s16] =	ssyncset.done $0x0  }
0x39: {  	s7 =	rddreg [dreg:$0x6];
	[sflag:s16] =	ssyncadd.s32 $0xFFFFC000  }
0x3a: {  	[tilespmem:s13], [sflag:$0x1] =	stream.indirect.gather [hbm4b:s5+s12], $0x80, s7, s12, $0xb8;
	[tilespmem:$0x1D000] =	vst v63  }
0x3b: {  	_ =	swait.ge [sflag:s15], $0x4000  }
0x3c: {  	[sflag:s15] =	ssyncset.done $0x0  }
0x3d: {  	s8 =	rddreg [dreg:$0x7];
	[sflag:s15] =	ssyncadd.s32 $0xFFFFC000  }
0x3e: {  	[spmem:s3] =	stream.indirect.scatter.add.f32 [tilespmem:s14], [sflag:$0x2], $0x80, s8, s12, $0xb8;
	[tilespmem:$0x1D000] =	vst v63  }
0x3f: {  	_ =	swait.ge [sflag:s16], $0x4000  }
0x40: {  	[sflag:s16] =	ssyncset.done $0x0  }
0x41: {  	s9 =	rddreg [dreg:$0x8];
	[sflag:s16] =	ssyncadd.s32 $0xFFFFC000  }
0x42: {  	[tilespmem:s14], [sflag:$0x1] =	stream.indirect.gather [hbm4b:s5+s12], $0x80, s9, s12, $0xb8;
	[tilespmem:$0x1D000] =	vst v63  }
0x43: {  	_ =	swait.ge [sflag:s15], $0x4000  }
0x44: {  	[sflag:s15] =	ssyncset.done $0x0  }
0x45: {  	s7 =	rddreg [dreg:$0x9];
	[sflag:s15] =	ssyncadd.s32 $0xFFFFC000  }
0x46: {  	[spmem:s3] =	stream.indirect.scatter.add.f32 [tilespmem:s13], [sflag:$0x2], $0x80, s7, s12, $0xb8;
	[tilespmem:$0x1D000] =	vst v63  }
0x47: {  	_ =	swait.ge [sflag:s16], $0x4000  }
0x48: {  	[sflag:s16] =	ssyncset.done $0x0  }
0x49: {  	s8 =	rddreg [dreg:$0xa];
	[sflag:s16] =	ssyncadd.s32 $0xFFFFC000  }
0x4a: {  	[tilespmem:s13], [sflag:$0x1] =	stream.indirect.gather [hbm4b:s5+s12], $0x80, s8, s12, $0xb8;
	[tilespmem:$0x1D000] =	vst v63  }
0x4b: {  	_ =	swait.ge [sflag:s15], $0x4000  }
0x4c: {  	[sflag:s15] =	ssyncset.done $0x0  }
0x4d: {  	s9 =	rddreg [dreg:$0xb];
	[sflag:s15] =	ssyncadd.s32 $0xFFFFC000  }
0x4e: {  	[spmem:s3] =	stream.indirect.scatter.add.f32 [tilespmem:s14], [sflag:$0x2], $0x80, s9, s12, $0xb8;
	[tilespmem:$0x1D000] =	vst v63  }
0x4f: {  	_ =	swait.ge [sflag:s16], $0x4000  }
0x50: {  	[sflag:s16] =	ssyncset.done $0x0  }
0x51: {  	s7 =	rddreg [dreg:$0xc];
	[sflag:s16] =	ssyncadd.s32 $0xFFFFC000  }
0x52: {  	[tilespmem:s14], [sflag:$0x1] =	stream.indirect.gather [hbm4b:s5+s12], $0x80, s7, s12, $0xb8;
	[tilespmem:$0x1D000] =	vst v63  }
0x53: {  	_ =	swait.ge [sflag:s15], $0x4000  }
0x54: {  	[sflag:s15] =	ssyncset.done $0x0  }
0x55: {  	s8 =	rddreg [dreg:$0xd];
	[sflag:s15] =	ssyncadd.s32 $0xFFFFC000  }
0x56: {  	[spmem:s3] =	stream.indirect.scatter.add.f32 [tilespmem:s13], [sflag:$0x2], $0x80, s8, s12, $0xb8;
	[tilespmem:$0x1D000] =	vst v63  }
0x57: {  	_ =	swait.ge [sflag:s16], $0x4000  }
0x58: {  	[sflag:s16] =	ssyncset.done $0x0  }
0x59: {  	s9 =	rddreg [dreg:$0xe];
	[sflag:s16] =	ssyncadd.s32 $0xFFFFC000  }
0x5a: {  	[tilespmem:s13], [sflag:$0x1] =	stream.indirect.gather [hbm4b:s5+s12], $0x80, s9, s12, $0xb8;
	[tilespmem:$0x1D000] =	vst v63  }
0x5b: {  	_ =	swait.ge [sflag:s15], $0x4000  }
0x5c: {  	[sflag:s15] =	ssyncset.done $0x0  }
0x5d: {  	s7 =	rddreg [dreg:$0xf];
	[sflag:s15] =	ssyncadd.s32 $0xFFFFC000  }
0x5e: {  	[spmem:s3] =	stream.indirect.scatter.add.f32 [tilespmem:s14], [sflag:$0x2], $0x80, s7, s12, $0xb8;
	[tilespmem:$0x1D000] =	vst v63  }
0x5f: {  	_ =	swait.ge [sflag:s16], $0x4000  }
0x60: {  	[sflag:s16] =	ssyncset.done $0x0  }
0x61: {  	s8 =	rddreg [dreg:$0x10];
	[sflag:s16] =	ssyncadd.s32 $0xFFFFC000  }
0x62: {  	[tilespmem:s14], [sflag:$0x1] =	stream.indirect.gather [hbm4b:s5+s12], $0x80, s8, s12, $0xb8;
	[tilespmem:$0x1D000] =	vst v63  }
0x63: {  	_ =	swait.ge [sflag:s15], $0x4000  }
0x64: {  	[sflag:s15] =	ssyncset.done $0x0  }
0x65: {  	s9 =	rddreg [dreg:$0x11];
	[sflag:s15] =	ssyncadd.s32 $0xFFFFC000  }
0x66: {  	[spmem:s3] =	stream.indirect.scatter.add.f32 [tilespmem:s13], [sflag:$0x2], $0x80, s9, s12, $0xb8;
	[tilespmem:$0x1D000] =	vst v63  }
0x67: {  	_ =	swait.ge [sflag:s16], $0x4000  }
0x68: {  	[sflag:s16] =	ssyncset.done $0x0  }
0x69: {  	[sflag:s16] =	ssyncadd.s32 $0xFFFFC000  }
0x6a: {  	[tilespmem:s13], [sflag:$0x1] =	stream.indirect.gather [hbm4b:s5+s12], $0x80, s17, s12, $0xb8;
	[tilespmem:$0x1D000] =	vst v63  }
0x6b: {  	_ =	swait.ge [sflag:s15], $0x4000  }
0x6c: {  	[sflag:s15] =	ssyncset.done $0x0  }
0x6d: {  	[sflag:s15] =	ssyncadd.s32 $0xFFFFC000  }
0x6e: {  	[spmem:s3] =	stream.indirect.scatter.add.f32 [tilespmem:s14], [sflag:$0x2], $0x80, s18, s12, $0xb8;
	[tilespmem:$0x1D000] =	vst v63  }
0x6f: {  	_ =	swait.ge [sflag:s16], $0x4000  }
0x70: {  	[sflag:s16] =	ssyncset.done $0x0  }
0x71: {  	[sflag:s16] =	ssyncadd.s32 $0xFFFFC000  }
0x72: {  	[tilespmem:s14], [sflag:$0x1] =	stream.indirect.gather [hbm4b:s5+s12], $0x80, s19, s12, $0xb8;
	[tilespmem:$0x1D000] =	vst v63  }
0x73: {  	_ =	swait.ge [sflag:s15], $0x4000  }
0x74: {  	[sflag:s15] =	ssyncset.done $0x0  }
0x75: {  	[sflag:s15] =	ssyncadd.s32 $0xFFFFC000  }
0x76: {  	[spmem:s3] =	stream.indirect.scatter.add.f32 [tilespmem:s13], [sflag:$0x2], $0x80, s20, s12, $0xb8;
	[tilespmem:$0x1D000] =	vst v63  }
0x77: {  	_ =	swait.ge [sflag:s16], $0x4000  }
0x78: {  	[sflag:s16] =	ssyncset.done $0x0  }
0x79: {  	[sflag:s16] =	ssyncadd.s32 $0xFFFFC000  }
0x7a: {  	[tilespmem:s13], [sflag:$0x1] =	stream.indirect.gather [hbm4b:s5+s12], $0x80, s21, s12, $0xb8;
	[tilespmem:$0x1D000] =	vst v63  }
0x7b: {  	_ =	swait.ge [sflag:s15], $0x4000  }
0x7c: {  	[sflag:s15] =	ssyncset.done $0x0  }
0x7d: {  	[sflag:s15] =	ssyncadd.s32 $0xFFFFC000  }
0x7e: {  	[spmem:s3] =	stream.indirect.scatter.add.f32 [tilespmem:s14], [sflag:$0x2], $0x80, s22, s12, $0xb8;
	[tilespmem:$0x1D000] =	vst v63  }
0x7f: {  	_ =	swait.ge [sflag:s16], $0x4000  }
0x80: {  	[sflag:s16] =	ssyncset.done $0x0  }
0x81: {  	[sflag:s16] =	ssyncadd.s32 $0xFFFFC000  }
0x82: {  	[tilespmem:s14], [sflag:$0x1] =	stream.indirect.gather [hbm4b:s5+s12], $0x80, s23, s12, $0xb8;
	[tilespmem:$0x1D000] =	vst v63  }
0x83: {  	_ =	swait.ge [sflag:s15], $0x4000  }
0x84: {  	[sflag:s15] =	ssyncset.done $0x0  }
0x85: {  	[sflag:s15] =	ssyncadd.s32 $0xFFFFC000  }
0x86: {  	[spmem:s3] =	stream.indirect.scatter.add.f32 [tilespmem:s13], [sflag:$0x2], $0x80, s24, s12, $0xb8;
	[tilespmem:$0x1D000] =	vst v63  }
0x87: {  	_ =	swait.ge [sflag:s16], $0x4000  }
0x88: {  	[sflag:s16] =	ssyncset.done $0x0  }
0x89: {  	[sflag:s16] =	ssyncadd.s32 $0xFFFFC000  }
0x8a: {  	[tilespmem:s13], [sflag:$0x1] =	stream.indirect.gather [hbm4b:s5+s12], $0x80, s25, s12, $0xb8;
	[tilespmem:$0x1D000] =	vst v63  }
0x8b: {  	_ =	swait.ge [sflag:s15], $0x4000  }
0x8c: {  	[sflag:s15] =	ssyncset.done $0x0  }
0x8d: {  	[sflag:s15] =	ssyncadd.s32 $0xFFFFC000  }
0x8e: {  	[spmem:s3] =	stream.indirect.scatter.add.f32 [tilespmem:s14], [sflag:$0x2], $0x80, s26, s12, $0xb8;
	[tilespmem:$0x1D000] =	vst v63  }
0x8f: {  	_ =	swait.ge [sflag:s16], $0x4000  }
0x90: {  	[sflag:s16] =	ssyncset.done $0x0  }
0x91: {  	[sflag:s16] =	ssyncadd.s32 $0xFFFFC000  }
0x92: {  	[tilespmem:s14], [sflag:$0x1] =	stream.indirect.gather [hbm4b:s5+s12], $0x80, s28, s12, $0xb8;
	[tilespmem:$0x1D000] =	vst v63  }
0x93: {  	_ =	swait.ge [sflag:s15], $0x4000  }
0x94: {  	[sflag:s15] =	ssyncset.done $0x0  }
0x95: {  	[sflag:s15] =	ssyncadd.s32 $0xFFFFC000  }
0x96: {  	[spmem:s3] =	stream.indirect.scatter.add.f32 [tilespmem:s13], [sflag:$0x2], $0x80, s29, s12, $0xb8;
	[tilespmem:$0x1D000] =	vst v63  }
0x97: {  	_ =	swait.ge [sflag:s16], $0x4000  }
0x98: {  	[sflag:s16] =	ssyncset.done $0x0  }
0x99: {  	[sflag:s16] =	ssyncadd.s32 $0xFFFFC000  }
0x9a: {  	[tilespmem:s13], [sflag:$0x1] =	stream.indirect.gather [hbm4b:s5+s12], $0x80, s30, s12, $0xb8;
	[tilespmem:$0x1D000] =	vst v63  }
0x9b: {  	_ =	swait.ge [sflag:s15], $0x4000  }
0x9c: {  	[sflag:s15] =	ssyncset.done $0x0  }
0x9d: {  	[sflag:s15] =	ssyncadd.s32 $0xFFFFC000  }
0x9e: {  	[spmem:s3] =	stream.indirect.scatter.add.f32 [tilespmem:s14], [sflag:$0x2], $0x80, s31, s12, $0xb8;
	[tilespmem:$0x1D000] =	vst v63  }
0x9f: {  	_ =	swait.ge [sflag:s16], $0x4000  }
0xa0: {  	[sflag:s16] =	ssyncset.done $0x0  }
0xa1: {  	[sflag:s16] =	ssyncadd.s32 $0xFFFFC000  }
0xa2: {  	[tilespmem:s14], [sflag:$0x1] =	stream.indirect.gather [hbm4b:s5+s12], $0x80, s1, s12, $0xb8;
	[tilespmem:$0x1D000] =	vst v63  }
0xa3: {  	_ =	swait.ge [sflag:s15], $0x4000  }
0xa4: {  	[sflag:s15] =	ssyncset.done $0x0  }
0xa5: {  	[sflag:s15] =	ssyncadd.s32 $0xFFFFC000  }
0xa6: {  	[spmem:s3] =	stream.indirect.scatter.add.f32 [tilespmem:s13], [sflag:$0x2], $0x80, s0, s12, $0xb8;
	[tilespmem:$0x1D000] =	vst v63  }
0xa7: {  	_ =	swait.ge [sflag:s16], $0x4000  }
0xa8: {  	[sflag:s16] =	ssyncset.done $0x0  }
0xa9: {  	[sflag:s16] =	ssyncadd.s32 $0xFFFFC000  }
0xaa: {  	_ =	swait.ge [sflag:s15], $0x4000  }
0xab: {  	[sflag:s15] =	ssyncset.done $0x0  }
0xac: {  	[sflag:s15] =	ssyncadd.s32 $0xFFFFC000  }
0xad: {  	[spmem:s3] =	stream.indirect.scatter.add.f32 [tilespmem:s14], [sflag:$0x2], $0x80, s2, s12, $0xb8;
	[tilespmem:$0x1D000] =	vst v63  }
0xae: {  	s6 =	simm.s32 $0x200;
	_ =	swait.ge [sflag:s16], $0x4000  }
0xaf: {  	s8 =	simm.s32 $0x100;
	s9 =	rddreg [dreg:$0x5];
	[sflag:s16] =	ssyncset.done $0x0  }
.LBB2_2:
0xb0: {  	[sflag:s16] =	ssyncadd.s32 $0xFFFFC000;
	s9 =	sadd.s32 s8, s9  }
0xb1: {  	[tilespmem:s4], [sflag:$0x3] =	stream.linear.gather [hbm4b:s9+s4], $0x800, $0x38;
	[tilespmem:$0x1D000] =	vst v63  }
0xb2: {  	_ =	swait.ge [sflag:s10], $0x800  }
0xb3: {  	s9 =	rddreg [dreg:$0x4];
	[sflag:s10] =	ssyncset.done $0x0  }
0xb4: {  	[sflag:s10] =	ssyncadd.s32 $0xFFFFF800;
	s9 =	sadd.s32 s8, s9  }
0xb5: {  	[tilespmem:s11], [sflag:$0x3] =	stream.linear.gather [hbm4b:s9+s4], $0x800, $0x38;
	[tilespmem:$0x1D000] =	vst v63  }
0xb6: {  	_ =	swait.ge [sflag:s10], $0x800  }
0xb7: {  	[sflag:s10] =	ssyncset.done $0x0  }
0xb8: {  	[sflag:s10] =	ssyncadd.s32 $0xFFFFF800  }
0xb9: {  	[tilespmem:s13], [sflag:$0x1] =	stream.indirect.gather [hbm4b:s5+s12], $0x80, s4, s12, $0xb8;
	[tilespmem:$0x1D000] =	vst v63  }
0xba: {  	_ = 	snop  }
0xbb: {  	[tilespmem:s14], [sflag:$0x1] =	stream.indirect.gather [hbm4b:s5+s12], $0x80, s12, s12, $0xb8;
	[tilespmem:$0x1D000] =	vst v63  }
0xbc: {  	_ =	swait.ge [sflag:s15], $0x4000  }
0xbd: {  	[sflag:s15] =	ssyncset.done $0x0  }
0xbe: {  	[sflag:s15] =	ssyncadd.s32 $0xFFFFC000  }
0xbf: {  	[spmem:s3] =	stream.indirect.scatter.add.f32 [tilespmem:s13], [sflag:$0x2], $0x80, s11, s12, $0xb8;
	[tilespmem:$0x1D000] =	vst v63  }
0xc0: {  	_ =	swait.ge [sflag:s16], $0x4000  }
0xc1: {  	[sflag:s16] =	ssyncset.done $0x0  }
0xc2: {  	s9 =	rddreg [dreg:$0x6];
	[sflag:s16] =	ssyncadd.s32 $0xFFFFC000  }
0xc3: {  	[tilespmem:s13], [sflag:$0x1] =	stream.indirect.gather [hbm4b:s5+s12], $0x80, s9, s12, $0xb8;
	[tilespmem:$0x1D000] =	vst v63  }
0xc4: {  	_ =	swait.ge [sflag:s15], $0x4000  }
0xc5: {  	[sflag:s15] =	ssyncset.done $0x0  }
0xc6: {  	s9 =	rddreg [dreg:$0x7];
	[sflag:s15] =	ssyncadd.s32 $0xFFFFC000  }
0xc7: {  	[spmem:s3] =	stream.indirect.scatter.add.f32 [tilespmem:s14], [sflag:$0x2], $0x80, s9, s12, $0xb8;
	[tilespmem:$0x1D000] =	vst v63  }
0xc8: {  	_ =	swait.ge [sflag:s16], $0x4000  }
0xc9: {  	[sflag:s16] =	ssyncset.done $0x0  }
0xca: {  	s9 =	rddreg [dreg:$0x8];
	[sflag:s16] =	ssyncadd.s32 $0xFFFFC000  }
0xcb: {  	[tilespmem:s14], [sflag:$0x1] =	stream.indirect.gather [hbm4b:s5+s12], $0x80, s9, s12, $0xb8;
	[tilespmem:$0x1D000] =	vst v63  }
0xcc: {  	_ =	swait.ge [sflag:s15], $0x4000  }
0xcd: {  	[sflag:s15] =	ssyncset.done $0x0  }
0xce: {  	s9 =	rddreg [dreg:$0x9];
	[sflag:s15] =	ssyncadd.s32 $0xFFFFC000  }
0xcf: {  	[spmem:s3] =	stream.indirect.scatter.add.f32 [tilespmem:s13], [sflag:$0x2], $0x80, s9, s12, $0xb8;
	[tilespmem:$0x1D000] =	vst v63  }
0xd0: {  	_ =	swait.ge [sflag:s16], $0x4000  }
0xd1: {  	[sflag:s16] =	ssyncset.done $0x0  }
0xd2: {  	s9 =	rddreg [dreg:$0xa];
	[sflag:s16] =	ssyncadd.s32 $0xFFFFC000  }
0xd3: {  	[tilespmem:s13], [sflag:$0x1] =	stream.indirect.gather [hbm4b:s5+s12], $0x80, s9, s12, $0xb8;
	[tilespmem:$0x1D000] =	vst v63  }
0xd4: {  	_ =	swait.ge [sflag:s15], $0x4000  }
0xd5: {  	[sflag:s15] =	ssyncset.done $0x0  }
0xd6: {  	s9 =	rddreg [dreg:$0xb];
	[sflag:s15] =	ssyncadd.s32 $0xFFFFC000  }
0xd7: {  	[spmem:s3] =	stream.indirect.scatter.add.f32 [tilespmem:s14], [sflag:$0x2], $0x80, s9, s12, $0xb8;
	[tilespmem:$0x1D000] =	vst v63  }
0xd8: {  	_ =	swait.ge [sflag:s16], $0x4000  }
0xd9: {  	[sflag:s16] =	ssyncset.done $0x0  }
0xda: {  	s9 =	rddreg [dreg:$0xc];
	[sflag:s16] =	ssyncadd.s32 $0xFFFFC000  }
0xdb: {  	[tilespmem:s14], [sflag:$0x1] =	stream.indirect.gather [hbm4b:s5+s12], $0x80, s9, s12, $0xb8;
	[tilespmem:$0x1D000] =	vst v63  }
0xdc: {  	_ =	swait.ge [sflag:s15], $0x4000  }
0xdd: {  	[sflag:s15] =	ssyncset.done $0x0  }
0xde: {  	s9 =	rddreg [dreg:$0xd];
	[sflag:s15] =	ssyncadd.s32 $0xFFFFC000  }
0xdf: {  	[spmem:s3] =	stream.indirect.scatter.add.f32 [tilespmem:s13], [sflag:$0x2], $0x80, s9, s12, $0xb8;
	[tilespmem:$0x1D000] =	vst v63  }
0xe0: {  	_ =	swait.ge [sflag:s16], $0x4000  }
0xe1: {  	[sflag:s16] =	ssyncset.done $0x0  }
0xe2: {  	s9 =	rddreg [dreg:$0xe];
	[sflag:s16] =	ssyncadd.s32 $0xFFFFC000  }
0xe3: {  	[tilespmem:s13], [sflag:$0x1] =	stream.indirect.gather [hbm4b:s5+s12], $0x80, s9, s12, $0xb8;
	[tilespmem:$0x1D000] =	vst v63  }
0xe4: {  	_ =	swait.ge [sflag:s15], $0x4000  }
0xe5: {  	[sflag:s15] =	ssyncset.done $0x0  }
0xe6: {  	s9 =	rddreg [dreg:$0xf];
	[sflag:s15] =	ssyncadd.s32 $0xFFFFC000  }
0xe7: {  	[spmem:s3] =	stream.indirect.scatter.add.f32 [tilespmem:s14], [sflag:$0x2], $0x80, s9, s12, $0xb8;
	[tilespmem:$0x1D000] =	vst v63  }
0xe8: {  	_ =	swait.ge [sflag:s16], $0x4000  }
0xe9: {  	[sflag:s16] =	ssyncset.done $0x0  }
0xea: {  	s9 =	rddreg [dreg:$0x10];
	[sflag:s16] =	ssyncadd.s32 $0xFFFFC000  }
0xeb: {  	[tilespmem:s14], [sflag:$0x1] =	stream.indirect.gather [hbm4b:s5+s12], $0x80, s9, s12, $0xb8;
	[tilespmem:$0x1D000] =	vst v63  }
0xec: {  	_ =	swait.ge [sflag:s15], $0x4000  }
0xed: {  	[sflag:s15] =	ssyncset.done $0x0  }
0xee: {  	s9 =	rddreg [dreg:$0x11];
	[sflag:s15] =	ssyncadd.s32 $0xFFFFC000  }
0xef: {  	[spmem:s3] =	stream.indirect.scatter.add.f32 [tilespmem:s13], [sflag:$0x2], $0x80, s9, s12, $0xb8;
	[tilespmem:$0x1D000] =	vst v63  }
0xf0: {  	_ =	swait.ge [sflag:s16], $0x4000  }
0xf1: {  	[sflag:s16] =	ssyncset.done $0x0  }
0xf2: {  	[sflag:s16] =	ssyncadd.s32 $0xFFFFC000  }
0xf3: {  	[tilespmem:s13], [sflag:$0x1] =	stream.indirect.gather [hbm4b:s5+s12], $0x80, s17, s12, $0xb8;
	[tilespmem:$0x1D000] =	vst v63  }
0xf4: {  	_ =	swait.ge [sflag:s15], $0x4000  }
0xf5: {  	[sflag:s15] =	ssyncset.done $0x0  }
0xf6: {  	[sflag:s15] =	ssyncadd.s32 $0xFFFFC000  }
0xf7: {  	[spmem:s3] =	stream.indirect.scatter.add.f32 [tilespmem:s14], [sflag:$0x2], $0x80, s18, s12, $0xb8;
	[tilespmem:$0x1D000] =	vst v63  }
0xf8: {  	_ =	swait.ge [sflag:s16], $0x4000  }
0xf9: {  	[sflag:s16] =	ssyncset.done $0x0  }
0xfa: {  	[sflag:s16] =	ssyncadd.s32 $0xFFFFC000  }
0xfb: {  	[tilespmem:s14], [sflag:$0x1] =	stream.indirect.gather [hbm4b:s5+s12], $0x80, s19, s12, $0xb8;
	[tilespmem:$0x1D000] =	vst v63  }
0xfc: {  	_ =	swait.ge [sflag:s15], $0x4000  }
0xfd: {  	[sflag:s15] =	ssyncset.done $0x0  }
0xfe: {  	[sflag:s15] =	ssyncadd.s32 $0xFFFFC000  }
0xff: {  	[spmem:s3] =	stream.indirect.scatter.add.f32 [tilespmem:s13], [sflag:$0x2], $0x80, s20, s12, $0xb8;
	[tilespmem:$0x1D000] =	vst v63  }
0x100: {  	_ =	swait.ge [sflag:s16], $0x4000  }
0x101: {  	[sflag:s16] =	ssyncset.done $0x0  }
0x102: {  	[sflag:s16] =	ssyncadd.s32 $0xFFFFC000  }
0x103: {  	[tilespmem:s13], [sflag:$0x1] =	stream.indirect.gather [hbm4b:s5+s12], $0x80, s21, s12, $0xb8;
	[tilespmem:$0x1D000] =	vst v63  }
0x104: {  	_ =	swait.ge [sflag:s15], $0x4000  }
0x105: {  	[sflag:s15] =	ssyncset.done $0x0  }
0x106: {  	[sflag:s15] =	ssyncadd.s32 $0xFFFFC000  }
0x107: {  	[spmem:s3] =	stream.indirect.scatter.add.f32 [tilespmem:s14], [sflag:$0x2], $0x80, s22, s12, $0xb8;
	[tilespmem:$0x1D000] =	vst v63  }
0x108: {  	_ =	swait.ge [sflag:s16], $0x4000  }
0x109: {  	[sflag:s16] =	ssyncset.done $0x0  }
0x10a: {  	[sflag:s16] =	ssyncadd.s32 $0xFFFFC000  }
0x10b: {  	[tilespmem:s14], [sflag:$0x1] =	stream.indirect.gather [hbm4b:s5+s12], $0x80, s23, s12, $0xb8;
	[tilespmem:$0x1D000] =	vst v63  }
0x10c: {  	_ =	swait.ge [sflag:s15], $0x4000  }
0x10d: {  	[sflag:s15] =	ssyncset.done $0x0  }
0x10e: {  	[sflag:s15] =	ssyncadd.s32 $0xFFFFC000  }
0x10f: {  	[spmem:s3] =	stream.indirect.scatter.add.f32 [tilespmem:s13], [sflag:$0x2], $0x80, s24, s12, $0xb8;
	[tilespmem:$0x1D000] =	vst v63  }
0x110: {  	_ =	swait.ge [sflag:s16], $0x4000  }
0x111: {  	[sflag:s16] =	ssyncset.done $0x0  }
0x112: {  	[sflag:s16] =	ssyncadd.s32 $0xFFFFC000  }
0x113: {  	[tilespmem:s13], [sflag:$0x1] =	stream.indirect.gather [hbm4b:s5+s12], $0x80, s25, s12, $0xb8;
	[tilespmem:$0x1D000] =	vst v63  }
0x114: {  	_ =	swait.ge [sflag:s15], $0x4000  }
0x115: {  	[sflag:s15] =	ssyncset.done $0x0  }
0x116: {  	[sflag:s15] =	ssyncadd.s32 $0xFFFFC000  }
0x117: {  	[spmem:s3] =	stream.indirect.scatter.add.f32 [tilespmem:s14], [sflag:$0x2], $0x80, s26, s12, $0xb8;
	[tilespmem:$0x1D000] =	vst v63  }
0x118: {  	_ =	swait.ge [sflag:s16], $0x4000  }
0x119: {  	[sflag:s16] =	ssyncset.done $0x0  }
0x11a: {  	[sflag:s16] =	ssyncadd.s32 $0xFFFFC000  }
0x11b: {  	[tilespmem:s14], [sflag:$0x1] =	stream.indirect.gather [hbm4b:s5+s12], $0x80, s28, s12, $0xb8;
	[tilespmem:$0x1D000] =	vst v63  }
0x11c: {  	_ =	swait.ge [sflag:s15], $0x4000  }
0x11d: {  	[sflag:s15] =	ssyncset.done $0x0  }
0x11e: {  	[sflag:s15] =	ssyncadd.s32 $0xFFFFC000  }
0x11f: {  	[spmem:s3] =	stream.indirect.scatter.add.f32 [tilespmem:s13], [sflag:$0x2], $0x80, s29, s12, $0xb8;
	[tilespmem:$0x1D000] =	vst v63  }
0x120: {  	_ =	swait.ge [sflag:s16], $0x4000  }
0x121: {  	[sflag:s16] =	ssyncset.done $0x0  }
0x122: {  	[sflag:s16] =	ssyncadd.s32 $0xFFFFC000  }
0x123: {  	[tilespmem:s13], [sflag:$0x1] =	stream.indirect.gather [hbm4b:s5+s12], $0x80, s30, s12, $0xb8;
	[tilespmem:$0x1D000] =	vst v63  }
0x124: {  	_ =	swait.ge [sflag:s15], $0x4000  }
0x125: {  	[sflag:s15] =	ssyncset.done $0x0  }
0x126: {  	[sflag:s15] =	ssyncadd.s32 $0xFFFFC000  }
0x127: {  	[spmem:s3] =	stream.indirect.scatter.add.f32 [tilespmem:s14], [sflag:$0x2], $0x80, s31, s12, $0xb8;
	[tilespmem:$0x1D000] =	vst v63  }
0x128: {  	_ =	swait.ge [sflag:s16], $0x4000  }
0x129: {  	[sflag:s16] =	ssyncset.done $0x0  }
0x12a: {  	[sflag:s16] =	ssyncadd.s32 $0xFFFFC000  }
0x12b: {  	[tilespmem:s14], [sflag:$0x1] =	stream.indirect.gather [hbm4b:s5+s12], $0x80, s1, s12, $0xb8;
	[tilespmem:$0x1D000] =	vst v63  }
0x12c: {  	_ =	swait.ge [sflag:s15], $0x4000  }
0x12d: {  	[sflag:s15] =	ssyncset.done $0x0  }
0x12e: {  	[sflag:s15] =	ssyncadd.s32 $0xFFFFC000  }
0x12f: {  	[spmem:s3] =	stream.indirect.scatter.add.f32 [tilespmem:s13], [sflag:$0x2], $0x80, s0, s12, $0xb8;
	[tilespmem:$0x1D000] =	vst v63  }
0x130: {  	_ =	swait.ge [sflag:s16], $0x4000  }
0x131: {  	[sflag:s16] =	ssyncset.done $0x0  }
0x132: {  	[sflag:s16] =	ssyncadd.s32 $0xFFFFC000  }
0x133: {  	p0 =	sne.s32 s6, $0x400;
	_ =	swait.ge [sflag:s15], $0x4000  }
.Ltmp0:
0x134: {  	[sflag:s15] =	ssyncset.done $0x0;
	(pc) =	sbr.rel @p0 .LBB2_2-.Ltmp0, $4  }
0x135: {  	[sflag:s15] =	ssyncadd.s32 $0xFFFFC000  }
0x136: {  	[spmem:s3] =	stream.indirect.scatter.add.f32 [tilespmem:s14], [sflag:$0x2], $0x80, s2, s12, $0xb8;
	[tilespmem:$0x1D000] =	vst v63  }
0x137: {  	s7 =	smov.u32 s6;
	s6 =	sadd.s32 $0x100, s6;
	_ =	swait.ge [sflag:s16], $0x4000  }
0x138: {  	s8 =	smov.u32 s7;
	s9 =	rddreg [dreg:$0x5];
	[sflag:s16] =	ssyncset.done $0x0  }
0x139: {  	[sflag:s16] =	ssyncadd.s32 $0xFFFFC000;
	s6 =	sadd.s32 s8, s9  }
0x13a: {  	[tilespmem:s4], [sflag:$0x3] =	stream.linear.gather [hbm4b:s6+s4], $0x800, $0x38;
	[tilespmem:$0x1D000] =	vst v63  }
0x13b: {  	_ =	swait.ge [sflag:s10], $0x800  }
0x13c: {  	s7 =	rddreg [dreg:$0x4];
	[sflag:s10] =	ssyncset.done $0x0  }
0x13d: {  	s6 =	sadd.s32 s8, s7;
	[sflag:s10] =	ssyncadd.s32 $0xFFFFF800  }
0x13e: {  	[tilespmem:s11], [sflag:$0x3] =	stream.linear.gather [hbm4b:s6+s4], $0x800, $0x38;
	[tilespmem:$0x1D000] =	vst v63  }
0x13f: {  	_ =	swait.ge [sflag:s10], $0x800  }
0x140: {  	[sflag:s10] =	ssyncset.done $0x0  }
0x141: {  	[sflag:s10] =	ssyncadd.s32 $0xFFFFF800  }
0x142: {  	[tilespmem:s13], [sflag:$0x1] =	stream.indirect.gather [hbm4b:s5+s12], $0x80, s4, s12, $0xb8;
	[tilespmem:$0x1D000] =	vst v63  }
0x143: {  	_ = 	snop  }
0x144: {  	[tilespmem:s14], [sflag:$0x1] =	stream.indirect.gather [hbm4b:s5+s12], $0x80, s12, s12, $0xb8;
	[tilespmem:$0x1D000] =	vst v63  }
0x145: {  	_ =	swait.ge [sflag:s15], $0x4000  }
0x146: {  	[sflag:s15] =	ssyncset.done $0x0  }
0x147: {  	[sflag:s15] =	ssyncadd.s32 $0xFFFFC000  }
0x148: {  	[spmem:s3] =	stream.indirect.scatter.add.f32 [tilespmem:s13], [sflag:$0x2], $0x80, s11, s12, $0xb8;
	[tilespmem:$0x1D000] =	vst v63  }
0x149: {  	_ =	swait.ge [sflag:s16], $0x4000  }
0x14a: {  	[sflag:s16] =	ssyncset.done $0x0  }
0x14b: {  	s9 =	rddreg [dreg:$0x6];
	[sflag:s16] =	ssyncadd.s32 $0xFFFFC000  }
0x14c: {  	[tilespmem:s13], [sflag:$0x1] =	stream.indirect.gather [hbm4b:s5+s12], $0x80, s9, s12, $0xb8;
	[tilespmem:$0x1D000] =	vst v63  }
0x14d: {  	_ =	swait.ge [sflag:s15], $0x4000  }
0x14e: {  	[sflag:s15] =	ssyncset.done $0x0  }
0x14f: {  	s7 =	rddreg [dreg:$0x7];
	[sflag:s15] =	ssyncadd.s32 $0xFFFFC000  }
0x150: {  	[spmem:s3] =	stream.indirect.scatter.add.f32 [tilespmem:s14], [sflag:$0x2], $0x80, s7, s12, $0xb8;
	[tilespmem:$0x1D000] =	vst v63  }
0x151: {  	_ =	swait.ge [sflag:s16], $0x4000  }
0x152: {  	[sflag:s16] =	ssyncset.done $0x0  }
0x153: {  	s8 =	rddreg [dreg:$0x8];
	[sflag:s16] =	ssyncadd.s32 $0xFFFFC000  }
0x154: {  	[tilespmem:s14], [sflag:$0x1] =	stream.indirect.gather [hbm4b:s5+s12], $0x80, s8, s12, $0xb8;
	[tilespmem:$0x1D000] =	vst v63  }
0x155: {  	_ =	swait.ge [sflag:s15], $0x4000  }
0x156: {  	[sflag:s15] =	ssyncset.done $0x0  }
0x157: {  	s9 =	rddreg [dreg:$0x9];
	[sflag:s15] =	ssyncadd.s32 $0xFFFFC000  }
0x158: {  	[spmem:s3] =	stream.indirect.scatter.add.f32 [tilespmem:s13], [sflag:$0x2], $0x80, s9, s12, $0xb8;
	[tilespmem:$0x1D000] =	vst v63  }
0x159: {  	_ =	swait.ge [sflag:s16], $0x4000  }
0x15a: {  	[sflag:s16] =	ssyncset.done $0x0  }
0x15b: {  	s7 =	rddreg [dreg:$0xa];
	[sflag:s16] =	ssyncadd.s32 $0xFFFFC000  }
0x15c: {  	[tilespmem:s13], [sflag:$0x1] =	stream.indirect.gather [hbm4b:s5+s12], $0x80, s7, s12, $0xb8;
	[tilespmem:$0x1D000] =	vst v63  }
0x15d: {  	_ =	swait.ge [sflag:s15], $0x4000  }
0x15e: {  	[sflag:s15] =	ssyncset.done $0x0  }
0x15f: {  	s8 =	rddreg [dreg:$0xb];
	[sflag:s15] =	ssyncadd.s32 $0xFFFFC000  }
0x160: {  	[spmem:s3] =	stream.indirect.scatter.add.f32 [tilespmem:s14], [sflag:$0x2], $0x80, s8, s12, $0xb8;
	[tilespmem:$0x1D000] =	vst v63  }
0x161: {  	_ =	swait.ge [sflag:s16], $0x4000  }
0x162: {  	[sflag:s16] =	ssyncset.done $0x0  }
0x163: {  	s9 =	rddreg [dreg:$0xc];
	[sflag:s16] =	ssyncadd.s32 $0xFFFFC000  }
0x164: {  	[tilespmem:s14], [sflag:$0x1] =	stream.indirect.gather [hbm4b:s5+s12], $0x80, s9, s12, $0xb8;
	[tilespmem:$0x1D000] =	vst v63  }
0x165: {  	_ =	swait.ge [sflag:s15], $0x4000  }
0x166: {  	[sflag:s15] =	ssyncset.done $0x0  }
0x167: {  	s7 =	rddreg [dreg:$0xd];
	[sflag:s15] =	ssyncadd.s32 $0xFFFFC000  }
0x168: {  	[spmem:s3] =	stream.indirect.scatter.add.f32 [tilespmem:s13], [sflag:$0x2], $0x80, s7, s12, $0xb8;
	[tilespmem:$0x1D000] =	vst v63  }
0x169: {  	_ =	swait.ge [sflag:s16], $0x4000  }
0x16a: {  	[sflag:s16] =	ssyncset.done $0x0  }
0x16b: {  	s8 =	rddreg [dreg:$0xe];
	[sflag:s16] =	ssyncadd.s32 $0xFFFFC000  }
0x16c: {  	[tilespmem:s13], [sflag:$0x1] =	stream.indirect.gather [hbm4b:s5+s12], $0x80, s8, s12, $0xb8;
	[tilespmem:$0x1D000] =	vst v63  }
0x16d: {  	_ =	swait.ge [sflag:s15], $0x4000  }
0x16e: {  	[sflag:s15] =	ssyncset.done $0x0  }
0x16f: {  	s9 =	rddreg [dreg:$0xf];
	[sflag:s15] =	ssyncadd.s32 $0xFFFFC000  }
0x170: {  	[spmem:s3] =	stream.indirect.scatter.add.f32 [tilespmem:s14], [sflag:$0x2], $0x80, s9, s12, $0xb8;
	[tilespmem:$0x1D000] =	vst v63  }
0x171: {  	_ =	swait.ge [sflag:s16], $0x4000  }
0x172: {  	[sflag:s16] =	ssyncset.done $0x0  }
0x173: {  	s7 =	rddreg [dreg:$0x10];
	[sflag:s16] =	ssyncadd.s32 $0xFFFFC000  }
0x174: {  	[tilespmem:s14], [sflag:$0x1] =	stream.indirect.gather [hbm4b:s5+s12], $0x80, s7, s12, $0xb8;
	[tilespmem:$0x1D000] =	vst v63  }
0x175: {  	_ =	swait.ge [sflag:s15], $0x4000  }
0x176: {  	[sflag:s15] =	ssyncset.done $0x0  }
0x177: {  	s8 =	rddreg [dreg:$0x11];
	[sflag:s15] =	ssyncadd.s32 $0xFFFFC000  }
0x178: {  	[spmem:s3] =	stream.indirect.scatter.add.f32 [tilespmem:s13], [sflag:$0x2], $0x80, s8, s12, $0xb8;
	[tilespmem:$0x1D000] =	vst v63  }
0x179: {  	_ =	swait.ge [sflag:s16], $0x4000  }
0x17a: {  	[sflag:s16] =	ssyncset.done $0x0  }
0x17b: {  	[sflag:s16] =	ssyncadd.s32 $0xFFFFC000  }
0x17c: {  	[tilespmem:s13], [sflag:$0x1] =	stream.indirect.gather [hbm4b:s5+s12], $0x80, s17, s12, $0xb8;
	[tilespmem:$0x1D000] =	vst v63  }
0x17d: {  	_ =	swait.ge [sflag:s15], $0x4000  }
0x17e: {  	[sflag:s15] =	ssyncset.done $0x0  }
0x17f: {  	[sflag:s15] =	ssyncadd.s32 $0xFFFFC000  }
0x180: {  	[spmem:s3] =	stream.indirect.scatter.add.f32 [tilespmem:s14], [sflag:$0x2], $0x80, s18, s12, $0xb8;
	[tilespmem:$0x1D000] =	vst v63  }
0x181: {  	_ =	swait.ge [sflag:s16], $0x4000  }
0x182: {  	[sflag:s16] =	ssyncset.done $0x0  }
0x183: {  	[sflag:s16] =	ssyncadd.s32 $0xFFFFC000  }
0x184: {  	[tilespmem:s14], [sflag:$0x1] =	stream.indirect.gather [hbm4b:s5+s12], $0x80, s19, s12, $0xb8;
	[tilespmem:$0x1D000] =	vst v63  }
0x185: {  	_ =	swait.ge [sflag:s15], $0x4000  }
0x186: {  	[sflag:s15] =	ssyncset.done $0x0  }
0x187: {  	[sflag:s15] =	ssyncadd.s32 $0xFFFFC000  }
0x188: {  	[spmem:s3] =	stream.indirect.scatter.add.f32 [tilespmem:s13], [sflag:$0x2], $0x80, s20, s12, $0xb8;
	[tilespmem:$0x1D000] =	vst v63  }
0x189: {  	_ =	swait.ge [sflag:s16], $0x4000  }
0x18a: {  	[sflag:s16] =	ssyncset.done $0x0  }
0x18b: {  	[sflag:s16] =	ssyncadd.s32 $0xFFFFC000  }
0x18c: {  	[tilespmem:s13], [sflag:$0x1] =	stream.indirect.gather [hbm4b:s5+s12], $0x80, s21, s12, $0xb8;
	[tilespmem:$0x1D000] =	vst v63  }
0x18d: {  	_ =	swait.ge [sflag:s15], $0x4000  }
0x18e: {  	[sflag:s15] =	ssyncset.done $0x0  }
0x18f: {  	[sflag:s15] =	ssyncadd.s32 $0xFFFFC000  }
0x190: {  	[spmem:s3] =	stream.indirect.scatter.add.f32 [tilespmem:s14], [sflag:$0x2], $0x80, s22, s12, $0xb8;
	[tilespmem:$0x1D000] =	vst v63  }
0x191: {  	_ =	swait.ge [sflag:s16], $0x4000  }
0x192: {  	[sflag:s16] =	ssyncset.done $0x0  }
0x193: {  	[sflag:s16] =	ssyncadd.s32 $0xFFFFC000  }
0x194: {  	[tilespmem:s14], [sflag:$0x1] =	stream.indirect.gather [hbm4b:s5+s12], $0x80, s23, s12, $0xb8;
	[tilespmem:$0x1D000] =	vst v63  }
0x195: {  	_ =	swait.ge [sflag:s15], $0x4000  }
0x196: {  	[sflag:s15] =	ssyncset.done $0x0  }
0x197: {  	[sflag:s15] =	ssyncadd.s32 $0xFFFFC000  }
0x198: {  	[spmem:s3] =	stream.indirect.scatter.add.f32 [tilespmem:s13], [sflag:$0x2], $0x80, s24, s12, $0xb8;
	[tilespmem:$0x1D000] =	vst v63  }
0x199: {  	_ =	swait.ge [sflag:s16], $0x4000  }
0x19a: {  	[sflag:s16] =	ssyncset.done $0x0  }
0x19b: {  	[sflag:s16] =	ssyncadd.s32 $0xFFFFC000  }
0x19c: {  	[tilespmem:s13], [sflag:$0x1] =	stream.indirect.gather [hbm4b:s5+s12], $0x80, s25, s12, $0xb8;
	[tilespmem:$0x1D000] =	vst v63  }
0x19d: {  	_ =	swait.ge [sflag:s15], $0x4000  }
0x19e: {  	[sflag:s15] =	ssyncset.done $0x0  }
0x19f: {  	[sflag:s15] =	ssyncadd.s32 $0xFFFFC000  }
0x1a0: {  	[spmem:s3] =	stream.indirect.scatter.add.f32 [tilespmem:s14], [sflag:$0x2], $0x80, s26, s12, $0xb8;
	[tilespmem:$0x1D000] =	vst v63  }
0x1a1: {  	_ =	swait.ge [sflag:s16], $0x4000  }
0x1a2: {  	[sflag:s16] =	ssyncset.done $0x0  }
0x1a3: {  	[sflag:s16] =	ssyncadd.s32 $0xFFFFC000  }
0x1a4: {  	[tilespmem:s14], [sflag:$0x1] =	stream.indirect.gather [hbm4b:s5+s12], $0x80, s28, s12, $0xb8;
	[tilespmem:$0x1D000] =	vst v63  }
0x1a5: {  	_ =	swait.ge [sflag:s15], $0x4000  }
0x1a6: {  	[sflag:s15] =	ssyncset.done $0x0  }
0x1a7: {  	[sflag:s15] =	ssyncadd.s32 $0xFFFFC000  }
0x1a8: {  	[spmem:s3] =	stream.indirect.scatter.add.f32 [tilespmem:s13], [sflag:$0x2], $0x80, s29, s12, $0xb8;
	[tilespmem:$0x1D000] =	vst v63  }
0x1a9: {  	_ =	swait.ge [sflag:s16], $0x4000  }
0x1aa: {  	[sflag:s16] =	ssyncset.done $0x0  }
0x1ab: {  	[sflag:s16] =	ssyncadd.s32 $0xFFFFC000  }
0x1ac: {  	[tilespmem:s13], [sflag:$0x1] =	stream.indirect.gather [hbm4b:s5+s12], $0x80, s30, s12, $0xb8;
	[tilespmem:$0x1D000] =	vst v63  }
0x1ad: {  	_ =	swait.ge [sflag:s15], $0x4000  }
0x1ae: {  	[sflag:s15] =	ssyncset.done $0x0  }
0x1af: {  	[sflag:s15] =	ssyncadd.s32 $0xFFFFC000  }
0x1b0: {  	[spmem:s3] =	stream.indirect.scatter.add.f32 [tilespmem:s14], [sflag:$0x2], $0x80, s31, s12, $0xb8;
	[tilespmem:$0x1D000] =	vst v63  }
0x1b1: {  	_ =	swait.ge [sflag:s16], $0x4000  }
0x1b2: {  	[sflag:s16] =	ssyncset.done $0x0  }
0x1b3: {  	[sflag:s16] =	ssyncadd.s32 $0xFFFFC000  }
0x1b4: {  	[tilespmem:s14], [sflag:$0x1] =	stream.indirect.gather [hbm4b:s5+s12], $0x80, s1, s12, $0xb8;
	[tilespmem:$0x1D000] =	vst v63  }
0x1b5: {  	_ =	swait.ge [sflag:s15], $0x4000  }
0x1b6: {  	[sflag:s15] =	ssyncset.done $0x0  }
0x1b7: {  	[sflag:s15] =	ssyncadd.s32 $0xFFFFC000  }
0x1b8: {  	[spmem:s3] =	stream.indirect.scatter.add.f32 [tilespmem:s13], [sflag:$0x2], $0x80, s0, s12, $0xb8;
	[tilespmem:$0x1D000] =	vst v63  }
0x1b9: {  	_ =	swait.ge [sflag:s16], $0x4000  }
0x1ba: {  	[sflag:s16] =	ssyncset.done $0x0  }
0x1bb: {  	[sflag:s16] =	ssyncadd.s32 $0xFFFFC000  }
0x1bc: {  	_ =	swait.ge [sflag:s15], $0x4000  }
0x1bd: {  	[sflag:s15] =	ssyncset.done $0x0  }
0x1be: {  	[sflag:s15] =	ssyncadd.s32 $0xFFFFC000  }
0x1bf: {  	[spmem:s3] =	stream.indirect.scatter.add.f32 [tilespmem:s14], [sflag:$0x2], $0x80, s2, s12, $0xb8;
	[tilespmem:$0x1D000] =	vst v63  }
0x1c0: {  	_ =	swait.ge [sflag:s16], $0x4000  }
0x1c1: {  	[sflag:s16] =	ssyncset.done $0x0  }
0x1c2: {  	[sflag:s16] =	ssyncadd.s32 $0xFFFFC000  }
0x1c3: {  	[bflag:$0x0] =	sbarrier.arrive $0xFFFF  }
0x1c4: {  	s7 =	rddreg [dreg:$0x12]  }
0x1c5: {  	s9 =	rddreg [dreg:$0x13]  }
0x1c6: {  	s8 =	rddreg [dreg:$0x15]  }
0x1c7: {  	[hbm:s9], [sflag:s7] =	dma.local [spmem:s8], $0x2800  }
0x1c8: {  	_ =	swait.ge [sflag:s10], $0x2800  }
0x1c9: {  	s6 =	rddreg [dreg:$0x16]  }
0x1ca: {  	s9 =	sadd.s32 $0x1, s6;
	s6 =	rddreg [dreg:$0x14]  }
0x1cb: {  	p0 =	sne.s32 s9, s6  }
.Ltmp1:
0x1cc: {  	_ = 	snop;
	(pc) =	sbr.rel @p0 .LBB2_1-.Ltmp1, $3  }
0x1cd: {  	_ =	sdelay $0x1  }
0x1ce: {  	[sflag:s10] =	ssyncset.done $0x0  }
0x1cf: {  	[sflag:s10] =	ssyncadd.s32 $0xFFFFD800  }
0x1d0: {  	_ =	sfence.sel $0x180000  }
0x1d1: {  	[bflag:$0x0] =	sbarrier.arrive $0xFFFF  }
0x1d2: {  	_ =	strace $0x9000004A  }
0x1d3: {  	s0 =	stileid.u32;
	[bflag:$0x2] =	sbarrier.arrive $0xFFFF  }
0x1d4: {  	p0 =	sne.s32 s0, $0x0;
	s0 =	rddreg [dreg:$0x3]  }
0x1d5: {  	s0 =	sadd.s32 @!p0 $0x100000, s0  }
0x1d6: {  	[sflag:s0] =	ssyncadd.tile.s32 @!p0 $0x1;
	_ =	shalt  }
.Lfunc_end2:
_tile_overlayer_lowered:
.L_overlay_start_2:
0x1d7: {  	(tag) =	ssettag $0x2  }
0x1d8: {  	s0 =	rddreg [dreg:$0x0];
	s2 =	stileid.u32  }
0x1d9: {  	s1 =	rddreg [dreg:$0x1];
	p0 =	sne.s32 s2, $0x0  }
0x1da: {  	s3 =	rddreg [dreg:$0x2];
	[bflag:$0x3] =	sbarrier.arrive $0xFFFF;
	s2 =	simm.s32 @!p0 $0x1C03  }
0x1db: {  	[timem:s3], [sflag:s2] =	dma.local @!p0 [hbm:s0], s1  }
0x1dc: {  	s0 =	simm.s32 @!p0 $0x3  }
0x1dd: {  	_ =	swait.ge @!p0 [sflag:s0], s1  }
0x1de: {  	s1 =	ssub.s32 @!p0 $0x0, s1;
	[sflag:s0] =	ssyncset.done @!p0 $0x0  }
0x1df: {  	[sflag:s0] =	ssyncadd.s32 @!p0 s1  }
0x1e0: {  	[bflag:$0x3] =	sbarrier.arrive $0xFFFF  }
0x1e1: {  	_ =	shalt  }

// kernel: kernel.15.cloned.1.call-start
scs
__scs_entry_jumppad:
0x0: {  	(pc) =	sbr.rel $0x88, $3  }
0x1: {  	(tag) =	ssettag $0x0;
	lr =	simm.s32 $0x1  }
0x2: {  	[smem:$0x3F9B] =	sst lr;
	_ =	strace $0xD0000000  }
0x3: {  	_ = 	snop  }
0x4: {  	_ = 	snop  }
0x5: {  	_ = 	snop  }
0x6: {  	_ = 	snop  }
0x7: {  	_ = 	snop  }
__scs_overlays_trampoline_lowered:
0x8: {  	[smem:$0x3FAA] =	sst s0  }
0x9: {  	[smem:$0x3FAB] =	sst s1  }
0xa: {  	[smem:$0x3FAC] =	sst s2  }
0xb: {  	[smem:$0x3FAD] =	sst s3  }
0xc: {  	[smem:$0x3FAE] =	sst s4  }
0xd: {  	[smem:$0x3FAF] =	sst s5  }
0xe: {  	[smem:$0x3FB0] =	sst s6  }
0xf: {  	[smem:$0x3FB1] =	sst s7  }
0x10: {  	[smem:$0x3FB2] =	sst s8  }
0x11: {  	[smem:$0x3FB3] =	sst s9;
	s0 =	simm.s32 @!p0 $0x0  }
0x12: {  	s1 =	sld [smem:$0x3F99];
	s0 =	simm.s32 @p0 $0x1  }
0x13: {  	[smem:$0x3FB4] =	sst s0;
	s0 =	simm.s32 @!p1 $0x0  }
0x14: {  	s2 =	sld [smem:$0x3F98];
	s0 =	simm.s32 @p1 $0x1  }
0x15: {  	[smem:$0x3FB5] =	sst s0;
	s0 =	simm.s32 @!p2 $0x0  }
0x16: {  	s3 =	sld [smem:$0x3FDB];
	s0 =	simm.s32 @p2 $0x1  }
0x17: {  	s4 =	simm.s32 $0x1BF5;
	[smem:$0x3FB7] =	sst s0  }
0x18: {  	s0 =	sld [smem:$0x3F9A];
	_ =	swait.ge [sflag:s4], $0x0  }
0x19: {  	s7 =	sld [smem:$0x3F9B]  }
0x1a: {  	s8 =	sadd.s32 $0xFFFFE003, lr  }
0x1b: {  	s9 =	sadd.s32 $0xFFFFFEF7, lr;
	s5 =	simm.s32 $0xFFFFFFFF;
	p2 =	slt.u32 s8, $0xFFFFF086  }
0x1c: {  	p1 =	slt.u32 s9, $0xF7A;
	s5 =	simm.s32 @!p2 $0x0  }
0x1d: {  	s5 =	simm.s32 @p1 $0x1;
	p0 =	seq.s32 s7, s2  }
0x1e: {  	s7 =	smul.u32 @!p0 $0xF7A, s2;
	p2 =	seq.s32 @!p0 s5, $0x0  }
0x1f: {  	s9 =	smul.u32 $0xF7A, s1;
	s8 =	simm.s32 @!p0 $0x1BF5;
	p2 =	por !p2, p0  }
0x20: {  	[sflag:s8] =	ssyncset.s32 @!p0 $0xFFFFF086;
	s6 =	sadd.s32 @!p0 s3, s7;
	s7 =	simm.s32 @!p0 $0x108  }
0x21: {  	s3 =	sadd.s32 s3, s9;
	s6 =	sadd.s32 @!p0 $0x88, s6;
	s7 =	simm.s32 @p2 $0x1082  }
0x22: {  	[simem:s7], [sflag:s8] =	dma.local @!p0 [hbm:s6], $0xF7A  }
0x23: {  	s9 =	sor.u32 $0xD0000000, s2;
	s6 =	simm.s32 $0x108;
	_ =	swait.ge @!p0 [sflag:s8], $0x0  }
0x24: {  	s3 =	sadd.s32 $0x88, s3;
	s6 =	simm.s32 @!p1 $0x1082;
	[sflag:s4] =	ssyncset.s32 $0xFFFFF086  }
0x25: {  	[simem:s6], [sflag:s4] =	dma.local [hbm:s3], $0xF7A  }
0x26: {  	[smem:$0x3F9B] =	sst s1;
	(tag) =	ssettag s2;
	_ =	strace s9  }
0x27: {  	s1 =	sld [smem:$0x3FAB]  }
0x28: {  	s2 =	sld [smem:$0x3FAC]  }
0x29: {  	s4 =	sld [smem:$0x3FAE]  }
0x2a: {  	p0 =	seq.s32 s5, $0x0;
	s5 =	sld [smem:$0x3FAF]  }
0x2b: {  	s6 =	sld [smem:$0x3FB0]  }
0x2c: {  	s7 =	sld [smem:$0x3FB1]  }
0x2d: {  	s3 =	simm.s32 $0x108;
	s8 =	sld [smem:$0x3FB2]  }
0x2e: {  	s3 =	simm.s32 @!p0 $0x1082;
	s9 =	sld [smem:$0x3FB3]  }
0x2f: {  	lr =	sadd.s32 s0, s3;
	s0 =	sld [smem:$0x3FAA]  }
0x30: {  	s3 =	sld [smem:$0x3FAD]  }
0x31: {  	[smem:$0x3FB6] =	sst s10  }
0x32: {  	s10 =	sld [smem:$0x3FB4];
	_ =	sdelay $0x3  }
0x33: {  	p0 =	seq.s32 s10, $0x1;
	s10 =	sld [smem:$0x3FB6];
	_ =	sdelay $0x3  }
0x34: {  	[smem:$0x3FB6] =	sst s10  }
0x35: {  	s10 =	sld [smem:$0x3FB5];
	_ =	sdelay $0x3  }
0x36: {  	p1 =	seq.s32 s10, $0x1;
	s10 =	sld [smem:$0x3FB6];
	_ =	sdelay $0x3  }
0x37: {  	[smem:$0x3FB6] =	sst s10  }
0x38: {  	s10 =	sld [smem:$0x3FB7]  }
0x39: {  	_ = 	snop;
	(pc) =	sbr.ind lr, $3  }
0x3a: {  	_ = 	snop  }
0x3b: {  	_ = 	snop  }
0x3c: {  	p2 =	seq.s32 s10, $0x1;
	s10 =	sld [smem:$0x3FB6]  }
0x3d: {  	_ =	shalt  }
0x3e: {  	_ =	shalt  }
0x3f: {  	_ =	shalt  }
0x40: {  	_ =	shalt  }
0x41: {  	_ =	shalt  }
0x42: {  	_ =	shalt  }
0x43: {  	_ =	shalt  }
0x44: {  	_ =	shalt  }
0x45: {  	_ =	shalt  }
0x46: {  	_ =	shalt  }
0x47: {  	_ =	shalt  }
0x48: {  	_ =	shalt  }
0x49: {  	_ =	shalt  }
0x4a: {  	_ =	shalt  }
0x4b: {  	_ =	shalt  }
0x4c: {  	_ =	shalt  }
0x4d: {  	_ =	shalt  }
0x4e: {  	_ =	shalt  }
0x4f: {  	_ =	shalt  }
0x50: {  	_ =	shalt  }
0x51: {  	_ =	shalt  }
0x52: {  	_ =	shalt  }
0x53: {  	_ =	shalt  }
0x54: {  	_ =	shalt  }
0x55: {  	_ =	shalt  }
0x56: {  	_ =	shalt  }
0x57: {  	_ =	shalt  }
0x58: {  	_ =	shalt  }
0x59: {  	_ =	shalt  }
0x5a: {  	_ =	shalt  }
0x5b: {  	_ =	shalt  }
0x5c: {  	_ =	shalt  }
0x5d: {  	_ =	shalt  }
0x5e: {  	_ =	shalt  }
0x5f: {  	_ =	shalt  }
0x60: {  	_ =	shalt  }
0x61: {  	_ =	shalt  }
0x62: {  	_ =	shalt  }
0x63: {  	_ =	shalt  }
0x64: {  	_ =	shalt  }
0x65: {  	_ =	shalt  }
0x66: {  	_ =	shalt  }
0x67: {  	_ =	shalt  }
0x68: {  	_ =	shalt  }
0x69: {  	_ =	shalt  }
0x6a: {  	_ =	shalt  }
0x6b: {  	_ =	shalt  }
0x6c: {  	_ =	shalt  }
0x6d: {  	_ =	shalt  }
0x6e: {  	_ =	shalt  }
0x6f: {  	_ =	shalt  }
0x70: {  	_ =	shalt  }
0x71: {  	_ =	shalt  }
0x72: {  	_ =	shalt  }
0x73: {  	_ =	shalt  }
0x74: {  	_ =	shalt  }
0x75: {  	_ =	shalt  }
0x76: {  	_ =	shalt  }
0x77: {  	_ =	shalt  }
0x78: {  	_ =	shalt  }
0x79: {  	_ =	shalt  }
0x7a: {  	_ =	shalt  }
0x7b: {  	_ =	shalt  }
0x7c: {  	_ =	shalt  }
0x7d: {  	_ =	shalt  }
0x7e: {  	_ =	shalt  }
0x7f: {  	_ =	shalt  }
0x80: {  	_ =	shalt  }
0x81: {  	_ =	shalt  }
0x82: {  	_ =	shalt  }
0x83: {  	_ =	shalt  }
0x84: {  	_ =	shalt  }
0x85: {  	_ =	shalt  }
0x86: {  	_ =	shalt  }
0x87: {  	_ =	shalt  }
.Lfunc_end0:
.L_simem_size_0:
called_computation.2_lowered:
.L_overlay_start_0:
0x88: {  	s2 =	sld [smem:$0x3FD9]  }
0x89: {  	s3 =	sld [smem:$0x3FFE];
	_ =	sdelay $0x1  }
0x8a: {  	s1 =	srdreg.scid  }
0x8b: {  	s0 =	sand.u32 $0x1, s1  }
0x8c: {  	s17 =	sshll.u32 s0, $0xA;
	s2 =	sadd.s32 s3, s2  }
0x8d: {  	s2 =	sadd.s32 s2, s17  }
0x8e: {  	[smem:$0x3FC2] =	sst s2  }
0x8f: {  	_ = 	snop  }
0x90: {  	s2 =	sld [smem:$0x3FD0];
	(tm) =	ssettm $0x1  }
0x91: {  	s18 =	sld [smem:$0x3FFB];
	_ =	sdelay $0x3  }
0x92: {  	_ =	strace s18  }
0x93: {  	s3 =	sld [smem:$0x3FFC];
	_ =	sdelay $0x3  }
0x94: {  	_ =	strace s3  }
0x95: {  	s3 =	sld [smem:$0x3FFD];
	_ =	sdelay $0x3  }
0x96: {  	_ =	strace s3  }
0x97: {  	_ =	strace $0x8FFFFFFF  }
0x98: {  	s19 =	sld [smem:$0x3FDB];
	_ =	sdelay $0x1  }
0x99: {  	s4 =	simm.s32 $_scs_section_size  }
0x9a: {  	s5 =	simm.s32 $_size__tile_overlayer_lowered;
	s6 =	simm.s32 $_tile_overlayer_lowered  }
0x9b: {  	s22 =	simm.s32 $0x1BFF;
	s21 =	sshll.u32 s6, $0x1;
	s3 =	sadd.s32 s4, s19  }
0x9c: {  	s7 =	simm.s32 $0x0;
	s20 =	sshll.u32 s5, $0x1;
	s5 =	sadd.s32 s21, s3  }
0x9d: {  	[timem:s7], [sflag:s22] =	dma.local [hbm:s5], s20  }
0x9e: {  	_ =	swait.ge [sflag:s22], s20  }
0x9f: {  	s4 =	ssub.s32 $0x0, s20;
	[sflag:s22] =	ssyncset.done $0x0  }
0xa0: {  	[sflag:s22] =	ssyncadd.s32 s4;
	_ =	sdelay $0x1  }
0xa1: {  	s23 =	simm.s32 $0x1B8B  }
0xa2: {  	_ =	swait.ge [sflag:s23], $0x1  }
0xa3: {  	[sflag:s23] =	ssyncset.done $0x0  }
0xa4: {  	s25 =	simm.s32 $0x1B8E;
	s24 =	sld [smem:$0x3FFE];
	[sflag:s23] =	ssyncadd.s32 $0xFFFFFFFF  }
0xa5: {  	s26 =	simm.s32 $execute0_lowered;
	[smem:$0x3FD2] =	sst s25  }
0xa6: {  	s5 =	sshll.u32 s26, $0x1;
	_ =	strace $0x8000004C;
	[dreg:$0x1] =	wrdreg $0xFFFFFFFF  }
0xa7: {  	s28 =	simm.s32 $_size_execute0_lowered;
	s3 =	sadd.s32 s3, s5;
	[dreg:$0x0] =	wrdreg $0x0  }
0xa8: {  	s5 =	sshll.u32 s28, $0x1;
	[dreg:$0x2] =	wrdreg s3  }
0xa9: {  	[dreg:$0x3] =	wrdreg s5  }
0xaa: {  	[dreg:$0x4] =	wrdreg $0xC0  }
0xab: {  	_ =	task [dreg:s7], $0x5FFFF  }
0xac: {  	[dreg:$0x1] =	wrdreg $0xFFFFFFFF  }
0xad: {  	[dreg:$0x0] =	wrdreg $0x60  }
0xae: {  	[dreg:$0x2] =	wrdreg s2  }
0xaf: {  	[dreg:$0x3] =	wrdreg s24  }
0xb0: {  	[dreg:$0x4] =	wrdreg $0x90000  }
0xb1: {  	[dreg:$0x5] =	wrdreg $0x9  }
0xb2: {  	_ =	task.clear_ibuf [dreg:s7], $0x6FFFF;
	_ =	strace $0x9000004C  }
0xb3: {  	s29 =	simm.s32 $0x9;
	_ =	strace $0x8000004E  }
0xb4: {  	_ =	swait.ge [sflag:s29], $0x1  }
0xb5: {  	[sflag:s29] =	ssyncadd.s32 $0xFFFFFFFF  }
0xb6: {  	_ =	strace $0x9000004E  }
0xb7: {  	_ =	sfence  }
0xb8: {  	s30 =	sld [smem:$0x0];
	_ =	sdelay $0x2  }
0xb9: {  	s31 =	sshll.u32 s1, $0xD;
	s1 =	sshrl.u32 s1, $0x2  }
0xba: {  	s3 =	sand.u32 $0x4000, s31;
	s1 =	sadd.s32 s1, s30  }
0xbb: {  	s0 =	sor.u32 s3, s0;
	s1 =	sshll.u32 s1, $0x11  }
0xbc: {  	s0 =	sor.u32 s1, s0  }
0xbd: {  	s0 =	sadd.s32 $0x8F2B, s0  }
0xbe: {  	[sflag:s0] =	ssyncadd.remote.s32 $0x1  }
0xbf: {  	_ =	sfence.sel $0xFFFF  }
0xc0: {  	[dreg:$0x0] =	wrdreg $0xFFFFFFFF;
	(pc) =	sbr.abs _section_cstart, $3  }
0xc1: {  	[dreg:$0x1] =	wrdreg $0xFFFFFFFF  }
0xc2: {  	_ =	task.clear_ibuf [dreg:s7], $0x2FFFF;
	_ =	strace $0x9FFFFFFF  }
0xc3: {  	(tm) =	ssettm $0x7FFFFFFF  }
tec
execute0_lowered:
.L_overlay_start_1:
0x0: {  	(tag) =	ssettag $0x1  }
0x1: {  	s1 =	rddreg [dreg:$0x0]  }
0x2: {  	s0 =	srdreg.scid;
	s2 =	rddreg [dreg:$0x1]  }
0x3: {  	s10 =	stileid.u32;
	s3 =	rddreg [dreg:$0x2];
	s4 =	simm.s32 $0x0  }
0x4: {  	s12 =	simm.s32 $0x100;
	s14 =	simm.s32 $0x180;
	s15 =	simm.s32 $0x200  }
0x5: {  	s16 =	simm.s32 $0x880;
	[smem:$0x7FF] =	sst s4;
	s23 =	sadd.s32 $0x16200, s2  }
0x6: {  	s17 =	simm.s32 $0x280;
	_ =	strace $0x8000004D;
	[dreg:$0x14] =	wrdreg s23  }
0x7: {  	s18 =	simm.s32 $0x900;
	s19 =	simm.s32 $0x300;
	[dreg:$0x6] =	wrdreg s12  }
0x8: {  	s20 =	simm.s32 $0x980;
	s21 =	simm.s32 $0x380;
	[dreg:$0x7] =	wrdreg s14  }
0x9: {  	s22 =	simm.s32 $0xA00;
	s28 =	simm.s32 $0x700;
	[dreg:$0x8] =	wrdreg s15  }
0xa: {  	s29 =	simm.s32 $0xD80;
	s30 =	simm.s32 $0x780;
	[dreg:$0x9] =	wrdreg s16  }
0xb: {  	s31 =	simm.s32 $0xE00;
	s5 =	smul.u32 $0xA000, s10;
	[dreg:$0xa] =	wrdreg s17  }
0xc: {  	s0 =	sand.u32 $0x1, s0;
	s8 =	smul.u32 $0x2800, s10;
	[dreg:$0xb] =	wrdreg s18  }
0xd: {  	s9 =	sadd.s32 $0x2200, s2;
	s13 =	sshll.u32 s10, $0x6;
	[dreg:$0xc] =	wrdreg s19  }
0xe: {  	s10 =	simm.s32 $0x3;
	s6 =	smul.u32 $0xA0000, s0;
	[dreg:$0xd] =	wrdreg s20  }
0xf: {  	s7 =	smul.u32 $0x28000, s0;
	s0 =	ssub.s32 $0x2, s0;
	[dreg:$0xe] =	wrdreg s21  }
0x10: {  	s12 =	simm.s32 $0x80;
	s14 =	simm.s32 $0x3000;
	[dreg:$0xf] =	wrdreg s22  }
0x11: {  	s23 =	simm.s32 $0x400;
	s15 =	simm.s32 $0x5000;
	s16 =	simm.s32 $0x7000  }
0x12: {  	s17 =	simm.s32 $0x1;
	s18 =	simm.s32 $0x2;
	s19 =	simm.s32 $0x500  }
0x13: {  	s20 =	simm.s32 $0xB80;
	s21 =	simm.s32 $0x580;
	s22 =	simm.s32 $0xC00  }
0x14: {  	s26 =	sshrl.u32 s0, $0x1;
	[dreg:$0x10] =	wrdreg s23;
	s23 =	simm.s32 $0x600  }
0x15: {  	s6 =	sadd.s32 s5, s6;
	s7 =	sadd.s32 s8, s7;
	s0 =	ssub.s32 s0, s26  }
0x16: {  	s5 =	sadd.s32 s5, s3;
	s26 =	simm.s32 $0xB00;
	s6 =	sshrl.u32 s6, $0x3  }
0x17: {  	s24 =	sadd.s32 $0x50000, s7;
	s7 =	sshrl.u32 s7, $0x3;
	s0 =	smax.u32 s0, $0x1  }
0x18: {  	s8 =	sshrl.u32 s5, $0x3;
	[dreg:$0x13] =	wrdreg s26;
	s26 =	simm.s32 $0xD00  }
0x19: {  	s5 =	simm.s32 $0xF80;
	s2 =	sadd.s32 s6, s2;
	[dreg:$0x17] =	wrdreg s0  }
0x1a: {  	s25 =	sshrl.u32 s24, $0x3;
	s11 =	sadd.s32 s7, s9;
	[dreg:$0x18] =	wrdreg s8  }
0x1b: {  	s7 =	sor.u32 $0x1C03, s13;
	s24 =	simm.s32 $0xA80;
	[dreg:$0x5] =	wrdreg s11  }
0x1c: {  	s13 =	simm.s32 $0x1000;
	s0 =	simm.s32 $0xF00;
	[dreg:$0x11] =	wrdreg s24  }
0x1d: {  	s6 =	sadd.s32 s25, s9;
	s2 =	sadd.s32 $0x17600, s2;
	[dreg:$0x15] =	wrdreg s7  }
0x1e: {  	s11 =	simm.s32 $0x800;
	s25 =	simm.s32 $0x480;
	[dreg:$0x4] =	wrdreg s6  }
0x1f: {  	s24 =	simm.s32 $0xC80;
	s9 =	simm.s32 $0x0;
	[dreg:$0x16] =	wrdreg s2  }
0x20: {  	[dreg:$0x12] =	wrdreg s25;
	s25 =	simm.s32 $0x680;
	s2 =	simm.s32 $0xE80  }
.LBB2_1:
0x21: {  	[dreg:$0x19] =	wrdreg s9  }
0x22: {  	s6 =	rddreg [dreg:$0x14]  }
0x23: {  	[spmem:s8], [sflag:s7] =	dma.local [hbm:s6], $0x1400  }
0x24: {  	_ =	swait.ge [sflag:s10], $0x1400  }
0x25: {  	[sflag:s10] =	ssyncset.done $0x0  }
0x26: {  	[sflag:s10] =	ssyncadd.s32 $0xFFFFEC00  }
0x27: {  	[bflag:$0x0] =	sbarrier.arrive $0xFFFF  }
0x28: {  	s9 =	rddreg [dreg:$0x5]  }
0x29: {  	s6 =	sadd.s32 $0x0, s9  }
0x2a: {  	[tilespmem:s4], [sflag:$0x3] =	stream.linear.gather [hbm4b:s6+s4], $0x800, $0x38;
	[tilespmem:$0x13000] =	vst v63  }
0x2b: {  	_ =	swait.ge [sflag:s10], $0x800  }
0x2c: {  	s7 =	rddreg [dreg:$0x4];
	[sflag:s10] =	ssyncset.done $0x0  }
0x2d: {  	[sflag:s10] =	ssyncadd.s32 $0xFFFFF800;
	s6 =	sadd.s32 $0x0, s7  }
0x2e: {  	[tilespmem:s11], [sflag:$0x3] =	stream.linear.gather [hbm4b:s6+s4], $0x800, $0x38;
	[tilespmem:$0x13000] =	vst v63  }
0x2f: {  	_ =	swait.ge [sflag:s10], $0x800  }
0x30: {  	[sflag:s10] =	ssyncset.done $0x0  }
0x31: {  	[sflag:s10] =	ssyncadd.s32 $0xFFFFF800  }
0x32: {  	[tilespmem:s13], [sflag:$0x1] =	stream.indirect.gather [hbm4b:s1+s12], $0x40, s4, s12, $0xb8;
	[tilespmem:$0x13000] =	vst v63  }
0x33: {  	_ = 	snop  }
0x34: {  	[tilespmem:s14], [sflag:$0x1] =	stream.indirect.gather [hbm4b:s1+s12], $0x40, s12, s12, $0xb8;
	[tilespmem:$0x13000] =	vst v63  }
0x35: {  	s8 =	rddreg [dreg:$0x6]  }
0x36: {  	[tilespmem:s15], [sflag:$0x1] =	stream.indirect.gather [hbm4b:s1+s12], $0x40, s8, s12, $0xb8;
	[tilespmem:$0x13000] =	vst v63  }
0x37: {  	s9 =	rddreg [dreg:$0x7]  }
0x38: {  	[tilespmem:s16], [sflag:$0x1] =	stream.indirect.gather [hbm4b:s1+s12], $0x40, s9, s12, $0xb8;
	[tilespmem:$0x13000] =	vst v63  }
0x39: {  	_ =	swait.ge [sflag:s17], $0x2000  }
0x3a: {  	[sflag:s17] =	ssyncset.done $0x0  }
0x3b: {  	[sflag:s17] =	ssyncadd.s32 $0xFFFFE000  }
0x3c: {  	[spmem:s3] =	stream.indirect.scatter.add.f32 [tilespmem:s13], [sflag:$0x2], $0x40, s11, s12, $0xb8;
	[tilespmem:$0x13000] =	vst v63  }
0x3d: {  	_ =	swait.ge [sflag:s18], $0x2000  }
0x3e: {  	[sflag:s18] =	ssyncset.done $0x0  }
0x3f: {  	s7 =	rddreg [dreg:$0x8];
	[sflag:s18] =	ssyncadd.s32 $0xFFFFE000  }
0x40: {  	[tilespmem:s13], [sflag:$0x1] =	stream.indirect.gather [hbm4b:s1+s12], $0x40, s7, s12, $0xb8;
	[tilespmem:$0x13000] =	vst v63  }
0x41: {  	_ =	swait.ge [sflag:s17], $0x2000  }
0x42: {  	[sflag:s17] =	ssyncset.done $0x0  }
0x43: {  	s8 =	rddreg [dreg:$0x9];
	[sflag:s17] =	ssyncadd.s32 $0xFFFFE000  }
0x44: {  	[spmem:s3] =	stream.indirect.scatter.add.f32 [tilespmem:s14], [sflag:$0x2], $0x40, s8, s12, $0xb8;
	[tilespmem:$0x13000] =	vst v63  }
0x45: {  	_ =	swait.ge [sflag:s18], $0x2000  }
0x46: {  	[sflag:s18] =	ssyncset.done $0x0  }
0x47: {  	s9 =	rddreg [dreg:$0xa];
	[sflag:s18] =	ssyncadd.s32 $0xFFFFE000  }
0x48: {  	[tilespmem:s14], [sflag:$0x1] =	stream.indirect.gather [hbm4b:s1+s12], $0x40, s9, s12, $0xb8;
	[tilespmem:$0x13000] =	vst v63  }
0x49: {  	_ =	swait.ge [sflag:s17], $0x2000  }
0x4a: {  	[sflag:s17] =	ssyncset.done $0x0  }
0x4b: {  	s7 =	rddreg [dreg:$0xb];
	[sflag:s17] =	ssyncadd.s32 $0xFFFFE000  }
0x4c: {  	[spmem:s3] =	stream.indirect.scatter.add.f32 [tilespmem:s15], [sflag:$0x2], $0x40, s7, s12, $0xb8;
	[tilespmem:$0x13000] =	vst v63  }
0x4d: {  	_ =	swait.ge [sflag:s18], $0x2000  }
0x4e: {  	[sflag:s18] =	ssyncset.done $0x0  }
0x4f: {  	s8 =	rddreg [dreg:$0xc];
	[sflag:s18] =	ssyncadd.s32 $0xFFFFE000  }
0x50: {  	[tilespmem:s15], [sflag:$0x1] =	stream.indirect.gather [hbm4b:s1+s12], $0x40, s8, s12, $0xb8;
	[tilespmem:$0x13000] =	vst v63  }
0x51: {  	_ =	swait.ge [sflag:s17], $0x2000  }
0x52: {  	[sflag:s17] =	ssyncset.done $0x0  }
0x53: {  	s9 =	rddreg [dreg:$0xd];
	[sflag:s17] =	ssyncadd.s32 $0xFFFFE000  }
0x54: {  	[spmem:s3] =	stream.indirect.scatter.add.f32 [tilespmem:s16], [sflag:$0x2], $0x40, s9, s12, $0xb8;
	[tilespmem:$0x13000] =	vst v63  }
0x55: {  	_ =	swait.ge [sflag:s18], $0x2000  }
0x56: {  	[sflag:s18] =	ssyncset.done $0x0  }
0x57: {  	s7 =	rddreg [dreg:$0xe];
	[sflag:s18] =	ssyncadd.s32 $0xFFFFE000  }
0x58: {  	[tilespmem:s16], [sflag:$0x1] =	stream.indirect.gather [hbm4b:s1+s12], $0x40, s7, s12, $0xb8;
	[tilespmem:$0x13000] =	vst v63  }
0x59: {  	_ =	swait.ge [sflag:s17], $0x2000  }
0x5a: {  	[sflag:s17] =	ssyncset.done $0x0  }
0x5b: {  	s8 =	rddreg [dreg:$0xf];
	[sflag:s17] =	ssyncadd.s32 $0xFFFFE000  }
0x5c: {  	[spmem:s3] =	stream.indirect.scatter.add.f32 [tilespmem:s13], [sflag:$0x2], $0x40, s8, s12, $0xb8;
	[tilespmem:$0x13000] =	vst v63  }
0x5d: {  	_ =	swait.ge [sflag:s18], $0x2000  }
0x5e: {  	[sflag:s18] =	ssyncset.done $0x0  }
0x5f: {  	s9 =	rddreg [dreg:$0x10];
	[sflag:s18] =	ssyncadd.s32 $0xFFFFE000  }
0x60: {  	[tilespmem:s13], [sflag:$0x1] =	stream.indirect.gather [hbm4b:s1+s12], $0x40, s9, s12, $0xb8;
	[tilespmem:$0x13000] =	vst v63  }
0x61: {  	_ =	swait.ge [sflag:s17], $0x2000  }
0x62: {  	[sflag:s17] =	ssyncset.done $0x0  }
0x63: {  	s7 =	rddreg [dreg:$0x11];
	[sflag:s17] =	ssyncadd.s32 $0xFFFFE000  }
0x64: {  	[spmem:s3] =	stream.indirect.scatter.add.f32 [tilespmem:s14], [sflag:$0x2], $0x40, s7, s12, $0xb8;
	[tilespmem:$0x13000] =	vst v63  }
0x65: {  	_ =	swait.ge [sflag:s18], $0x2000  }
0x66: {  	[sflag:s18] =	ssyncset.done $0x0  }
0x67: {  	s8 =	rddreg [dreg:$0x12];
	[sflag:s18] =	ssyncadd.s32 $0xFFFFE000  }
0x68: {  	[tilespmem:s14], [sflag:$0x1] =	stream.indirect.gather [hbm4b:s1+s12], $0x40, s8, s12, $0xb8;
	[tilespmem:$0x13000] =	vst v63  }
0x69: {  	_ =	swait.ge [sflag:s17], $0x2000  }
0x6a: {  	[sflag:s17] =	ssyncset.done $0x0  }
0x6b: {  	s9 =	rddreg [dreg:$0x13];
	[sflag:s17] =	ssyncadd.s32 $0xFFFFE000  }
0x6c: {  	[spmem:s3] =	stream.indirect.scatter.add.f32 [tilespmem:s15], [sflag:$0x2], $0x40, s9, s12, $0xb8;
	[tilespmem:$0x13000] =	vst v63  }
0x6d: {  	_ =	swait.ge [sflag:s18], $0x2000  }
0x6e: {  	[sflag:s18] =	ssyncset.done $0x0  }
0x6f: {  	[sflag:s18] =	ssyncadd.s32 $0xFFFFE000  }
0x70: {  	[tilespmem:s15], [sflag:$0x1] =	stream.indirect.gather [hbm4b:s1+s12], $0x40, s19, s12, $0xb8;
	[tilespmem:$0x13000] =	vst v63  }
0x71: {  	_ =	swait.ge [sflag:s17], $0x2000  }
0x72: {  	[sflag:s17] =	ssyncset.done $0x0  }
0x73: {  	[sflag:s17] =	ssyncadd.s32 $0xFFFFE000  }
0x74: {  	[spmem:s3] =	stream.indirect.scatter.add.f32 [tilespmem:s16], [sflag:$0x2], $0x40, s20, s12, $0xb8;
	[tilespmem:$0x13000] =	vst v63  }
0x75: {  	_ =	swait.ge [sflag:s18], $0x2000  }
0x76: {  	[sflag:s18] =	ssyncset.done $0x0  }
0x77: {  	[sflag:s18] =	ssyncadd.s32 $0xFFFFE000  }
0x78: {  	[tilespmem:s16], [sflag:$0x1] =	stream.indirect.gather [hbm4b:s1+s12], $0x40, s21, s12, $0xb8;
	[tilespmem:$0x13000] =	vst v63  }
0x79: {  	_ =	swait.ge [sflag:s17], $0x2000  }
0x7a: {  	[sflag:s17] =	ssyncset.done $0x0  }
0x7b: {  	[sflag:s17] =	ssyncadd.s32 $0xFFFFE000  }
0x7c: {  	[spmem:s3] =	stream.indirect.scatter.add.f32 [tilespmem:s13], [sflag:$0x2], $0x40, s22, s12, $0xb8;
	[tilespmem:$0x13000] =	vst v63  }
0x7d: {  	_ =	swait.ge [sflag:s18], $0x2000  }
0x7e: {  	[sflag:s18] =	ssyncset.done $0x0  }
0x7f: {  	[sflag:s18] =	ssyncadd.s32 $0xFFFFE000  }
0x80: {  	[tilespmem:s13], [sflag:$0x1] =	stream.indirect.gather [hbm4b:s1+s12], $0x40, s23, s12, $0xb8;
	[tilespmem:$0x13000] =	vst v63  }
0x81: {  	_ =	swait.ge [sflag:s17], $0x2000  }
0x82: {  	[sflag:s17] =	ssyncset.done $0x0  }
0x83: {  	[sflag:s17] =	ssyncadd.s32 $0xFFFFE000  }
0x84: {  	[spmem:s3] =	stream.indirect.scatter.add.f32 [tilespmem:s14], [sflag:$0x2], $0x40, s24, s12, $0xb8;
	[tilespmem:$0x13000] =	vst v63  }
0x85: {  	_ =	swait.ge [sflag:s18], $0x2000  }
0x86: {  	[sflag:s18] =	ssyncset.done $0x0  }
0x87: {  	[sflag:s18] =	ssyncadd.s32 $0xFFFFE000  }
0x88: {  	[tilespmem:s14], [sflag:$0x1] =	stream.indirect.gather [hbm4b:s1+s12], $0x40, s25, s12, $0xb8;
	[tilespmem:$0x13000] =	vst v63  }
0x89: {  	_ =	swait.ge [sflag:s17], $0x2000  }
0x8a: {  	[sflag:s17] =	ssyncset.done $0x0  }
0x8b: {  	[sflag:s17] =	ssyncadd.s32 $0xFFFFE000  }
0x8c: {  	[spmem:s3] =	stream.indirect.scatter.add.f32 [tilespmem:s15], [sflag:$0x2], $0x40, s26, s12, $0xb8;
	[tilespmem:$0x13000] =	vst v63  }
0x8d: {  	_ =	swait.ge [sflag:s18], $0x2000  }
0x8e: {  	[sflag:s18] =	ssyncset.done $0x0  }
0x8f: {  	[sflag:s18] =	ssyncadd.s32 $0xFFFFE000  }
0x90: {  	[tilespmem:s15], [sflag:$0x1] =	stream.indirect.gather [hbm4b:s1+s12], $0x40, s28, s12, $0xb8;
	[tilespmem:$0x13000] =	vst v63  }
0x91: {  	_ =	swait.ge [sflag:s17], $0x2000  }
0x92: {  	[sflag:s17] =	ssyncset.done $0x0  }
0x93: {  	[sflag:s17] =	ssyncadd.s32 $0xFFFFE000  }
0x94: {  	[spmem:s3] =	stream.indirect.scatter.add.f32 [tilespmem:s16], [sflag:$0x2], $0x40, s29, s12, $0xb8;
	[tilespmem:$0x13000] =	vst v63  }
0x95: {  	_ =	swait.ge [sflag:s18], $0x2000  }
0x96: {  	[sflag:s18] =	ssyncset.done $0x0  }
0x97: {  	[sflag:s18] =	ssyncadd.s32 $0xFFFFE000  }
0x98: {  	[tilespmem:s16], [sflag:$0x1] =	stream.indirect.gather [hbm4b:s1+s12], $0x40, s30, s12, $0xb8;
	[tilespmem:$0x13000] =	vst v63  }
0x99: {  	_ =	swait.ge [sflag:s17], $0x2000  }
0x9a: {  	[sflag:s17] =	ssyncset.done $0x0  }
0x9b: {  	[sflag:s17] =	ssyncadd.s32 $0xFFFFE000  }
0x9c: {  	[spmem:s3] =	stream.indirect.scatter.add.f32 [tilespmem:s13], [sflag:$0x2], $0x40, s31, s12, $0xb8;
	[tilespmem:$0x13000] =	vst v63  }
0x9d: {  	_ =	swait.ge [sflag:s18], $0x2000  }
0x9e: {  	[sflag:s18] =	ssyncset.done $0x0  }
0x9f: {  	[sflag:s18] =	ssyncadd.s32 $0xFFFFE000  }
0xa0: {  	_ =	swait.ge [sflag:s17], $0x2000  }
0xa1: {  	[sflag:s17] =	ssyncset.done $0x0  }
0xa2: {  	[sflag:s17] =	ssyncadd.s32 $0xFFFFE000  }
0xa3: {  	[spmem:s3] =	stream.indirect.scatter.add.f32 [tilespmem:s14], [sflag:$0x2], $0x40, s2, s12, $0xb8;
	[tilespmem:$0x13000] =	vst v63  }
0xa4: {  	_ =	swait.ge [sflag:s18], $0x2000  }
0xa5: {  	[sflag:s18] =	ssyncset.done $0x0  }
0xa6: {  	[sflag:s18] =	ssyncadd.s32 $0xFFFFE000  }
0xa7: {  	_ =	swait.ge [sflag:s17], $0x2000  }
0xa8: {  	[sflag:s17] =	ssyncset.done $0x0  }
0xa9: {  	[sflag:s17] =	ssyncadd.s32 $0xFFFFE000  }
0xaa: {  	[spmem:s3] =	stream.indirect.scatter.add.f32 [tilespmem:s15], [sflag:$0x2], $0x40, s0, s12, $0xb8;
	[tilespmem:$0x13000] =	vst v63  }
0xab: {  	_ =	swait.ge [sflag:s18], $0x2000  }
0xac: {  	[sflag:s18] =	ssyncset.done $0x0  }
0xad: {  	[sflag:s18] =	ssyncadd.s32 $0xFFFFE000  }
0xae: {  	_ =	swait.ge [sflag:s17], $0x2000  }
0xaf: {  	[sflag:s17] =	ssyncset.done $0x0  }
0xb0: {  	[sflag:s17] =	ssyncadd.s32 $0xFFFFE000  }
0xb1: {  	[spmem:s3] =	stream.indirect.scatter.add.f32 [tilespmem:s16], [sflag:$0x2], $0x40, s5, s12, $0xb8;
	[tilespmem:$0x13000] =	vst v63  }
0xb2: {  	s6 =	simm.s32 $0x200;
	_ =	swait.ge [sflag:s18], $0x2000  }
0xb3: {  	s8 =	simm.s32 $0x100;
	s9 =	rddreg [dreg:$0x5];
	[sflag:s18] =	ssyncset.done $0x0  }
.LBB2_2:
0xb4: {  	[sflag:s18] =	ssyncadd.s32 $0xFFFFE000;
	s9 =	sadd.s32 s8, s9  }
0xb5: {  	[tilespmem:s4], [sflag:$0x3] =	stream.linear.gather [hbm4b:s9+s4], $0x800, $0x38;
	[tilespmem:$0x13000] =	vst v63  }
0xb6: {  	_ =	swait.ge [sflag:s10], $0x800  }
0xb7: {  	s9 =	rddreg [dreg:$0x4];
	[sflag:s10] =	ssyncset.done $0x0  }
0xb8: {  	[sflag:s10] =	ssyncadd.s32 $0xFFFFF800;
	s9 =	sadd.s32 s8, s9  }
0xb9: {  	[tilespmem:s11], [sflag:$0x3] =	stream.linear.gather [hbm4b:s9+s4], $0x800, $0x38;
	[tilespmem:$0x13000] =	vst v63  }
0xba: {  	_ =	swait.ge [sflag:s10], $0x800  }
0xbb: {  	[sflag:s10] =	ssyncset.done $0x0  }
0xbc: {  	[sflag:s10] =	ssyncadd.s32 $0xFFFFF800  }
0xbd: {  	[tilespmem:s13], [sflag:$0x1] =	stream.indirect.gather [hbm4b:s1+s12], $0x40, s4, s12, $0xb8;
	[tilespmem:$0x13000] =	vst v63  }
0xbe: {  	s7 =	smov.u32 s6  }
0xbf: {  	[tilespmem:s14], [sflag:$0x1] =	stream.indirect.gather [hbm4b:s1+s12], $0x40, s12, s12, $0xb8;
	[tilespmem:$0x13000] =	vst v63  }
0xc0: {  	s8 =	smov.u32 s7;
	s7 =	rddreg [dreg:$0x6]  }
0xc1: {  	[tilespmem:s15], [sflag:$0x1] =	stream.indirect.gather [hbm4b:s1+s12], $0x40, s7, s12, $0xb8;
	[tilespmem:$0x13000] =	vst v63  }
0xc2: {  	s9 =	rddreg [dreg:$0x7]  }
0xc3: {  	[tilespmem:s16], [sflag:$0x1] =	stream.indirect.gather [hbm4b:s1+s12], $0x40, s9, s12, $0xb8;
	[tilespmem:$0x13000] =	vst v63  }
0xc4: {  	_ =	swait.ge [sflag:s17], $0x2000  }
0xc5: {  	[sflag:s17] =	ssyncset.done $0x0  }
0xc6: {  	[sflag:s17] =	ssyncadd.s32 $0xFFFFE000  }
0xc7: {  	[spmem:s3] =	stream.indirect.scatter.add.f32 [tilespmem:s13], [sflag:$0x2], $0x40, s11, s12, $0xb8;
	[tilespmem:$0x13000] =	vst v63  }
0xc8: {  	_ =	swait.ge [sflag:s18], $0x2000  }
0xc9: {  	[sflag:s18] =	ssyncset.done $0x0  }
0xca: {  	s9 =	rddreg [dreg:$0x8];
	[sflag:s18] =	ssyncadd.s32 $0xFFFFE000  }
0xcb: {  	[tilespmem:s13], [sflag:$0x1] =	stream.indirect.gather [hbm4b:s1+s12], $0x40, s9, s12, $0xb8;
	[tilespmem:$0x13000] =	vst v63  }
0xcc: {  	_ =	swait.ge [sflag:s17], $0x2000  }
0xcd: {  	[sflag:s17] =	ssyncset.done $0x0  }
0xce: {  	s9 =	rddreg [dreg:$0x9];
	[sflag:s17] =	ssyncadd.s32 $0xFFFFE000  }
0xcf: {  	[spmem:s3] =	stream.indirect.scatter.add.f32 [tilespmem:s14], [sflag:$0x2], $0x40, s9, s12, $0xb8;
	[tilespmem:$0x13000] =	vst v63  }
0xd0: {  	_ =	swait.ge [sflag:s18], $0x2000  }
0xd1: {  	[sflag:s18] =	ssyncset.done $0x0  }
0xd2: {  	s9 =	rddreg [dreg:$0xa];
	[sflag:s18] =	ssyncadd.s32 $0xFFFFE000  }
0xd3: {  	[tilespmem:s14], [sflag:$0x1] =	stream.indirect.gather [hbm4b:s1+s12], $0x40, s9, s12, $0xb8;
	[tilespmem:$0x13000] =	vst v63  }
0xd4: {  	_ =	swait.ge [sflag:s17], $0x2000  }
0xd5: {  	[sflag:s17] =	ssyncset.done $0x0  }
0xd6: {  	s9 =	rddreg [dreg:$0xb];
	[sflag:s17] =	ssyncadd.s32 $0xFFFFE000  }
0xd7: {  	[spmem:s3] =	stream.indirect.scatter.add.f32 [tilespmem:s15], [sflag:$0x2], $0x40, s9, s12, $0xb8;
	[tilespmem:$0x13000] =	vst v63  }
0xd8: {  	_ =	swait.ge [sflag:s18], $0x2000  }
0xd9: {  	[sflag:s18] =	ssyncset.done $0x0  }
0xda: {  	s9 =	rddreg [dreg:$0xc];
	[sflag:s18] =	ssyncadd.s32 $0xFFFFE000  }
0xdb: {  	[tilespmem:s15], [sflag:$0x1] =	stream.indirect.gather [hbm4b:s1+s12], $0x40, s9, s12, $0xb8;
	[tilespmem:$0x13000] =	vst v63  }
0xdc: {  	_ =	swait.ge [sflag:s17], $0x2000  }
0xdd: {  	[sflag:s17] =	ssyncset.done $0x0  }
0xde: {  	s9 =	rddreg [dreg:$0xd];
	[sflag:s17] =	ssyncadd.s32 $0xFFFFE000  }
0xdf: {  	[spmem:s3] =	stream.indirect.scatter.add.f32 [tilespmem:s16], [sflag:$0x2], $0x40, s9, s12, $0xb8;
	[tilespmem:$0x13000] =	vst v63  }
0xe0: {  	_ =	swait.ge [sflag:s18], $0x2000  }
0xe1: {  	[sflag:s18] =	ssyncset.done $0x0  }
0xe2: {  	s9 =	rddreg [dreg:$0xe];
	[sflag:s18] =	ssyncadd.s32 $0xFFFFE000  }
0xe3: {  	[tilespmem:s16], [sflag:$0x1] =	stream.indirect.gather [hbm4b:s1+s12], $0x40, s9, s12, $0xb8;
	[tilespmem:$0x13000] =	vst v63  }
0xe4: {  	_ =	swait.ge [sflag:s17], $0x2000  }
0xe5: {  	[sflag:s17] =	ssyncset.done $0x0  }
0xe6: {  	s9 =	rddreg [dreg:$0xf];
	[sflag:s17] =	ssyncadd.s32 $0xFFFFE000  }
0xe7: {  	[spmem:s3] =	stream.indirect.scatter.add.f32 [tilespmem:s13], [sflag:$0x2], $0x40, s9, s12, $0xb8;
	[tilespmem:$0x13000] =	vst v63  }
0xe8: {  	_ =	swait.ge [sflag:s18], $0x2000  }
0xe9: {  	[sflag:s18] =	ssyncset.done $0x0  }
0xea: {  	s9 =	rddreg [dreg:$0x10];
	[sflag:s18] =	ssyncadd.s32 $0xFFFFE000  }
0xeb: {  	[tilespmem:s13], [sflag:$0x1] =	stream.indirect.gather [hbm4b:s1+s12], $0x40, s9, s12, $0xb8;
	[tilespmem:$0x13000] =	vst v63  }
0xec: {  	_ =	swait.ge [sflag:s17], $0x2000  }
0xed: {  	[sflag:s17] =	ssyncset.done $0x0  }
0xee: {  	s9 =	rddreg [dreg:$0x11];
	[sflag:s17] =	ssyncadd.s32 $0xFFFFE000  }
0xef: {  	[spmem:s3] =	stream.indirect.scatter.add.f32 [tilespmem:s14], [sflag:$0x2], $0x40, s9, s12, $0xb8;
	[tilespmem:$0x13000] =	vst v63  }
0xf0: {  	_ =	swait.ge [sflag:s18], $0x2000  }
0xf1: {  	[sflag:s18] =	ssyncset.done $0x0  }
0xf2: {  	s9 =	rddreg [dreg:$0x12];
	[sflag:s18] =	ssyncadd.s32 $0xFFFFE000  }
0xf3: {  	[tilespmem:s14], [sflag:$0x1] =	stream.indirect.gather [hbm4b:s1+s12], $0x40, s9, s12, $0xb8;
	[tilespmem:$0x13000] =	vst v63  }
0xf4: {  	_ =	swait.ge [sflag:s17], $0x2000  }
0xf5: {  	[sflag:s17] =	ssyncset.done $0x0  }
0xf6: {  	s9 =	rddreg [dreg:$0x13];
	[sflag:s17] =	ssyncadd.s32 $0xFFFFE000  }
0xf7: {  	[spmem:s3] =	stream.indirect.scatter.add.f32 [tilespmem:s15], [sflag:$0x2], $0x40, s9, s12, $0xb8;
	[tilespmem:$0x13000] =	vst v63  }
0xf8: {  	_ =	swait.ge [sflag:s18], $0x2000  }
0xf9: {  	[sflag:s18] =	ssyncset.done $0x0  }
0xfa: {  	[sflag:s18] =	ssyncadd.s32 $0xFFFFE000  }
0xfb: {  	[tilespmem:s15], [sflag:$0x1] =	stream.indirect.gather [hbm4b:s1+s12], $0x40, s19, s12, $0xb8;
	[tilespmem:$0x13000] =	vst v63  }
0xfc: {  	_ =	swait.ge [sflag:s17], $0x2000  }
0xfd: {  	[sflag:s17] =	ssyncset.done $0x0  }
0xfe: {  	[sflag:s17] =	ssyncadd.s32 $0xFFFFE000  }
0xff: {  	[spmem:s3] =	stream.indirect.scatter.add.f32 [tilespmem:s16], [sflag:$0x2], $0x40, s20, s12, $0xb8;
	[tilespmem:$0x13000] =	vst v63  }
0x100: {  	_ =	swait.ge [sflag:s18], $0x2000  }
0x101: {  	[sflag:s18] =	ssyncset.done $0x0  }
0x102: {  	[sflag:s18] =	ssyncadd.s32 $0xFFFFE000  }
0x103: {  	[tilespmem:s16], [sflag:$0x1] =	stream.indirect.gather [hbm4b:s1+s12], $0x40, s21, s12, $0xb8;
	[tilespmem:$0x13000] =	vst v63  }
0x104: {  	_ =	swait.ge [sflag:s17], $0x2000  }
0x105: {  	[sflag:s17] =	ssyncset.done $0x0  }
0x106: {  	[sflag:s17] =	ssyncadd.s32 $0xFFFFE000  }
0x107: {  	[spmem:s3] =	stream.indirect.scatter.add.f32 [tilespmem:s13], [sflag:$0x2], $0x40, s22, s12, $0xb8;
	[tilespmem:$0x13000] =	vst v63  }
0x108: {  	_ =	swait.ge [sflag:s18], $0x2000  }
0x109: {  	[sflag:s18] =	ssyncset.done $0x0  }
0x10a: {  	[sflag:s18] =	ssyncadd.s32 $0xFFFFE000  }
0x10b: {  	[tilespmem:s13], [sflag:$0x1] =	stream.indirect.gather [hbm4b:s1+s12], $0x40, s23, s12, $0xb8;
	[tilespmem:$0x13000] =	vst v63  }
0x10c: {  	_ =	swait.ge [sflag:s17], $0x2000  }
0x10d: {  	[sflag:s17] =	ssyncset.done $0x0  }
0x10e: {  	[sflag:s17] =	ssyncadd.s32 $0xFFFFE000  }
0x10f: {  	[spmem:s3] =	stream.indirect.scatter.add.f32 [tilespmem:s14], [sflag:$0x2], $0x40, s24, s12, $0xb8;
	[tilespmem:$0x13000] =	vst v63  }
0x110: {  	_ =	swait.ge [sflag:s18], $0x2000  }
0x111: {  	[sflag:s18] =	ssyncset.done $0x0  }
0x112: {  	[sflag:s18] =	ssyncadd.s32 $0xFFFFE000  }
0x113: {  	[tilespmem:s14], [sflag:$0x1] =	stream.indirect.gather [hbm4b:s1+s12], $0x40, s25, s12, $0xb8;
	[tilespmem:$0x13000] =	vst v63  }
0x114: {  	_ =	swait.ge [sflag:s17], $0x2000  }
0x115: {  	[sflag:s17] =	ssyncset.done $0x0  }
0x116: {  	[sflag:s17] =	ssyncadd.s32 $0xFFFFE000  }
0x117: {  	[spmem:s3] =	stream.indirect.scatter.add.f32 [tilespmem:s15], [sflag:$0x2], $0x40, s26, s12, $0xb8;
	[tilespmem:$0x13000] =	vst v63  }
0x118: {  	_ =	swait.ge [sflag:s18], $0x2000  }
0x119: {  	[sflag:s18] =	ssyncset.done $0x0  }
0x11a: {  	[sflag:s18] =	ssyncadd.s32 $0xFFFFE000  }
0x11b: {  	[tilespmem:s15], [sflag:$0x1] =	stream.indirect.gather [hbm4b:s1+s12], $0x40, s28, s12, $0xb8;
	[tilespmem:$0x13000] =	vst v63  }
0x11c: {  	_ =	swait.ge [sflag:s17], $0x2000  }
0x11d: {  	[sflag:s17] =	ssyncset.done $0x0  }
0x11e: {  	[sflag:s17] =	ssyncadd.s32 $0xFFFFE000  }
0x11f: {  	[spmem:s3] =	stream.indirect.scatter.add.f32 [tilespmem:s16], [sflag:$0x2], $0x40, s29, s12, $0xb8;
	[tilespmem:$0x13000] =	vst v63  }
0x120: {  	_ =	swait.ge [sflag:s18], $0x2000  }
0x121: {  	[sflag:s18] =	ssyncset.done $0x0  }
0x122: {  	[sflag:s18] =	ssyncadd.s32 $0xFFFFE000  }
0x123: {  	[tilespmem:s16], [sflag:$0x1] =	stream.indirect.gather [hbm4b:s1+s12], $0x40, s30, s12, $0xb8;
	[tilespmem:$0x13000] =	vst v63  }
0x124: {  	_ =	swait.ge [sflag:s17], $0x2000  }
0x125: {  	[sflag:s17] =	ssyncset.done $0x0  }
0x126: {  	[sflag:s17] =	ssyncadd.s32 $0xFFFFE000  }
0x127: {  	[spmem:s3] =	stream.indirect.scatter.add.f32 [tilespmem:s13], [sflag:$0x2], $0x40, s31, s12, $0xb8;
	[tilespmem:$0x13000] =	vst v63  }
0x128: {  	_ =	swait.ge [sflag:s18], $0x2000  }
0x129: {  	[sflag:s18] =	ssyncset.done $0x0  }
0x12a: {  	[sflag:s18] =	ssyncadd.s32 $0xFFFFE000  }
0x12b: {  	_ =	swait.ge [sflag:s17], $0x2000  }
0x12c: {  	[sflag:s17] =	ssyncset.done $0x0  }
0x12d: {  	[sflag:s17] =	ssyncadd.s32 $0xFFFFE000  }
0x12e: {  	[spmem:s3] =	stream.indirect.scatter.add.f32 [tilespmem:s14], [sflag:$0x2], $0x40, s2, s12, $0xb8;
	[tilespmem:$0x13000] =	vst v63  }
0x12f: {  	_ =	swait.ge [sflag:s18], $0x2000  }
0x130: {  	[sflag:s18] =	ssyncset.done $0x0  }
0x131: {  	[sflag:s18] =	ssyncadd.s32 $0xFFFFE000  }
0x132: {  	_ =	swait.ge [sflag:s17], $0x2000  }
0x133: {  	[sflag:s17] =	ssyncset.done $0x0  }
0x134: {  	[sflag:s17] =	ssyncadd.s32 $0xFFFFE000  }
0x135: {  	[spmem:s3] =	stream.indirect.scatter.add.f32 [tilespmem:s15], [sflag:$0x2], $0x40, s0, s12, $0xb8;
	[tilespmem:$0x13000] =	vst v63  }
0x136: {  	_ =	swait.ge [sflag:s18], $0x2000  }
0x137: {  	[sflag:s18] =	ssyncset.done $0x0  }
0x138: {  	[sflag:s18] =	ssyncadd.s32 $0xFFFFE000  }
0x139: {  	p0 =	sne.s32 s6, $0x400;
	_ =	swait.ge [sflag:s17], $0x2000  }
.Ltmp0:
0x13a: {  	[sflag:s17] =	ssyncset.done $0x0;
	(pc) =	sbr.rel @p0 .LBB2_2-.Ltmp0, $4  }
0x13b: {  	[sflag:s17] =	ssyncadd.s32 $0xFFFFE000  }
0x13c: {  	[spmem:s3] =	stream.indirect.scatter.add.f32 [tilespmem:s16], [sflag:$0x2], $0x40, s5, s12, $0xb8;
	[tilespmem:$0x13000] =	vst v63  }
0x13d: {  	_ =	swait.ge [sflag:s18], $0x2000  }
0x13e: {  	s6 =	sadd.s32 $0x100, s6;
	s9 =	rddreg [dreg:$0x5];
	[sflag:s18] =	ssyncset.done $0x0  }
0x13f: {  	[sflag:s18] =	ssyncadd.s32 $0xFFFFE000;
	s6 =	sadd.s32 s8, s9  }
0x140: {  	[tilespmem:s4], [sflag:$0x3] =	stream.linear.gather [hbm4b:s6+s4], $0x800, $0x38;
	[tilespmem:$0x13000] =	vst v63  }
0x141: {  	_ =	swait.ge [sflag:s10], $0x800  }
0x142: {  	s7 =	rddreg [dreg:$0x4];
	[sflag:s10] =	ssyncset.done $0x0  }
0x143: {  	[sflag:s10] =	ssyncadd.s32 $0xFFFFF800;
	s6 =	sadd.s32 s8, s7  }
0x144: {  	[tilespmem:s11], [sflag:$0x3] =	stream.linear.gather [hbm4b:s6+s4], $0x800, $0x38;
	[tilespmem:$0x13000] =	vst v63  }
0x145: {  	_ =	swait.ge [sflag:s10], $0x800  }
0x146: {  	[sflag:s10] =	ssyncset.done $0x0  }
0x147: {  	[sflag:s10] =	ssyncadd.s32 $0xFFFFF800  }
0x148: {  	[tilespmem:s13], [sflag:$0x1] =	stream.indirect.gather [hbm4b:s1+s12], $0x40, s4, s12, $0xb8;
	[tilespmem:$0x13000] =	vst v63  }
0x149: {  	_ = 	snop  }
0x14a: {  	[tilespmem:s14], [sflag:$0x1] =	stream.indirect.gather [hbm4b:s1+s12], $0x40, s12, s12, $0xb8;
	[tilespmem:$0x13000] =	vst v63  }
0x14b: {  	s8 =	rddreg [dreg:$0x6]  }
0x14c: {  	[tilespmem:s15], [sflag:$0x1] =	stream.indirect.gather [hbm4b:s1+s12], $0x40, s8, s12, $0xb8;
	[tilespmem:$0x13000] =	vst v63  }
0x14d: {  	s7 =	rddreg [dreg:$0x7]  }
0x14e: {  	[tilespmem:s16], [sflag:$0x1] =	stream.indirect.gather [hbm4b:s1+s12], $0x40, s7, s12, $0xb8;
	[tilespmem:$0x13000] =	vst v63  }
0x14f: {  	_ =	swait.ge [sflag:s17], $0x2000  }
0x150: {  	[sflag:s17] =	ssyncset.done $0x0  }
0x151: {  	[sflag:s17] =	ssyncadd.s32 $0xFFFFE000  }
0x152: {  	[spmem:s3] =	stream.indirect.scatter.add.f32 [tilespmem:s13], [sflag:$0x2], $0x40, s11, s12, $0xb8;
	[tilespmem:$0x13000] =	vst v63  }
0x153: {  	_ =	swait.ge [sflag:s18], $0x2000  }
0x154: {  	[sflag:s18] =	ssyncset.done $0x0  }
0x155: {  	s9 =	rddreg [dreg:$0x8];
	[sflag:s18] =	ssyncadd.s32 $0xFFFFE000  }
0x156: {  	[tilespmem:s13], [sflag:$0x1] =	stream.indirect.gather [hbm4b:s1+s12], $0x40, s9, s12, $0xb8;
	[tilespmem:$0x13000] =	vst v63  }
0x157: {  	_ =	swait.ge [sflag:s17], $0x2000  }
0x158: {  	[sflag:s17] =	ssyncset.done $0x0  }
0x159: {  	s7 =	rddreg [dreg:$0x9];
	[sflag:s17] =	ssyncadd.s32 $0xFFFFE000  }
0x15a: {  	[spmem:s3] =	stream.indirect.scatter.add.f32 [tilespmem:s14], [sflag:$0x2], $0x40, s7, s12, $0xb8;
	[tilespmem:$0x13000] =	vst v63  }
0x15b: {  	_ =	swait.ge [sflag:s18], $0x2000  }
0x15c: {  	[sflag:s18] =	ssyncset.done $0x0  }
0x15d: {  	s8 =	rddreg [dreg:$0xa];
	[sflag:s18] =	ssyncadd.s32 $0xFFFFE000  }
0x15e: {  	[tilespmem:s14], [sflag:$0x1] =	stream.indirect.gather [hbm4b:s1+s12], $0x40, s8, s12, $0xb8;
	[tilespmem:$0x13000] =	vst v63  }
0x15f: {  	_ =	swait.ge [sflag:s17], $0x2000  }
0x160: {  	[sflag:s17] =	ssyncset.done $0x0  }
0x161: {  	s9 =	rddreg [dreg:$0xb];
	[sflag:s17] =	ssyncadd.s32 $0xFFFFE000  }
0x162: {  	[spmem:s3] =	stream.indirect.scatter.add.f32 [tilespmem:s15], [sflag:$0x2], $0x40, s9, s12, $0xb8;
	[tilespmem:$0x13000] =	vst v63  }
0x163: {  	_ =	swait.ge [sflag:s18], $0x2000  }
0x164: {  	[sflag:s18] =	ssyncset.done $0x0  }
0x165: {  	s7 =	rddreg [dreg:$0xc];
	[sflag:s18] =	ssyncadd.s32 $0xFFFFE000  }
0x166: {  	[tilespmem:s15], [sflag:$0x1] =	stream.indirect.gather [hbm4b:s1+s12], $0x40, s7, s12, $0xb8;
	[tilespmem:$0x13000] =	vst v63  }
0x167: {  	_ =	swait.ge [sflag:s17], $0x2000  }
0x168: {  	[sflag:s17] =	ssyncset.done $0x0  }
0x169: {  	s8 =	rddreg [dreg:$0xd];
	[sflag:s17] =	ssyncadd.s32 $0xFFFFE000  }
0x16a: {  	[spmem:s3] =	stream.indirect.scatter.add.f32 [tilespmem:s16], [sflag:$0x2], $0x40, s8, s12, $0xb8;
	[tilespmem:$0x13000] =	vst v63  }
0x16b: {  	_ =	swait.ge [sflag:s18], $0x2000  }
0x16c: {  	[sflag:s18] =	ssyncset.done $0x0  }
0x16d: {  	s9 =	rddreg [dreg:$0xe];
	[sflag:s18] =	ssyncadd.s32 $0xFFFFE000  }
0x16e: {  	[tilespmem:s16], [sflag:$0x1] =	stream.indirect.gather [hbm4b:s1+s12], $0x40, s9, s12, $0xb8;
	[tilespmem:$0x13000] =	vst v63  }
0x16f: {  	_ =	swait.ge [sflag:s17], $0x2000  }
0x170: {  	[sflag:s17] =	ssyncset.done $0x0  }
0x171: {  	s7 =	rddreg [dreg:$0xf];
	[sflag:s17] =	ssyncadd.s32 $0xFFFFE000  }
0x172: {  	[spmem:s3] =	stream.indirect.scatter.add.f32 [tilespmem:s13], [sflag:$0x2], $0x40, s7, s12, $0xb8;
	[tilespmem:$0x13000] =	vst v63  }
0x173: {  	_ =	swait.ge [sflag:s18], $0x2000  }
0x174: {  	[sflag:s18] =	ssyncset.done $0x0  }
0x175: {  	s8 =	rddreg [dreg:$0x10];
	[sflag:s18] =	ssyncadd.s32 $0xFFFFE000  }
0x176: {  	[tilespmem:s13], [sflag:$0x1] =	stream.indirect.gather [hbm4b:s1+s12], $0x40, s8, s12, $0xb8;
	[tilespmem:$0x13000] =	vst v63  }
0x177: {  	_ =	swait.ge [sflag:s17], $0x2000  }
0x178: {  	[sflag:s17] =	ssyncset.done $0x0  }
0x179: {  	s9 =	rddreg [dreg:$0x11];
	[sflag:s17] =	ssyncadd.s32 $0xFFFFE000  }
0x17a: {  	[spmem:s3] =	stream.indirect.scatter.add.f32 [tilespmem:s14], [sflag:$0x2], $0x40, s9, s12, $0xb8;
	[tilespmem:$0x13000] =	vst v63  }
0x17b: {  	_ =	swait.ge [sflag:s18], $0x2000  }
0x17c: {  	[sflag:s18] =	ssyncset.done $0x0  }
0x17d: {  	s7 =	rddreg [dreg:$0x12];
	[sflag:s18] =	ssyncadd.s32 $0xFFFFE000  }
0x17e: {  	[tilespmem:s14], [sflag:$0x1] =	stream.indirect.gather [hbm4b:s1+s12], $0x40, s7, s12, $0xb8;
	[tilespmem:$0x13000] =	vst v63  }
0x17f: {  	_ =	swait.ge [sflag:s17], $0x2000  }
0x180: {  	[sflag:s17] =	ssyncset.done $0x0  }
0x181: {  	s8 =	rddreg [dreg:$0x13];
	[sflag:s17] =	ssyncadd.s32 $0xFFFFE000  }
0x182: {  	[spmem:s3] =	stream.indirect.scatter.add.f32 [tilespmem:s15], [sflag:$0x2], $0x40, s8, s12, $0xb8;
	[tilespmem:$0x13000] =	vst v63  }
0x183: {  	_ =	swait.ge [sflag:s18], $0x2000  }
0x184: {  	[sflag:s18] =	ssyncset.done $0x0  }
0x185: {  	[sflag:s18] =	ssyncadd.s32 $0xFFFFE000  }
0x186: {  	[tilespmem:s15], [sflag:$0x1] =	stream.indirect.gather [hbm4b:s1+s12], $0x40, s19, s12, $0xb8;
	[tilespmem:$0x13000] =	vst v63  }
0x187: {  	_ =	swait.ge [sflag:s17], $0x2000  }
0x188: {  	[sflag:s17] =	ssyncset.done $0x0  }
0x189: {  	[sflag:s17] =	ssyncadd.s32 $0xFFFFE000  }
0x18a: {  	[spmem:s3] =	stream.indirect.scatter.add.f32 [tilespmem:s16], [sflag:$0x2], $0x40, s20, s12, $0xb8;
	[tilespmem:$0x13000] =	vst v63  }
0x18b: {  	_ =	swait.ge [sflag:s18], $0x2000  }
0x18c: {  	[sflag:s18] =	ssyncset.done $0x0  }
0x18d: {  	[sflag:s18] =	ssyncadd.s32 $0xFFFFE000  }
0x18e: {  	[tilespmem:s16], [sflag:$0x1] =	stream.indirect.gather [hbm4b:s1+s12], $0x40, s21, s12, $0xb8;
	[tilespmem:$0x13000] =	vst v63  }
0x18f: {  	_ =	swait.ge [sflag:s17], $0x2000  }
0x190: {  	[sflag:s17] =	ssyncset.done $0x0  }
0x191: {  	[sflag:s17] =	ssyncadd.s32 $0xFFFFE000  }
0x192: {  	[spmem:s3] =	stream.indirect.scatter.add.f32 [tilespmem:s13], [sflag:$0x2], $0x40, s22, s12, $0xb8;
	[tilespmem:$0x13000] =	vst v63  }
0x193: {  	_ =	swait.ge [sflag:s18], $0x2000  }
0x194: {  	[sflag:s18] =	ssyncset.done $0x0  }
0x195: {  	[sflag:s18] =	ssyncadd.s32 $0xFFFFE000  }
0x196: {  	[tilespmem:s13], [sflag:$0x1] =	stream.indirect.gather [hbm4b:s1+s12], $0x40, s23, s12, $0xb8;
	[tilespmem:$0x13000] =	vst v63  }
0x197: {  	_ =	swait.ge [sflag:s17], $0x2000  }
0x198: {  	[sflag:s17] =	ssyncset.done $0x0  }
0x199: {  	[sflag:s17] =	ssyncadd.s32 $0xFFFFE000  }
0x19a: {  	[spmem:s3] =	stream.indirect.scatter.add.f32 [tilespmem:s14], [sflag:$0x2], $0x40, s24, s12, $0xb8;
	[tilespmem:$0x13000] =	vst v63  }
0x19b: {  	_ =	swait.ge [sflag:s18], $0x2000  }
0x19c: {  	[sflag:s18] =	ssyncset.done $0x0  }
0x19d: {  	[sflag:s18] =	ssyncadd.s32 $0xFFFFE000  }
0x19e: {  	[tilespmem:s14], [sflag:$0x1] =	stream.indirect.gather [hbm4b:s1+s12], $0x40, s25, s12, $0xb8;
	[tilespmem:$0x13000] =	vst v63  }
0x19f: {  	_ =	swait.ge [sflag:s17], $0x2000  }
0x1a0: {  	[sflag:s17] =	ssyncset.done $0x0  }
0x1a1: {  	[sflag:s17] =	ssyncadd.s32 $0xFFFFE000  }
0x1a2: {  	[spmem:s3] =	stream.indirect.scatter.add.f32 [tilespmem:s15], [sflag:$0x2], $0x40, s26, s12, $0xb8;
	[tilespmem:$0x13000] =	vst v63  }
0x1a3: {  	_ =	swait.ge [sflag:s18], $0x2000  }
0x1a4: {  	[sflag:s18] =	ssyncset.done $0x0  }
0x1a5: {  	[sflag:s18] =	ssyncadd.s32 $0xFFFFE000  }
0x1a6: {  	[tilespmem:s15], [sflag:$0x1] =	stream.indirect.gather [hbm4b:s1+s12], $0x40, s28, s12, $0xb8;
	[tilespmem:$0x13000] =	vst v63  }
0x1a7: {  	_ =	swait.ge [sflag:s17], $0x2000  }
0x1a8: {  	[sflag:s17] =	ssyncset.done $0x0  }
0x1a9: {  	[sflag:s17] =	ssyncadd.s32 $0xFFFFE000  }
0x1aa: {  	[spmem:s3] =	stream.indirect.scatter.add.f32 [tilespmem:s16], [sflag:$0x2], $0x40, s29, s12, $0xb8;
	[tilespmem:$0x13000] =	vst v63  }
0x1ab: {  	_ =	swait.ge [sflag:s18], $0x2000  }
0x1ac: {  	[sflag:s18] =	ssyncset.done $0x0  }
0x1ad: {  	[sflag:s18] =	ssyncadd.s32 $0xFFFFE000  }
0x1ae: {  	[tilespmem:s16], [sflag:$0x1] =	stream.indirect.gather [hbm4b:s1+s12], $0x40, s30, s12, $0xb8;
	[tilespmem:$0x13000] =	vst v63  }
0x1af: {  	_ =	swait.ge [sflag:s17], $0x2000  }
0x1b0: {  	[sflag:s17] =	ssyncset.done $0x0  }
0x1b1: {  	[sflag:s17] =	ssyncadd.s32 $0xFFFFE000  }
0x1b2: {  	[spmem:s3] =	stream.indirect.scatter.add.f32 [tilespmem:s13], [sflag:$0x2], $0x40, s31, s12, $0xb8;
	[tilespmem:$0x13000] =	vst v63  }
0x1b3: {  	_ =	swait.ge [sflag:s18], $0x2000  }
0x1b4: {  	[sflag:s18] =	ssyncset.done $0x0  }
0x1b5: {  	[sflag:s18] =	ssyncadd.s32 $0xFFFFE000  }
0x1b6: {  	_ =	swait.ge [sflag:s17], $0x2000  }
0x1b7: {  	[sflag:s17] =	ssyncset.done $0x0  }
0x1b8: {  	[sflag:s17] =	ssyncadd.s32 $0xFFFFE000  }
0x1b9: {  	[spmem:s3] =	stream.indirect.scatter.add.f32 [tilespmem:s14], [sflag:$0x2], $0x40, s2, s12, $0xb8;
	[tilespmem:$0x13000] =	vst v63  }
0x1ba: {  	_ =	swait.ge [sflag:s18], $0x2000  }
0x1bb: {  	[sflag:s18] =	ssyncset.done $0x0  }
0x1bc: {  	[sflag:s18] =	ssyncadd.s32 $0xFFFFE000  }
0x1bd: {  	_ =	swait.ge [sflag:s17], $0x2000  }
0x1be: {  	[sflag:s17] =	ssyncset.done $0x0  }
0x1bf: {  	[sflag:s17] =	ssyncadd.s32 $0xFFFFE000  }
0x1c0: {  	[spmem:s3] =	stream.indirect.scatter.add.f32 [tilespmem:s15], [sflag:$0x2], $0x40, s0, s12, $0xb8;
	[tilespmem:$0x13000] =	vst v63  }
0x1c1: {  	_ =	swait.ge [sflag:s18], $0x2000  }
0x1c2: {  	[sflag:s18] =	ssyncset.done $0x0  }
0x1c3: {  	[sflag:s18] =	ssyncadd.s32 $0xFFFFE000  }
0x1c4: {  	_ =	swait.ge [sflag:s17], $0x2000  }
0x1c5: {  	[sflag:s17] =	ssyncset.done $0x0  }
0x1c6: {  	[sflag:s17] =	ssyncadd.s32 $0xFFFFE000  }
0x1c7: {  	[spmem:s3] =	stream.indirect.scatter.add.f32 [tilespmem:s16], [sflag:$0x2], $0x40, s5, s12, $0xb8;
	[tilespmem:$0x13000] =	vst v63  }
0x1c8: {  	_ =	swait.ge [sflag:s18], $0x2000  }
0x1c9: {  	[sflag:s18] =	ssyncset.done $0x0  }
0x1ca: {  	[sflag:s18] =	ssyncadd.s32 $0xFFFFE000  }
0x1cb: {  	[bflag:$0x0] =	sbarrier.arrive $0xFFFF  }
0x1cc: {  	s7 =	rddreg [dreg:$0x15]  }
0x1cd: {  	s9 =	rddreg [dreg:$0x16]  }
0x1ce: {  	s8 =	rddreg [dreg:$0x18]  }
0x1cf: {  	[hbm:s9], [sflag:s7] =	dma.local [spmem:s8], $0x1400  }
0x1d0: {  	_ =	swait.ge [sflag:s10], $0x1400  }
0x1d1: {  	s6 =	rddreg [dreg:$0x19]  }
0x1d2: {  	s9 =	sadd.s32 $0x1, s6;
	s6 =	rddreg [dreg:$0x17]  }
0x1d3: {  	p0 =	sne.s32 s9, s6  }
.Ltmp1:
0x1d4: {  	_ = 	snop;
	(pc) =	sbr.rel @p0 .LBB2_1-.Ltmp1, $3  }
0x1d5: {  	_ =	sdelay $0x1  }
0x1d6: {  	[sflag:s10] =	ssyncset.done $0x0  }
0x1d7: {  	[sflag:s10] =	ssyncadd.s32 $0xFFFFEC00  }
0x1d8: {  	_ =	sfence.sel $0x180000  }
0x1d9: {  	[bflag:$0x0] =	sbarrier.arrive $0xFFFF  }
0x1da: {  	_ =	strace $0x9000004D  }
0x1db: {  	s0 =	stileid.u32;
	[bflag:$0x2] =	sbarrier.arrive $0xFFFF  }
0x1dc: {  	p0 =	sne.s32 s0, $0x0;
	s0 =	rddreg [dreg:$0x3]  }
0x1dd: {  	s0 =	sadd.s32 @!p0 $0x100000, s0  }
0x1de: {  	[sflag:s0] =	ssyncadd.tile.s32 @!p0 $0x1;
	_ =	shalt  }
.Lfunc_end2:
_tile_overlayer_lowered:
.L_overlay_start_2:
0x1df: {  	(tag) =	ssettag $0x2  }
0x1e0: {  	s0 =	rddreg [dreg:$0x0];
	s2 =	stileid.u32  }
0x1e1: {  	s1 =	rddreg [dreg:$0x1];
	p0 =	sne.s32 s2, $0x0  }
0x1e2: {  	s3 =	rddreg [dreg:$0x2];
	[bflag:$0x3] =	sbarrier.arrive $0xFFFF;
	s2 =	simm.s32 @!p0 $0x1C03  }
0x1e3: {  	[timem:s3], [sflag:s2] =	dma.local @!p0 [hbm:s0], s1  }
0x1e4: {  	s0 =	simm.s32 @!p0 $0x3  }
0x1e5: {  	_ =	swait.ge @!p0 [sflag:s0], s1  }
0x1e6: {  	s1 =	ssub.s32 @!p0 $0x0, s1;
	[sflag:s0] =	ssyncset.done @!p0 $0x0  }
0x1e7: {  	[sflag:s0] =	ssyncadd.s32 @!p0 s1  }
0x1e8: {  	[bflag:$0x3] =	sbarrier.arrive $0xFFFF  }
0x1e9: {  	_ =	shalt  }

// kernel: kernel.9.cloned.1.call-start
scs
__scs_entry_jumppad:
0x0: {  	(pc) =	sbr.rel $0x88, $3  }
0x1: {  	(tag) =	ssettag $0x0;
	lr =	simm.s32 $0x1  }
0x2: {  	[smem:$0x3F9B] =	sst lr;
	_ =	strace $0xD0000000  }
0x3: {  	_ = 	snop  }
0x4: {  	_ = 	snop  }
0x5: {  	_ = 	snop  }
0x6: {  	_ = 	snop  }
0x7: {  	_ = 	snop  }
__scs_overlays_trampoline_lowered:
0x8: {  	[smem:$0x3FAA] =	sst s0  }
0x9: {  	[smem:$0x3FAB] =	sst s1  }
0xa: {  	[smem:$0x3FAC] =	sst s2  }
0xb: {  	[smem:$0x3FAD] =	sst s3  }
0xc: {  	[smem:$0x3FAE] =	sst s4  }
0xd: {  	[smem:$0x3FAF] =	sst s5  }
0xe: {  	[smem:$0x3FB0] =	sst s6  }
0xf: {  	[smem:$0x3FB1] =	sst s7  }
0x10: {  	[smem:$0x3FB2] =	sst s8  }
0x11: {  	[smem:$0x3FB3] =	sst s9;
	s0 =	simm.s32 @!p0 $0x0  }
0x12: {  	s1 =	sld [smem:$0x3F99];
	s0 =	simm.s32 @p0 $0x1  }
0x13: {  	[smem:$0x3FB4] =	sst s0;
	s0 =	simm.s32 @!p1 $0x0  }
0x14: {  	s2 =	sld [smem:$0x3F98];
	s0 =	simm.s32 @p1 $0x1  }
0x15: {  	[smem:$0x3FB5] =	sst s0;
	s0 =	simm.s32 @!p2 $0x0  }
0x16: {  	s3 =	sld [smem:$0x3FDB];
	s0 =	simm.s32 @p2 $0x1  }
0x17: {  	s4 =	simm.s32 $0x1BF5;
	[smem:$0x3FB7] =	sst s0  }
0x18: {  	s0 =	sld [smem:$0x3F9A];
	_ =	swait.ge [sflag:s4], $0x0  }
0x19: {  	s7 =	sld [smem:$0x3F9B]  }
0x1a: {  	s8 =	sadd.s32 $0xFFFFE003, lr  }
0x1b: {  	s9 =	sadd.s32 $0xFFFFFEF7, lr;
	s5 =	simm.s32 $0xFFFFFFFF;
	p2 =	slt.u32 s8, $0xFFFFF086  }
0x1c: {  	p1 =	slt.u32 s9, $0xF7A;
	s5 =	simm.s32 @!p2 $0x0  }
0x1d: {  	s5 =	simm.s32 @p1 $0x1;
	p0 =	seq.s32 s7, s2  }
0x1e: {  	s7 =	smul.u32 @!p0 $0xF7A, s2;
	p2 =	seq.s32 @!p0 s5, $0x0  }
0x1f: {  	s9 =	smul.u32 $0xF7A, s1;
	s8 =	simm.s32 @!p0 $0x1BF5;
	p2 =	por !p2, p0  }
0x20: {  	[sflag:s8] =	ssyncset.s32 @!p0 $0xFFFFF086;
	s6 =	sadd.s32 @!p0 s3, s7;
	s7 =	simm.s32 @!p0 $0x108  }
0x21: {  	s3 =	sadd.s32 s3, s9;
	s6 =	sadd.s32 @!p0 $0x88, s6;
	s7 =	simm.s32 @p2 $0x1082  }
0x22: {  	[simem:s7], [sflag:s8] =	dma.local @!p0 [hbm:s6], $0xF7A  }
0x23: {  	s9 =	sor.u32 $0xD0000000, s2;
	s6 =	simm.s32 $0x108;
	_ =	swait.ge @!p0 [sflag:s8], $0x0  }
0x24: {  	s3 =	sadd.s32 $0x88, s3;
	s6 =	simm.s32 @!p1 $0x1082;
	[sflag:s4] =	ssyncset.s32 $0xFFFFF086  }
0x25: {  	[simem:s6], [sflag:s4] =	dma.local [hbm:s3], $0xF7A  }
0x26: {  	[smem:$0x3F9B] =	sst s1;
	(tag) =	ssettag s2;
	_ =	strace s9  }
0x27: {  	s1 =	sld [smem:$0x3FAB]  }
0x28: {  	s2 =	sld [smem:$0x3FAC]  }
0x29: {  	s4 =	sld [smem:$0x3FAE]  }
0x2a: {  	p0 =	seq.s32 s5, $0x0;
	s5 =	sld [smem:$0x3FAF]  }
0x2b: {  	s6 =	sld [smem:$0x3FB0]  }
0x2c: {  	s7 =	sld [smem:$0x3FB1]  }
0x2d: {  	s3 =	simm.s32 $0x108;
	s8 =	sld [smem:$0x3FB2]  }
0x2e: {  	s3 =	simm.s32 @!p0 $0x1082;
	s9 =	sld [smem:$0x3FB3]  }
0x2f: {  	lr =	sadd.s32 s0, s3;
	s0 =	sld [smem:$0x3FAA]  }
0x30: {  	s3 =	sld [smem:$0x3FAD]  }
0x31: {  	[smem:$0x3FB6] =	sst s10  }
0x32: {  	s10 =	sld [smem:$0x3FB4];
	_ =	sdelay $0x3  }
0x33: {  	p0 =	seq.s32 s10, $0x1;
	s10 =	sld [smem:$0x3FB6];
	_ =	sdelay $0x3  }
0x34: {  	[smem:$0x3FB6] =	sst s10  }
0x35: {  	s10 =	sld [smem:$0x3FB5];
	_ =	sdelay $0x3  }
0x36: {  	p1 =	seq.s32 s10, $0x1;
	s10 =	sld [smem:$0x3FB6];
	_ =	sdelay $0x3  }
0x37: {  	[smem:$0x3FB6] =	sst s10  }
0x38: {  	s10 =	sld [smem:$0x3FB7]  }
0x39: {  	_ = 	snop;
	(pc) =	sbr.ind lr, $3  }
0x3a: {  	_ = 	snop  }
0x3b: {  	_ = 	snop  }
0x3c: {  	p2 =	seq.s32 s10, $0x1;
	s10 =	sld [smem:$0x3FB6]  }
0x3d: {  	_ =	shalt  }
0x3e: {  	_ =	shalt  }
0x3f: {  	_ =	shalt  }
0x40: {  	_ =	shalt  }
0x41: {  	_ =	shalt  }
0x42: {  	_ =	shalt  }
0x43: {  	_ =	shalt  }
0x44: {  	_ =	shalt  }
0x45: {  	_ =	shalt  }
0x46: {  	_ =	shalt  }
0x47: {  	_ =	shalt  }
0x48: {  	_ =	shalt  }
0x49: {  	_ =	shalt  }
0x4a: {  	_ =	shalt  }
0x4b: {  	_ =	shalt  }
0x4c: {  	_ =	shalt  }
0x4d: {  	_ =	shalt  }
0x4e: {  	_ =	shalt  }
0x4f: {  	_ =	shalt  }
0x50: {  	_ =	shalt  }
0x51: {  	_ =	shalt  }
0x52: {  	_ =	shalt  }
0x53: {  	_ =	shalt  }
0x54: {  	_ =	shalt  }
0x55: {  	_ =	shalt  }
0x56: {  	_ =	shalt  }
0x57: {  	_ =	shalt  }
0x58: {  	_ =	shalt  }
0x59: {  	_ =	shalt  }
0x5a: {  	_ =	shalt  }
0x5b: {  	_ =	shalt  }
0x5c: {  	_ =	shalt  }
0x5d: {  	_ =	shalt  }
0x5e: {  	_ =	shalt  }
0x5f: {  	_ =	shalt  }
0x60: {  	_ =	shalt  }
0x61: {  	_ =	shalt  }
0x62: {  	_ =	shalt  }
0x63: {  	_ =	shalt  }
0x64: {  	_ =	shalt  }
0x65: {  	_ =	shalt  }
0x66: {  	_ =	shalt  }
0x67: {  	_ =	shalt  }
0x68: {  	_ =	shalt  }
0x69: {  	_ =	shalt  }
0x6a: {  	_ =	shalt  }
0x6b: {  	_ =	shalt  }
0x6c: {  	_ =	shalt  }
0x6d: {  	_ =	shalt  }
0x6e: {  	_ =	shalt  }
0x6f: {  	_ =	shalt  }
0x70: {  	_ =	shalt  }
0x71: {  	_ =	shalt  }
0x72: {  	_ =	shalt  }
0x73: {  	_ =	shalt  }
0x74: {  	_ =	shalt  }
0x75: {  	_ =	shalt  }
0x76: {  	_ =	shalt  }
0x77: {  	_ =	shalt  }
0x78: {  	_ =	shalt  }
0x79: {  	_ =	shalt  }
0x7a: {  	_ =	shalt  }
0x7b: {  	_ =	shalt  }
0x7c: {  	_ =	shalt  }
0x7d: {  	_ =	shalt  }
0x7e: {  	_ =	shalt  }
0x7f: {  	_ =	shalt  }
0x80: {  	_ =	shalt  }
0x81: {  	_ =	shalt  }
0x82: {  	_ =	shalt  }
0x83: {  	_ =	shalt  }
0x84: {  	_ =	shalt  }
0x85: {  	_ =	shalt  }
0x86: {  	_ =	shalt  }
0x87: {  	_ =	shalt  }
.Lfunc_end0:
.L_simem_size_0:
called_computation_lowered:
.L_overlay_start_0:
0x88: {  	s2 =	sld [smem:$0x3FD9]  }
0x89: {  	s3 =	sld [smem:$0x3FFE];
	_ =	sdelay $0x1  }
0x8a: {  	s1 =	srdreg.scid  }
0x8b: {  	s0 =	sand.u32 $0x1, s1  }
0x8c: {  	s17 =	sshll.u32 s0, $0xA;
	s2 =	sadd.s32 s3, s2  }
0x8d: {  	s2 =	sadd.s32 s2, s17  }
0x8e: {  	[smem:$0x3FC2] =	sst s2  }
0x8f: {  	_ = 	snop  }
0x90: {  	s2 =	sld [smem:$0x3FD0];
	(tm) =	ssettm $0x1  }
0x91: {  	s18 =	sld [smem:$0x3FFB];
	_ =	sdelay $0x3  }
0x92: {  	_ =	strace s18  }
0x93: {  	s3 =	sld [smem:$0x3FFC];
	_ =	sdelay $0x3  }
0x94: {  	_ =	strace s3  }
0x95: {  	s3 =	sld [smem:$0x3FFD];
	_ =	sdelay $0x3  }
0x96: {  	_ =	strace s3  }
0x97: {  	_ =	strace $0x8FFFFFFF  }
0x98: {  	s19 =	sld [smem:$0x3FDB];
	_ =	sdelay $0x1  }
0x99: {  	s4 =	simm.s32 $_scs_section_size  }
0x9a: {  	s5 =	simm.s32 $_size__tile_overlayer_lowered;
	s6 =	simm.s32 $_tile_overlayer_lowered  }
0x9b: {  	s22 =	simm.s32 $0x1BFF;
	s21 =	sshll.u32 s6, $0x1;
	s3 =	sadd.s32 s4, s19  }
0x9c: {  	s7 =	simm.s32 $0x0;
	s20 =	sshll.u32 s5, $0x1;
	s5 =	sadd.s32 s21, s3  }
0x9d: {  	[timem:s7], [sflag:s22] =	dma.local [hbm:s5], s20  }
0x9e: {  	_ =	swait.ge [sflag:s22], s20  }
0x9f: {  	s4 =	ssub.s32 $0x0, s20;
	[sflag:s22] =	ssyncset.done $0x0  }
0xa0: {  	[sflag:s22] =	ssyncadd.s32 s4;
	_ =	sdelay $0x1  }
0xa1: {  	s23 =	simm.s32 $0x1B8B  }
0xa2: {  	_ =	swait.ge [sflag:s23], $0x1  }
0xa3: {  	[sflag:s23] =	ssyncset.done $0x0  }
0xa4: {  	s25 =	simm.s32 $0x1B8E;
	s24 =	sld [smem:$0x3FFE];
	[sflag:s23] =	ssyncadd.s32 $0xFFFFFFFF  }
0xa5: {  	s26 =	simm.s32 $execute0_lowered;
	[smem:$0x3FD2] =	sst s25  }
0xa6: {  	s5 =	sshll.u32 s26, $0x1;
	_ =	strace $0x80000046;
	[dreg:$0x1] =	wrdreg $0xFFFFFFFF  }
0xa7: {  	s28 =	simm.s32 $_size_execute0_lowered;
	s3 =	sadd.s32 s3, s5;
	[dreg:$0x0] =	wrdreg $0x0  }
0xa8: {  	s5 =	sshll.u32 s28, $0x1;
	[dreg:$0x2] =	wrdreg s3  }
0xa9: {  	[dreg:$0x3] =	wrdreg s5  }
0xaa: {  	[dreg:$0x4] =	wrdreg $0xC0  }
0xab: {  	_ =	task [dreg:s7], $0x5FFFF  }
0xac: {  	[dreg:$0x1] =	wrdreg $0xFFFFFFFF  }
0xad: {  	[dreg:$0x0] =	wrdreg $0x60  }
0xae: {  	[dreg:$0x2] =	wrdreg s24  }
0xaf: {  	[dreg:$0x3] =	wrdreg s2  }
0xb0: {  	[dreg:$0x4] =	wrdreg $0x18000  }
0xb1: {  	[dreg:$0x5] =	wrdreg $0x9  }
0xb2: {  	_ =	task.clear_ibuf [dreg:s7], $0x6FFFF;
	_ =	strace $0x90000046  }
0xb3: {  	s29 =	simm.s32 $0x9;
	_ =	strace $0x80000048  }
0xb4: {  	_ =	swait.ge [sflag:s29], $0x1  }
0xb5: {  	[sflag:s29] =	ssyncadd.s32 $0xFFFFFFFF  }
0xb6: {  	_ =	strace $0x90000048  }
0xb7: {  	_ =	sfence  }
0xb8: {  	s30 =	sld [smem:$0x0];
	_ =	sdelay $0x2  }
0xb9: {  	s31 =	sshll.u32 s1, $0xD;
	s1 =	sshrl.u32 s1, $0x2  }
0xba: {  	s3 =	sand.u32 $0x4000, s31;
	s1 =	sadd.s32 s1, s30  }
0xbb: {  	s0 =	sor.u32 s3, s0;
	s1 =	sshll.u32 s1, $0x11  }
0xbc: {  	s0 =	sor.u32 s1, s0  }
0xbd: {  	s0 =	sadd.s32 $0x8F2B, s0  }
0xbe: {  	[sflag:s0] =	ssyncadd.remote.s32 $0x1  }
0xbf: {  	_ =	sfence.sel $0xFFFF  }
0xc0: {  	[dreg:$0x0] =	wrdreg $0xFFFFFFFF;
	(pc) =	sbr.abs _section_cstart, $3  }
0xc1: {  	[dreg:$0x1] =	wrdreg $0xFFFFFFFF  }
0xc2: {  	_ =	task.clear_ibuf [dreg:s7], $0x2FFFF;
	_ =	strace $0x9FFFFFFF  }
0xc3: {  	(tm) =	ssettm $0x7FFFFFFF  }
tec
execute0_lowered:
.L_overlay_start_1:
0x0: {  	(tag) =	ssettag $0x1  }
0x1: {  	s0 =	rddreg [dreg:$0x0]  }
0x2: {  	s1 =	srdreg.scid;
	s5 =	rddreg [dreg:$0x1]  }
0x3: {  	s10 =	stileid.u32;
	s2 =	rddreg [dreg:$0x2];
	s3 =	simm.s32 $0x0  }
0x4: {  	s11 =	simm.s32 $0x2;
	s12 =	simm.s32 $0x800;
	s13 =	simm.s32 $0x80  }
0x5: {  	s14 =	simm.s32 $0xC00;
	s15 =	simm.s32 $0x100;
	s16 =	simm.s32 $0x1000  }
0x6: {  	s17 =	simm.s32 $0x180;
	s18 =	simm.s32 $0x1400;
	s19 =	simm.s32 $0x200  }
0x7: {  	s20 =	simm.s32 $0x280;
	s21 =	simm.s32 $0x300;
	s22 =	simm.s32 $0x380  }
0x8: {  	s28 =	simm.s32 $0x600;
	s29 =	simm.s32 $0x680;
	s6 =	smul.u32 $0x2800, s10  }
0x9: {  	s30 =	simm.s32 $0x700;
	s1 =	sand.u32 $0x1, s1;
	s23 =	smul.u32 $0x1400, s10  }
0xa: {  	s31 =	simm.s32 $0x780;
	[smem:$0x7FF] =	sst s3;
	s4 =	smul.u32 $0x28000, s1  }
0xb: {  	s26 =	sshll.u32 s10, $0x6;
	s8 =	ssub.s32 $0x2, s1;
	s1 =	smul.u32 $0x14000, s1  }
0xc: {  	_ =	strace $0x80000047;
	s9 =	sshrl.u32 s8, $0x1;
	s25 =	sadd.s32 s23, s2  }
0xd: {  	s4 =	sadd.s32 s6, s4;
	s24 =	ssub.s32 s8, s9;
	s1 =	sadd.s32 s23, s1  }
0xe: {  	s6 =	sor.u32 $0x1C02, s26;
	s23 =	simm.s32 $0x400;
	s4 =	sadd.s32 $0x50000, s4  }
0xf: {  	s26 =	simm.s32 $0x580;
	s1 =	sshrl.u32 s1, $0x3;
	s7 =	sshrl.u32 s4, $0x3  }
0x10: {  	s4 =	sadd.s32 $0x16600, s0;
	s1 =	sadd.s32 s5, s1;
	s7 =	sadd.s32 s7, s0  }
0x11: {  	s0 =	sadd.s32 $0x16200, s0;
	[dreg:$0x5] =	wrdreg s1;
	s1 =	simm.s32 $0x1  }
0x12: {  	[dreg:$0x4] =	wrdreg s0;
	s0 =	smax.u32 s24, $0x1;
	s9 =	sadd.s32 $0x2200, s7  }
0x13: {  	s7 =	sshrl.u32 s25, $0x3;
	s24 =	simm.s32 $0x480;
	[dreg:$0x6] =	wrdreg s0  }
0x14: {  	s25 =	simm.s32 $0x500;
	s0 =	simm.s32 $0x0;
	[dreg:$0x7] =	wrdreg s7  }
.LBB2_1:
0x15: {  	s5 =	rddreg [dreg:$0x4]  }
0x16: {  	[spmem:s7], [sflag:s6] =	dma.local [hbm:s5], $0x280  }
0x17: {  	_ =	swait.ge [sflag:s11], $0x280  }
0x18: {  	[sflag:s11] =	ssyncset.done $0x0  }
0x19: {  	[sflag:s11] =	ssyncadd.s32 $0xFFFFFD80  }
0x1a: {  	s8 =	sadd.s32 $0x0, s9;
	[bflag:$0x0] =	sbarrier.arrive $0xFFFF  }
0x1b: {  	[tilespmem:s3], [sflag:$0x2] =	stream.linear.gather [hbm4b:s8+s3], $0x800, $0x38;
	[tilespmem:$0x2C00] =	vst v63  }
0x1c: {  	_ =	swait.ge [sflag:s11], $0x800  }
0x1d: {  	[sflag:s11] =	ssyncset.done $0x0  }
0x1e: {  	[sflag:s11] =	ssyncadd.s32 $0xFFFFF800  }
0x1f: {  	[tilespmem:s12], [sflag:$0x2] =	stream.linear.gather [hbm4b:s4+s3], $0x1000, $0x38;
	[tilespmem:$0x2C00] =	vst v63  }
0x20: {  	_ =	swait.ge [sflag:s11], $0x1000  }
0x21: {  	[sflag:s11] =	ssyncset.done $0x0  }
0x22: {  	[sflag:s11] =	ssyncadd.s32 $0xFFFFF000  }
0x23: {  	[spmem:s2] =	stream.indirect.scatter.add.f32 [tilespmem:s12], [sflag:$0x1], $0x8, s3, s13, $0xb8;
	[tilespmem:$0x2C00] =	vst v63  }
0x24: {  	_ = 	snop  }
0x25: {  	[spmem:s2] =	stream.indirect.scatter.add.f32 [tilespmem:s14], [sflag:$0x1], $0x8, s13, s13, $0xb8;
	[tilespmem:$0x2C00] =	vst v63  }
0x26: {  	_ = 	snop  }
0x27: {  	[spmem:s2] =	stream.indirect.scatter.add.f32 [tilespmem:s16], [sflag:$0x1], $0x8, s15, s13, $0xb8;
	[tilespmem:$0x2C00] =	vst v63  }
0x28: {  	_ = 	snop  }
0x29: {  	[spmem:s2] =	stream.indirect.scatter.add.f32 [tilespmem:s18], [sflag:$0x1], $0x8, s17, s13, $0xb8;
	[tilespmem:$0x2C00] =	vst v63  }
0x2a: {  	_ = 	snop  }
0x2b: {  	[spmem:s2] =	stream.indirect.scatter.add.f32 [tilespmem:s12], [sflag:$0x1], $0x8, s19, s13, $0xb8;
	[tilespmem:$0x2C00] =	vst v63  }
0x2c: {  	_ = 	snop  }
0x2d: {  	[spmem:s2] =	stream.indirect.scatter.add.f32 [tilespmem:s14], [sflag:$0x1], $0x8, s20, s13, $0xb8;
	[tilespmem:$0x2C00] =	vst v63  }
0x2e: {  	_ = 	snop  }
0x2f: {  	[spmem:s2] =	stream.indirect.scatter.add.f32 [tilespmem:s16], [sflag:$0x1], $0x8, s21, s13, $0xb8;
	[tilespmem:$0x2C00] =	vst v63  }
0x30: {  	_ = 	snop  }
0x31: {  	[spmem:s2] =	stream.indirect.scatter.add.f32 [tilespmem:s18], [sflag:$0x1], $0x8, s22, s13, $0xb8;
	[tilespmem:$0x2C00] =	vst v63  }
0x32: {  	_ = 	snop  }
0x33: {  	[spmem:s2] =	stream.indirect.scatter.add.f32 [tilespmem:s12], [sflag:$0x1], $0x8, s23, s13, $0xb8;
	[tilespmem:$0x2C00] =	vst v63  }
0x34: {  	_ = 	snop  }
0x35: {  	[spmem:s2] =	stream.indirect.scatter.add.f32 [tilespmem:s14], [sflag:$0x1], $0x8, s24, s13, $0xb8;
	[tilespmem:$0x2C00] =	vst v63  }
0x36: {  	_ = 	snop  }
0x37: {  	[spmem:s2] =	stream.indirect.scatter.add.f32 [tilespmem:s16], [sflag:$0x1], $0x8, s25, s13, $0xb8;
	[tilespmem:$0x2C00] =	vst v63  }
0x38: {  	_ = 	snop  }
0x39: {  	[spmem:s2] =	stream.indirect.scatter.add.f32 [tilespmem:s18], [sflag:$0x1], $0x8, s26, s13, $0xb8;
	[tilespmem:$0x2C00] =	vst v63  }
0x3a: {  	_ = 	snop  }
0x3b: {  	[spmem:s2] =	stream.indirect.scatter.add.f32 [tilespmem:s12], [sflag:$0x1], $0x8, s28, s13, $0xb8;
	[tilespmem:$0x2C00] =	vst v63  }
0x3c: {  	_ = 	snop  }
0x3d: {  	[spmem:s2] =	stream.indirect.scatter.add.f32 [tilespmem:s14], [sflag:$0x1], $0x8, s29, s13, $0xb8;
	[tilespmem:$0x2C00] =	vst v63  }
0x3e: {  	_ = 	snop  }
0x3f: {  	[spmem:s2] =	stream.indirect.scatter.add.f32 [tilespmem:s16], [sflag:$0x1], $0x8, s30, s13, $0xb8;
	[tilespmem:$0x2C00] =	vst v63  }
0x40: {  	_ = 	snop  }
0x41: {  	[spmem:s2] =	stream.indirect.scatter.add.f32 [tilespmem:s18], [sflag:$0x1], $0x8, s31, s13, $0xb8;
	[tilespmem:$0x2C00] =	vst v63  }
0x42: {  	_ =	swait.ge [sflag:s1], $0x400  }
0x43: {  	[sflag:s1] =	ssyncset.done $0x0  }
0x44: {  	[sflag:s1] =	ssyncadd.s32 $0xFFFFFC00  }
0x45: {  	_ =	swait.ge [sflag:s1], $0x400  }
0x46: {  	[sflag:s1] =	ssyncset.done $0x0  }
0x47: {  	[sflag:s1] =	ssyncadd.s32 $0xFFFFFC00  }
0x48: {  	_ =	swait.ge [sflag:s1], $0x400  }
0x49: {  	[sflag:s1] =	ssyncset.done $0x0  }
0x4a: {  	[sflag:s1] =	ssyncadd.s32 $0xFFFFFC00  }
0x4b: {  	_ =	swait.ge [sflag:s1], $0x400  }
0x4c: {  	[sflag:s1] =	ssyncset.done $0x0  }
0x4d: {  	[sflag:s1] =	ssyncadd.s32 $0xFFFFFC00  }
0x4e: {  	_ =	swait.ge [sflag:s1], $0x400  }
0x4f: {  	[sflag:s1] =	ssyncset.done $0x0  }
0x50: {  	[sflag:s1] =	ssyncadd.s32 $0xFFFFFC00  }
0x51: {  	_ =	swait.ge [sflag:s1], $0x400  }
0x52: {  	[sflag:s1] =	ssyncset.done $0x0  }
0x53: {  	[sflag:s1] =	ssyncadd.s32 $0xFFFFFC00  }
0x54: {  	_ =	swait.ge [sflag:s1], $0x400  }
0x55: {  	[sflag:s1] =	ssyncset.done $0x0  }
0x56: {  	[sflag:s1] =	ssyncadd.s32 $0xFFFFFC00  }
0x57: {  	_ =	swait.ge [sflag:s1], $0x400  }
0x58: {  	[sflag:s1] =	ssyncset.done $0x0  }
0x59: {  	[sflag:s1] =	ssyncadd.s32 $0xFFFFFC00  }
0x5a: {  	_ =	swait.ge [sflag:s1], $0x400  }
0x5b: {  	[sflag:s1] =	ssyncset.done $0x0  }
0x5c: {  	[sflag:s1] =	ssyncadd.s32 $0xFFFFFC00  }
0x5d: {  	_ =	swait.ge [sflag:s1], $0x400  }
0x5e: {  	[sflag:s1] =	ssyncset.done $0x0  }
0x5f: {  	[sflag:s1] =	ssyncadd.s32 $0xFFFFFC00  }
0x60: {  	_ =	swait.ge [sflag:s1], $0x400  }
0x61: {  	[sflag:s1] =	ssyncset.done $0x0  }
0x62: {  	[sflag:s1] =	ssyncadd.s32 $0xFFFFFC00  }
0x63: {  	_ =	swait.ge [sflag:s1], $0x400  }
0x64: {  	[sflag:s1] =	ssyncset.done $0x0  }
0x65: {  	[sflag:s1] =	ssyncadd.s32 $0xFFFFFC00  }
0x66: {  	_ =	swait.ge [sflag:s1], $0x400  }
0x67: {  	[sflag:s1] =	ssyncset.done $0x0  }
0x68: {  	[sflag:s1] =	ssyncadd.s32 $0xFFFFFC00  }
0x69: {  	_ =	swait.ge [sflag:s1], $0x400  }
0x6a: {  	[sflag:s1] =	ssyncset.done $0x0  }
0x6b: {  	[sflag:s1] =	ssyncadd.s32 $0xFFFFFC00  }
0x6c: {  	_ =	swait.ge [sflag:s1], $0x400  }
0x6d: {  	[sflag:s1] =	ssyncset.done $0x0  }
0x6e: {  	[sflag:s1] =	ssyncadd.s32 $0xFFFFFC00  }
0x6f: {  	s10 =	smov.u32 s6;
	_ =	swait.ge [sflag:s1], $0x400  }
0x70: {  	s5 =	simm.s32 $0x100;
	s7 =	simm.s32 $0x200;
	[sflag:s1] =	ssyncset.done $0x0  }
.LBB2_2:
0x71: {  	s6 =	sadd.s32 s5, s9  }
0x72: {  	[sflag:s1] =	ssyncadd.s32 $0xFFFFFC00;
	s5 =	smov.u32 s7;
	s8 =	sadd.s32 $0x100, s7  }
0x73: {  	[tilespmem:s3], [sflag:$0x2] =	stream.linear.gather [hbm4b:s6+s3], $0x800, $0x38;
	[tilespmem:$0x2C00] =	vst v63  }
0x74: {  	p0 =	sne.s32 s7, $0x400;
	_ =	swait.ge [sflag:s11], $0x800  }
0x75: {  	[sflag:s11] =	ssyncset.done $0x0  }
0x76: {  	[sflag:s11] =	ssyncadd.s32 $0xFFFFF800  }
0x77: {  	[tilespmem:s12], [sflag:$0x2] =	stream.linear.gather [hbm4b:s4+s3], $0x1000, $0x38;
	[tilespmem:$0x2C00] =	vst v63  }
0x78: {  	_ =	swait.ge [sflag:s11], $0x1000  }
0x79: {  	[sflag:s11] =	ssyncset.done $0x0  }
0x7a: {  	[sflag:s11] =	ssyncadd.s32 $0xFFFFF000  }
0x7b: {  	[spmem:s2] =	stream.indirect.scatter.add.f32 [tilespmem:s12], [sflag:$0x1], $0x8, s3, s13, $0xb8;
	[tilespmem:$0x2C00] =	vst v63  }
0x7c: {  	_ = 	snop  }
0x7d: {  	[spmem:s2] =	stream.indirect.scatter.add.f32 [tilespmem:s14], [sflag:$0x1], $0x8, s13, s13, $0xb8;
	[tilespmem:$0x2C00] =	vst v63  }
0x7e: {  	_ = 	snop  }
0x7f: {  	[spmem:s2] =	stream.indirect.scatter.add.f32 [tilespmem:s16], [sflag:$0x1], $0x8, s15, s13, $0xb8;
	[tilespmem:$0x2C00] =	vst v63  }
0x80: {  	_ = 	snop  }
0x81: {  	[spmem:s2] =	stream.indirect.scatter.add.f32 [tilespmem:s18], [sflag:$0x1], $0x8, s17, s13, $0xb8;
	[tilespmem:$0x2C00] =	vst v63  }
0x82: {  	_ = 	snop  }
0x83: {  	[spmem:s2] =	stream.indirect.scatter.add.f32 [tilespmem:s12], [sflag:$0x1], $0x8, s19, s13, $0xb8;
	[tilespmem:$0x2C00] =	vst v63  }
0x84: {  	_ = 	snop  }
0x85: {  	[spmem:s2] =	stream.indirect.scatter.add.f32 [tilespmem:s14], [sflag:$0x1], $0x8, s20, s13, $0xb8;
	[tilespmem:$0x2C00] =	vst v63  }
0x86: {  	_ = 	snop  }
0x87: {  	[spmem:s2] =	stream.indirect.scatter.add.f32 [tilespmem:s16], [sflag:$0x1], $0x8, s21, s13, $0xb8;
	[tilespmem:$0x2C00] =	vst v63  }
0x88: {  	_ = 	snop  }
0x89: {  	[spmem:s2] =	stream.indirect.scatter.add.f32 [tilespmem:s18], [sflag:$0x1], $0x8, s22, s13, $0xb8;
	[tilespmem:$0x2C00] =	vst v63  }
0x8a: {  	_ = 	snop  }
0x8b: {  	[spmem:s2] =	stream.indirect.scatter.add.f32 [tilespmem:s12], [sflag:$0x1], $0x8, s23, s13, $0xb8;
	[tilespmem:$0x2C00] =	vst v63  }
0x8c: {  	_ = 	snop  }
0x8d: {  	[spmem:s2] =	stream.indirect.scatter.add.f32 [tilespmem:s14], [sflag:$0x1], $0x8, s24, s13, $0xb8;
	[tilespmem:$0x2C00] =	vst v63  }
0x8e: {  	_ = 	snop  }
0x8f: {  	[spmem:s2] =	stream.indirect.scatter.add.f32 [tilespmem:s16], [sflag:$0x1], $0x8, s25, s13, $0xb8;
	[tilespmem:$0x2C00] =	vst v63  }
0x90: {  	_ = 	snop  }
0x91: {  	[spmem:s2] =	stream.indirect.scatter.add.f32 [tilespmem:s18], [sflag:$0x1], $0x8, s26, s13, $0xb8;
	[tilespmem:$0x2C00] =	vst v63  }
0x92: {  	_ = 	snop  }
0x93: {  	[spmem:s2] =	stream.indirect.scatter.add.f32 [tilespmem:s12], [sflag:$0x1], $0x8, s28, s13, $0xb8;
	[tilespmem:$0x2C00] =	vst v63  }
0x94: {  	_ = 	snop  }
0x95: {  	[spmem:s2] =	stream.indirect.scatter.add.f32 [tilespmem:s14], [sflag:$0x1], $0x8, s29, s13, $0xb8;
	[tilespmem:$0x2C00] =	vst v63  }
0x96: {  	_ = 	snop  }
0x97: {  	[spmem:s2] =	stream.indirect.scatter.add.f32 [tilespmem:s16], [sflag:$0x1], $0x8, s30, s13, $0xb8;
	[tilespmem:$0x2C00] =	vst v63  }
0x98: {  	_ = 	snop  }
0x99: {  	[spmem:s2] =	stream.indirect.scatter.add.f32 [tilespmem:s18], [sflag:$0x1], $0x8, s31, s13, $0xb8;
	[tilespmem:$0x2C00] =	vst v63  }
0x9a: {  	_ =	swait.ge [sflag:s1], $0x400  }
0x9b: {  	[sflag:s1] =	ssyncset.done $0x0  }
0x9c: {  	[sflag:s1] =	ssyncadd.s32 $0xFFFFFC00  }
0x9d: {  	_ =	swait.ge [sflag:s1], $0x400  }
0x9e: {  	[sflag:s1] =	ssyncset.done $0x0  }
0x9f: {  	[sflag:s1] =	ssyncadd.s32 $0xFFFFFC00  }
0xa0: {  	_ =	swait.ge [sflag:s1], $0x400  }
0xa1: {  	[sflag:s1] =	ssyncset.done $0x0  }
0xa2: {  	[sflag:s1] =	ssyncadd.s32 $0xFFFFFC00  }
0xa3: {  	_ =	swait.ge [sflag:s1], $0x400  }
0xa4: {  	[sflag:s1] =	ssyncset.done $0x0  }
0xa5: {  	[sflag:s1] =	ssyncadd.s32 $0xFFFFFC00  }
0xa6: {  	_ =	swait.ge [sflag:s1], $0x400  }
0xa7: {  	[sflag:s1] =	ssyncset.done $0x0  }
0xa8: {  	[sflag:s1] =	ssyncadd.s32 $0xFFFFFC00  }
0xa9: {  	_ =	swait.ge [sflag:s1], $0x400  }
0xaa: {  	[sflag:s1] =	ssyncset.done $0x0  }
0xab: {  	[sflag:s1] =	ssyncadd.s32 $0xFFFFFC00  }
0xac: {  	_ =	swait.ge [sflag:s1], $0x400  }
0xad: {  	[sflag:s1] =	ssyncset.done $0x0  }
0xae: {  	[sflag:s1] =	ssyncadd.s32 $0xFFFFFC00  }
0xaf: {  	_ =	swait.ge [sflag:s1], $0x400  }
0xb0: {  	[sflag:s1] =	ssyncset.done $0x0  }
0xb1: {  	[sflag:s1] =	ssyncadd.s32 $0xFFFFFC00  }
0xb2: {  	_ =	swait.ge [sflag:s1], $0x400  }
0xb3: {  	[sflag:s1] =	ssyncset.done $0x0  }
0xb4: {  	[sflag:s1] =	ssyncadd.s32 $0xFFFFFC00  }
0xb5: {  	_ =	swait.ge [sflag:s1], $0x400  }
0xb6: {  	[sflag:s1] =	ssyncset.done $0x0  }
0xb7: {  	[sflag:s1] =	ssyncadd.s32 $0xFFFFFC00  }
0xb8: {  	_ =	swait.ge [sflag:s1], $0x400  }
0xb9: {  	[sflag:s1] =	ssyncset.done $0x0  }
0xba: {  	[sflag:s1] =	ssyncadd.s32 $0xFFFFFC00  }
0xbb: {  	_ =	swait.ge [sflag:s1], $0x400  }
0xbc: {  	[sflag:s1] =	ssyncset.done $0x0  }
0xbd: {  	[sflag:s1] =	ssyncadd.s32 $0xFFFFFC00  }
0xbe: {  	_ =	swait.ge [sflag:s1], $0x400  }
0xbf: {  	[sflag:s1] =	ssyncset.done $0x0  }
0xc0: {  	[sflag:s1] =	ssyncadd.s32 $0xFFFFFC00  }
0xc1: {  	_ =	swait.ge [sflag:s1], $0x400  }
0xc2: {  	[sflag:s1] =	ssyncset.done $0x0  }
0xc3: {  	[sflag:s1] =	ssyncadd.s32 $0xFFFFFC00  }
.Ltmp0:
0xc4: {  	_ =	swait.ge [sflag:s1], $0x400;
	(pc) =	sbr.rel @p0 .LBB2_2-.Ltmp0, $4  }
0xc5: {  	[sflag:s1] =	ssyncset.done $0x0  }
0xc6: {  	[sflag:s1] =	ssyncadd.s32 $0xFFFFFC00  }
0xc7: {  	_ =	swait.ge [sflag:s1], $0x400  }
0xc8: {  	s7 =	smov.u32 s8;
	[sflag:s1] =	ssyncset.done $0x0  }
0xc9: {  	s5 =	sadd.s32 s5, s9;
	[sflag:s1] =	ssyncadd.s32 $0xFFFFFC00  }
0xca: {  	[tilespmem:s3], [sflag:$0x2] =	stream.linear.gather [hbm4b:s5+s3], $0x800, $0x38;
	[tilespmem:$0x2C00] =	vst v63  }
0xcb: {  	_ =	swait.ge [sflag:s11], $0x800  }
0xcc: {  	[sflag:s11] =	ssyncset.done $0x0  }
0xcd: {  	[sflag:s11] =	ssyncadd.s32 $0xFFFFF800  }
0xce: {  	[tilespmem:s12], [sflag:$0x2] =	stream.linear.gather [hbm4b:s4+s3], $0x1000, $0x38;
	[tilespmem:$0x2C00] =	vst v63  }
0xcf: {  	_ =	swait.ge [sflag:s11], $0x1000  }
0xd0: {  	[sflag:s11] =	ssyncset.done $0x0  }
0xd1: {  	[sflag:s11] =	ssyncadd.s32 $0xFFFFF000  }
0xd2: {  	[spmem:s2] =	stream.indirect.scatter.add.f32 [tilespmem:s12], [sflag:$0x1], $0x8, s3, s13, $0xb8;
	[tilespmem:$0x2C00] =	vst v63  }
0xd3: {  	_ = 	snop  }
0xd4: {  	[spmem:s2] =	stream.indirect.scatter.add.f32 [tilespmem:s14], [sflag:$0x1], $0x8, s13, s13, $0xb8;
	[tilespmem:$0x2C00] =	vst v63  }
0xd5: {  	_ = 	snop  }
0xd6: {  	[spmem:s2] =	stream.indirect.scatter.add.f32 [tilespmem:s16], [sflag:$0x1], $0x8, s15, s13, $0xb8;
	[tilespmem:$0x2C00] =	vst v63  }
0xd7: {  	_ = 	snop  }
0xd8: {  	[spmem:s2] =	stream.indirect.scatter.add.f32 [tilespmem:s18], [sflag:$0x1], $0x8, s17, s13, $0xb8;
	[tilespmem:$0x2C00] =	vst v63  }
0xd9: {  	_ = 	snop  }
0xda: {  	[spmem:s2] =	stream.indirect.scatter.add.f32 [tilespmem:s12], [sflag:$0x1], $0x8, s19, s13, $0xb8;
	[tilespmem:$0x2C00] =	vst v63  }
0xdb: {  	_ = 	snop  }
0xdc: {  	[spmem:s2] =	stream.indirect.scatter.add.f32 [tilespmem:s14], [sflag:$0x1], $0x8, s20, s13, $0xb8;
	[tilespmem:$0x2C00] =	vst v63  }
0xdd: {  	_ = 	snop  }
0xde: {  	[spmem:s2] =	stream.indirect.scatter.add.f32 [tilespmem:s16], [sflag:$0x1], $0x8, s21, s13, $0xb8;
	[tilespmem:$0x2C00] =	vst v63  }
0xdf: {  	_ = 	snop  }
0xe0: {  	[spmem:s2] =	stream.indirect.scatter.add.f32 [tilespmem:s18], [sflag:$0x1], $0x8, s22, s13, $0xb8;
	[tilespmem:$0x2C00] =	vst v63  }
0xe1: {  	_ = 	snop  }
0xe2: {  	[spmem:s2] =	stream.indirect.scatter.add.f32 [tilespmem:s12], [sflag:$0x1], $0x8, s23, s13, $0xb8;
	[tilespmem:$0x2C00] =	vst v63  }
0xe3: {  	_ = 	snop  }
0xe4: {  	[spmem:s2] =	stream.indirect.scatter.add.f32 [tilespmem:s14], [sflag:$0x1], $0x8, s24, s13, $0xb8;
	[tilespmem:$0x2C00] =	vst v63  }
0xe5: {  	_ = 	snop  }
0xe6: {  	[spmem:s2] =	stream.indirect.scatter.add.f32 [tilespmem:s16], [sflag:$0x1], $0x8, s25, s13, $0xb8;
	[tilespmem:$0x2C00] =	vst v63  }
0xe7: {  	_ = 	snop  }
0xe8: {  	[spmem:s2] =	stream.indirect.scatter.add.f32 [tilespmem:s18], [sflag:$0x1], $0x8, s26, s13, $0xb8;
	[tilespmem:$0x2C00] =	vst v63  }
0xe9: {  	_ = 	snop  }
0xea: {  	[spmem:s2] =	stream.indirect.scatter.add.f32 [tilespmem:s12], [sflag:$0x1], $0x8, s28, s13, $0xb8;
	[tilespmem:$0x2C00] =	vst v63  }
0xeb: {  	_ = 	snop  }
0xec: {  	[spmem:s2] =	stream.indirect.scatter.add.f32 [tilespmem:s14], [sflag:$0x1], $0x8, s29, s13, $0xb8;
	[tilespmem:$0x2C00] =	vst v63  }
0xed: {  	_ = 	snop  }
0xee: {  	[spmem:s2] =	stream.indirect.scatter.add.f32 [tilespmem:s16], [sflag:$0x1], $0x8, s30, s13, $0xb8;
	[tilespmem:$0x2C00] =	vst v63  }
0xef: {  	_ = 	snop  }
0xf0: {  	[spmem:s2] =	stream.indirect.scatter.add.f32 [tilespmem:s18], [sflag:$0x1], $0x8, s31, s13, $0xb8;
	[tilespmem:$0x2C00] =	vst v63  }
0xf1: {  	_ =	swait.ge [sflag:s1], $0x400  }
0xf2: {  	[sflag:s1] =	ssyncset.done $0x0  }
0xf3: {  	[sflag:s1] =	ssyncadd.s32 $0xFFFFFC00  }
0xf4: {  	_ =	swait.ge [sflag:s1], $0x400  }
0xf5: {  	[sflag:s1] =	ssyncset.done $0x0  }
0xf6: {  	[sflag:s1] =	ssyncadd.s32 $0xFFFFFC00  }
0xf7: {  	_ =	swait.ge [sflag:s1], $0x400  }
0xf8: {  	[sflag:s1] =	ssyncset.done $0x0  }
0xf9: {  	[sflag:s1] =	ssyncadd.s32 $0xFFFFFC00  }
0xfa: {  	_ =	swait.ge [sflag:s1], $0x400  }
0xfb: {  	[sflag:s1] =	ssyncset.done $0x0  }
0xfc: {  	[sflag:s1] =	ssyncadd.s32 $0xFFFFFC00  }
0xfd: {  	_ =	swait.ge [sflag:s1], $0x400  }
0xfe: {  	[sflag:s1] =	ssyncset.done $0x0  }
0xff: {  	[sflag:s1] =	ssyncadd.s32 $0xFFFFFC00  }
0x100: {  	_ =	swait.ge [sflag:s1], $0x400  }
0x101: {  	[sflag:s1] =	ssyncset.done $0x0  }
0x102: {  	[sflag:s1] =	ssyncadd.s32 $0xFFFFFC00  }
0x103: {  	_ =	swait.ge [sflag:s1], $0x400  }
0x104: {  	[sflag:s1] =	ssyncset.done $0x0  }
0x105: {  	[sflag:s1] =	ssyncadd.s32 $0xFFFFFC00  }
0x106: {  	_ =	swait.ge [sflag:s1], $0x400  }
0x107: {  	[sflag:s1] =	ssyncset.done $0x0  }
0x108: {  	[sflag:s1] =	ssyncadd.s32 $0xFFFFFC00  }
0x109: {  	_ =	swait.ge [sflag:s1], $0x400  }
0x10a: {  	[sflag:s1] =	ssyncset.done $0x0  }
0x10b: {  	[sflag:s1] =	ssyncadd.s32 $0xFFFFFC00  }
0x10c: {  	_ =	swait.ge [sflag:s1], $0x400  }
0x10d: {  	[sflag:s1] =	ssyncset.done $0x0  }
0x10e: {  	[sflag:s1] =	ssyncadd.s32 $0xFFFFFC00  }
0x10f: {  	_ =	swait.ge [sflag:s1], $0x400  }
0x110: {  	[sflag:s1] =	ssyncset.done $0x0  }
0x111: {  	[sflag:s1] =	ssyncadd.s32 $0xFFFFFC00  }
0x112: {  	_ =	swait.ge [sflag:s1], $0x400  }
0x113: {  	[sflag:s1] =	ssyncset.done $0x0  }
0x114: {  	[sflag:s1] =	ssyncadd.s32 $0xFFFFFC00  }
0x115: {  	_ =	swait.ge [sflag:s1], $0x400  }
0x116: {  	[sflag:s1] =	ssyncset.done $0x0  }
0x117: {  	[sflag:s1] =	ssyncadd.s32 $0xFFFFFC00  }
0x118: {  	_ =	swait.ge [sflag:s1], $0x400  }
0x119: {  	[sflag:s1] =	ssyncset.done $0x0  }
0x11a: {  	[sflag:s1] =	ssyncadd.s32 $0xFFFFFC00  }
0x11b: {  	_ =	swait.ge [sflag:s1], $0x400  }
0x11c: {  	[sflag:s1] =	ssyncset.done $0x0  }
0x11d: {  	[sflag:s1] =	ssyncadd.s32 $0xFFFFFC00  }
0x11e: {  	_ =	swait.ge [sflag:s1], $0x400  }
0x11f: {  	[sflag:s1] =	ssyncset.done $0x0  }
0x120: {  	[sflag:s1] =	ssyncadd.s32 $0xFFFFFC00  }
0x121: {  	[bflag:$0x0] =	sbarrier.arrive $0xFFFF  }
0x122: {  	s8 =	rddreg [dreg:$0x5]  }
0x123: {  	s7 =	rddreg [dreg:$0x7]  }
0x124: {  	[hbm:s8], [sflag:s10] =	dma.local [spmem:s7], $0x280  }
0x125: {  	_ =	swait.ge [sflag:s11], $0x280  }
0x126: {  	s6 =	smov.u32 s10;
	s0 =	sadd.s32 $0x1, s0;
	s10 =	rddreg [dreg:$0x6]  }
0x127: {  	p0 =	sne.s32 s0, s10  }
.Ltmp1:
0x128: {  	_ = 	snop;
	(pc) =	sbr.rel @p0 .LBB2_1-.Ltmp1, $3  }
0x129: {  	_ =	sdelay $0x1  }
0x12a: {  	[sflag:s11] =	ssyncset.done $0x0  }
0x12b: {  	[sflag:s11] =	ssyncadd.s32 $0xFFFFFD80  }
0x12c: {  	_ =	sfence.sel $0x180000  }
0x12d: {  	[bflag:$0x0] =	sbarrier.arrive $0xFFFF  }
0x12e: {  	_ =	strace $0x90000047  }
0x12f: {  	s0 =	stileid.u32;
	[bflag:$0x2] =	sbarrier.arrive $0xFFFF  }
0x130: {  	p0 =	sne.s32 s0, $0x0;
	s0 =	rddreg [dreg:$0x3]  }
0x131: {  	s0 =	sadd.s32 @!p0 $0x100000, s0  }
0x132: {  	[sflag:s0] =	ssyncadd.tile.s32 @!p0 $0x1;
	_ =	shalt  }
.Lfunc_end2:
_tile_overlayer_lowered:
.L_overlay_start_2:
0x133: {  	(tag) =	ssettag $0x2  }
0x134: {  	s0 =	rddreg [dreg:$0x0];
	s2 =	stileid.u32  }
0x135: {  	s1 =	rddreg [dreg:$0x1];
	p0 =	sne.s32 s2, $0x0  }
0x136: {  	s3 =	rddreg [dreg:$0x2];
	[bflag:$0x3] =	sbarrier.arrive $0xFFFF;
	s2 =	simm.s32 @!p0 $0x1C02  }
0x137: {  	[timem:s3], [sflag:s2] =	dma.local @!p0 [hbm:s0], s1  }
0x138: {  	s0 =	simm.s32 @!p0 $0x2  }
0x139: {  	_ =	swait.ge @!p0 [sflag:s0], s1  }
0x13a: {  	s1 =	ssub.s32 @!p0 $0x0, s1;
	[sflag:s0] =	ssyncset.done @!p0 $0x0  }
0x13b: {  	[sflag:s0] =	ssyncadd.s32 @!p0 s1  }
0x13c: {  	[bflag:$0x3] =	sbarrier.arrive $0xFFFF  }
0x13d: {  	_ =	shalt  }

</sc_bundles>
